<compile_context>
chip_gen: v7x
topology: tpu7x:2x2x1
jax: 0.10.2.dev20260603
libtpu: 0.0.44.dev20260713+nightly
codegen_flags: <defaults>
</compile_context>

<pallas_src>
import functools

import jax
import jax.numpy as jnp
from jax import lax
from jax.experimental import pallas as pl
from jax.experimental.pallas import tpu as pltpu
from jax.experimental.pallas import tpu_sc as plsc

N_NODES = 10000
N_EDGES = 320000
GATE = 128
REG = 16
INTER = 72
PAD = 80
BW = 128
NEW = 128

E_BLK = 80
N_WORKERS = 32
EDGES_PER_W = N_EDGES // N_WORKERS
NBLK = EDGES_PER_W // E_BLK
ACC_ROWS = 10240
ROWS_PER_TILE = ACC_ROWS // 16
ZROWS = 128

NODE_BLK = 1000
EDGE_BLK = 3200
C0_BLKS = 40
C1_BLKS = 85


def _node_proj_body(x_ref, w_ref, o_ref):
    acc = jnp.dot(x_ref[...], w_ref[...], preferred_element_type=jnp.float32)
    col = lax.broadcasted_iota(jnp.int32, acc.shape, 1)
    o_ref[...] = acc + jnp.where(col == INTER, 1.0, 0.0)


def _edge_proj_body(etl_ref, eth_ref, w_ref, o_ref):
    lo = lax.bitcast_convert_type(
        lax.dot_general(etl_ref[...], w_ref[...], (((0,), (0,)), ((), ())),
                        preferred_element_type=jnp.float32).astype(jnp.bfloat16),
        jnp.uint16).astype(jnp.uint32)
    hi = lax.bitcast_convert_type(
        lax.dot_general(eth_ref[...], w_ref[...], (((0,), (0,)), ((), ())),
                        preferred_element_type=jnp.float32).astype(jnp.bfloat16),
        jnp.uint16).astype(jnp.uint32)
    o_ref[...] = lax.bitcast_convert_type(lo | (hi << 16), jnp.int32)


def _final_body(p_ref, q_ref, x_ref, w2x_ref, w2m_ref, b2_ref, o_ref):
    s = p_ref[0] + p_ref[1] + q_ref[0] + q_ref[1]
    deg = s[:, INTER:INTER + 1]
    mean = s / jnp.maximum(deg, 1.0)
    h = (jnp.dot(x_ref[...], w2x_ref[...], preferred_element_type=jnp.float32)
         + jnp.dot(mean, w2m_ref[...], preferred_element_type=jnp.float32)
         + b2_ref[...])
    o_ref[...] = jnp.where(h >= 0, h, 0.01 * h)


def _sc_segment_sum(a_pad, b_pad, src2d, dst2d, nblk, lo_row_base):
    mesh = plsc.VectorSubcoreMesh(core_axis_name="c", subcore_axis_name="s")

    @functools.partial(
        pl.kernel,
        mesh=mesh,
        out_type=jax.ShapeDtypeStruct((2, ACC_ROWS, PAD), jnp.float32),
        scratch_types=[
            pltpu.VMEM((nblk, E_BLK), jnp.int32),
            pltpu.VMEM((nblk, E_BLK), jnp.int32),
            pltpu.VMEM((E_BLK, PAD), jnp.float32),
            pltpu.VMEM((E_BLK, PAD), jnp.float32),
            pltpu.VMEM((E_BLK // 2, BW), jnp.int32),
            pltpu.VMEM((E_BLK // 2, BW), jnp.int32),
            pltpu.VMEM((E_BLK, PAD), jnp.float32),
            pltpu.VMEM((E_BLK, PAD), jnp.float32),
            pltpu.VMEM((ZROWS, PAD), jnp.float32),
            pltpu.VMEM_SHARED((ACC_ROWS, PAD), jnp.float32),
            pltpu.SemaphoreType.DMA,
            pltpu.SemaphoreType.DMA,
            pltpu.SemaphoreType.DMA,
            pltpu.SemaphoreType.DMA,
            pltpu.SemaphoreType.DMA,
            pltpu.SemaphoreType.DMA,
        ],
        compiler_params=pltpu.CompilerParams(
            use_tc_tiling_on_sc=False, needs_layout_passes=False),
    )
    def sc_kernel(a_hbm, b_hbm, src_hbm, dst_hbm, out_hbm,
                  sidx, didx, ar0, ar1, br0, br1, tb0, tb1, zbuf, acc,
                  gs0, gs1, bs0, bs1, ss0, ss1):
        c = lax.axis_index("c")
        s = lax.axis_index("s")
        wid = s * 2 + c

        zero = jnp.zeros((16,), jnp.float32)

        @plsc.parallel_loop(0, ZROWS)
        def _zrow(r):
            for j in range(PAD // 16):
                zbuf[r, pl.ds(j * 16, 16)] = zero

        for k in range(ROWS_PER_TILE // ZROWS):
            pltpu.sync_copy(
                zbuf, acc.at[pl.ds(s * ROWS_PER_TILE + k * ZROWS, ZROWS)])
        plsc.subcore_barrier()

        base_p = wid * nblk * (E_BLK // 2)

        half_rows = N_EDGES // 2 // (E_BLK // 2)
        lo_r = lo_row_base + wid * nblk
        pltpu.sync_copy(src_hbm.at[pl.ds(lo_r, nblk)],
                        sidx.at[:, pl.ds(0, E_BLK // 2)])
        pltpu.sync_copy(src_hbm.at[pl.ds(half_rows + lo_r, nblk)],
                        sidx.at[:, pl.ds(E_BLK // 2, E_BLK // 2)])
        pltpu.sync_copy(dst_hbm.at[pl.ds(lo_r, nblk)],
                        didx.at[:, pl.ds(0, E_BLK // 2)])
        pltpu.sync_copy(dst_hbm.at[pl.ds(half_rows + lo_r, nblk)],
                        didx.at[:, pl.ds(E_BLK // 2, E_BLK // 2)])

        HB = E_BLK // 2

        def start(b, ar, br, gsem, bsem):
            pltpu.async_copy(a_hbm.at[sidx.at[b]], ar, gsem)
            pltpu.async_copy(b_hbm.at[pl.ds(base_p + b * HB, HB)], br, bsem)

        def process(b, ar, br, tbuf, gsem, bsem, ssem):
            pltpu.make_async_copy(a_hbm.at[sidx.at[b]], ar, gsem).wait()
            pltpu.make_async_copy(
                b_hbm.at[pl.ds(base_p + b * HB, HB)], br, bsem).wait()

            @pl.when(b >= 2)
            def _():
                pltpu.make_async_copy(
                    tbuf, acc.at[didx.at[b - 2]], ssem).wait()

            @plsc.parallel_loop(0, HB, unroll=2)
            def _row(k):
                for j in range(PAD // 16):
                    pb = plsc.bitcast(br[k, pl.ds(j * 16, 16)], jnp.bfloat16)
                    blo, bhi = plsc.unpack(
                        pb, format=plsc.PackFormat.INTERLEAVED)
                    vlo = ar[k, pl.ds(j * 16, 16)] + blo
                    vhi = ar[HB + k, pl.ds(j * 16, 16)] + bhi
                    tbuf[k, pl.ds(j * 16, 16)] = (
                        jnp.where(vlo >= 0, vlo, 0.01 * vlo))
                    tbuf[HB + k, pl.ds(j * 16, 16)] = (
                        jnp.where(vhi >= 0, vhi, 0.01 * vhi))

            pltpu.async_copy(tbuf, acc.at[didx.at[b]], ssem, add=True)

            @pl.when(b + 2 < nblk)
            def _():
                start(b + 2, ar, br, gsem, bsem)

        start(0, ar0, br0, gs0, bs0)
        start(1, ar1, br1, gs1, bs1)

        def pair(j, carry):
            b0 = 2 * j
            process(b0, ar0, br0, tb0, gs0, bs0, ss0)

            @pl.when(b0 + 1 < nblk)
            def _():
                process(b0 + 1, ar1, br1, tb1, gs1, bs1, ss1)

            return carry

        lax.fori_loop(0, (nblk + 1) // 2, pair, 0)
        last0 = nblk - 1 if (nblk - 1) % 2 == 0 else nblk - 2
        last1 = nblk - 1 if (nblk - 1) % 2 == 1 else nblk - 2
        pltpu.make_async_copy(tb0, acc.at[didx.at[last0]], ss0).wait()
        pltpu.make_async_copy(tb1, acc.at[didx.at[last1]], ss1).wait()
        plsc.subcore_barrier()

        pltpu.sync_copy(acc.at[pl.ds(s * ROWS_PER_TILE, ROWS_PER_TILE)],
                        out_hbm.at[c, pl.ds(s * ROWS_PER_TILE, ROWS_PER_TILE)])

    return sc_kernel(a_pad, b_pad, src2d, dst2d)


C0_PROWS = 32 * C0_BLKS * (E_BLK // 2)
C1_PROWS = N_EDGES // 2 - C0_PROWS
C0_ROW_BASE = 0
C1_ROW_BASE = C0_PROWS // (E_BLK // 2)


def kernel(input_gate_embedding, edge_index, edge_reg_embedding, W1, W2, b2):
    x = input_gate_embedding

    src2d = edge_index[0].astype(jnp.int32).reshape(N_EDGES // (E_BLK // 2),
                                                    E_BLK // 2)
    dst2d = edge_index[1].astype(jnp.int32).reshape(N_EDGES // (E_BLK // 2),
                                                    E_BLK // 2)

    w1xT = jnp.pad(W1[:, :GATE].T, ((0, 0), (0, PAD - INTER)))
    w1eT = jnp.pad(W1[:, GATE:].T, ((0, 0), (0, BW - INTER)))
    w2xT = W2[:, :GATE].T
    w2mT = jnp.pad(W2[:, GATE:].T, ((0, PAD - INTER), (0, 0)))
    b2r = b2.reshape(1, NEW)

    a_pad = pl.pallas_call(
        _node_proj_body,
        grid=(N_NODES // NODE_BLK,),
        in_specs=[
            pl.BlockSpec((NODE_BLK, GATE), lambda i: (i, 0)),
            pl.BlockSpec((GATE, PAD), lambda i: (0, 0)),
        ],
        out_specs=pl.BlockSpec((NODE_BLK, PAD), lambda i: (i, 0)),
        out_shape=jax.ShapeDtypeStruct((N_NODES, PAD), jnp.float32),
    )(x, w1xT)

    half_blocks = N_EDGES // 2 // EDGE_BLK
    et = edge_reg_embedding.T

    def _b_chunk(prows, lo_blk_base, et):
        grid = prows // EDGE_BLK
        return pl.pallas_call(
            _edge_proj_body,
            grid=(grid,),
            in_specs=[
                pl.BlockSpec((REG, EDGE_BLK), lambda i: (0, i + lo_blk_base)),
                pl.BlockSpec((REG, EDGE_BLK),
                             lambda i: (0, i + lo_blk_base + half_blocks)),
                pl.BlockSpec((REG, BW), lambda i: (0, 0)),
            ],
            out_specs=pl.BlockSpec((EDGE_BLK, BW), lambda i: (i, 0)),
            out_shape=jax.ShapeDtypeStruct((prows, BW), jnp.int32),
        )(et, et, w1eT)

    b0 = _b_chunk(C0_PROWS, 0, et)
    et2, _ = lax.optimization_barrier((et, b0))
    b1 = _b_chunk(C1_PROWS, C0_PROWS // EDGE_BLK, et2)

    partials0 = _sc_segment_sum(a_pad, b0, src2d, dst2d, C0_BLKS, C0_ROW_BASE)
    partials1 = _sc_segment_sum(a_pad, b1, src2d, dst2d, C1_BLKS, C1_ROW_BASE)

    out = pl.pallas_call(
        _final_body,
        grid=(N_NODES // NODE_BLK,),
        in_specs=[
            pl.BlockSpec((2, NODE_BLK, PAD), lambda i: (0, i, 0)),
            pl.BlockSpec((2, NODE_BLK, PAD), lambda i: (0, i, 0)),
            pl.BlockSpec((NODE_BLK, GATE), lambda i: (i, 0)),
            pl.BlockSpec((GATE, NEW), lambda i: (0, 0)),
            pl.BlockSpec((PAD, NEW), lambda i: (0, 0)),
            pl.BlockSpec((1, NEW), lambda i: (0, 0)),
        ],
        out_specs=pl.BlockSpec((NODE_BLK, NEW), lambda i: (i, 0)),
        out_shape=jax.ShapeDtypeStruct((N_NODES, NEW), jnp.float32),
    )(partials0, partials1, x, w2xT, w2mT, b2r)

    return out

# --- scband reference (transcript-rebuilt; emitter-appended) ---
"""Pipeline reference for scband-circuit-graph-conv-79671643341082 (READ-ONLY COPY).

The authoritative reference and input builder live on the scoring server;
editing this copy changes nothing except your own understanding.
"""

import jax, jax.numpy as jnp
import numpy as np

N_NODES = 10000
N_EDGES = 320000
GATE_DIM = 128
REG_DIM = 16
INTER_DIM = 8 * int(np.ceil((GATE_DIM + REG_DIM) / 16))  # 72
NEW_DIM = 128


def leaky_relu(x, slope=0.01):
    return jnp.where(x >= 0, x, slope * x)


def setup_inputs(seed: int = 0) -> dict:
    key = jax.random.key(seed)
    k1, k2, k3, k4, k5 = jax.random.split(key, 5)
    x = jax.random.normal(k1, (N_NODES, GATE_DIM), dtype=jnp.float32)
    edge_index = jax.random.randint(k2, (2, N_EDGES), 0, N_NODES, dtype=jnp.int64)
    edge_attr = jax.random.normal(k3, (N_EDGES, REG_DIM), dtype=jnp.float32)
    # learned params (xavier-like scaling)
    gain = float(np.sqrt(2.0 / (1 + 0.01 ** 2)))
    fan1_in, fan1_out = GATE_DIM + REG_DIM, INTER_DIM
    std1 = gain * float(np.sqrt(2.0 / (fan1_in + fan1_out)))
    W1 = jax.random.normal(k4, (INTER_DIM, GATE_DIM + REG_DIM), dtype=jnp.float32) * std1
    fan2_in, fan2_out = GATE_DIM + INTER_DIM, NEW_DIM
    std2 = gain * float(np.sqrt(2.0 / (fan2_in + fan2_out)))
    W2 = jax.random.normal(k5, (NEW_DIM, GATE_DIM + INTER_DIM), dtype=jnp.float32) * std2
    b2 = jnp.zeros((NEW_DIM,), dtype=jnp.float32)
    return {
        'input_gate_embedding': x,
        'edge_index': edge_index,
        'edge_reg_embedding': edge_attr,
        'W1': W1,
        'W2': W2,
        'b2': b2,
    }


def reference(input_gate_embedding, edge_index, edge_reg_embedding, W1, W2, b2):
    src = edge_index[0]
    dst = edge_index[1]
    # message: cat(src gate embedding, edge reg embedding) per edge
    msg = jnp.concatenate([jnp.take(input_gate_embedding, src, axis=0), edge_reg_embedding], axis=1)
    # reduce: linear1 -> leaky_relu -> per-dst-node mean over mailbox
    tmp = leaky_relu(msg @ W1.T, 0.01)
    summed = jax.ops.segment_sum(tmp, dst, num_segments=N_NODES)
    deg = jax.ops.segment_sum(jnp.ones((N_EDGES,), dtype=jnp.float32), dst, num_segments=N_NODES)
    mean_neighbor = summed / jnp.maximum(deg, 1.0)[:, None]
    # apply: cat(input, mean_neighbor) -> linear2 -> leaky_relu
    concat = jnp.concatenate([input_gate_embedding, mean_neighbor], axis=1)
    h = concat @ W2.T + b2
    return leaky_relu(h, 0.01)

if __name__ == "__main__":
    import jax
    _d = setup_inputs()
    print(jax.jit(kernel)(*tuple(_d.values())))

</pallas_src>

<mosaic_0001>
#map = affine_map<(d0, d1) -> (0, 0)>
#map1 = affine_map<(d0, d1) -> (0, 0, 0)>
module attributes {stable_mosaic.version = 14 : i64} {
  func.func @sc_kernel(%arg0: i32, %arg1: i32, %arg2: memref<10000x80xf32, #tpu.memory_space<hbm>>, %arg3: memref<108800x128xi32, #tpu.memory_space<hbm>>, %arg4: memref<8000x40xi32, #tpu.memory_space<hbm>>, %arg5: memref<8000x40xi32, #tpu.memory_space<hbm>>, %arg6: memref<2x10240x80xf32, #tpu.memory_space<hbm>>, %arg7: memref<85x80xi32, #tpu.memory_space<vmem>>, %arg8: memref<85x80xi32, #tpu.memory_space<vmem>>, %arg9: memref<80x80xf32, #tpu.memory_space<vmem>>, %arg10: memref<80x80xf32, #tpu.memory_space<vmem>>, %arg11: memref<40x128xi32, #tpu.memory_space<vmem>>, %arg12: memref<40x128xi32, #tpu.memory_space<vmem>>, %arg13: memref<80x80xf32, #tpu.memory_space<vmem>>, %arg14: memref<80x80xf32, #tpu.memory_space<vmem>>, %arg15: memref<128x80xf32, #tpu.memory_space<vmem>>, %arg16: memref<10240x80xf32, #tpu.memory_space<vmem_shared>>, %arg17: memref<!tpu.dma_semaphore, #tpu.memory_space<semaphore_mem>>, %arg18: memref<!tpu.dma_semaphore, #tpu.memory_space<semaphore_mem>>, %arg19: memref<!tpu.dma_semaphore, #tpu.memory_space<semaphore_mem>>, %arg20: memref<!tpu.dma_semaphore, #tpu.memory_space<semaphore_mem>>, %arg21: memref<!tpu.dma_semaphore, #tpu.memory_space<semaphore_mem>>, %arg22: memref<!tpu.dma_semaphore, #tpu.memory_space<semaphore_mem>>) attributes {dimension_semantics = [#tpu.dimension_semantics<core_parallel>, #tpu.dimension_semantics<subcore_parallel>], iteration_bounds = array<i64: 2, 16>, scalar_prefetch = 0 : i64, scratch_operands = 16 : i64, tpu.core_type = #tpu.core_type<sc_vector_subcore>, window_params = [{transform_indices = #map}, {transform_indices = #map}, {transform_indices = #map}, {transform_indices = #map}, {transform_indices = #map1}]} {
    %mul3A = arith.constant 2 : i32
    %mul3A_0 = arith.muli %arg1, %mul3A : i32
    %add3A = arith.addi %mul3A_0, %arg0 : i32
    %broadcast_in_dim3A = arith.constant 0.000000e+00 : f32
    %broadcast_in_dim3A_1 = vector.broadcast %broadcast_in_dim3A : f32 to vector<16xf32>
    %parallel_loop3A = arith.constant 0 : i32
    %parallel_loop3A_2 = arith.constant 128 : i32
    %parallel_loop3A_3 = arith.constant 1 : i32
    scf.for %parallel_loop3A_84 = %parallel_loop3A to %parallel_loop3A_2 step %parallel_loop3A_3  : i32 {
      %parallel_loop3A_85 = arith.index_cast %parallel_loop3A_84 : i32 to index
      %parallel_loop3A_86 = arith.constant 0 : index
      %parallel_loop3A_87 = tpu.vector_load %arg15[%parallel_loop3A_85, %parallel_loop3A_86] {strides = array<i32>} : memref<128x80xf32, #tpu.memory_space<vmem>>, vector<16xf32>,
      tpu.vector_store %arg15[%parallel_loop3A_85, %parallel_loop3A_86], %broadcast_in_dim3A_1 {strides = array<i32>} : memref<128x80xf32, #tpu.memory_space<vmem>>, vector<16xf32>,
      %parallel_loop3A_88 = arith.index_cast %parallel_loop3A_84 : i32 to index
      %parallel_loop3A_89 = arith.constant 16 : index
      %parallel_loop3A_90 = tpu.vector_load %arg15[%parallel_loop3A_88, %parallel_loop3A_89] {strides = array<i32>} : memref<128x80xf32, #tpu.memory_space<vmem>>, vector<16xf32>,
      tpu.vector_store %arg15[%parallel_loop3A_88, %parallel_loop3A_89], %broadcast_in_dim3A_1 {strides = array<i32>} : memref<128x80xf32, #tpu.memory_space<vmem>>, vector<16xf32>,
      %parallel_loop3A_91 = arith.index_cast %parallel_loop3A_84 : i32 to index
      %parallel_loop3A_92 = arith.constant 32 : index
      %parallel_loop3A_93 = tpu.vector_load %arg15[%parallel_loop3A_91, %parallel_loop3A_92] {strides = array<i32>} : memref<128x80xf32, #tpu.memory_space<vmem>>, vector<16xf32>,
      tpu.vector_store %arg15[%parallel_loop3A_91, %parallel_loop3A_92], %broadcast_in_dim3A_1 {strides = array<i32>} : memref<128x80xf32, #tpu.memory_space<vmem>>, vector<16xf32>,
      %parallel_loop3A_94 = arith.index_cast %parallel_loop3A_84 : i32 to index
      %parallel_loop3A_95 = arith.constant 48 : index
      %parallel_loop3A_96 = tpu.vector_load %arg15[%parallel_loop3A_94, %parallel_loop3A_95] {strides = array<i32>} : memref<128x80xf32, #tpu.memory_space<vmem>>, vector<16xf32>,
      tpu.vector_store %arg15[%parallel_loop3A_94, %parallel_loop3A_95], %broadcast_in_dim3A_1 {strides = array<i32>} : memref<128x80xf32, #tpu.memory_space<vmem>>, vector<16xf32>,
      %parallel_loop3A_97 = arith.index_cast %parallel_loop3A_84 : i32 to index
      %parallel_loop3A_98 = arith.constant 64 : index
      %parallel_loop3A_99 = tpu.vector_load %arg15[%parallel_loop3A_97, %parallel_loop3A_98] {strides = array<i32>} : memref<128x80xf32, #tpu.memory_space<vmem>>, vector<16xf32>,
      tpu.vector_store %arg15[%parallel_loop3A_97, %parallel_loop3A_98], %broadcast_in_dim3A_1 {strides = array<i32>} : memref<128x80xf32, #tpu.memory_space<vmem>>, vector<16xf32>,
    } {sc.loop_unroll_factor = 1 : i64, sc.parallel_access}
    %mul3A_4 = arith.constant 640 : i32
    %mul3A_5 = arith.muli %arg1, %mul3A_4 : i32
    %add3A_6 = arith.constant 0 : i32
    %add3A_7 = arith.addi %mul3A_5, %add3A_6 : i32
    "tpu.region"() ({
      %run_scoped3A = tpu.sem_alloc : memref<!tpu.dma_semaphore, #tpu.memory_space<semaphore_mem>>
      %dma_start3A_84 = arith.constant 0 : i32
      %dma_start3A_85 = tpu.memref_slice %arg16[%add3A_7, %dma_start3A_84] : memref<10240x80xf32, #tpu.memory_space<vmem_shared>> -> memref<128x80xf32, #tpu.memory_space<vmem_shared>>
      %dma_start3A_86 = arith.constant 0 : i32
      %dma_start3A_87 = tpu.memref_slice %arg16[%add3A_7, %dma_start3A_86] : memref<10240x80xf32, #tpu.memory_space<vmem_shared>> -> memref<128x80xf32, #tpu.memory_space<vmem_shared>>
      tpu.enqueue_dma source(%arg15 : memref<128x80xf32, #tpu.memory_space<vmem>>) target(%dma_start3A_87 : memref<128x80xf32, #tpu.memory_space<vmem_shared>>) target_semaphore(%run_scoped3A : memref<!tpu.dma_semaphore, #tpu.memory_space<semaphore_mem>>)
      %dma_wait3A_88 = arith.constant 0 : i32
      %dma_wait3A_89 = tpu.memref_slice %arg16[%add3A_7, %dma_wait3A_88] : memref<10240x80xf32, #tpu.memory_space<vmem_shared>> -> memref<128x80xf32, #tpu.memory_space<vmem_shared>>
      %dma_wait3A_90 = arith.constant 0 : i32
      %dma_wait3A_91 = tpu.memref_slice %arg16[%add3A_7, %dma_wait3A_90] : memref<10240x80xf32, #tpu.memory_space<vmem_shared>> -> memref<128x80xf32, #tpu.memory_space<vmem_shared>>
      tpu.wait_dma2 semaphore(%run_scoped3A : memref<!tpu.dma_semaphore, #tpu.memory_space<semaphore_mem>>) src(%arg15 : memref<128x80xf32, #tpu.memory_space<vmem>>) dst(%dma_wait3A_91 : memref<128x80xf32, #tpu.memory_space<vmem_shared>>)
      tpu.yield
    }) : () -> ()
    %mul3A_8 = arith.constant 640 : i32
    %mul3A_9 = arith.muli %arg1, %mul3A_8 : i32
    %add3A_10 = arith.constant 128 : i32
    %add3A_11 = arith.addi %mul3A_9, %add3A_10 : i32
    "tpu.region"() ({
      %run_scoped3A = tpu.sem_alloc : memref<!tpu.dma_semaphore, #tpu.memory_space<semaphore_mem>>
      %dma_start3A_84 = arith.constant 0 : i32
      %dma_start3A_85 = tpu.memref_slice %arg16[%add3A_11, %dma_start3A_84] : memref<10240x80xf32, #tpu.memory_space<vmem_shared>> -> memref<128x80xf32, #tpu.memory_space<vmem_shared>>
      %dma_start3A_86 = arith.constant 0 : i32
      %dma_start3A_87 = tpu.memref_slice %arg16[%add3A_11, %dma_start3A_86] : memref<10240x80xf32, #tpu.memory_space<vmem_shared>> -> memref<128x80xf32, #tpu.memory_space<vmem_shared>>
      tpu.enqueue_dma source(%arg15 : memref<128x80xf32, #tpu.memory_space<vmem>>) target(%dma_start3A_87 : memref<128x80xf32, #tpu.memory_space<vmem_shared>>) target_semaphore(%run_scoped3A : memref<!tpu.dma_semaphore, #tpu.memory_space<semaphore_mem>>)
      %dma_wait3A_88 = arith.constant 0 : i32
      %dma_wait3A_89 = tpu.memref_slice %arg16[%add3A_11, %dma_wait3A_88] : memref<10240x80xf32, #tpu.memory_space<vmem_shared>> -> memref<128x80xf32, #tpu.memory_space<vmem_shared>>
      %dma_wait3A_90 = arith.constant 0 : i32
      %dma_wait3A_91 = tpu.memref_slice %arg16[%add3A_11, %dma_wait3A_90] : memref<10240x80xf32, #tpu.memory_space<vmem_shared>> -> memref<128x80xf32, #tpu.memory_space<vmem_shared>>
      tpu.wait_dma2 semaphore(%run_scoped3A : memref<!tpu.dma_semaphore, #tpu.memory_space<semaphore_mem>>) src(%arg15 : memref<128x80xf32, #tpu.memory_space<vmem>>) dst(%dma_wait3A_91 : memref<128x80xf32, #tpu.memory_space<vmem_shared>>)
      tpu.yield
    }) : () -> ()
    %mul3A_12 = arith.constant 640 : i32
    %mul3A_13 = arith.muli %arg1, %mul3A_12 : i32
    %add3A_14 = arith.constant 256 : i32
    %add3A_15 = arith.addi %mul3A_13, %add3A_14 : i32
    "tpu.region"() ({
      %run_scoped3A = tpu.sem_alloc : memref<!tpu.dma_semaphore, #tpu.memory_space<semaphore_mem>>
      %dma_start3A_84 = arith.constant 0 : i32
      %dma_start3A_85 = tpu.memref_slice %arg16[%add3A_15, %dma_start3A_84] : memref<10240x80xf32, #tpu.memory_space<vmem_shared>> -> memref<128x80xf32, #tpu.memory_space<vmem_shared>>
      %dma_start3A_86 = arith.constant 0 : i32
      %dma_start3A_87 = tpu.memref_slice %arg16[%add3A_15, %dma_start3A_86] : memref<10240x80xf32, #tpu.memory_space<vmem_shared>> -> memref<128x80xf32, #tpu.memory_space<vmem_shared>>
      tpu.enqueue_dma source(%arg15 : memref<128x80xf32, #tpu.memory_space<vmem>>) target(%dma_start3A_87 : memref<128x80xf32, #tpu.memory_space<vmem_shared>>) target_semaphore(%run_scoped3A : memref<!tpu.dma_semaphore, #tpu.memory_space<semaphore_mem>>)
      %dma_wait3A_88 = arith.constant 0 : i32
      %dma_wait3A_89 = tpu.memref_slice %arg16[%add3A_15, %dma_wait3A_88] : memref<10240x80xf32, #tpu.memory_space<vmem_shared>> -> memref<128x80xf32, #tpu.memory_space<vmem_shared>>
      %dma_wait3A_90 = arith.constant 0 : i32
      %dma_wait3A_91 = tpu.memref_slice %arg16[%add3A_15, %dma_wait3A_90] : memref<10240x80xf32, #tpu.memory_space<vmem_shared>> -> memref<128x80xf32, #tpu.memory_space<vmem_shared>>
      tpu.wait_dma2 semaphore(%run_scoped3A : memref<!tpu.dma_semaphore, #tpu.memory_space<semaphore_mem>>) src(%arg15 : memref<128x80xf32, #tpu.memory_space<vmem>>) dst(%dma_wait3A_91 : memref<128x80xf32, #tpu.memory_space<vmem_shared>>)
      tpu.yield
    }) : () -> ()
    %mul3A_16 = arith.constant 640 : i32
    %mul3A_17 = arith.muli %arg1, %mul3A_16 : i32
    %add3A_18 = arith.constant 384 : i32
    %add3A_19 = arith.addi %mul3A_17, %add3A_18 : i32
    "tpu.region"() ({
      %run_scoped3A = tpu.sem_alloc : memref<!tpu.dma_semaphore, #tpu.memory_space<semaphore_mem>>
      %dma_start3A_84 = arith.constant 0 : i32
      %dma_start3A_85 = tpu.memref_slice %arg16[%add3A_19, %dma_start3A_84] : memref<10240x80xf32, #tpu.memory_space<vmem_shared>> -> memref<128x80xf32, #tpu.memory_space<vmem_shared>>
      %dma_start3A_86 = arith.constant 0 : i32
      %dma_start3A_87 = tpu.memref_slice %arg16[%add3A_19, %dma_start3A_86] : memref<10240x80xf32, #tpu.memory_space<vmem_shared>> -> memref<128x80xf32, #tpu.memory_space<vmem_shared>>
      tpu.enqueue_dma source(%arg15 : memref<128x80xf32, #tpu.memory_space<vmem>>) target(%dma_start3A_87 : memref<128x80xf32, #tpu.memory_space<vmem_shared>>) target_semaphore(%run_scoped3A : memref<!tpu.dma_semaphore, #tpu.memory_space<semaphore_mem>>)
      %dma_wait3A_88 = arith.constant 0 : i32
      %dma_wait3A_89 = tpu.memref_slice %arg16[%add3A_19, %dma_wait3A_88] : memref<10240x80xf32, #tpu.memory_space<vmem_shared>> -> memref<128x80xf32, #tpu.memory_space<vmem_shared>>
      %dma_wait3A_90 = arith.constant 0 : i32
      %dma_wait3A_91 = tpu.memref_slice %arg16[%add3A_19, %dma_wait3A_90] : memref<10240x80xf32, #tpu.memory_space<vmem_shared>> -> memref<128x80xf32, #tpu.memory_space<vmem_shared>>
      tpu.wait_dma2 semaphore(%run_scoped3A : memref<!tpu.dma_semaphore, #tpu.memory_space<semaphore_mem>>) src(%arg15 : memref<128x80xf32, #tpu.memory_space<vmem>>) dst(%dma_wait3A_91 : memref<128x80xf32, #tpu.memory_space<vmem_shared>>)
      tpu.yield
    }) : () -> ()
    %mul3A_20 = arith.constant 640 : i32
    %mul3A_21 = arith.muli %arg1, %mul3A_20 : i32
    %add3A_22 = arith.constant 512 : i32
    %add3A_23 = arith.addi %mul3A_21, %add3A_22 : i32
    "tpu.region"() ({
      %run_scoped3A = tpu.sem_alloc : memref<!tpu.dma_semaphore, #tpu.memory_space<semaphore_mem>>
      %dma_start3A_84 = arith.constant 0 : i32
      %dma_start3A_85 = tpu.memref_slice %arg16[%add3A_23, %dma_start3A_84] : memref<10240x80xf32, #tpu.memory_space<vmem_shared>> -> memref<128x80xf32, #tpu.memory_space<vmem_shared>>
      %dma_start3A_86 = arith.constant 0 : i32
      %dma_start3A_87 = tpu.memref_slice %arg16[%add3A_23, %dma_start3A_86] : memref<10240x80xf32, #tpu.memory_space<vmem_shared>> -> memref<128x80xf32, #tpu.memory_space<vmem_shared>>
      tpu.enqueue_dma source(%arg15 : memref<128x80xf32, #tpu.memory_space<vmem>>) target(%dma_start3A_87 : memref<128x80xf32, #tpu.memory_space<vmem_shared>>) target_semaphore(%run_scoped3A : memref<!tpu.dma_semaphore, #tpu.memory_space<semaphore_mem>>)
      %dma_wait3A_88 = arith.constant 0 : i32
      %dma_wait3A_89 = tpu.memref_slice %arg16[%add3A_23, %dma_wait3A_88] : memref<10240x80xf32, #tpu.memory_space<vmem_shared>> -> memref<128x80xf32, #tpu.memory_space<vmem_shared>>
      %dma_wait3A_90 = arith.constant 0 : i32
      %dma_wait3A_91 = tpu.memref_slice %arg16[%add3A_23, %dma_wait3A_90] : memref<10240x80xf32, #tpu.memory_space<vmem_shared>> -> memref<128x80xf32, #tpu.memory_space<vmem_shared>>
      tpu.wait_dma2 semaphore(%run_scoped3A : memref<!tpu.dma_semaphore, #tpu.memory_space<semaphore_mem>>) src(%arg15 : memref<128x80xf32, #tpu.memory_space<vmem>>) dst(%dma_wait3A_91 : memref<128x80xf32, #tpu.memory_space<vmem_shared>>)
      tpu.yield
    }) : () -> ()
    %barrier3A = arith.constant 0 : index
    tpu.barrier barrier_id(%barrier3A)
    %mul3A_24 = arith.constant 85 : i32
    %mul3A_25 = arith.muli %add3A, %mul3A_24 : i32
    %mul3A_26 = arith.constant 40 : i32
    %mul3A_27 = arith.muli %mul3A_25, %mul3A_26 : i32
    %mul3A_28 = arith.constant 85 : i32
    %mul3A_29 = arith.muli %add3A, %mul3A_28 : i32
    %add3A_30 = arith.constant 1280 : i32
    %add3A_31 = arith.addi %add3A_30, %mul3A_29 : i32
    "tpu.region"() ({
      %run_scoped3A = tpu.sem_alloc : memref<!tpu.dma_semaphore, #tpu.memory_space<semaphore_mem>>
      %dma_start3A_84 = arith.constant 0 : i32
      %dma_start3A_85 = arith.constant 0 : i32
      %dma_start3A_86 = tpu.memref_slice %arg7[%dma_start3A_84, %dma_start3A_85] : memref<85x80xi32, #tpu.memory_space<vmem>> -> memref<85x40xi32, #tpu.memory_space<vmem>>
      %dma_start3A_87 = arith.constant 0 : i32
      %dma_start3A_88 = tpu.memref_slice %arg4[%add3A_31, %dma_start3A_87] : memref<8000x40xi32, #tpu.memory_space<hbm>> -> memref<85x40xi32, #tpu.memory_space<hbm>>
      %dma_start3A_89 = arith.constant 0 : i32
      %dma_start3A_90 = arith.constant 0 : i32
      %dma_start3A_91 = tpu.memref_slice %arg7[%dma_start3A_89, %dma_start3A_90] : memref<85x80xi32, #tpu.memory_space<vmem>> -> memref<85x40xi32, #tpu.memory_space<vmem>>
      %dma_start3A_92 = arith.constant 0 : i32
      %dma_start3A_93 = tpu.memref_slice %arg4[%add3A_31, %dma_start3A_92] : memref<8000x40xi32, #tpu.memory_space<hbm>> -> memref<85x40xi32, #tpu.memory_space<hbm>>
      tpu.enqueue_dma source(%dma_start3A_93 : memref<85x40xi32, #tpu.memory_space<hbm>>) target(%dma_start3A_91 : memref<85x40xi32, #tpu.memory_space<vmem>>) target_semaphore(%run_scoped3A : memref<!tpu.dma_semaphore, #tpu.memory_space<semaphore_mem>>)
      %dma_wait3A_94 = arith.constant 0 : i32
      %dma_wait3A_95 = arith.constant 0 : i32
      %dma_wait3A_96 = tpu.memref_slice %arg7[%dma_wait3A_94, %dma_wait3A_95] : memref<85x80xi32, #tpu.memory_space<vmem>> -> memref<85x40xi32, #tpu.memory_space<vmem>>
      %dma_wait3A_97 = arith.constant 0 : i32
      %dma_wait3A_98 = tpu.memref_slice %arg4[%add3A_31, %dma_wait3A_97] : memref<8000x40xi32, #tpu.memory_space<hbm>> -> memref<85x40xi32, #tpu.memory_space<hbm>>
      %dma_wait3A_99 = arith.constant 0 : i32
      %dma_wait3A_100 = arith.constant 0 : i32
      %dma_wait3A_101 = tpu.memref_slice %arg7[%dma_wait3A_99, %dma_wait3A_100] : memref<85x80xi32, #tpu.memory_space<vmem>> -> memref<85x40xi32, #tpu.memory_space<vmem>>
      %dma_wait3A_102 = arith.constant 0 : i32
      %dma_wait3A_103 = tpu.memref_slice %arg4[%add3A_31, %dma_wait3A_102] : memref<8000x40xi32, #tpu.memory_space<hbm>> -> memref<85x40xi32, #tpu.memory_space<hbm>>
      tpu.wait_dma2 semaphore(%run_scoped3A : memref<!tpu.dma_semaphore, #tpu.memory_space<semaphore_mem>>) src(%dma_wait3A_103 : memref<85x40xi32, #tpu.memory_space<hbm>>) dst(%dma_wait3A_101 : memref<85x40xi32, #tpu.memory_space<vmem>>)
      tpu.yield
    }) : () -> ()
    %add3A_32 = arith.constant 4000 : i32
    %add3A_33 = arith.addi %add3A_32, %add3A_31 : i32
    "tpu.region"() ({
      %run_scoped3A = tpu.sem_alloc : memref<!tpu.dma_semaphore, #tpu.memory_space<semaphore_mem>>
      %dma_start3A_84 = arith.constant 0 : i32
      %dma_start3A_85 = arith.constant 40 : i32
      %dma_start3A_86 = tpu.memref_slice %arg7[%dma_start3A_84, %dma_start3A_85] : memref<85x80xi32, #tpu.memory_space<vmem>> -> memref<85x40xi32, #tpu.memory_space<vmem>>
      %dma_start3A_87 = arith.constant 0 : i32
      %dma_start3A_88 = tpu.memref_slice %arg4[%add3A_33, %dma_start3A_87] : memref<8000x40xi32, #tpu.memory_space<hbm>> -> memref<85x40xi32, #tpu.memory_space<hbm>>
      %dma_start3A_89 = arith.constant 0 : i32
      %dma_start3A_90 = arith.constant 40 : i32
      %dma_start3A_91 = tpu.memref_slice %arg7[%dma_start3A_89, %dma_start3A_90] : memref<85x80xi32, #tpu.memory_space<vmem>> -> memref<85x40xi32, #tpu.memory_space<vmem>>
      %dma_start3A_92 = arith.constant 0 : i32
      %dma_start3A_93 = tpu.memref_slice %arg4[%add3A_33, %dma_start3A_92] : memref<8000x40xi32, #tpu.memory_space<hbm>> -> memref<85x40xi32, #tpu.memory_space<hbm>>
      tpu.enqueue_dma source(%dma_start3A_93 : memref<85x40xi32, #tpu.memory_space<hbm>>) target(%dma_start3A_91 : memref<85x40xi32, #tpu.memory_space<vmem>>) target_semaphore(%run_scoped3A : memref<!tpu.dma_semaphore, #tpu.memory_space<semaphore_mem>>)
      %dma_wait3A_94 = arith.constant 0 : i32
      %dma_wait3A_95 = arith.constant 40 : i32
      %dma_wait3A_96 = tpu.memref_slice %arg7[%dma_wait3A_94, %dma_wait3A_95] : memref<85x80xi32, #tpu.memory_space<vmem>> -> memref<85x40xi32, #tpu.memory_space<vmem>>
      %dma_wait3A_97 = arith.constant 0 : i32
      %dma_wait3A_98 = tpu.memref_slice %arg4[%add3A_33, %dma_wait3A_97] : memref<8000x40xi32, #tpu.memory_space<hbm>> -> memref<85x40xi32, #tpu.memory_space<hbm>>
      %dma_wait3A_99 = arith.constant 0 : i32
      %dma_wait3A_100 = arith.constant 40 : i32
      %dma_wait3A_101 = tpu.memref_slice %arg7[%dma_wait3A_99, %dma_wait3A_100] : memref<85x80xi32, #tpu.memory_space<vmem>> -> memref<85x40xi32, #tpu.memory_space<vmem>>
      %dma_wait3A_102 = arith.constant 0 : i32
      %dma_wait3A_103 = tpu.memref_slice %arg4[%add3A_33, %dma_wait3A_102] : memref<8000x40xi32, #tpu.memory_space<hbm>> -> memref<85x40xi32, #tpu.memory_space<hbm>>
      tpu.wait_dma2 semaphore(%run_scoped3A : memref<!tpu.dma_semaphore, #tpu.memory_space<semaphore_mem>>) src(%dma_wait3A_103 : memref<85x40xi32, #tpu.memory_space<hbm>>) dst(%dma_wait3A_101 : memref<85x40xi32, #tpu.memory_space<vmem>>)
      tpu.yield
    }) : () -> ()
    "tpu.region"() ({
      %run_scoped3A = tpu.sem_alloc : memref<!tpu.dma_semaphore, #tpu.memory_space<semaphore_mem>>
      %dma_start3A_84 = arith.constant 0 : i32
      %dma_start3A_85 = arith.constant 0 : i32
      %dma_start3A_86 = tpu.memref_slice %arg8[%dma_start3A_84, %dma_start3A_85] : memref<85x80xi32, #tpu.memory_space<vmem>> -> memref<85x40xi32, #tpu.memory_space<vmem>>
      %dma_start3A_87 = arith.constant 0 : i32
      %dma_start3A_88 = tpu.memref_slice %arg5[%add3A_31, %dma_start3A_87] : memref<8000x40xi32, #tpu.memory_space<hbm>> -> memref<85x40xi32, #tpu.memory_space<hbm>>
      %dma_start3A_89 = arith.constant 0 : i32
      %dma_start3A_90 = arith.constant 0 : i32
      %dma_start3A_91 = tpu.memref_slice %arg8[%dma_start3A_89, %dma_start3A_90] : memref<85x80xi32, #tpu.memory_space<vmem>> -> memref<85x40xi32, #tpu.memory_space<vmem>>
      %dma_start3A_92 = arith.constant 0 : i32
      %dma_start3A_93 = tpu.memref_slice %arg5[%add3A_31, %dma_start3A_92] : memref<8000x40xi32, #tpu.memory_space<hbm>> -> memref<85x40xi32, #tpu.memory_space<hbm>>
      tpu.enqueue_dma source(%dma_start3A_93 : memref<85x40xi32, #tpu.memory_space<hbm>>) target(%dma_start3A_91 : memref<85x40xi32, #tpu.memory_space<vmem>>) target_semaphore(%run_scoped3A : memref<!tpu.dma_semaphore, #tpu.memory_space<semaphore_mem>>)
      %dma_wait3A_94 = arith.constant 0 : i32
      %dma_wait3A_95 = arith.constant 0 : i32
      %dma_wait3A_96 = tpu.memref_slice %arg8[%dma_wait3A_94, %dma_wait3A_95] : memref<85x80xi32, #tpu.memory_space<vmem>> -> memref<85x40xi32, #tpu.memory_space<vmem>>
      %dma_wait3A_97 = arith.constant 0 : i32
      %dma_wait3A_98 = tpu.memref_slice %arg5[%add3A_31, %dma_wait3A_97] : memref<8000x40xi32, #tpu.memory_space<hbm>> -> memref<85x40xi32, #tpu.memory_space<hbm>>
      %dma_wait3A_99 = arith.constant 0 : i32
      %dma_wait3A_100 = arith.constant 0 : i32
      %dma_wait3A_101 = tpu.memref_slice %arg8[%dma_wait3A_99, %dma_wait3A_100] : memref<85x80xi32, #tpu.memory_space<vmem>> -> memref<85x40xi32, #tpu.memory_space<vmem>>
      %dma_wait3A_102 = arith.constant 0 : i32
      %dma_wait3A_103 = tpu.memref_slice %arg5[%add3A_31, %dma_wait3A_102] : memref<8000x40xi32, #tpu.memory_space<hbm>> -> memref<85x40xi32, #tpu.memory_space<hbm>>
      tpu.wait_dma2 semaphore(%run_scoped3A : memref<!tpu.dma_semaphore, #tpu.memory_space<semaphore_mem>>) src(%dma_wait3A_103 : memref<85x40xi32, #tpu.memory_space<hbm>>) dst(%dma_wait3A_101 : memref<85x40xi32, #tpu.memory_space<vmem>>)
      tpu.yield
    }) : () -> ()
    %add3A_34 = arith.constant 4000 : i32
    %add3A_35 = arith.addi %add3A_34, %add3A_31 : i32
    "tpu.region"() ({
      %run_scoped3A = tpu.sem_alloc : memref<!tpu.dma_semaphore, #tpu.memory_space<semaphore_mem>>
      %dma_start3A_84 = arith.constant 0 : i32
      %dma_start3A_85 = arith.constant 40 : i32
      %dma_start3A_86 = tpu.memref_slice %arg8[%dma_start3A_84, %dma_start3A_85] : memref<85x80xi32, #tpu.memory_space<vmem>> -> memref<85x40xi32, #tpu.memory_space<vmem>>
      %dma_start3A_87 = arith.constant 0 : i32
      %dma_start3A_88 = tpu.memref_slice %arg5[%add3A_35, %dma_start3A_87] : memref<8000x40xi32, #tpu.memory_space<hbm>> -> memref<85x40xi32, #tpu.memory_space<hbm>>
      %dma_start3A_89 = arith.constant 0 : i32
      %dma_start3A_90 = arith.constant 40 : i32
      %dma_start3A_91 = tpu.memref_slice %arg8[%dma_start3A_89, %dma_start3A_90] : memref<85x80xi32, #tpu.memory_space<vmem>> -> memref<85x40xi32, #tpu.memory_space<vmem>>
      %dma_start3A_92 = arith.constant 0 : i32
      %dma_start3A_93 = tpu.memref_slice %arg5[%add3A_35, %dma_start3A_92] : memref<8000x40xi32, #tpu.memory_space<hbm>> -> memref<85x40xi32, #tpu.memory_space<hbm>>
      tpu.enqueue_dma source(%dma_start3A_93 : memref<85x40xi32, #tpu.memory_space<hbm>>) target(%dma_start3A_91 : memref<85x40xi32, #tpu.memory_space<vmem>>) target_semaphore(%run_scoped3A : memref<!tpu.dma_semaphore, #tpu.memory_space<semaphore_mem>>)
      %dma_wait3A_94 = arith.constant 0 : i32
      %dma_wait3A_95 = arith.constant 40 : i32
      %dma_wait3A_96 = tpu.memref_slice %arg8[%dma_wait3A_94, %dma_wait3A_95] : memref<85x80xi32, #tpu.memory_space<vmem>> -> memref<85x40xi32, #tpu.memory_space<vmem>>
      %dma_wait3A_97 = arith.constant 0 : i32
      %dma_wait3A_98 = tpu.memref_slice %arg5[%add3A_35, %dma_wait3A_97] : memref<8000x40xi32, #tpu.memory_space<hbm>> -> memref<85x40xi32, #tpu.memory_space<hbm>>
      %dma_wait3A_99 = arith.constant 0 : i32
      %dma_wait3A_100 = arith.constant 40 : i32
      %dma_wait3A_101 = tpu.memref_slice %arg8[%dma_wait3A_99, %dma_wait3A_100] : memref<85x80xi32, #tpu.memory_space<vmem>> -> memref<85x40xi32, #tpu.memory_space<vmem>>
      %dma_wait3A_102 = arith.constant 0 : i32
      %dma_wait3A_103 = tpu.memref_slice %arg5[%add3A_35, %dma_wait3A_102] : memref<8000x40xi32, #tpu.memory_space<hbm>> -> memref<85x40xi32, #tpu.memory_space<hbm>>
      tpu.wait_dma2 semaphore(%run_scoped3A : memref<!tpu.dma_semaphore, #tpu.memory_space<semaphore_mem>>) src(%dma_wait3A_103 : memref<85x40xi32, #tpu.memory_space<hbm>>) dst(%dma_wait3A_101 : memref<85x40xi32, #tpu.memory_space<vmem>>)
      tpu.yield
    }) : () -> ()
    %dma_start3A = arith.constant 0 : i32
    %dma_start3A_36 = arith.constant 0 : i32
    %dma_start3A_37 = tpu.memref_slice %arg7[%dma_start3A, %dma_start3A_36] : memref<85x80xi32, #tpu.memory_space<vmem>> -> memref<1x80xi32, #tpu.memory_space<vmem>>
    %dma_start3A_38 = tpu.memref_squeeze %dma_start3A_37 : memref<1x80xi32, #tpu.memory_space<vmem>> -> memref<80xi32, #tpu.memory_space<vmem>>
    %dma_start3A_39 = arith.constant 0 : i32
    %dma_start3A_40 = arith.constant 0 : i32
    %dma_start3A_41 = tpu.memref_slice %arg2[%dma_start3A_39, %dma_start3A_40] : memref<10000x80xf32, #tpu.memory_space<hbm>> -> memref<10000x80xf32, #tpu.memory_space<hbm>>
    tpu.enqueue_indirect_dma source(%dma_start3A_41 : memref<10000x80xf32, #tpu.memory_space<hbm>>) target(%arg9 : memref<80x80xf32, #tpu.memory_space<vmem>>) offsets(%dma_start3A_38 : memref<80xi32, #tpu.memory_space<vmem>>) semaphore(%arg17 : memref<!tpu.dma_semaphore, #tpu.memory_space<semaphore_mem>>)
    %add3A_42 = arith.constant 0 : i32
    %add3A_43 = arith.addi %mul3A_27, %add3A_42 : i32
    %dma_start3A_44 = arith.constant 0 : i32
    %dma_start3A_45 = tpu.memref_slice %arg3[%add3A_43, %dma_start3A_44] : memref<108800x128xi32, #tpu.memory_space<hbm>> -> memref<40x128xi32, #tpu.memory_space<hbm>>
    %dma_start3A_46 = arith.constant 0 : i32
    %dma_start3A_47 = tpu.memref_slice %arg3[%add3A_43, %dma_start3A_46] : memref<108800x128xi32, #tpu.memory_space<hbm>> -> memref<40x128xi32, #tpu.memory_space<hbm>>
    tpu.enqueue_dma source(%dma_start3A_47 : memref<40x128xi32, #tpu.memory_space<hbm>>) target(%arg11 : memref<40x128xi32, #tpu.memory_space<vmem>>) target_semaphore(%arg19 : memref<!tpu.dma_semaphore, #tpu.memory_space<semaphore_mem>>)
    %dma_start3A_48 = arith.constant 1 : i32
    %dma_start3A_49 = arith.constant 0 : i32
    %dma_start3A_50 = tpu.memref_slice %arg7[%dma_start3A_48, %dma_start3A_49] : memref<85x80xi32, #tpu.memory_space<vmem>> -> memref<1x80xi32, #tpu.memory_space<vmem>>
    %dma_start3A_51 = tpu.memref_squeeze %dma_start3A_50 : memref<1x80xi32, #tpu.memory_space<vmem>> -> memref<80xi32, #tpu.memory_space<vmem>>
    %dma_start3A_52 = arith.constant 0 : i32
    %dma_start3A_53 = arith.constant 0 : i32
    %dma_start3A_54 = tpu.memref_slice %arg2[%dma_start3A_52, %dma_start3A_53] : memref<10000x80xf32, #tpu.memory_space<hbm>> -> memref<10000x80xf32, #tpu.memory_space<hbm>>
    tpu.enqueue_indirect_dma source(%dma_start3A_54 : memref<10000x80xf32, #tpu.memory_space<hbm>>) target(%arg10 : memref<80x80xf32, #tpu.memory_space<vmem>>) offsets(%dma_start3A_51 : memref<80xi32, #tpu.memory_space<vmem>>) semaphore(%arg18 : memref<!tpu.dma_semaphore, #tpu.memory_space<semaphore_mem>>)
    %add3A_55 = arith.constant 40 : i32
    %add3A_56 = arith.addi %mul3A_27, %add3A_55 : i32
    %dma_start3A_57 = arith.constant 0 : i32
    %dma_start3A_58 = tpu.memref_slice %arg3[%add3A_56, %dma_start3A_57] : memref<108800x128xi32, #tpu.memory_space<hbm>> -> memref<40x128xi32, #tpu.memory_space<hbm>>
    %dma_start3A_59 = arith.constant 0 : i32
    %dma_start3A_60 = tpu.memref_slice %arg3[%add3A_56, %dma_start3A_59] : memref<108800x128xi32, #tpu.memory_space<hbm>> -> memref<40x128xi32, #tpu.memory_space<hbm>>
    tpu.enqueue_dma source(%dma_start3A_60 : memref<40x128xi32, #tpu.memory_space<hbm>>) target(%arg12 : memref<40x128xi32, #tpu.memory_space<vmem>>) target_semaphore(%arg20 : memref<!tpu.dma_semaphore, #tpu.memory_space<semaphore_mem>>)
    %scan3A = arith.constant 0 : i32
    %scan3A_61 = arith.constant 0 : i32
    %scan3A_62 = arith.constant 43 : i32
    %scan3A_63 = arith.addi %scan3A_61, %scan3A_62 : i32
    %scan3A_64 = arith.constant 1 : i32
    scf.for %scan3A_84 = %scan3A_61 to %scan3A_63 step %scan3A_64  : i32 {
      %mul3A_85 = arith.constant 2 : i32
      %mul3A_86 = arith.muli %mul3A_85, %scan3A_84 : i32
      %dma_wait3A_87 = arith.constant 0 : i32
      %dma_wait3A_88 = tpu.memref_slice %arg7[%mul3A_86, %dma_wait3A_87] : memref<85x80xi32, #tpu.memory_space<vmem>> -> memref<1x80xi32, #tpu.memory_space<vmem>>
      %dma_wait3A_89 = tpu.memref_squeeze %dma_wait3A_88 : memref<1x80xi32, #tpu.memory_space<vmem>> -> memref<80xi32, #tpu.memory_space<vmem>>
      %dma_wait3A_90 = arith.constant 0 : i32
      %dma_wait3A_91 = arith.constant 0 : i32
      %dma_wait3A_92 = tpu.memref_slice %arg2[%dma_wait3A_90, %dma_wait3A_91] : memref<10000x80xf32, #tpu.memory_space<hbm>> -> memref<10000x80xf32, #tpu.memory_space<hbm>>
      tpu.wait_indirect_dma semaphore(%arg17 : memref<!tpu.dma_semaphore, #tpu.memory_space<semaphore_mem>>) src(%dma_wait3A_92 : memref<10000x80xf32, #tpu.memory_space<hbm>>) dst(%arg9 : memref<80x80xf32, #tpu.memory_space<vmem>>)
      %mul3A_93 = arith.constant 40 : i32
      %mul3A_94 = arith.muli %mul3A_86, %mul3A_93 : i32
      %add3A_95 = arith.addi %mul3A_27, %mul3A_94 : i32
      %dma_wait3A_96 = arith.constant 0 : i32
      %dma_wait3A_97 = tpu.memref_slice %arg3[%add3A_95, %dma_wait3A_96] : memref<108800x128xi32, #tpu.memory_space<hbm>> -> memref<40x128xi32, #tpu.memory_space<hbm>>
      %dma_wait3A_98 = arith.constant 0 : i32
      %dma_wait3A_99 = tpu.memref_slice %arg3[%add3A_95, %dma_wait3A_98] : memref<108800x128xi32, #tpu.memory_space<hbm>> -> memref<40x128xi32, #tpu.memory_space<hbm>>
      tpu.wait_dma2 semaphore(%arg19 : memref<!tpu.dma_semaphore, #tpu.memory_space<semaphore_mem>>) src(%dma_wait3A_99 : memref<40x128xi32, #tpu.memory_space<hbm>>) dst(%arg11 : memref<40x128xi32, #tpu.memory_space<vmem>>)
      %ge3A = arith.constant 2 : i32
      %ge3A_100 = arith.cmpi sge, %mul3A_86, %ge3A : i32
      %convert_element_type3A = arith.extui %ge3A_100 : i1 to i32
      %cond3A = arith.constant 0 : i32
      %cond3A_101 = arith.cmpi ne, %convert_element_type3A, %cond3A : i32
      scf.if %cond3A_101 {
        %sub3A = arith.constant 2 : i32
        %sub3A_124 = arith.subi %mul3A_86, %sub3A : i32
        %dma_wait3A_125 = arith.constant 0 : i32
        %dma_wait3A_126 = tpu.memref_slice %arg8[%sub3A_124, %dma_wait3A_125] : memref<85x80xi32, #tpu.memory_space<vmem>> -> memref<1x80xi32, #tpu.memory_space<vmem>>
        %dma_wait3A_127 = tpu.memref_squeeze %dma_wait3A_126 : memref<1x80xi32, #tpu.memory_space<vmem>> -> memref<80xi32, #tpu.memory_space<vmem>>
        %dma_wait3A_128 = arith.constant 0 : i32
        %dma_wait3A_129 = arith.constant 0 : i32
        %dma_wait3A_130 = tpu.memref_slice %arg16[%dma_wait3A_128, %dma_wait3A_129] : memref<10240x80xf32, #tpu.memory_space<vmem_shared>> -> memref<10240x80xf32, #tpu.memory_space<vmem_shared>>
        tpu.wait_indirect_dma semaphore(%arg21 : memref<!tpu.dma_semaphore, #tpu.memory_space<semaphore_mem>>) src(%arg13 : memref<80x80xf32, #tpu.memory_space<vmem>>) dst(%dma_wait3A_130 : memref<10240x80xf32, #tpu.memory_space<vmem_shared>>)
      } else {
      }
      %parallel_loop3A_102 = arith.constant 0 : i32
      %parallel_loop3A_103 = arith.constant 40 : i32
      %parallel_loop3A_104 = arith.constant 1 : i32
      scf.for %parallel_loop3A_124 = %parallel_loop3A_102 to %parallel_loop3A_103 step %parallel_loop3A_104  : i32 {
        %parallel_loop3A_125 = arith.index_cast %parallel_loop3A_124 : i32 to index
        %parallel_loop3A_126 = arith.constant 0 : index
        %parallel_loop3A_127 = tpu.vector_load %arg11[%parallel_loop3A_125, %parallel_loop3A_126] {strides = array<i32>} : memref<40x128xi32, #tpu.memory_space<vmem>>, vector<16xi32>,
        %parallel_loop3A_128 = vector.bitcast %parallel_loop3A_127 : vector<16xi32> to vector<32xbf16>
        %parallel_loop3A_129 = tpu.unpack_subelements %parallel_loop3A_128, 0 {pack_format = #tpu.pack_format<interleaved>} : vector<32xbf16> -> vector<16xf32>
        %parallel_loop3A_130 = tpu.unpack_subelements %parallel_loop3A_128, 1 {pack_format = #tpu.pack_format<interleaved>} : vector<32xbf16> -> vector<16xf32>
        %parallel_loop3A_131 = arith.index_cast %parallel_loop3A_124 : i32 to index
        %parallel_loop3A_132 = arith.constant 0 : index
        %parallel_loop3A_133 = tpu.vector_load %arg9[%parallel_loop3A_131, %parallel_loop3A_132] {strides = array<i32>} : memref<80x80xf32, #tpu.memory_space<vmem>>, vector<16xf32>,
        %parallel_loop3A_134 = arith.addf %parallel_loop3A_133, %parallel_loop3A_129 : vector<16xf32>
        %parallel_loop3A_135 = arith.constant 40 : i32
        %parallel_loop3A_136 = arith.addi %parallel_loop3A_135, %parallel_loop3A_124 : i32
        %parallel_loop3A_137 = arith.index_cast %parallel_loop3A_136 : i32 to index
        %parallel_loop3A_138 = arith.constant 0 : index
        %parallel_loop3A_139 = tpu.vector_load %arg9[%parallel_loop3A_137, %parallel_loop3A_138] {strides = array<i32>} : memref<80x80xf32, #tpu.memory_space<vmem>>, vector<16xf32>,
        %parallel_loop3A_140 = arith.addf %parallel_loop3A_139, %parallel_loop3A_130 : vector<16xf32>
        %parallel_loop3A_141 = arith.constant 0.000000e+00 : f32
        %parallel_loop3A_142 = vector.broadcast %parallel_loop3A_141 : f32 to vector<16xf32>
        %parallel_loop3A_143 = arith.cmpf oge, %parallel_loop3A_134, %parallel_loop3A_142 : vector<16xf32>
        %parallel_loop3A_144 = arith.constant 0.00999999977 : f32
        %parallel_loop3A_145 = vector.broadcast %parallel_loop3A_144 : f32 to vector<16xf32>
        %parallel_loop3A_146 = arith.mulf %parallel_loop3A_145, %parallel_loop3A_134 : vector<16xf32>
        %parallel_loop3A_147 = arith.select %parallel_loop3A_143, %parallel_loop3A_134, %parallel_loop3A_146 : vector<16xi1>, vector<16xf32>
        %parallel_loop3A_148 = arith.index_cast %parallel_loop3A_124 : i32 to index
        %parallel_loop3A_149 = arith.constant 0 : index
        %parallel_loop3A_150 = tpu.vector_load %arg13[%parallel_loop3A_148, %parallel_loop3A_149] {strides = array<i32>} : memref<80x80xf32, #tpu.memory_space<vmem>>, vector<16xf32>,
        tpu.vector_store %arg13[%parallel_loop3A_148, %parallel_loop3A_149], %parallel_loop3A_147 {strides = array<i32>} : memref<80x80xf32, #tpu.memory_space<vmem>>, vector<16xf32>,
        %parallel_loop3A_151 = arith.constant 0.000000e+00 : f32
        %parallel_loop3A_152 = vector.broadcast %parallel_loop3A_151 : f32 to vector<16xf32>
        %parallel_loop3A_153 = arith.cmpf oge, %parallel_loop3A_140, %parallel_loop3A_152 : vector<16xf32>
        %parallel_loop3A_154 = arith.constant 0.00999999977 : f32
        %parallel_loop3A_155 = vector.broadcast %parallel_loop3A_154 : f32 to vector<16xf32>
        %parallel_loop3A_156 = arith.mulf %parallel_loop3A_155, %parallel_loop3A_140 : vector<16xf32>
        %parallel_loop3A_157 = arith.select %parallel_loop3A_153, %parallel_loop3A_140, %parallel_loop3A_156 : vector<16xi1>, vector<16xf32>
        %parallel_loop3A_158 = arith.constant 40 : i32
        %parallel_loop3A_159 = arith.addi %parallel_loop3A_158, %parallel_loop3A_124 : i32
        %parallel_loop3A_160 = arith.index_cast %parallel_loop3A_159 : i32 to index
        %parallel_loop3A_161 = arith.constant 0 : index
        %parallel_loop3A_162 = tpu.vector_load %arg13[%parallel_loop3A_160, %parallel_loop3A_161] {strides = array<i32>} : memref<80x80xf32, #tpu.memory_space<vmem>>, vector<16xf32>,
        tpu.vector_store %arg13[%parallel_loop3A_160, %parallel_loop3A_161], %parallel_loop3A_157 {strides = array<i32>} : memref<80x80xf32, #tpu.memory_space<vmem>>, vector<16xf32>,
        %parallel_loop3A_163 = arith.index_cast %parallel_loop3A_124 : i32 to index
        %parallel_loop3A_164 = arith.constant 16 : index
        %parallel_loop3A_165 = tpu.vector_load %arg11[%parallel_loop3A_163, %parallel_loop3A_164] {strides = array<i32>} : memref<40x128xi32, #tpu.memory_space<vmem>>, vector<16xi32>,
        %parallel_loop3A_166 = vector.bitcast %parallel_loop3A_165 : vector<16xi32> to vector<32xbf16>
        %parallel_loop3A_167 = tpu.unpack_subelements %parallel_loop3A_166, 0 {pack_format = #tpu.pack_format<interleaved>} : vector<32xbf16> -> vector<16xf32>
        %parallel_loop3A_168 = tpu.unpack_subelements %parallel_loop3A_166, 1 {pack_format = #tpu.pack_format<interleaved>} : vector<32xbf16> -> vector<16xf32>
        %parallel_loop3A_169 = arith.index_cast %parallel_loop3A_124 : i32 to index
        %parallel_loop3A_170 = arith.constant 16 : index
        %parallel_loop3A_171 = tpu.vector_load %arg9[%parallel_loop3A_169, %parallel_loop3A_170] {strides = array<i32>} : memref<80x80xf32, #tpu.memory_space<vmem>>, vector<16xf32>,
        %parallel_loop3A_172 = arith.addf %parallel_loop3A_171, %parallel_loop3A_167 : vector<16xf32>
        %parallel_loop3A_173 = arith.constant 40 : i32
        %parallel_loop3A_174 = arith.addi %parallel_loop3A_173, %parallel_loop3A_124 : i32
        %parallel_loop3A_175 = arith.index_cast %parallel_loop3A_174 : i32 to index
        %parallel_loop3A_176 = arith.constant 16 : index
        %parallel_loop3A_177 = tpu.vector_load %arg9[%parallel_loop3A_175, %parallel_loop3A_176] {strides = array<i32>} : memref<80x80xf32, #tpu.memory_space<vmem>>, vector<16xf32>,
        %parallel_loop3A_178 = arith.addf %parallel_loop3A_177, %parallel_loop3A_168 : vector<16xf32>
        %parallel_loop3A_179 = arith.constant 0.000000e+00 : f32
        %parallel_loop3A_180 = vector.broadcast %parallel_loop3A_179 : f32 to vector<16xf32>
        %parallel_loop3A_181 = arith.cmpf oge, %parallel_loop3A_172, %parallel_loop3A_180 : vector<16xf32>
        %parallel_loop3A_182 = arith.constant 0.00999999977 : f32
        %parallel_loop3A_183 = vector.broadcast %parallel_loop3A_182 : f32 to vector<16xf32>
        %parallel_loop3A_184 = arith.mulf %parallel_loop3A_183, %parallel_loop3A_172 : vector<16xf32>
        %parallel_loop3A_185 = arith.select %parallel_loop3A_181, %parallel_loop3A_172, %parallel_loop3A_184 : vector<16xi1>, vector<16xf32>
        %parallel_loop3A_186 = arith.index_cast %parallel_loop3A_124 : i32 to index
        %parallel_loop3A_187 = arith.constant 16 : index
        %parallel_loop3A_188 = tpu.vector_load %arg13[%parallel_loop3A_186, %parallel_loop3A_187] {strides = array<i32>} : memref<80x80xf32, #tpu.memory_space<vmem>>, vector<16xf32>,
        tpu.vector_store %arg13[%parallel_loop3A_186, %parallel_loop3A_187], %parallel_loop3A_185 {strides = array<i32>} : memref<80x80xf32, #tpu.memory_space<vmem>>, vector<16xf32>,
        %parallel_loop3A_189 = arith.constant 0.000000e+00 : f32
        %parallel_loop3A_190 = vector.broadcast %parallel_loop3A_189 : f32 to vector<16xf32>
        %parallel_loop3A_191 = arith.cmpf oge, %parallel_loop3A_178, %parallel_loop3A_190 : vector<16xf32>
        %parallel_loop3A_192 = arith.constant 0.00999999977 : f32
        %parallel_loop3A_193 = vector.broadcast %parallel_loop3A_192 : f32 to vector<16xf32>
        %parallel_loop3A_194 = arith.mulf %parallel_loop3A_193, %parallel_loop3A_178 : vector<16xf32>
        %parallel_loop3A_195 = arith.select %parallel_loop3A_191, %parallel_loop3A_178, %parallel_loop3A_194 : vector<16xi1>, vector<16xf32>
        %parallel_loop3A_196 = arith.constant 40 : i32
        %parallel_loop3A_197 = arith.addi %parallel_loop3A_196, %parallel_loop3A_124 : i32
        %parallel_loop3A_198 = arith.index_cast %parallel_loop3A_197 : i32 to index
        %parallel_loop3A_199 = arith.constant 16 : index
        %parallel_loop3A_200 = tpu.vector_load %arg13[%parallel_loop3A_198, %parallel_loop3A_199] {strides = array<i32>} : memref<80x80xf32, #tpu.memory_space<vmem>>, vector<16xf32>,
        tpu.vector_store %arg13[%parallel_loop3A_198, %parallel_loop3A_199], %parallel_loop3A_195 {strides = array<i32>} : memref<80x80xf32, #tpu.memory_space<vmem>>, vector<16xf32>,
        %parallel_loop3A_201 = arith.index_cast %parallel_loop3A_124 : i32 to index
        %parallel_loop3A_202 = arith.constant 32 : index
        %parallel_loop3A_203 = tpu.vector_load %arg11[%parallel_loop3A_201, %parallel_loop3A_202] {strides = array<i32>} : memref<40x128xi32, #tpu.memory_space<vmem>>, vector<16xi32>,
        %parallel_loop3A_204 = vector.bitcast %parallel_loop3A_203 : vector<16xi32> to vector<32xbf16>
        %parallel_loop3A_205 = tpu.unpack_subelements %parallel_loop3A_204, 0 {pack_format = #tpu.pack_format<interleaved>} : vector<32xbf16> -> vector<16xf32>
        %parallel_loop3A_206 = tpu.unpack_subelements %parallel_loop3A_204, 1 {pack_format = #tpu.pack_format<interleaved>} : vector<32xbf16> -> vector<16xf32>
        %parallel_loop3A_207 = arith.index_cast %parallel_loop3A_124 : i32 to index
        %parallel_loop3A_208 = arith.constant 32 : index
        %parallel_loop3A_209 = tpu.vector_load %arg9[%parallel_loop3A_207, %parallel_loop3A_208] {strides = array<i32>} : memref<80x80xf32, #tpu.memory_space<vmem>>, vector<16xf32>,
        %parallel_loop3A_210 = arith.addf %parallel_loop3A_209, %parallel_loop3A_205 : vector<16xf32>
        %parallel_loop3A_211 = arith.constant 40 : i32
        %parallel_loop3A_212 = arith.addi %parallel_loop3A_211, %parallel_loop3A_124 : i32
        %parallel_loop3A_213 = arith.index_cast %parallel_loop3A_212 : i32 to index
        %parallel_loop3A_214 = arith.constant 32 : index
        %parallel_loop3A_215 = tpu.vector_load %arg9[%parallel_loop3A_213, %parallel_loop3A_214] {strides = array<i32>} : memref<80x80xf32, #tpu.memory_space<vmem>>, vector<16xf32>,
        %parallel_loop3A_216 = arith.addf %parallel_loop3A_215, %parallel_loop3A_206 : vector<16xf32>
        %parallel_loop3A_217 = arith.constant 0.000000e+00 : f32
        %parallel_loop3A_218 = vector.broadcast %parallel_loop3A_217 : f32 to vector<16xf32>
        %parallel_loop3A_219 = arith.cmpf oge, %parallel_loop3A_210, %parallel_loop3A_218 : vector<16xf32>
        %parallel_loop3A_220 = arith.constant 0.00999999977 : f32
        %parallel_loop3A_221 = vector.broadcast %parallel_loop3A_220 : f32 to vector<16xf32>
        %parallel_loop3A_222 = arith.mulf %parallel_loop3A_221, %parallel_loop3A_210 : vector<16xf32>
        %parallel_loop3A_223 = arith.select %parallel_loop3A_219, %parallel_loop3A_210, %parallel_loop3A_222 : vector<16xi1>, vector<16xf32>
        %parallel_loop3A_224 = arith.index_cast %parallel_loop3A_124 : i32 to index
        %parallel_loop3A_225 = arith.constant 32 : index
        %parallel_loop3A_226 = tpu.vector_load %arg13[%parallel_loop3A_224, %parallel_loop3A_225] {strides = array<i32>} : memref<80x80xf32, #tpu.memory_space<vmem>>, vector<16xf32>,
        tpu.vector_store %arg13[%parallel_loop3A_224, %parallel_loop3A_225], %parallel_loop3A_223 {strides = array<i32>} : memref<80x80xf32, #tpu.memory_space<vmem>>, vector<16xf32>,
        %parallel_loop3A_227 = arith.constant 0.000000e+00 : f32
        %parallel_loop3A_228 = vector.broadcast %parallel_loop3A_227 : f32 to vector<16xf32>
        %parallel_loop3A_229 = arith.cmpf oge, %parallel_loop3A_216, %parallel_loop3A_228 : vector<16xf32>
        %parallel_loop3A_230 = arith.constant 0.00999999977 : f32
        %parallel_loop3A_231 = vector.broadcast %parallel_loop3A_230 : f32 to vector<16xf32>
        %parallel_loop3A_232 = arith.mulf %parallel_loop3A_231, %parallel_loop3A_216 : vector<16xf32>
        %parallel_loop3A_233 = arith.select %parallel_loop3A_229, %parallel_loop3A_216, %parallel_loop3A_232 : vector<16xi1>, vector<16xf32>
        %parallel_loop3A_234 = arith.constant 40 : i32
        %parallel_loop3A_235 = arith.addi %parallel_loop3A_234, %parallel_loop3A_124 : i32
        %parallel_loop3A_236 = arith.index_cast %parallel_loop3A_235 : i32 to index
        %parallel_loop3A_237 = arith.constant 32 : index
        %parallel_loop3A_238 = tpu.vector_load %arg13[%parallel_loop3A_236, %parallel_loop3A_237] {strides = array<i32>} : memref<80x80xf32, #tpu.memory_space<vmem>>, vector<16xf32>,
        tpu.vector_store %arg13[%parallel_loop3A_236, %parallel_loop3A_237], %parallel_loop3A_233 {strides = array<i32>} : memref<80x80xf32, #tpu.memory_space<vmem>>, vector<16xf32>,
        %parallel_loop3A_239 = arith.index_cast %parallel_loop3A_124 : i32 to index
        %parallel_loop3A_240 = arith.constant 48 : index
        %parallel_loop3A_241 = tpu.vector_load %arg11[%parallel_loop3A_239, %parallel_loop3A_240] {strides = array<i32>} : memref<40x128xi32, #tpu.memory_space<vmem>>, vector<16xi32>,
        %parallel_loop3A_242 = vector.bitcast %parallel_loop3A_241 : vector<16xi32> to vector<32xbf16>
        %parallel_loop3A_243 = tpu.unpack_subelements %parallel_loop3A_242, 0 {pack_format = #tpu.pack_format<interleaved>} : vector<32xbf16> -> vector<16xf32>
        %parallel_loop3A_244 = tpu.unpack_subelements %parallel_loop3A_242, 1 {pack_format = #tpu.pack_format<interleaved>} : vector<32xbf16> -> vector<16xf32>
        %parallel_loop3A_245 = arith.index_cast %parallel_loop3A_124 : i32 to index
        %parallel_loop3A_246 = arith.constant 48 : index
        %parallel_loop3A_247 = tpu.vector_load %arg9[%parallel_loop3A_245, %parallel_loop3A_246] {strides = array<i32>} : memref<80x80xf32, #tpu.memory_space<vmem>>, vector<16xf32>,
        %parallel_loop3A_248 = arith.addf %parallel_loop3A_247, %parallel_loop3A_243 : vector<16xf32>
        %parallel_loop3A_249 = arith.constant 40 : i32
        %parallel_loop3A_250 = arith.addi %parallel_loop3A_249, %parallel_loop3A_124 : i32
        %parallel_loop3A_251 = arith.index_cast %parallel_loop3A_250 : i32 to index
        %parallel_loop3A_252 = arith.constant 48 : index
        %parallel_loop3A_253 = tpu.vector_load %arg9[%parallel_loop3A_251, %parallel_loop3A_252] {strides = array<i32>} : memref<80x80xf32, #tpu.memory_space<vmem>>, vector<16xf32>,
        %parallel_loop3A_254 = arith.addf %parallel_loop3A_253, %parallel_loop3A_244 : vector<16xf32>
        %parallel_loop3A_255 = arith.constant 0.000000e+00 : f32
        %parallel_loop3A_256 = vector.broadcast %parallel_loop3A_255 : f32 to vector<16xf32>
        %parallel_loop3A_257 = arith.cmpf oge, %parallel_loop3A_248, %parallel_loop3A_256 : vector<16xf32>
        %parallel_loop3A_258 = arith.constant 0.00999999977 : f32
        %parallel_loop3A_259 = vector.broadcast %parallel_loop3A_258 : f32 to vector<16xf32>
        %parallel_loop3A_260 = arith.mulf %parallel_loop3A_259, %parallel_loop3A_248 : vector<16xf32>
        %parallel_loop3A_261 = arith.select %parallel_loop3A_257, %parallel_loop3A_248, %parallel_loop3A_260 : vector<16xi1>, vector<16xf32>
        %parallel_loop3A_262 = arith.index_cast %parallel_loop3A_124 : i32 to index
        %parallel_loop3A_263 = arith.constant 48 : index
        %parallel_loop3A_264 = tpu.vector_load %arg13[%parallel_loop3A_262, %parallel_loop3A_263] {strides = array<i32>} : memref<80x80xf32, #tpu.memory_space<vmem>>, vector<16xf32>,
        tpu.vector_store %arg13[%parallel_loop3A_262, %parallel_loop3A_263], %parallel_loop3A_261 {strides = array<i32>} : memref<80x80xf32, #tpu.memory_space<vmem>>, vector<16xf32>,
        %parallel_loop3A_265 = arith.constant 0.000000e+00 : f32
        %parallel_loop3A_266 = vector.broadcast %parallel_loop3A_265 : f32 to vector<16xf32>
        %parallel_loop3A_267 = arith.cmpf oge, %parallel_loop3A_254, %parallel_loop3A_266 : vector<16xf32>
        %parallel_loop3A_268 = arith.constant 0.00999999977 : f32
        %parallel_loop3A_269 = vector.broadcast %parallel_loop3A_268 : f32 to vector<16xf32>
        %parallel_loop3A_270 = arith.mulf %parallel_loop3A_269, %parallel_loop3A_254 : vector<16xf32>
        %parallel_loop3A_271 = arith.select %parallel_loop3A_267, %parallel_loop3A_254, %parallel_loop3A_270 : vector<16xi1>, vector<16xf32>
        %parallel_loop3A_272 = arith.constant 40 : i32
        %parallel_loop3A_273 = arith.addi %parallel_loop3A_272, %parallel_loop3A_124 : i32
        %parallel_loop3A_274 = arith.index_cast %parallel_loop3A_273 : i32 to index
        %parallel_loop3A_275 = arith.constant 48 : index
        %parallel_loop3A_276 = tpu.vector_load %arg13[%parallel_loop3A_274, %parallel_loop3A_275] {strides = array<i32>} : memref<80x80xf32, #tpu.memory_space<vmem>>, vector<16xf32>,
        tpu.vector_store %arg13[%parallel_loop3A_274, %parallel_loop3A_275], %parallel_loop3A_271 {strides = array<i32>} : memref<80x80xf32, #tpu.memory_space<vmem>>, vector<16xf32>,
        %parallel_loop3A_277 = arith.index_cast %parallel_loop3A_124 : i32 to index
        %parallel_loop3A_278 = arith.constant 64 : index
        %parallel_loop3A_279 = tpu.vector_load %arg11[%parallel_loop3A_277, %parallel_loop3A_278] {strides = array<i32>} : memref<40x128xi32, #tpu.memory_space<vmem>>, vector<16xi32>,
        %parallel_loop3A_280 = vector.bitcast %parallel_loop3A_279 : vector<16xi32> to vector<32xbf16>
        %parallel_loop3A_281 = tpu.unpack_subelements %parallel_loop3A_280, 0 {pack_format = #tpu.pack_format<interleaved>} : vector<32xbf16> -> vector<16xf32>
        %parallel_loop3A_282 = tpu.unpack_subelements %parallel_loop3A_280, 1 {pack_format = #tpu.pack_format<interleaved>} : vector<32xbf16> -> vector<16xf32>
        %parallel_loop3A_283 = arith.index_cast %parallel_loop3A_124 : i32 to index
        %parallel_loop3A_284 = arith.constant 64 : index
        %parallel_loop3A_285 = tpu.vector_load %arg9[%parallel_loop3A_283, %parallel_loop3A_284] {strides = array<i32>} : memref<80x80xf32, #tpu.memory_space<vmem>>, vector<16xf32>,
        %parallel_loop3A_286 = arith.addf %parallel_loop3A_285, %parallel_loop3A_281 : vector<16xf32>
        %parallel_loop3A_287 = arith.constant 40 : i32
        %parallel_loop3A_288 = arith.addi %parallel_loop3A_287, %parallel_loop3A_124 : i32
        %parallel_loop3A_289 = arith.index_cast %parallel_loop3A_288 : i32 to index
        %parallel_loop3A_290 = arith.constant 64 : index
        %parallel_loop3A_291 = tpu.vector_load %arg9[%parallel_loop3A_289, %parallel_loop3A_290] {strides = array<i32>} : memref<80x80xf32, #tpu.memory_space<vmem>>, vector<16xf32>,
        %parallel_loop3A_292 = arith.addf %parallel_loop3A_291, %parallel_loop3A_282 : vector<16xf32>
        %parallel_loop3A_293 = arith.constant 0.000000e+00 : f32
        %parallel_loop3A_294 = vector.broadcast %parallel_loop3A_293 : f32 to vector<16xf32>
        %parallel_loop3A_295 = arith.cmpf oge, %parallel_loop3A_286, %parallel_loop3A_294 : vector<16xf32>
        %parallel_loop3A_296 = arith.constant 0.00999999977 : f32
        %parallel_loop3A_297 = vector.broadcast %parallel_loop3A_296 : f32 to vector<16xf32>
        %parallel_loop3A_298 = arith.mulf %parallel_loop3A_297, %parallel_loop3A_286 : vector<16xf32>
        %parallel_loop3A_299 = arith.select %parallel_loop3A_295, %parallel_loop3A_286, %parallel_loop3A_298 : vector<16xi1>, vector<16xf32>
        %parallel_loop3A_300 = arith.index_cast %parallel_loop3A_124 : i32 to index
        %parallel_loop3A_301 = arith.constant 64 : index
        %parallel_loop3A_302 = tpu.vector_load %arg13[%parallel_loop3A_300, %parallel_loop3A_301] {strides = array<i32>} : memref<80x80xf32, #tpu.memory_space<vmem>>, vector<16xf32>,
        tpu.vector_store %arg13[%parallel_loop3A_300, %parallel_loop3A_301], %parallel_loop3A_299 {strides = array<i32>} : memref<80x80xf32, #tpu.memory_space<vmem>>, vector<16xf32>,
        %parallel_loop3A_303 = arith.constant 0.000000e+00 : f32
        %parallel_loop3A_304 = vector.broadcast %parallel_loop3A_303 : f32 to vector<16xf32>
        %parallel_loop3A_305 = arith.cmpf oge, %parallel_loop3A_292, %parallel_loop3A_304 : vector<16xf32>
        %parallel_loop3A_306 = arith.constant 0.00999999977 : f32
        %parallel_loop3A_307 = vector.broadcast %parallel_loop3A_306 : f32 to vector<16xf32>
        %parallel_loop3A_308 = arith.mulf %parallel_loop3A_307, %parallel_loop3A_292 : vector<16xf32>
        %parallel_loop3A_309 = arith.select %parallel_loop3A_305, %parallel_loop3A_292, %parallel_loop3A_308 : vector<16xi1>, vector<16xf32>
        %parallel_loop3A_310 = arith.constant 40 : i32
        %parallel_loop3A_311 = arith.addi %parallel_loop3A_310, %parallel_loop3A_124 : i32
        %parallel_loop3A_312 = arith.index_cast %parallel_loop3A_311 : i32 to index
        %parallel_loop3A_313 = arith.constant 64 : index
        %parallel_loop3A_314 = tpu.vector_load %arg13[%parallel_loop3A_312, %parallel_loop3A_313] {strides = array<i32>} : memref<80x80xf32, #tpu.memory_space<vmem>>, vector<16xf32>,
        tpu.vector_store %arg13[%parallel_loop3A_312, %parallel_loop3A_313], %parallel_loop3A_309 {strides = array<i32>} : memref<80x80xf32, #tpu.memory_space<vmem>>, vector<16xf32>,
      } {sc.loop_unroll_factor = 2 : i64, sc.parallel_access}
      %dma_start3A_105 = arith.constant 0 : i32
      %dma_start3A_106 = tpu.memref_slice %arg8[%mul3A_86, %dma_start3A_105] : memref<85x80xi32, #tpu.memory_space<vmem>> -> memref<1x80xi32, #tpu.memory_space<vmem>>
      %dma_start3A_107 = tpu.memref_squeeze %dma_start3A_106 : memref<1x80xi32, #tpu.memory_space<vmem>> -> memref<80xi32, #tpu.memory_space<vmem>>
      %dma_start3A_108 = arith.constant 0 : i32
      %dma_start3A_109 = arith.constant 0 : i32
      %dma_start3A_110 = tpu.memref_slice %arg16[%dma_start3A_108, %dma_start3A_109] : memref<10240x80xf32, #tpu.memory_space<vmem_shared>> -> memref<10240x80xf32, #tpu.memory_space<vmem_shared>>
      tpu.enqueue_indirect_dma source(%arg13 : memref<80x80xf32, #tpu.memory_space<vmem>>) target(%dma_start3A_110 : memref<10240x80xf32, #tpu.memory_space<vmem_shared>>) offsets(%dma_start3A_107 : memref<80xi32, #tpu.memory_space<vmem>>) semaphore(%arg21 : memref<!tpu.dma_semaphore, #tpu.memory_space<semaphore_mem>>) {add = true}
      %add3A_111 = arith.constant 2 : i32
      %add3A_112 = arith.addi %mul3A_86, %add3A_111 : i32
      %lt3A = arith.constant 85 : i32
      %lt3A_113 = arith.cmpi slt, %add3A_112, %lt3A : i32
      %convert_element_type3A_114 = arith.extui %lt3A_113 : i1 to i32
      %cond3A_115 = arith.constant 0 : i32
      %cond3A_116 = arith.cmpi ne, %convert_element_type3A_114, %cond3A_115 : i32
      scf.if %cond3A_116 {
        %add3A_124 = arith.constant 2 : i32
        %add3A_125 = arith.addi %mul3A_86, %add3A_124 : i32
        %dma_start3A_126 = arith.constant 0 : i32
        %dma_start3A_127 = tpu.memref_slice %arg7[%add3A_125, %dma_start3A_126] : memref<85x80xi32, #tpu.memory_space<vmem>> -> memref<1x80xi32, #tpu.memory_space<vmem>>
        %dma_start3A_128 = tpu.memref_squeeze %dma_start3A_127 : memref<1x80xi32, #tpu.memory_space<vmem>> -> memref<80xi32, #tpu.memory_space<vmem>>
        %dma_start3A_129 = arith.constant 0 : i32
        %dma_start3A_130 = arith.constant 0 : i32
        %dma_start3A_131 = tpu.memref_slice %arg2[%dma_start3A_129, %dma_start3A_130] : memref<10000x80xf32, #tpu.memory_space<hbm>> -> memref<10000x80xf32, #tpu.memory_space<hbm>>
        tpu.enqueue_indirect_dma source(%dma_start3A_131 : memref<10000x80xf32, #tpu.memory_space<hbm>>) target(%arg9 : memref<80x80xf32, #tpu.memory_space<vmem>>) offsets(%dma_start3A_128 : memref<80xi32, #tpu.memory_space<vmem>>) semaphore(%arg17 : memref<!tpu.dma_semaphore, #tpu.memory_space<semaphore_mem>>)
        %mul3A_132 = arith.constant 40 : i32
        %mul3A_133 = arith.muli %add3A_125, %mul3A_132 : i32
        %add3A_134 = arith.addi %mul3A_27, %mul3A_133 : i32
        %dma_start3A_135 = arith.constant 0 : i32
        %dma_start3A_136 = tpu.memref_slice %arg3[%add3A_134, %dma_start3A_135] : memref<108800x128xi32, #tpu.memory_space<hbm>> -> memref<40x128xi32, #tpu.memory_space<hbm>>
        %dma_start3A_137 = arith.constant 0 : i32
        %dma_start3A_138 = tpu.memref_slice %arg3[%add3A_134, %dma_start3A_137] : memref<108800x128xi32, #tpu.memory_space<hbm>> -> memref<40x128xi32, #tpu.memory_space<hbm>>
        tpu.enqueue_dma source(%dma_start3A_138 : memref<40x128xi32, #tpu.memory_space<hbm>>) target(%arg11 : memref<40x128xi32, #tpu.memory_space<vmem>>) target_semaphore(%arg19 : memref<!tpu.dma_semaphore, #tpu.memory_space<semaphore_mem>>)
      } else {
      }
      %add3A_117 = arith.constant 1 : i32
      %add3A_118 = arith.addi %mul3A_86, %add3A_117 : i32
      %lt3A_119 = arith.constant 85 : i32
      %lt3A_120 = arith.cmpi slt, %add3A_118, %lt3A_119 : i32
      %convert_element_type3A_121 = arith.extui %lt3A_120 : i1 to i32
      %cond3A_122 = arith.constant 0 : i32
      %cond3A_123 = arith.cmpi ne, %convert_element_type3A_121, %cond3A_122 : i32
      scf.if %cond3A_123 {
        %add3A_124 = arith.constant 1 : i32
        %add3A_125 = arith.addi %mul3A_86, %add3A_124 : i32
        %dma_wait3A_126 = arith.constant 0 : i32
        %dma_wait3A_127 = tpu.memref_slice %arg7[%add3A_125, %dma_wait3A_126] : memref<85x80xi32, #tpu.memory_space<vmem>> -> memref<1x80xi32, #tpu.memory_space<vmem>>
        %dma_wait3A_128 = tpu.memref_squeeze %dma_wait3A_127 : memref<1x80xi32, #tpu.memory_space<vmem>> -> memref<80xi32, #tpu.memory_space<vmem>>
        %dma_wait3A_129 = arith.constant 0 : i32
        %dma_wait3A_130 = arith.constant 0 : i32
        %dma_wait3A_131 = tpu.memref_slice %arg2[%dma_wait3A_129, %dma_wait3A_130] : memref<10000x80xf32, #tpu.memory_space<hbm>> -> memref<10000x80xf32, #tpu.memory_space<hbm>>
        tpu.wait_indirect_dma semaphore(%arg18 : memref<!tpu.dma_semaphore, #tpu.memory_space<semaphore_mem>>) src(%dma_wait3A_131 : memref<10000x80xf32, #tpu.memory_space<hbm>>) dst(%arg10 : memref<80x80xf32, #tpu.memory_space<vmem>>)
        %mul3A_132 = arith.constant 40 : i32
        %mul3A_133 = arith.muli %add3A_125, %mul3A_132 : i32
        %add3A_134 = arith.addi %mul3A_27, %mul3A_133 : i32
        %dma_wait3A_135 = arith.constant 0 : i32
        %dma_wait3A_136 = tpu.memref_slice %arg3[%add3A_134, %dma_wait3A_135] : memref<108800x128xi32, #tpu.memory_space<hbm>> -> memref<40x128xi32, #tpu.memory_space<hbm>>
        %dma_wait3A_137 = arith.constant 0 : i32
        %dma_wait3A_138 = tpu.memref_slice %arg3[%add3A_134, %dma_wait3A_137] : memref<108800x128xi32, #tpu.memory_space<hbm>> -> memref<40x128xi32, #tpu.memory_space<hbm>>
        tpu.wait_dma2 semaphore(%arg20 : memref<!tpu.dma_semaphore, #tpu.memory_space<semaphore_mem>>) src(%dma_wait3A_138 : memref<40x128xi32, #tpu.memory_space<hbm>>) dst(%arg12 : memref<40x128xi32, #tpu.memory_space<vmem>>)
        %ge3A_139 = arith.constant 2 : i32
        %ge3A_140 = arith.cmpi sge, %add3A_125, %ge3A_139 : i32
        %convert_element_type3A_141 = arith.extui %ge3A_140 : i1 to i32
        %cond3A_142 = arith.constant 0 : i32
        %cond3A_143 = arith.cmpi ne, %convert_element_type3A_141, %cond3A_142 : i32
        scf.if %cond3A_143 {
          %sub3A = arith.constant 2 : i32
          %sub3A_160 = arith.subi %add3A_125, %sub3A : i32
          %dma_wait3A_161 = arith.constant 0 : i32
          %dma_wait3A_162 = tpu.memref_slice %arg8[%sub3A_160, %dma_wait3A_161] : memref<85x80xi32, #tpu.memory_space<vmem>> -> memref<1x80xi32, #tpu.memory_space<vmem>>
          %dma_wait3A_163 = tpu.memref_squeeze %dma_wait3A_162 : memref<1x80xi32, #tpu.memory_space<vmem>> -> memref<80xi32, #tpu.memory_space<vmem>>
          %dma_wait3A_164 = arith.constant 0 : i32
          %dma_wait3A_165 = arith.constant 0 : i32
          %dma_wait3A_166 = tpu.memref_slice %arg16[%dma_wait3A_164, %dma_wait3A_165] : memref<10240x80xf32, #tpu.memory_space<vmem_shared>> -> memref<10240x80xf32, #tpu.memory_space<vmem_shared>>
          tpu.wait_indirect_dma semaphore(%arg22 : memref<!tpu.dma_semaphore, #tpu.memory_space<semaphore_mem>>) src(%arg14 : memref<80x80xf32, #tpu.memory_space<vmem>>) dst(%dma_wait3A_166 : memref<10240x80xf32, #tpu.memory_space<vmem_shared>>)
        } else {
        }
        %parallel_loop3A_144 = arith.constant 0 : i32
        %parallel_loop3A_145 = arith.constant 40 : i32
        %parallel_loop3A_146 = arith.constant 1 : i32
        scf.for %parallel_loop3A_160 = %parallel_loop3A_144 to %parallel_loop3A_145 step %parallel_loop3A_146  : i32 {
          %parallel_loop3A_161 = arith.index_cast %parallel_loop3A_160 : i32 to index
          %parallel_loop3A_162 = arith.constant 0 : index
          %parallel_loop3A_163 = tpu.vector_load %arg12[%parallel_loop3A_161, %parallel_loop3A_162] {strides = array<i32>} : memref<40x128xi32, #tpu.memory_space<vmem>>, vector<16xi32>,
          %parallel_loop3A_164 = vector.bitcast %parallel_loop3A_163 : vector<16xi32> to vector<32xbf16>
          %parallel_loop3A_165 = tpu.unpack_subelements %parallel_loop3A_164, 0 {pack_format = #tpu.pack_format<interleaved>} : vector<32xbf16> -> vector<16xf32>
          %parallel_loop3A_166 = tpu.unpack_subelements %parallel_loop3A_164, 1 {pack_format = #tpu.pack_format<interleaved>} : vector<32xbf16> -> vector<16xf32>
          %parallel_loop3A_167 = arith.index_cast %parallel_loop3A_160 : i32 to index
          %parallel_loop3A_168 = arith.constant 0 : index
          %parallel_loop3A_169 = tpu.vector_load %arg10[%parallel_loop3A_167, %parallel_loop3A_168] {strides = array<i32>} : memref<80x80xf32, #tpu.memory_space<vmem>>, vector<16xf32>,
          %parallel_loop3A_170 = arith.addf %parallel_loop3A_169, %parallel_loop3A_165 : vector<16xf32>
          %parallel_loop3A_171 = arith.constant 40 : i32
          %parallel_loop3A_172 = arith.addi %parallel_loop3A_171, %parallel_loop3A_160 : i32
          %parallel_loop3A_173 = arith.index_cast %parallel_loop3A_172 : i32 to index
          %parallel_loop3A_174 = arith.constant 0 : index
          %parallel_loop3A_175 = tpu.vector_load %arg10[%parallel_loop3A_173, %parallel_loop3A_174] {strides = array<i32>} : memref<80x80xf32, #tpu.memory_space<vmem>>, vector<16xf32>,
          %parallel_loop3A_176 = arith.addf %parallel_loop3A_175, %parallel_loop3A_166 : vector<16xf32>
          %parallel_loop3A_177 = arith.constant 0.000000e+00 : f32
          %parallel_loop3A_178 = vector.broadcast %parallel_loop3A_177 : f32 to vector<16xf32>
          %parallel_loop3A_179 = arith.cmpf oge, %parallel_loop3A_170, %parallel_loop3A_178 : vector<16xf32>
          %parallel_loop3A_180 = arith.constant 0.00999999977 : f32
          %parallel_loop3A_181 = vector.broadcast %parallel_loop3A_180 : f32 to vector<16xf32>
          %parallel_loop3A_182 = arith.mulf %parallel_loop3A_181, %parallel_loop3A_170 : vector<16xf32>
          %parallel_loop3A_183 = arith.select %parallel_loop3A_179, %parallel_loop3A_170, %parallel_loop3A_182 : vector<16xi1>, vector<16xf32>
          %parallel_loop3A_184 = arith.index_cast %parallel_loop3A_160 : i32 to index
          %parallel_loop3A_185 = arith.constant 0 : index
          %parallel_loop3A_186 = tpu.vector_load %arg14[%parallel_loop3A_184, %parallel_loop3A_185] {strides = array<i32>} : memref<80x80xf32, #tpu.memory_space<vmem>>, vector<16xf32>,
          tpu.vector_store %arg14[%parallel_loop3A_184, %parallel_loop3A_185], %parallel_loop3A_183 {strides = array<i32>} : memref<80x80xf32, #tpu.memory_space<vmem>>, vector<16xf32>,
          %parallel_loop3A_187 = arith.constant 0.000000e+00 : f32
          %parallel_loop3A_188 = vector.broadcast %parallel_loop3A_187 : f32 to vector<16xf32>
          %parallel_loop3A_189 = arith.cmpf oge, %parallel_loop3A_176, %parallel_loop3A_188 : vector<16xf32>
          %parallel_loop3A_190 = arith.constant 0.00999999977 : f32
          %parallel_loop3A_191 = vector.broadcast %parallel_loop3A_190 : f32 to vector<16xf32>
          %parallel_loop3A_192 = arith.mulf %parallel_loop3A_191, %parallel_loop3A_176 : vector<16xf32>
          %parallel_loop3A_193 = arith.select %parallel_loop3A_189, %parallel_loop3A_176, %parallel_loop3A_192 : vector<16xi1>, vector<16xf32>
          %parallel_loop3A_194 = arith.constant 40 : i32
          %parallel_loop3A_195 = arith.addi %parallel_loop3A_194, %parallel_loop3A_160 : i32
          %parallel_loop3A_196 = arith.index_cast %parallel_loop3A_195 : i32 to index
          %parallel_loop3A_197 = arith.constant 0 : index
          %parallel_loop3A_198 = tpu.vector_load %arg14[%parallel_loop3A_196, %parallel_loop3A_197] {strides = array<i32>} : memref<80x80xf32, #tpu.memory_space<vmem>>, vector<16xf32>,
          tpu.vector_store %arg14[%parallel_loop3A_196, %parallel_loop3A_197], %parallel_loop3A_193 {strides = array<i32>} : memref<80x80xf32, #tpu.memory_space<vmem>>, vector<16xf32>,
          %parallel_loop3A_199 = arith.index_cast %parallel_loop3A_160 : i32 to index
          %parallel_loop3A_200 = arith.constant 16 : index
          %parallel_loop3A_201 = tpu.vector_load %arg12[%parallel_loop3A_199, %parallel_loop3A_200] {strides = array<i32>} : memref<40x128xi32, #tpu.memory_space<vmem>>, vector<16xi32>,
          %parallel_loop3A_202 = vector.bitcast %parallel_loop3A_201 : vector<16xi32> to vector<32xbf16>
          %parallel_loop3A_203 = tpu.unpack_subelements %parallel_loop3A_202, 0 {pack_format = #tpu.pack_format<interleaved>} : vector<32xbf16> -> vector<16xf32>
          %parallel_loop3A_204 = tpu.unpack_subelements %parallel_loop3A_202, 1 {pack_format = #tpu.pack_format<interleaved>} : vector<32xbf16> -> vector<16xf32>
          %parallel_loop3A_205 = arith.index_cast %parallel_loop3A_160 : i32 to index
          %parallel_loop3A_206 = arith.constant 16 : index
          %parallel_loop3A_207 = tpu.vector_load %arg10[%parallel_loop3A_205, %parallel_loop3A_206] {strides = array<i32>} : memref<80x80xf32, #tpu.memory_space<vmem>>, vector<16xf32>,
          %parallel_loop3A_208 = arith.addf %parallel_loop3A_207, %parallel_loop3A_203 : vector<16xf32>
          %parallel_loop3A_209 = arith.constant 40 : i32
          %parallel_loop3A_210 = arith.addi %parallel_loop3A_209, %parallel_loop3A_160 : i32
          %parallel_loop3A_211 = arith.index_cast %parallel_loop3A_210 : i32 to index
          %parallel_loop3A_212 = arith.constant 16 : index
          %parallel_loop3A_213 = tpu.vector_load %arg10[%parallel_loop3A_211, %parallel_loop3A_212] {strides = array<i32>} : memref<80x80xf32, #tpu.memory_space<vmem>>, vector<16xf32>,
          %parallel_loop3A_214 = arith.addf %parallel_loop3A_213, %parallel_loop3A_204 : vector<16xf32>
          %parallel_loop3A_215 = arith.constant 0.000000e+00 : f32
          %parallel_loop3A_216 = vector.broadcast %parallel_loop3A_215 : f32 to vector<16xf32>
          %parallel_loop3A_217 = arith.cmpf oge, %parallel_loop3A_208, %parallel_loop3A_216 : vector<16xf32>
          %parallel_loop3A_218 = arith.constant 0.00999999977 : f32
          %parallel_loop3A_219 = vector.broadcast %parallel_loop3A_218 : f32 to vector<16xf32>
          %parallel_loop3A_220 = arith.mulf %parallel_loop3A_219, %parallel_loop3A_208 : vector<16xf32>
          %parallel_loop3A_221 = arith.select %parallel_loop3A_217, %parallel_loop3A_208, %parallel_loop3A_220 : vector<16xi1>, vector<16xf32>
          %parallel_loop3A_222 = arith.index_cast %parallel_loop3A_160 : i32 to index
          %parallel_loop3A_223 = arith.constant 16 : index
          %parallel_loop3A_224 = tpu.vector_load %arg14[%parallel_loop3A_222, %parallel_loop3A_223] {strides = array<i32>} : memref<80x80xf32, #tpu.memory_space<vmem>>, vector<16xf32>,
          tpu.vector_store %arg14[%parallel_loop3A_222, %parallel_loop3A_223], %parallel_loop3A_221 {strides = array<i32>} : memref<80x80xf32, #tpu.memory_space<vmem>>, vector<16xf32>,
          %parallel_loop3A_225 = arith.constant 0.000000e+00 : f32
          %parallel_loop3A_226 = vector.broadcast %parallel_loop3A_225 : f32 to vector<16xf32>
          %parallel_loop3A_227 = arith.cmpf oge, %parallel_loop3A_214, %parallel_loop3A_226 : vector<16xf32>
          %parallel_loop3A_228 = arith.constant 0.00999999977 : f32
          %parallel_loop3A_229 = vector.broadcast %parallel_loop3A_228 : f32 to vector<16xf32>
          %parallel_loop3A_230 = arith.mulf %parallel_loop3A_229, %parallel_loop3A_214 : vector<16xf32>
          %parallel_loop3A_231 = arith.select %parallel_loop3A_227, %parallel_loop3A_214, %parallel_loop3A_230 : vector<16xi1>, vector<16xf32>
          %parallel_loop3A_232 = arith.constant 40 : i32
          %parallel_loop3A_233 = arith.addi %parallel_loop3A_232, %parallel_loop3A_160 : i32
          %parallel_loop3A_234 = arith.index_cast %parallel_loop3A_233 : i32 to index
          %parallel_loop3A_235 = arith.constant 16 : index
          %parallel_loop3A_236 = tpu.vector_load %arg14[%parallel_loop3A_234, %parallel_loop3A_235] {strides = array<i32>} : memref<80x80xf32, #tpu.memory_space<vmem>>, vector<16xf32>,
          tpu.vector_store %arg14[%parallel_loop3A_234, %parallel_loop3A_235], %parallel_loop3A_231 {strides = array<i32>} : memref<80x80xf32, #tpu.memory_space<vmem>>, vector<16xf32>,
          %parallel_loop3A_237 = arith.index_cast %parallel_loop3A_160 : i32 to index
          %parallel_loop3A_238 = arith.constant 32 : index
          %parallel_loop3A_239 = tpu.vector_load %arg12[%parallel_loop3A_237, %parallel_loop3A_238] {strides = array<i32>} : memref<40x128xi32, #tpu.memory_space<vmem>>, vector<16xi32>,
          %parallel_loop3A_240 = vector.bitcast %parallel_loop3A_239 : vector<16xi32> to vector<32xbf16>
          %parallel_loop3A_241 = tpu.unpack_subelements %parallel_loop3A_240, 0 {pack_format = #tpu.pack_format<interleaved>} : vector<32xbf16> -> vector<16xf32>
          %parallel_loop3A_242 = tpu.unpack_subelements %parallel_loop3A_240, 1 {pack_format = #tpu.pack_format<interleaved>} : vector<32xbf16> -> vector<16xf32>
          %parallel_loop3A_243 = arith.index_cast %parallel_loop3A_160 : i32 to index
          %parallel_loop3A_244 = arith.constant 32 : index
          %parallel_loop3A_245 = tpu.vector_load %arg10[%parallel_loop3A_243, %parallel_loop3A_244] {strides = array<i32>} : memref<80x80xf32, #tpu.memory_space<vmem>>, vector<16xf32>,
          %parallel_loop3A_246 = arith.addf %parallel_loop3A_245, %parallel_loop3A_241 : vector<16xf32>
          %parallel_loop3A_247 = arith.constant 40 : i32
          %parallel_loop3A_248 = arith.addi %parallel_loop3A_247, %parallel_loop3A_160 : i32
          %parallel_loop3A_249 = arith.index_cast %parallel_loop3A_248 : i32 to index
          %parallel_loop3A_250 = arith.constant 32 : index
          %parallel_loop3A_251 = tpu.vector_load %arg10[%parallel_loop3A_249, %parallel_loop3A_250] {strides = array<i32>} : memref<80x80xf32, #tpu.memory_space<vmem>>, vector<16xf32>,
          %parallel_loop3A_252 = arith.addf %parallel_loop3A_251, %parallel_loop3A_242 : vector<16xf32>
          %parallel_loop3A_253 = arith.constant 0.000000e+00 : f32
          %parallel_loop3A_254 = vector.broadcast %parallel_loop3A_253 : f32 to vector<16xf32>
          %parallel_loop3A_255 = arith.cmpf oge, %parallel_loop3A_246, %parallel_loop3A_254 : vector<16xf32>
          %parallel_loop3A_256 = arith.constant 0.00999999977 : f32
          %parallel_loop3A_257 = vector.broadcast %parallel_loop3A_256 : f32 to vector<16xf32>
          %parallel_loop3A_258 = arith.mulf %parallel_loop3A_257, %parallel_loop3A_246 : vector<16xf32>
          %parallel_loop3A_259 = arith.select %parallel_loop3A_255, %parallel_loop3A_246, %parallel_loop3A_258 : vector<16xi1>, vector<16xf32>
          %parallel_loop3A_260 = arith.index_cast %parallel_loop3A_160 : i32 to index
          %parallel_loop3A_261 = arith.constant 32 : index
          %parallel_loop3A_262 = tpu.vector_load %arg14[%parallel_loop3A_260, %parallel_loop3A_261] {strides = array<i32>} : memref<80x80xf32, #tpu.memory_space<vmem>>, vector<16xf32>,
          tpu.vector_store %arg14[%parallel_loop3A_260, %parallel_loop3A_261], %parallel_loop3A_259 {strides = array<i32>} : memref<80x80xf32, #tpu.memory_space<vmem>>, vector<16xf32>,
          %parallel_loop3A_263 = arith.constant 0.000000e+00 : f32
          %parallel_loop3A_264 = vector.broadcast %parallel_loop3A_263 : f32 to vector<16xf32>
          %parallel_loop3A_265 = arith.cmpf oge, %parallel_loop3A_252, %parallel_loop3A_264 : vector<16xf32>
          %parallel_loop3A_266 = arith.constant 0.00999999977 : f32
          %parallel_loop3A_267 = vector.broadcast %parallel_loop3A_266 : f32 to vector<16xf32>
          %parallel_loop3A_268 = arith.mulf %parallel_loop3A_267, %parallel_loop3A_252 : vector<16xf32>
          %parallel_loop3A_269 = arith.select %parallel_loop3A_265, %parallel_loop3A_252, %parallel_loop3A_268 : vector<16xi1>, vector<16xf32>
          %parallel_loop3A_270 = arith.constant 40 : i32
          %parallel_loop3A_271 = arith.addi %parallel_loop3A_270, %parallel_loop3A_160 : i32
          %parallel_loop3A_272 = arith.index_cast %parallel_loop3A_271 : i32 to index
          %parallel_loop3A_273 = arith.constant 32 : index
          %parallel_loop3A_274 = tpu.vector_load %arg14[%parallel_loop3A_272, %parallel_loop3A_273] {strides = array<i32>} : memref<80x80xf32, #tpu.memory_space<vmem>>, vector<16xf32>,
          tpu.vector_store %arg14[%parallel_loop3A_272, %parallel_loop3A_273], %parallel_loop3A_269 {strides = array<i32>} : memref<80x80xf32, #tpu.memory_space<vmem>>, vector<16xf32>,
          %parallel_loop3A_275 = arith.index_cast %parallel_loop3A_160 : i32 to index
          %parallel_loop3A_276 = arith.constant 48 : index
          %parallel_loop3A_277 = tpu.vector_load %arg12[%parallel_loop3A_275, %parallel_loop3A_276] {strides = array<i32>} : memref<40x128xi32, #tpu.memory_space<vmem>>, vector<16xi32>,
          %parallel_loop3A_278 = vector.bitcast %parallel_loop3A_277 : vector<16xi32> to vector<32xbf16>
          %parallel_loop3A_279 = tpu.unpack_subelements %parallel_loop3A_278, 0 {pack_format = #tpu.pack_format<interleaved>} : vector<32xbf16> -> vector<16xf32>
          %parallel_loop3A_280 = tpu.unpack_subelements %parallel_loop3A_278, 1 {pack_format = #tpu.pack_format<interleaved>} : vector<32xbf16> -> vector<16xf32>
          %parallel_loop3A_281 = arith.index_cast %parallel_loop3A_160 : i32 to index
          %parallel_loop3A_282 = arith.constant 48 : index
          %parallel_loop3A_283 = tpu.vector_load %arg10[%parallel_loop3A_281, %parallel_loop3A_282] {strides = array<i32>} : memref<80x80xf32, #tpu.memory_space<vmem>>, vector<16xf32>,
          %parallel_loop3A_284 = arith.addf %parallel_loop3A_283, %parallel_loop3A_279 : vector<16xf32>
          %parallel_loop3A_285 = arith.constant 40 : i32
          %parallel_loop3A_286 = arith.addi %parallel_loop3A_285, %parallel_loop3A_160 : i32
          %parallel_loop3A_287 = arith.index_cast %parallel_loop3A_286 : i32 to index
          %parallel_loop3A_288 = arith.constant 48 : index
          %parallel_loop3A_289 = tpu.vector_load %arg10[%parallel_loop3A_287, %parallel_loop3A_288] {strides = array<i32>} : memref<80x80xf32, #tpu.memory_space<vmem>>, vector<16xf32>,
          %parallel_loop3A_290 = arith.addf %parallel_loop3A_289, %parallel_loop3A_280 : vector<16xf32>
          %parallel_loop3A_291 = arith.constant 0.000000e+00 : f32
          %parallel_loop3A_292 = vector.broadcast %parallel_loop3A_291 : f32 to vector<16xf32>
          %parallel_loop3A_293 = arith.cmpf oge, %parallel_loop3A_284, %parallel_loop3A_292 : vector<16xf32>
          %parallel_loop3A_294 = arith.constant 0.00999999977 : f32
          %parallel_loop3A_295 = vector.broadcast %parallel_loop3A_294 : f32 to vector<16xf32>
          %parallel_loop3A_296 = arith.mulf %parallel_loop3A_295, %parallel_loop3A_284 : vector<16xf32>
          %parallel_loop3A_297 = arith.select %parallel_loop3A_293, %parallel_loop3A_284, %parallel_loop3A_296 : vector<16xi1>, vector<16xf32>
          %parallel_loop3A_298 = arith.index_cast %parallel_loop3A_160 : i32 to index
          %parallel_loop3A_299 = arith.constant 48 : index
          %parallel_loop3A_300 = tpu.vector_load %arg14[%parallel_loop3A_298, %parallel_loop3A_299] {strides = array<i32>} : memref<80x80xf32, #tpu.memory_space<vmem>>, vector<16xf32>,
          tpu.vector_store %arg14[%parallel_loop3A_298, %parallel_loop3A_299], %parallel_loop3A_297 {strides = array<i32>} : memref<80x80xf32, #tpu.memory_space<vmem>>, vector<16xf32>,
          %parallel_loop3A_301 = arith.constant 0.000000e+00 : f32
          %parallel_loop3A_302 = vector.broadcast %parallel_loop3A_301 : f32 to vector<16xf32>
          %parallel_loop3A_303 = arith.cmpf oge, %parallel_loop3A_290, %parallel_loop3A_302 : vector<16xf32>
          %parallel_loop3A_304 = arith.constant 0.00999999977 : f32
          %parallel_loop3A_305 = vector.broadcast %parallel_loop3A_304 : f32 to vector<16xf32>
          %parallel_loop3A_306 = arith.mulf %parallel_loop3A_305, %parallel_loop3A_290 : vector<16xf32>
          %parallel_loop3A_307 = arith.select %parallel_loop3A_303, %parallel_loop3A_290, %parallel_loop3A_306 : vector<16xi1>, vector<16xf32>
          %parallel_loop3A_308 = arith.constant 40 : i32
          %parallel_loop3A_309 = arith.addi %parallel_loop3A_308, %parallel_loop3A_160 : i32
          %parallel_loop3A_310 = arith.index_cast %parallel_loop3A_309 : i32 to index
          %parallel_loop3A_311 = arith.constant 48 : index
          %parallel_loop3A_312 = tpu.vector_load %arg14[%parallel_loop3A_310, %parallel_loop3A_311] {strides = array<i32>} : memref<80x80xf32, #tpu.memory_space<vmem>>, vector<16xf32>,
          tpu.vector_store %arg14[%parallel_loop3A_310, %parallel_loop3A_311], %parallel_loop3A_307 {strides = array<i32>} : memref<80x80xf32, #tpu.memory_space<vmem>>, vector<16xf32>,
          %parallel_loop3A_313 = arith.index_cast %parallel_loop3A_160 : i32 to index
          %parallel_loop3A_314 = arith.constant 64 : index
          %parallel_loop3A_315 = tpu.vector_load %arg12[%parallel_loop3A_313, %parallel_loop3A_314] {strides = array<i32>} : memref<40x128xi32, #tpu.memory_space<vmem>>, vector<16xi32>,
          %parallel_loop3A_316 = vector.bitcast %parallel_loop3A_315 : vector<16xi32> to vector<32xbf16>
          %parallel_loop3A_317 = tpu.unpack_subelements %parallel_loop3A_316, 0 {pack_format = #tpu.pack_format<interleaved>} : vector<32xbf16> -> vector<16xf32>
          %parallel_loop3A_318 = tpu.unpack_subelements %parallel_loop3A_316, 1 {pack_format = #tpu.pack_format<interleaved>} : vector<32xbf16> -> vector<16xf32>
          %parallel_loop3A_319 = arith.index_cast %parallel_loop3A_160 : i32 to index
          %parallel_loop3A_320 = arith.constant 64 : index
          %parallel_loop3A_321 = tpu.vector_load %arg10[%parallel_loop3A_319, %parallel_loop3A_320] {strides = array<i32>} : memref<80x80xf32, #tpu.memory_space<vmem>>, vector<16xf32>,
          %parallel_loop3A_322 = arith.addf %parallel_loop3A_321, %parallel_loop3A_317 : vector<16xf32>
          %parallel_loop3A_323 = arith.constant 40 : i32
          %parallel_loop3A_324 = arith.addi %parallel_loop3A_323, %parallel_loop3A_160 : i32
          %parallel_loop3A_325 = arith.index_cast %parallel_loop3A_324 : i32 to index
          %parallel_loop3A_326 = arith.constant 64 : index
          %parallel_loop3A_327 = tpu.vector_load %arg10[%parallel_loop3A_325, %parallel_loop3A_326] {strides = array<i32>} : memref<80x80xf32, #tpu.memory_space<vmem>>, vector<16xf32>,
          %parallel_loop3A_328 = arith.addf %parallel_loop3A_327, %parallel_loop3A_318 : vector<16xf32>
          %parallel_loop3A_329 = arith.constant 0.000000e+00 : f32
          %parallel_loop3A_330 = vector.broadcast %parallel_loop3A_329 : f32 to vector<16xf32>
          %parallel_loop3A_331 = arith.cmpf oge, %parallel_loop3A_322, %parallel_loop3A_330 : vector<16xf32>
          %parallel_loop3A_332 = arith.constant 0.00999999977 : f32
          %parallel_loop3A_333 = vector.broadcast %parallel_loop3A_332 : f32 to vector<16xf32>
          %parallel_loop3A_334 = arith.mulf %parallel_loop3A_333, %parallel_loop3A_322 : vector<16xf32>
          %parallel_loop3A_335 = arith.select %parallel_loop3A_331, %parallel_loop3A_322, %parallel_loop3A_334 : vector<16xi1>, vector<16xf32>
          %parallel_loop3A_336 = arith.index_cast %parallel_loop3A_160 : i32 to index
          %parallel_loop3A_337 = arith.constant 64 : index
          %parallel_loop3A_338 = tpu.vector_load %arg14[%parallel_loop3A_336, %parallel_loop3A_337] {strides = array<i32>} : memref<80x80xf32, #tpu.memory_space<vmem>>, vector<16xf32>,
          tpu.vector_store %arg14[%parallel_loop3A_336, %parallel_loop3A_337], %parallel_loop3A_335 {strides = array<i32>} : memref<80x80xf32, #tpu.memory_space<vmem>>, vector<16xf32>,
          %parallel_loop3A_339 = arith.constant 0.000000e+00 : f32
          %parallel_loop3A_340 = vector.broadcast %parallel_loop3A_339 : f32 to vector<16xf32>
          %parallel_loop3A_341 = arith.cmpf oge, %parallel_loop3A_328, %parallel_loop3A_340 : vector<16xf32>
          %parallel_loop3A_342 = arith.constant 0.00999999977 : f32
          %parallel_loop3A_343 = vector.broadcast %parallel_loop3A_342 : f32 to vector<16xf32>
          %parallel_loop3A_344 = arith.mulf %parallel_loop3A_343, %parallel_loop3A_328 : vector<16xf32>
          %parallel_loop3A_345 = arith.select %parallel_loop3A_341, %parallel_loop3A_328, %parallel_loop3A_344 : vector<16xi1>, vector<16xf32>
          %parallel_loop3A_346 = arith.constant 40 : i32
          %parallel_loop3A_347 = arith.addi %parallel_loop3A_346, %parallel_loop3A_160 : i32
          %parallel_loop3A_348 = arith.index_cast %parallel_loop3A_347 : i32 to index
          %parallel_loop3A_349 = arith.constant 64 : index
          %parallel_loop3A_350 = tpu.vector_load %arg14[%parallel_loop3A_348, %parallel_loop3A_349] {strides = array<i32>} : memref<80x80xf32, #tpu.memory_space<vmem>>, vector<16xf32>,
          tpu.vector_store %arg14[%parallel_loop3A_348, %parallel_loop3A_349], %parallel_loop3A_345 {strides = array<i32>} : memref<80x80xf32, #tpu.memory_space<vmem>>, vector<16xf32>,
        } {sc.loop_unroll_factor = 2 : i64, sc.parallel_access}
        %dma_start3A_147 = arith.constant 0 : i32
        %dma_start3A_148 = tpu.memref_slice %arg8[%add3A_125, %dma_start3A_147] : memref<85x80xi32, #tpu.memory_space<vmem>> -> memref<1x80xi32, #tpu.memory_space<vmem>>
        %dma_start3A_149 = tpu.memref_squeeze %dma_start3A_148 : memref<1x80xi32, #tpu.memory_space<vmem>> -> memref<80xi32, #tpu.memory_space<vmem>>
        %dma_start3A_150 = arith.constant 0 : i32
        %dma_start3A_151 = arith.constant 0 : i32
        %dma_start3A_152 = tpu.memref_slice %arg16[%dma_start3A_150, %dma_start3A_151] : memref<10240x80xf32, #tpu.memory_space<vmem_shared>> -> memref<10240x80xf32, #tpu.memory_space<vmem_shared>>
        tpu.enqueue_indirect_dma source(%arg14 : memref<80x80xf32, #tpu.memory_space<vmem>>) target(%dma_start3A_152 : memref<10240x80xf32, #tpu.memory_space<vmem_shared>>) offsets(%dma_start3A_149 : memref<80xi32, #tpu.memory_space<vmem>>) semaphore(%arg22 : memref<!tpu.dma_semaphore, #tpu.memory_space<semaphore_mem>>) {add = true}
        %add3A_153 = arith.constant 2 : i32
        %add3A_154 = arith.addi %add3A_125, %add3A_153 : i32
        %lt3A_155 = arith.constant 85 : i32
        %lt3A_156 = arith.cmpi slt, %add3A_154, %lt3A_155 : i32
        %convert_element_type3A_157 = arith.extui %lt3A_156 : i1 to i32
        %cond3A_158 = arith.constant 0 : i32
        %cond3A_159 = arith.cmpi ne, %convert_element_type3A_157, %cond3A_158 : i32
        scf.if %cond3A_159 {
          %add3A_160 = arith.constant 2 : i32
          %add3A_161 = arith.addi %add3A_125, %add3A_160 : i32
          %dma_start3A_162 = arith.constant 0 : i32
          %dma_start3A_163 = tpu.memref_slice %arg7[%add3A_161, %dma_start3A_162] : memref<85x80xi32, #tpu.memory_space<vmem>> -> memref<1x80xi32, #tpu.memory_space<vmem>>
          %dma_start3A_164 = tpu.memref_squeeze %dma_start3A_163 : memref<1x80xi32, #tpu.memory_space<vmem>> -> memref<80xi32, #tpu.memory_space<vmem>>
          %dma_start3A_165 = arith.constant 0 : i32
          %dma_start3A_166 = arith.constant 0 : i32
          %dma_start3A_167 = tpu.memref_slice %arg2[%dma_start3A_165, %dma_start3A_166] : memref<10000x80xf32, #tpu.memory_space<hbm>> -> memref<10000x80xf32, #tpu.memory_space<hbm>>
          tpu.enqueue_indirect_dma source(%dma_start3A_167 : memref<10000x80xf32, #tpu.memory_space<hbm>>) target(%arg10 : memref<80x80xf32, #tpu.memory_space<vmem>>) offsets(%dma_start3A_164 : memref<80xi32, #tpu.memory_space<vmem>>) semaphore(%arg18 : memref<!tpu.dma_semaphore, #tpu.memory_space<semaphore_mem>>)
          %mul3A_168 = arith.constant 40 : i32
          %mul3A_169 = arith.muli %add3A_161, %mul3A_168 : i32
          %add3A_170 = arith.addi %mul3A_27, %mul3A_169 : i32
          %dma_start3A_171 = arith.constant 0 : i32
          %dma_start3A_172 = tpu.memref_slice %arg3[%add3A_170, %dma_start3A_171] : memref<108800x128xi32, #tpu.memory_space<hbm>> -> memref<40x128xi32, #tpu.memory_space<hbm>>
          %dma_start3A_173 = arith.constant 0 : i32
          %dma_start3A_174 = tpu.memref_slice %arg3[%add3A_170, %dma_start3A_173] : memref<108800x128xi32, #tpu.memory_space<hbm>> -> memref<40x128xi32, #tpu.memory_space<hbm>>
          tpu.enqueue_dma source(%dma_start3A_174 : memref<40x128xi32, #tpu.memory_space<hbm>>) target(%arg12 : memref<40x128xi32, #tpu.memory_space<vmem>>) target_semaphore(%arg20 : memref<!tpu.dma_semaphore, #tpu.memory_space<semaphore_mem>>)
        } else {
        }
      } else {
      }
    }
    %scan3A_65 = arith.constant 43 : i32
    %dma_wait3A = arith.constant 84 : i32
    %dma_wait3A_66 = arith.constant 0 : i32
    %dma_wait3A_67 = tpu.memref_slice %arg8[%dma_wait3A, %dma_wait3A_66] : memref<85x80xi32, #tpu.memory_space<vmem>> -> memref<1x80xi32, #tpu.memory_space<vmem>>
    %dma_wait3A_68 = tpu.memref_squeeze %dma_wait3A_67 : memref<1x80xi32, #tpu.memory_space<vmem>> -> memref<80xi32, #tpu.memory_space<vmem>>
    %dma_wait3A_69 = arith.constant 0 : i32
    %dma_wait3A_70 = arith.constant 0 : i32
    %dma_wait3A_71 = tpu.memref_slice %arg16[%dma_wait3A_69, %dma_wait3A_70] : memref<10240x80xf32, #tpu.memory_space<vmem_shared>> -> memref<10240x80xf32, #tpu.memory_space<vmem_shared>>
    tpu.wait_indirect_dma semaphore(%arg21 : memref<!tpu.dma_semaphore, #tpu.memory_space<semaphore_mem>>) src(%arg13 : memref<80x80xf32, #tpu.memory_space<vmem>>) dst(%dma_wait3A_71 : memref<10240x80xf32, #tpu.memory_space<vmem_shared>>)
    %dma_wait3A_72 = arith.constant 83 : i32
    %dma_wait3A_73 = arith.constant 0 : i32
    %dma_wait3A_74 = tpu.memref_slice %arg8[%dma_wait3A_72, %dma_wait3A_73] : memref<85x80xi32, #tpu.memory_space<vmem>> -> memref<1x80xi32, #tpu.memory_space<vmem>>
    %dma_wait3A_75 = tpu.memref_squeeze %dma_wait3A_74 : memref<1x80xi32, #tpu.memory_space<vmem>> -> memref<80xi32, #tpu.memory_space<vmem>>
    %dma_wait3A_76 = arith.constant 0 : i32
    %dma_wait3A_77 = arith.constant 0 : i32
    %dma_wait3A_78 = tpu.memref_slice %arg16[%dma_wait3A_76, %dma_wait3A_77] : memref<10240x80xf32, #tpu.memory_space<vmem_shared>> -> memref<10240x80xf32, #tpu.memory_space<vmem_shared>>
    tpu.wait_indirect_dma semaphore(%arg22 : memref<!tpu.dma_semaphore, #tpu.memory_space<semaphore_mem>>) src(%arg14 : memref<80x80xf32, #tpu.memory_space<vmem>>) dst(%dma_wait3A_78 : memref<10240x80xf32, #tpu.memory_space<vmem_shared>>)
    %barrier3A_79 = arith.constant 0 : index
    tpu.barrier barrier_id(%barrier3A_79)
    %mul3A_80 = arith.constant 640 : i32
    %mul3A_81 = arith.muli %arg1, %mul3A_80 : i32
    %mul3A_82 = arith.constant 640 : i32
    %mul3A_83 = arith.muli %arg1, %mul3A_82 : i32
    "tpu.region"() ({
      %run_scoped3A = tpu.sem_alloc : memref<!tpu.dma_semaphore, #tpu.memory_space<semaphore_mem>>
      %dma_start3A_84 = arith.constant 0 : i32
      %dma_start3A_85 = tpu.memref_slice %arg6[%arg0, %mul3A_83, %dma_start3A_84] : memref<2x10240x80xf32, #tpu.memory_space<hbm>> -> memref<1x640x80xf32, #tpu.memory_space<hbm>>
      %dma_start3A_86 = tpu.memref_squeeze %dma_start3A_85 : memref<1x640x80xf32, #tpu.memory_space<hbm>> -> memref<640x80xf32, #tpu.memory_space<hbm>>
      %dma_start3A_87 = arith.constant 0 : i32
      %dma_start3A_88 = tpu.memref_slice %arg16[%mul3A_81, %dma_start3A_87] : memref<10240x80xf32, #tpu.memory_space<vmem_shared>> -> memref<640x80xf32, #tpu.memory_space<vmem_shared>>
      tpu.enqueue_dma source(%dma_start3A_88 : memref<640x80xf32, #tpu.memory_space<vmem_shared>>) target(%dma_start3A_86 : memref<640x80xf32, #tpu.memory_space<hbm>>) target_semaphore(%run_scoped3A : memref<!tpu.dma_semaphore, #tpu.memory_space<semaphore_mem>>)
      %dma_wait3A_89 = arith.constant 0 : i32
      %dma_wait3A_90 = tpu.memref_slice %arg6[%arg0, %mul3A_83, %dma_wait3A_89] : memref<2x10240x80xf32, #tpu.memory_space<hbm>> -> memref<1x640x80xf32, #tpu.memory_space<hbm>>
      %dma_wait3A_91 = tpu.memref_squeeze %dma_wait3A_90 : memref<1x640x80xf32, #tpu.memory_space<hbm>> -> memref<640x80xf32, #tpu.memory_space<hbm>>
      %dma_wait3A_92 = arith.constant 0 : i32
      %dma_wait3A_93 = tpu.memref_slice %arg16[%mul3A_81, %dma_wait3A_92] : memref<10240x80xf32, #tpu.memory_space<vmem_shared>> -> memref<640x80xf32, #tpu.memory_space<vmem_shared>>
      tpu.wait_dma2 semaphore(%run_scoped3A : memref<!tpu.dma_semaphore, #tpu.memory_space<semaphore_mem>>) src(%dma_wait3A_93 : memref<640x80xf32, #tpu.memory_space<vmem_shared>>) dst(%dma_wait3A_91 : memref<640x80xf32, #tpu.memory_space<hbm>>)
      tpu.yield
    }) : () -> ()
    return
  }
}

#map = affine_map<(d0, d1) -> (0, 0)>
#map1 = affine_map<(d0, d1) -> (0, 0, 0)>
module attributes {stable_mosaic.version = 14 : i64} {
  func.func @sc_kernel(%arg0: i32, %arg1: i32, %arg2: memref<10000x80xf32, #tpu.memory_space<hbm>>, %arg3: memref<51200x128xi32, #tpu.memory_space<hbm>>, %arg4: memref<8000x40xi32, #tpu.memory_space<hbm>>, %arg5: memref<8000x40xi32, #tpu.memory_space<hbm>>, %arg6: memref<2x10240x80xf32, #tpu.memory_space<hbm>>, %arg7: memref<40x80xi32, #tpu.memory_space<vmem>>, %arg8: memref<40x80xi32, #tpu.memory_space<vmem>>, %arg9: memref<80x80xf32, #tpu.memory_space<vmem>>, %arg10: memref<80x80xf32, #tpu.memory_space<vmem>>, %arg11: memref<40x128xi32, #tpu.memory_space<vmem>>, %arg12: memref<40x128xi32, #tpu.memory_space<vmem>>, %arg13: memref<80x80xf32, #tpu.memory_space<vmem>>, %arg14: memref<80x80xf32, #tpu.memory_space<vmem>>, %arg15: memref<128x80xf32, #tpu.memory_space<vmem>>, %arg16: memref<10240x80xf32, #tpu.memory_space<vmem_shared>>, %arg17: memref<!tpu.dma_semaphore, #tpu.memory_space<semaphore_mem>>, %arg18: memref<!tpu.dma_semaphore, #tpu.memory_space<semaphore_mem>>, %arg19: memref<!tpu.dma_semaphore, #tpu.memory_space<semaphore_mem>>, %arg20: memref<!tpu.dma_semaphore, #tpu.memory_space<semaphore_mem>>, %arg21: memref<!tpu.dma_semaphore, #tpu.memory_space<semaphore_mem>>, %arg22: memref<!tpu.dma_semaphore, #tpu.memory_space<semaphore_mem>>) attributes {dimension_semantics = [#tpu.dimension_semantics<core_parallel>, #tpu.dimension_semantics<subcore_parallel>], iteration_bounds = array<i64: 2, 16>, scalar_prefetch = 0 : i64, scratch_operands = 16 : i64, tpu.core_type = #tpu.core_type<sc_vector_subcore>, window_params = [{transform_indices = #map}, {transform_indices = #map}, {transform_indices = #map}, {transform_indices = #map}, {transform_indices = #map1}]} {
    %mul3A = arith.constant 2 : i32
    %mul3A_0 = arith.muli %arg1, %mul3A : i32
    %add3A = arith.addi %mul3A_0, %arg0 : i32
    %broadcast_in_dim3A = arith.constant 0.000000e+00 : f32
    %broadcast_in_dim3A_1 = vector.broadcast %broadcast_in_dim3A : f32 to vector<16xf32>
    %parallel_loop3A = arith.constant 0 : i32
    %parallel_loop3A_2 = arith.constant 128 : i32
    %parallel_loop3A_3 = arith.constant 1 : i32
    scf.for %parallel_loop3A_84 = %parallel_loop3A to %parallel_loop3A_2 step %parallel_loop3A_3  : i32 {
      %parallel_loop3A_85 = arith.index_cast %parallel_loop3A_84 : i32 to index
      %parallel_loop3A_86 = arith.constant 0 : index
      %parallel_loop3A_87 = tpu.vector_load %arg15[%parallel_loop3A_85, %parallel_loop3A_86] {strides = array<i32>} : memref<128x80xf32, #tpu.memory_space<vmem>>, vector<16xf32>,
      tpu.vector_store %arg15[%parallel_loop3A_85, %parallel_loop3A_86], %broadcast_in_dim3A_1 {strides = array<i32>} : memref<128x80xf32, #tpu.memory_space<vmem>>, vector<16xf32>,
      %parallel_loop3A_88 = arith.index_cast %parallel_loop3A_84 : i32 to index
      %parallel_loop3A_89 = arith.constant 16 : index
      %parallel_loop3A_90 = tpu.vector_load %arg15[%parallel_loop3A_88, %parallel_loop3A_89] {strides = array<i32>} : memref<128x80xf32, #tpu.memory_space<vmem>>, vector<16xf32>,
      tpu.vector_store %arg15[%parallel_loop3A_88, %parallel_loop3A_89], %broadcast_in_dim3A_1 {strides = array<i32>} : memref<128x80xf32, #tpu.memory_space<vmem>>, vector<16xf32>,
      %parallel_loop3A_91 = arith.index_cast %parallel_loop3A_84 : i32 to index
      %parallel_loop3A_92 = arith.constant 32 : index
      %parallel_loop3A_93 = tpu.vector_load %arg15[%parallel_loop3A_91, %parallel_loop3A_92] {strides = array<i32>} : memref<128x80xf32, #tpu.memory_space<vmem>>, vector<16xf32>,
      tpu.vector_store %arg15[%parallel_loop3A_91, %parallel_loop3A_92], %broadcast_in_dim3A_1 {strides = array<i32>} : memref<128x80xf32, #tpu.memory_space<vmem>>, vector<16xf32>,
      %parallel_loop3A_94 = arith.index_cast %parallel_loop3A_84 : i32 to index
      %parallel_loop3A_95 = arith.constant 48 : index
      %parallel_loop3A_96 = tpu.vector_load %arg15[%parallel_loop3A_94, %parallel_loop3A_95] {strides = array<i32>} : memref<128x80xf32, #tpu.memory_space<vmem>>, vector<16xf32>,
      tpu.vector_store %arg15[%parallel_loop3A_94, %parallel_loop3A_95], %broadcast_in_dim3A_1 {strides = array<i32>} : memref<128x80xf32, #tpu.memory_space<vmem>>, vector<16xf32>,
      %parallel_loop3A_97 = arith.index_cast %parallel_loop3A_84 : i32 to index
      %parallel_loop3A_98 = arith.constant 64 : index
      %parallel_loop3A_99 = tpu.vector_load %arg15[%parallel_loop3A_97, %parallel_loop3A_98] {strides = array<i32>} : memref<128x80xf32, #tpu.memory_space<vmem>>, vector<16xf32>,
      tpu.vector_store %arg15[%parallel_loop3A_97, %parallel_loop3A_98], %broadcast_in_dim3A_1 {strides = array<i32>} : memref<128x80xf32, #tpu.memory_space<vmem>>, vector<16xf32>,
    } {sc.loop_unroll_factor = 1 : i64, sc.parallel_access}
    %mul3A_4 = arith.constant 640 : i32
    %mul3A_5 = arith.muli %arg1, %mul3A_4 : i32
    %add3A_6 = arith.constant 0 : i32
    %add3A_7 = arith.addi %mul3A_5, %add3A_6 : i32
    "tpu.region"() ({
      %run_scoped3A = tpu.sem_alloc : memref<!tpu.dma_semaphore, #tpu.memory_space<semaphore_mem>>
      %dma_start3A_84 = arith.constant 0 : i32
      %dma_start3A_85 = tpu.memref_slice %arg16[%add3A_7, %dma_start3A_84] : memref<10240x80xf32, #tpu.memory_space<vmem_shared>> -> memref<128x80xf32, #tpu.memory_space<vmem_shared>>
      %dma_start3A_86 = arith.constant 0 : i32
      %dma_start3A_87 = tpu.memref_slice %arg16[%add3A_7, %dma_start3A_86] : memref<10240x80xf32, #tpu.memory_space<vmem_shared>> -> memref<128x80xf32, #tpu.memory_space<vmem_shared>>
      tpu.enqueue_dma source(%arg15 : memref<128x80xf32, #tpu.memory_space<vmem>>) target(%dma_start3A_87 : memref<128x80xf32, #tpu.memory_space<vmem_shared>>) target_semaphore(%run_scoped3A : memref<!tpu.dma_semaphore, #tpu.memory_space<semaphore_mem>>)
      %dma_wait3A_88 = arith.constant 0 : i32
      %dma_wait3A_89 = tpu.memref_slice %arg16[%add3A_7, %dma_wait3A_88] : memref<10240x80xf32, #tpu.memory_space<vmem_shared>> -> memref<128x80xf32, #tpu.memory_space<vmem_shared>>
      %dma_wait3A_90 = arith.constant 0 : i32
      %dma_wait3A_91 = tpu.memref_slice %arg16[%add3A_7, %dma_wait3A_90] : memref<10240x80xf32, #tpu.memory_space<vmem_shared>> -> memref<128x80xf32, #tpu.memory_space<vmem_shared>>
      tpu.wait_dma2 semaphore(%run_scoped3A : memref<!tpu.dma_semaphore, #tpu.memory_space<semaphore_mem>>) src(%arg15 : memref<128x80xf32, #tpu.memory_space<vmem>>) dst(%dma_wait3A_91 : memref<128x80xf32, #tpu.memory_space<vmem_shared>>)
      tpu.yield
    }) : () -> ()
    %mul3A_8 = arith.constant 640 : i32
    %mul3A_9 = arith.muli %arg1, %mul3A_8 : i32
    %add3A_10 = arith.constant 128 : i32
    %add3A_11 = arith.addi %mul3A_9, %add3A_10 : i32
    "tpu.region"() ({
      %run_scoped3A = tpu.sem_alloc : memref<!tpu.dma_semaphore, #tpu.memory_space<semaphore_mem>>
      %dma_start3A_84 = arith.constant 0 : i32
      %dma_start3A_85 = tpu.memref_slice %arg16[%add3A_11, %dma_start3A_84] : memref<10240x80xf32, #tpu.memory_space<vmem_shared>> -> memref<128x80xf32, #tpu.memory_space<vmem_shared>>
      %dma_start3A_86 = arith.constant 0 : i32
      %dma_start3A_87 = tpu.memref_slice %arg16[%add3A_11, %dma_start3A_86] : memref<10240x80xf32, #tpu.memory_space<vmem_shared>> -> memref<128x80xf32, #tpu.memory_space<vmem_shared>>
      tpu.enqueue_dma source(%arg15 : memref<128x80xf32, #tpu.memory_space<vmem>>) target(%dma_start3A_87 : memref<128x80xf32, #tpu.memory_space<vmem_shared>>) target_semaphore(%run_scoped3A : memref<!tpu.dma_semaphore, #tpu.memory_space<semaphore_mem>>)
      %dma_wait3A_88 = arith.constant 0 : i32
      %dma_wait3A_89 = tpu.memref_slice %arg16[%add3A_11, %dma_wait3A_88] : memref<10240x80xf32, #tpu.memory_space<vmem_shared>> -> memref<128x80xf32, #tpu.memory_space<vmem_shared>>
      %dma_wait3A_90 = arith.constant 0 : i32
      %dma_wait3A_91 = tpu.memref_slice %arg16[%add3A_11, %dma_wait3A_90] : memref<10240x80xf32, #tpu.memory_space<vmem_shared>> -> memref<128x80xf32, #tpu.memory_space<vmem_shared>>
      tpu.wait_dma2 semaphore(%run_scoped3A : memref<!tpu.dma_semaphore, #tpu.memory_space<semaphore_mem>>) src(%arg15 : memref<128x80xf32, #tpu.memory_space<vmem>>) dst(%dma_wait3A_91 : memref<128x80xf32, #tpu.memory_space<vmem_shared>>)
      tpu.yield
    }) : () -> ()
    %mul3A_12 = arith.constant 640 : i32
    %mul3A_13 = arith.muli %arg1, %mul3A_12 : i32
    %add3A_14 = arith.constant 256 : i32
    %add3A_15 = arith.addi %mul3A_13, %add3A_14 : i32
    "tpu.region"() ({
      %run_scoped3A = tpu.sem_alloc : memref<!tpu.dma_semaphore, #tpu.memory_space<semaphore_mem>>
      %dma_start3A_84 = arith.constant 0 : i32
      %dma_start3A_85 = tpu.memref_slice %arg16[%add3A_15, %dma_start3A_84] : memref<10240x80xf32, #tpu.memory_space<vmem_shared>> -> memref<128x80xf32, #tpu.memory_space<vmem_shared>>
      %dma_start3A_86 = arith.constant 0 : i32
      %dma_start3A_87 = tpu.memref_slice %arg16[%add3A_15, %dma_start3A_86] : memref<10240x80xf32, #tpu.memory_space<vmem_shared>> -> memref<128x80xf32, #tpu.memory_space<vmem_shared>>
      tpu.enqueue_dma source(%arg15 : memref<128x80xf32, #tpu.memory_space<vmem>>) target(%dma_start3A_87 : memref<128x80xf32, #tpu.memory_space<vmem_shared>>) target_semaphore(%run_scoped3A : memref<!tpu.dma_semaphore, #tpu.memory_space<semaphore_mem>>)
      %dma_wait3A_88 = arith.constant 0 : i32
      %dma_wait3A_89 = tpu.memref_slice %arg16[%add3A_15, %dma_wait3A_88] : memref<10240x80xf32, #tpu.memory_space<vmem_shared>> -> memref<128x80xf32, #tpu.memory_space<vmem_shared>>
      %dma_wait3A_90 = arith.constant 0 : i32
      %dma_wait3A_91 = tpu.memref_slice %arg16[%add3A_15, %dma_wait3A_90] : memref<10240x80xf32, #tpu.memory_space<vmem_shared>> -> memref<128x80xf32, #tpu.memory_space<vmem_shared>>
      tpu.wait_dma2 semaphore(%run_scoped3A : memref<!tpu.dma_semaphore, #tpu.memory_space<semaphore_mem>>) src(%arg15 : memref<128x80xf32, #tpu.memory_space<vmem>>) dst(%dma_wait3A_91 : memref<128x80xf32, #tpu.memory_space<vmem_shared>>)
      tpu.yield
    }) : () -> ()
    %mul3A_16 = arith.constant 640 : i32
    %mul3A_17 = arith.muli %arg1, %mul3A_16 : i32
    %add3A_18 = arith.constant 384 : i32
    %add3A_19 = arith.addi %mul3A_17, %add3A_18 : i32
    "tpu.region"() ({
      %run_scoped3A = tpu.sem_alloc : memref<!tpu.dma_semaphore, #tpu.memory_space<semaphore_mem>>
      %dma_start3A_84 = arith.constant 0 : i32
      %dma_start3A_85 = tpu.memref_slice %arg16[%add3A_19, %dma_start3A_84] : memref<10240x80xf32, #tpu.memory_space<vmem_shared>> -> memref<128x80xf32, #tpu.memory_space<vmem_shared>>
      %dma_start3A_86 = arith.constant 0 : i32
      %dma_start3A_87 = tpu.memref_slice %arg16[%add3A_19, %dma_start3A_86] : memref<10240x80xf32, #tpu.memory_space<vmem_shared>> -> memref<128x80xf32, #tpu.memory_space<vmem_shared>>
      tpu.enqueue_dma source(%arg15 : memref<128x80xf32, #tpu.memory_space<vmem>>) target(%dma_start3A_87 : memref<128x80xf32, #tpu.memory_space<vmem_shared>>) target_semaphore(%run_scoped3A : memref<!tpu.dma_semaphore, #tpu.memory_space<semaphore_mem>>)
      %dma_wait3A_88 = arith.constant 0 : i32
      %dma_wait3A_89 = tpu.memref_slice %arg16[%add3A_19, %dma_wait3A_88] : memref<10240x80xf32, #tpu.memory_space<vmem_shared>> -> memref<128x80xf32, #tpu.memory_space<vmem_shared>>
      %dma_wait3A_90 = arith.constant 0 : i32
      %dma_wait3A_91 = tpu.memref_slice %arg16[%add3A_19, %dma_wait3A_90] : memref<10240x80xf32, #tpu.memory_space<vmem_shared>> -> memref<128x80xf32, #tpu.memory_space<vmem_shared>>
      tpu.wait_dma2 semaphore(%run_scoped3A : memref<!tpu.dma_semaphore, #tpu.memory_space<semaphore_mem>>) src(%arg15 : memref<128x80xf32, #tpu.memory_space<vmem>>) dst(%dma_wait3A_91 : memref<128x80xf32, #tpu.memory_space<vmem_shared>>)
      tpu.yield
    }) : () -> ()
    %mul3A_20 = arith.constant 640 : i32
    %mul3A_21 = arith.muli %arg1, %mul3A_20 : i32
    %add3A_22 = arith.constant 512 : i32
    %add3A_23 = arith.addi %mul3A_21, %add3A_22 : i32
    "tpu.region"() ({
      %run_scoped3A = tpu.sem_alloc : memref<!tpu.dma_semaphore, #tpu.memory_space<semaphore_mem>>
      %dma_start3A_84 = arith.constant 0 : i32
      %dma_start3A_85 = tpu.memref_slice %arg16[%add3A_23, %dma_start3A_84] : memref<10240x80xf32, #tpu.memory_space<vmem_shared>> -> memref<128x80xf32, #tpu.memory_space<vmem_shared>>
      %dma_start3A_86 = arith.constant 0 : i32
      %dma_start3A_87 = tpu.memref_slice %arg16[%add3A_23, %dma_start3A_86] : memref<10240x80xf32, #tpu.memory_space<vmem_shared>> -> memref<128x80xf32, #tpu.memory_space<vmem_shared>>
      tpu.enqueue_dma source(%arg15 : memref<128x80xf32, #tpu.memory_space<vmem>>) target(%dma_start3A_87 : memref<128x80xf32, #tpu.memory_space<vmem_shared>>) target_semaphore(%run_scoped3A : memref<!tpu.dma_semaphore, #tpu.memory_space<semaphore_mem>>)
      %dma_wait3A_88 = arith.constant 0 : i32
      %dma_wait3A_89 = tpu.memref_slice %arg16[%add3A_23, %dma_wait3A_88] : memref<10240x80xf32, #tpu.memory_space<vmem_shared>> -> memref<128x80xf32, #tpu.memory_space<vmem_shared>>
      %dma_wait3A_90 = arith.constant 0 : i32
      %dma_wait3A_91 = tpu.memref_slice %arg16[%add3A_23, %dma_wait3A_90] : memref<10240x80xf32, #tpu.memory_space<vmem_shared>> -> memref<128x80xf32, #tpu.memory_space<vmem_shared>>
      tpu.wait_dma2 semaphore(%run_scoped3A : memref<!tpu.dma_semaphore, #tpu.memory_space<semaphore_mem>>) src(%arg15 : memref<128x80xf32, #tpu.memory_space<vmem>>) dst(%dma_wait3A_91 : memref<128x80xf32, #tpu.memory_space<vmem_shared>>)
      tpu.yield
    }) : () -> ()
    %barrier3A = arith.constant 0 : index
    tpu.barrier barrier_id(%barrier3A)
    %mul3A_24 = arith.constant 40 : i32
    %mul3A_25 = arith.muli %add3A, %mul3A_24 : i32
    %mul3A_26 = arith.constant 40 : i32
    %mul3A_27 = arith.muli %mul3A_25, %mul3A_26 : i32
    %mul3A_28 = arith.constant 40 : i32
    %mul3A_29 = arith.muli %add3A, %mul3A_28 : i32
    %add3A_30 = arith.constant 0 : i32
    %add3A_31 = arith.addi %add3A_30, %mul3A_29 : i32
    "tpu.region"() ({
      %run_scoped3A = tpu.sem_alloc : memref<!tpu.dma_semaphore, #tpu.memory_space<semaphore_mem>>
      %dma_start3A_84 = arith.constant 0 : i32
      %dma_start3A_85 = arith.constant 0 : i32
      %dma_start3A_86 = tpu.memref_slice %arg7[%dma_start3A_84, %dma_start3A_85] : memref<40x80xi32, #tpu.memory_space<vmem>> -> memref<40x40xi32, #tpu.memory_space<vmem>>
      %dma_start3A_87 = arith.constant 0 : i32
      %dma_start3A_88 = tpu.memref_slice %arg4[%add3A_31, %dma_start3A_87] : memref<8000x40xi32, #tpu.memory_space<hbm>> -> memref<40x40xi32, #tpu.memory_space<hbm>>
      %dma_start3A_89 = arith.constant 0 : i32
      %dma_start3A_90 = arith.constant 0 : i32
      %dma_start3A_91 = tpu.memref_slice %arg7[%dma_start3A_89, %dma_start3A_90] : memref<40x80xi32, #tpu.memory_space<vmem>> -> memref<40x40xi32, #tpu.memory_space<vmem>>
      %dma_start3A_92 = arith.constant 0 : i32
      %dma_start3A_93 = tpu.memref_slice %arg4[%add3A_31, %dma_start3A_92] : memref<8000x40xi32, #tpu.memory_space<hbm>> -> memref<40x40xi32, #tpu.memory_space<hbm>>
      tpu.enqueue_dma source(%dma_start3A_93 : memref<40x40xi32, #tpu.memory_space<hbm>>) target(%dma_start3A_91 : memref<40x40xi32, #tpu.memory_space<vmem>>) target_semaphore(%run_scoped3A : memref<!tpu.dma_semaphore, #tpu.memory_space<semaphore_mem>>)
      %dma_wait3A_94 = arith.constant 0 : i32
      %dma_wait3A_95 = arith.constant 0 : i32
      %dma_wait3A_96 = tpu.memref_slice %arg7[%dma_wait3A_94, %dma_wait3A_95] : memref<40x80xi32, #tpu.memory_space<vmem>> -> memref<40x40xi32, #tpu.memory_space<vmem>>
      %dma_wait3A_97 = arith.constant 0 : i32
      %dma_wait3A_98 = tpu.memref_slice %arg4[%add3A_31, %dma_wait3A_97] : memref<8000x40xi32, #tpu.memory_space<hbm>> -> memref<40x40xi32, #tpu.memory_space<hbm>>
      %dma_wait3A_99 = arith.constant 0 : i32
      %dma_wait3A_100 = arith.constant 0 : i32
      %dma_wait3A_101 = tpu.memref_slice %arg7[%dma_wait3A_99, %dma_wait3A_100] : memref<40x80xi32, #tpu.memory_space<vmem>> -> memref<40x40xi32, #tpu.memory_space<vmem>>
      %dma_wait3A_102 = arith.constant 0 : i32
      %dma_wait3A_103 = tpu.memref_slice %arg4[%add3A_31, %dma_wait3A_102] : memref<8000x40xi32, #tpu.memory_space<hbm>> -> memref<40x40xi32, #tpu.memory_space<hbm>>
      tpu.wait_dma2 semaphore(%run_scoped3A : memref<!tpu.dma_semaphore, #tpu.memory_space<semaphore_mem>>) src(%dma_wait3A_103 : memref<40x40xi32, #tpu.memory_space<hbm>>) dst(%dma_wait3A_101 : memref<40x40xi32, #tpu.memory_space<vmem>>)
      tpu.yield
    }) : () -> ()
    %add3A_32 = arith.constant 4000 : i32
    %add3A_33 = arith.addi %add3A_32, %add3A_31 : i32
    "tpu.region"() ({
      %run_scoped3A = tpu.sem_alloc : memref<!tpu.dma_semaphore, #tpu.memory_space<semaphore_mem>>
      %dma_start3A_84 = arith.constant 0 : i32
      %dma_start3A_85 = arith.constant 40 : i32
      %dma_start3A_86 = tpu.memref_slice %arg7[%dma_start3A_84, %dma_start3A_85] : memref<40x80xi32, #tpu.memory_space<vmem>> -> memref<40x40xi32, #tpu.memory_space<vmem>>
      %dma_start3A_87 = arith.constant 0 : i32
      %dma_start3A_88 = tpu.memref_slice %arg4[%add3A_33, %dma_start3A_87] : memref<8000x40xi32, #tpu.memory_space<hbm>> -> memref<40x40xi32, #tpu.memory_space<hbm>>
      %dma_start3A_89 = arith.constant 0 : i32
      %dma_start3A_90 = arith.constant 40 : i32
      %dma_start3A_91 = tpu.memref_slice %arg7[%dma_start3A_89, %dma_start3A_90] : memref<40x80xi32, #tpu.memory_space<vmem>> -> memref<40x40xi32, #tpu.memory_space<vmem>>
      %dma_start3A_92 = arith.constant 0 : i32
      %dma_start3A_93 = tpu.memref_slice %arg4[%add3A_33, %dma_start3A_92] : memref<8000x40xi32, #tpu.memory_space<hbm>> -> memref<40x40xi32, #tpu.memory_space<hbm>>
      tpu.enqueue_dma source(%dma_start3A_93 : memref<40x40xi32, #tpu.memory_space<hbm>>) target(%dma_start3A_91 : memref<40x40xi32, #tpu.memory_space<vmem>>) target_semaphore(%run_scoped3A : memref<!tpu.dma_semaphore, #tpu.memory_space<semaphore_mem>>)
      %dma_wait3A_94 = arith.constant 0 : i32
      %dma_wait3A_95 = arith.constant 40 : i32
      %dma_wait3A_96 = tpu.memref_slice %arg7[%dma_wait3A_94, %dma_wait3A_95] : memref<40x80xi32, #tpu.memory_space<vmem>> -> memref<40x40xi32, #tpu.memory_space<vmem>>
      %dma_wait3A_97 = arith.constant 0 : i32
      %dma_wait3A_98 = tpu.memref_slice %arg4[%add3A_33, %dma_wait3A_97] : memref<8000x40xi32, #tpu.memory_space<hbm>> -> memref<40x40xi32, #tpu.memory_space<hbm>>
      %dma_wait3A_99 = arith.constant 0 : i32
      %dma_wait3A_100 = arith.constant 40 : i32
      %dma_wait3A_101 = tpu.memref_slice %arg7[%dma_wait3A_99, %dma_wait3A_100] : memref<40x80xi32, #tpu.memory_space<vmem>> -> memref<40x40xi32, #tpu.memory_space<vmem>>
      %dma_wait3A_102 = arith.constant 0 : i32
      %dma_wait3A_103 = tpu.memref_slice %arg4[%add3A_33, %dma_wait3A_102] : memref<8000x40xi32, #tpu.memory_space<hbm>> -> memref<40x40xi32, #tpu.memory_space<hbm>>
      tpu.wait_dma2 semaphore(%run_scoped3A : memref<!tpu.dma_semaphore, #tpu.memory_space<semaphore_mem>>) src(%dma_wait3A_103 : memref<40x40xi32, #tpu.memory_space<hbm>>) dst(%dma_wait3A_101 : memref<40x40xi32, #tpu.memory_space<vmem>>)
      tpu.yield
    }) : () -> ()
    "tpu.region"() ({
      %run_scoped3A = tpu.sem_alloc : memref<!tpu.dma_semaphore, #tpu.memory_space<semaphore_mem>>
      %dma_start3A_84 = arith.constant 0 : i32
      %dma_start3A_85 = arith.constant 0 : i32
      %dma_start3A_86 = tpu.memref_slice %arg8[%dma_start3A_84, %dma_start3A_85] : memref<40x80xi32, #tpu.memory_space<vmem>> -> memref<40x40xi32, #tpu.memory_space<vmem>>
      %dma_start3A_87 = arith.constant 0 : i32
      %dma_start3A_88 = tpu.memref_slice %arg5[%add3A_31, %dma_start3A_87] : memref<8000x40xi32, #tpu.memory_space<hbm>> -> memref<40x40xi32, #tpu.memory_space<hbm>>
      %dma_start3A_89 = arith.constant 0 : i32
      %dma_start3A_90 = arith.constant 0 : i32
      %dma_start3A_91 = tpu.memref_slice %arg8[%dma_start3A_89, %dma_start3A_90] : memref<40x80xi32, #tpu.memory_space<vmem>> -> memref<40x40xi32, #tpu.memory_space<vmem>>
      %dma_start3A_92 = arith.constant 0 : i32
      %dma_start3A_93 = tpu.memref_slice %arg5[%add3A_31, %dma_start3A_92] : memref<8000x40xi32, #tpu.memory_space<hbm>> -> memref<40x40xi32, #tpu.memory_space<hbm>>
      tpu.enqueue_dma source(%dma_start3A_93 : memref<40x40xi32, #tpu.memory_space<hbm>>) target(%dma_start3A_91 : memref<40x40xi32, #tpu.memory_space<vmem>>) target_semaphore(%run_scoped3A : memref<!tpu.dma_semaphore, #tpu.memory_space<semaphore_mem>>)
      %dma_wait3A_94 = arith.constant 0 : i32
      %dma_wait3A_95 = arith.constant 0 : i32
      %dma_wait3A_96 = tpu.memref_slice %arg8[%dma_wait3A_94, %dma_wait3A_95] : memref<40x80xi32, #tpu.memory_space<vmem>> -> memref<40x40xi32, #tpu.memory_space<vmem>>
      %dma_wait3A_97 = arith.constant 0 : i32
      %dma_wait3A_98 = tpu.memref_slice %arg5[%add3A_31, %dma_wait3A_97] : memref<8000x40xi32, #tpu.memory_space<hbm>> -> memref<40x40xi32, #tpu.memory_space<hbm>>
      %dma_wait3A_99 = arith.constant 0 : i32
      %dma_wait3A_100 = arith.constant 0 : i32
      %dma_wait3A_101 = tpu.memref_slice %arg8[%dma_wait3A_99, %dma_wait3A_100] : memref<40x80xi32, #tpu.memory_space<vmem>> -> memref<40x40xi32, #tpu.memory_space<vmem>>
      %dma_wait3A_102 = arith.constant 0 : i32
      %dma_wait3A_103 = tpu.memref_slice %arg5[%add3A_31, %dma_wait3A_102] : memref<8000x40xi32, #tpu.memory_space<hbm>> -> memref<40x40xi32, #tpu.memory_space<hbm>>
      tpu.wait_dma2 semaphore(%run_scoped3A : memref<!tpu.dma_semaphore, #tpu.memory_space<semaphore_mem>>) src(%dma_wait3A_103 : memref<40x40xi32, #tpu.memory_space<hbm>>) dst(%dma_wait3A_101 : memref<40x40xi32, #tpu.memory_space<vmem>>)
      tpu.yield
    }) : () -> ()
    %add3A_34 = arith.constant 4000 : i32
    %add3A_35 = arith.addi %add3A_34, %add3A_31 : i32
    "tpu.region"() ({
      %run_scoped3A = tpu.sem_alloc : memref<!tpu.dma_semaphore, #tpu.memory_space<semaphore_mem>>
      %dma_start3A_84 = arith.constant 0 : i32
      %dma_start3A_85 = arith.constant 40 : i32
      %dma_start3A_86 = tpu.memref_slice %arg8[%dma_start3A_84, %dma_start3A_85] : memref<40x80xi32, #tpu.memory_space<vmem>> -> memref<40x40xi32, #tpu.memory_space<vmem>>
      %dma_start3A_87 = arith.constant 0 : i32
      %dma_start3A_88 = tpu.memref_slice %arg5[%add3A_35, %dma_start3A_87] : memref<8000x40xi32, #tpu.memory_space<hbm>> -> memref<40x40xi32, #tpu.memory_space<hbm>>
      %dma_start3A_89 = arith.constant 0 : i32
      %dma_start3A_90 = arith.constant 40 : i32
      %dma_start3A_91 = tpu.memref_slice %arg8[%dma_start3A_89, %dma_start3A_90] : memref<40x80xi32, #tpu.memory_space<vmem>> -> memref<40x40xi32, #tpu.memory_space<vmem>>
      %dma_start3A_92 = arith.constant 0 : i32
      %dma_start3A_93 = tpu.memref_slice %arg5[%add3A_35, %dma_start3A_92] : memref<8000x40xi32, #tpu.memory_space<hbm>> -> memref<40x40xi32, #tpu.memory_space<hbm>>
      tpu.enqueue_dma source(%dma_start3A_93 : memref<40x40xi32, #tpu.memory_space<hbm>>) target(%dma_start3A_91 : memref<40x40xi32, #tpu.memory_space<vmem>>) target_semaphore(%run_scoped3A : memref<!tpu.dma_semaphore, #tpu.memory_space<semaphore_mem>>)
      %dma_wait3A_94 = arith.constant 0 : i32
      %dma_wait3A_95 = arith.constant 40 : i32
      %dma_wait3A_96 = tpu.memref_slice %arg8[%dma_wait3A_94, %dma_wait3A_95] : memref<40x80xi32, #tpu.memory_space<vmem>> -> memref<40x40xi32, #tpu.memory_space<vmem>>
      %dma_wait3A_97 = arith.constant 0 : i32
      %dma_wait3A_98 = tpu.memref_slice %arg5[%add3A_35, %dma_wait3A_97] : memref<8000x40xi32, #tpu.memory_space<hbm>> -> memref<40x40xi32, #tpu.memory_space<hbm>>
      %dma_wait3A_99 = arith.constant 0 : i32
      %dma_wait3A_100 = arith.constant 40 : i32
      %dma_wait3A_101 = tpu.memref_slice %arg8[%dma_wait3A_99, %dma_wait3A_100] : memref<40x80xi32, #tpu.memory_space<vmem>> -> memref<40x40xi32, #tpu.memory_space<vmem>>
      %dma_wait3A_102 = arith.constant 0 : i32
      %dma_wait3A_103 = tpu.memref_slice %arg5[%add3A_35, %dma_wait3A_102] : memref<8000x40xi32, #tpu.memory_space<hbm>> -> memref<40x40xi32, #tpu.memory_space<hbm>>
      tpu.wait_dma2 semaphore(%run_scoped3A : memref<!tpu.dma_semaphore, #tpu.memory_space<semaphore_mem>>) src(%dma_wait3A_103 : memref<40x40xi32, #tpu.memory_space<hbm>>) dst(%dma_wait3A_101 : memref<40x40xi32, #tpu.memory_space<vmem>>)
      tpu.yield
    }) : () -> ()
    %dma_start3A = arith.constant 0 : i32
    %dma_start3A_36 = arith.constant 0 : i32
    %dma_start3A_37 = tpu.memref_slice %arg7[%dma_start3A, %dma_start3A_36] : memref<40x80xi32, #tpu.memory_space<vmem>> -> memref<1x80xi32, #tpu.memory_space<vmem>>
    %dma_start3A_38 = tpu.memref_squeeze %dma_start3A_37 : memref<1x80xi32, #tpu.memory_space<vmem>> -> memref<80xi32, #tpu.memory_space<vmem>>
    %dma_start3A_39 = arith.constant 0 : i32
    %dma_start3A_40 = arith.constant 0 : i32
    %dma_start3A_41 = tpu.memref_slice %arg2[%dma_start3A_39, %dma_start3A_40] : memref<10000x80xf32, #tpu.memory_space<hbm>> -> memref<10000x80xf32, #tpu.memory_space<hbm>>
    tpu.enqueue_indirect_dma source(%dma_start3A_41 : memref<10000x80xf32, #tpu.memory_space<hbm>>) target(%arg9 : memref<80x80xf32, #tpu.memory_space<vmem>>) offsets(%dma_start3A_38 : memref<80xi32, #tpu.memory_space<vmem>>) semaphore(%arg17 : memref<!tpu.dma_semaphore, #tpu.memory_space<semaphore_mem>>)
    %add3A_42 = arith.constant 0 : i32
    %add3A_43 = arith.addi %mul3A_27, %add3A_42 : i32
    %dma_start3A_44 = arith.constant 0 : i32
    %dma_start3A_45 = tpu.memref_slice %arg3[%add3A_43, %dma_start3A_44] : memref<51200x128xi32, #tpu.memory_space<hbm>> -> memref<40x128xi32, #tpu.memory_space<hbm>>
    %dma_start3A_46 = arith.constant 0 : i32
    %dma_start3A_47 = tpu.memref_slice %arg3[%add3A_43, %dma_start3A_46] : memref<51200x128xi32, #tpu.memory_space<hbm>> -> memref<40x128xi32, #tpu.memory_space<hbm>>
    tpu.enqueue_dma source(%dma_start3A_47 : memref<40x128xi32, #tpu.memory_space<hbm>>) target(%arg11 : memref<40x128xi32, #tpu.memory_space<vmem>>) target_semaphore(%arg19 : memref<!tpu.dma_semaphore, #tpu.memory_space<semaphore_mem>>)
    %dma_start3A_48 = arith.constant 1 : i32
    %dma_start3A_49 = arith.constant 0 : i32
    %dma_start3A_50 = tpu.memref_slice %arg7[%dma_start3A_48, %dma_start3A_49] : memref<40x80xi32, #tpu.memory_space<vmem>> -> memref<1x80xi32, #tpu.memory_space<vmem>>
    %dma_start3A_51 = tpu.memref_squeeze %dma_start3A_50 : memref<1x80xi32, #tpu.memory_space<vmem>> -> memref<80xi32, #tpu.memory_space<vmem>>
    %dma_start3A_52 = arith.constant 0 : i32
    %dma_start3A_53 = arith.constant 0 : i32
    %dma_start3A_54 = tpu.memref_slice %arg2[%dma_start3A_52, %dma_start3A_53] : memref<10000x80xf32, #tpu.memory_space<hbm>> -> memref<10000x80xf32, #tpu.memory_space<hbm>>
    tpu.enqueue_indirect_dma source(%dma_start3A_54 : memref<10000x80xf32, #tpu.memory_space<hbm>>) target(%arg10 : memref<80x80xf32, #tpu.memory_space<vmem>>) offsets(%dma_start3A_51 : memref<80xi32, #tpu.memory_space<vmem>>) semaphore(%arg18 : memref<!tpu.dma_semaphore, #tpu.memory_space<semaphore_mem>>)
    %add3A_55 = arith.constant 40 : i32
    %add3A_56 = arith.addi %mul3A_27, %add3A_55 : i32
    %dma_start3A_57 = arith.constant 0 : i32
    %dma_start3A_58 = tpu.memref_slice %arg3[%add3A_56, %dma_start3A_57] : memref<51200x128xi32, #tpu.memory_space<hbm>> -> memref<40x128xi32, #tpu.memory_space<hbm>>
    %dma_start3A_59 = arith.constant 0 : i32
    %dma_start3A_60 = tpu.memref_slice %arg3[%add3A_56, %dma_start3A_59] : memref<51200x128xi32, #tpu.memory_space<hbm>> -> memref<40x128xi32, #tpu.memory_space<hbm>>
    tpu.enqueue_dma source(%dma_start3A_60 : memref<40x128xi32, #tpu.memory_space<hbm>>) target(%arg12 : memref<40x128xi32, #tpu.memory_space<vmem>>) target_semaphore(%arg20 : memref<!tpu.dma_semaphore, #tpu.memory_space<semaphore_mem>>)
    %scan3A = arith.constant 0 : i32
    %scan3A_61 = arith.constant 0 : i32
    %scan3A_62 = arith.constant 20 : i32
    %scan3A_63 = arith.addi %scan3A_61, %scan3A_62 : i32
    %scan3A_64 = arith.constant 1 : i32
    scf.for %scan3A_84 = %scan3A_61 to %scan3A_63 step %scan3A_64  : i32 {
      %mul3A_85 = arith.constant 2 : i32
      %mul3A_86 = arith.muli %mul3A_85, %scan3A_84 : i32
      %dma_wait3A_87 = arith.constant 0 : i32
      %dma_wait3A_88 = tpu.memref_slice %arg7[%mul3A_86, %dma_wait3A_87] : memref<40x80xi32, #tpu.memory_space<vmem>> -> memref<1x80xi32, #tpu.memory_space<vmem>>
      %dma_wait3A_89 = tpu.memref_squeeze %dma_wait3A_88 : memref<1x80xi32, #tpu.memory_space<vmem>> -> memref<80xi32, #tpu.memory_space<vmem>>
      %dma_wait3A_90 = arith.constant 0 : i32
      %dma_wait3A_91 = arith.constant 0 : i32
      %dma_wait3A_92 = tpu.memref_slice %arg2[%dma_wait3A_90, %dma_wait3A_91] : memref<10000x80xf32, #tpu.memory_space<hbm>> -> memref<10000x80xf32, #tpu.memory_space<hbm>>
      tpu.wait_indirect_dma semaphore(%arg17 : memref<!tpu.dma_semaphore, #tpu.memory_space<semaphore_mem>>) src(%dma_wait3A_92 : memref<10000x80xf32, #tpu.memory_space<hbm>>) dst(%arg9 : memref<80x80xf32, #tpu.memory_space<vmem>>)
      %mul3A_93 = arith.constant 40 : i32
      %mul3A_94 = arith.muli %mul3A_86, %mul3A_93 : i32
      %add3A_95 = arith.addi %mul3A_27, %mul3A_94 : i32
      %dma_wait3A_96 = arith.constant 0 : i32
      %dma_wait3A_97 = tpu.memref_slice %arg3[%add3A_95, %dma_wait3A_96] : memref<51200x128xi32, #tpu.memory_space<hbm>> -> memref<40x128xi32, #tpu.memory_space<hbm>>
      %dma_wait3A_98 = arith.constant 0 : i32
      %dma_wait3A_99 = tpu.memref_slice %arg3[%add3A_95, %dma_wait3A_98] : memref<51200x128xi32, #tpu.memory_space<hbm>> -> memref<40x128xi32, #tpu.memory_space<hbm>>
      tpu.wait_dma2 semaphore(%arg19 : memref<!tpu.dma_semaphore, #tpu.memory_space<semaphore_mem>>) src(%dma_wait3A_99 : memref<40x128xi32, #tpu.memory_space<hbm>>) dst(%arg11 : memref<40x128xi32, #tpu.memory_space<vmem>>)
      %ge3A = arith.constant 2 : i32
      %ge3A_100 = arith.cmpi sge, %mul3A_86, %ge3A : i32
      %convert_element_type3A = arith.extui %ge3A_100 : i1 to i32
      %cond3A = arith.constant 0 : i32
      %cond3A_101 = arith.cmpi ne, %convert_element_type3A, %cond3A : i32
      scf.if %cond3A_101 {
        %sub3A = arith.constant 2 : i32
        %sub3A_124 = arith.subi %mul3A_86, %sub3A : i32
        %dma_wait3A_125 = arith.constant 0 : i32
        %dma_wait3A_126 = tpu.memref_slice %arg8[%sub3A_124, %dma_wait3A_125] : memref<40x80xi32, #tpu.memory_space<vmem>> -> memref<1x80xi32, #tpu.memory_space<vmem>>
        %dma_wait3A_127 = tpu.memref_squeeze %dma_wait3A_126 : memref<1x80xi32, #tpu.memory_space<vmem>> -> memref<80xi32, #tpu.memory_space<vmem>>
        %dma_wait3A_128 = arith.constant 0 : i32
        %dma_wait3A_129 = arith.constant 0 : i32
        %dma_wait3A_130 = tpu.memref_slice %arg16[%dma_wait3A_128, %dma_wait3A_129] : memref<10240x80xf32, #tpu.memory_space<vmem_shared>> -> memref<10240x80xf32, #tpu.memory_space<vmem_shared>>
        tpu.wait_indirect_dma semaphore(%arg21 : memref<!tpu.dma_semaphore, #tpu.memory_space<semaphore_mem>>) src(%arg13 : memref<80x80xf32, #tpu.memory_space<vmem>>) dst(%dma_wait3A_130 : memref<10240x80xf32, #tpu.memory_space<vmem_shared>>)
      } else {
      }
      %parallel_loop3A_102 = arith.constant 0 : i32
      %parallel_loop3A_103 = arith.constant 40 : i32
      %parallel_loop3A_104 = arith.constant 1 : i32
      scf.for %parallel_loop3A_124 = %parallel_loop3A_102 to %parallel_loop3A_103 step %parallel_loop3A_104  : i32 {
        %parallel_loop3A_125 = arith.index_cast %parallel_loop3A_124 : i32 to index
        %parallel_loop3A_126 = arith.constant 0 : index
        %parallel_loop3A_127 = tpu.vector_load %arg11[%parallel_loop3A_125, %parallel_loop3A_126] {strides = array<i32>} : memref<40x128xi32, #tpu.memory_space<vmem>>, vector<16xi32>,
        %parallel_loop3A_128 = vector.bitcast %parallel_loop3A_127 : vector<16xi32> to vector<32xbf16>
        %parallel_loop3A_129 = tpu.unpack_subelements %parallel_loop3A_128, 0 {pack_format = #tpu.pack_format<interleaved>} : vector<32xbf16> -> vector<16xf32>
        %parallel_loop3A_130 = tpu.unpack_subelements %parallel_loop3A_128, 1 {pack_format = #tpu.pack_format<interleaved>} : vector<32xbf16> -> vector<16xf32>
        %parallel_loop3A_131 = arith.index_cast %parallel_loop3A_124 : i32 to index
        %parallel_loop3A_132 = arith.constant 0 : index
        %parallel_loop3A_133 = tpu.vector_load %arg9[%parallel_loop3A_131, %parallel_loop3A_132] {strides = array<i32>} : memref<80x80xf32, #tpu.memory_space<vmem>>, vector<16xf32>,
        %parallel_loop3A_134 = arith.addf %parallel_loop3A_133, %parallel_loop3A_129 : vector<16xf32>
        %parallel_loop3A_135 = arith.constant 40 : i32
        %parallel_loop3A_136 = arith.addi %parallel_loop3A_135, %parallel_loop3A_124 : i32
        %parallel_loop3A_137 = arith.index_cast %parallel_loop3A_136 : i32 to index
        %parallel_loop3A_138 = arith.constant 0 : index
        %parallel_loop3A_139 = tpu.vector_load %arg9[%parallel_loop3A_137, %parallel_loop3A_138] {strides = array<i32>} : memref<80x80xf32, #tpu.memory_space<vmem>>, vector<16xf32>,
        %parallel_loop3A_140 = arith.addf %parallel_loop3A_139, %parallel_loop3A_130 : vector<16xf32>
        %parallel_loop3A_141 = arith.constant 0.000000e+00 : f32
        %parallel_loop3A_142 = vector.broadcast %parallel_loop3A_141 : f32 to vector<16xf32>
        %parallel_loop3A_143 = arith.cmpf oge, %parallel_loop3A_134, %parallel_loop3A_142 : vector<16xf32>
        %parallel_loop3A_144 = arith.constant 0.00999999977 : f32
        %parallel_loop3A_145 = vector.broadcast %parallel_loop3A_144 : f32 to vector<16xf32>
        %parallel_loop3A_146 = arith.mulf %parallel_loop3A_145, %parallel_loop3A_134 : vector<16xf32>
        %parallel_loop3A_147 = arith.select %parallel_loop3A_143, %parallel_loop3A_134, %parallel_loop3A_146 : vector<16xi1>, vector<16xf32>
        %parallel_loop3A_148 = arith.index_cast %parallel_loop3A_124 : i32 to index
        %parallel_loop3A_149 = arith.constant 0 : index
        %parallel_loop3A_150 = tpu.vector_load %arg13[%parallel_loop3A_148, %parallel_loop3A_149] {strides = array<i32>} : memref<80x80xf32, #tpu.memory_space<vmem>>, vector<16xf32>,
        tpu.vector_store %arg13[%parallel_loop3A_148, %parallel_loop3A_149], %parallel_loop3A_147 {strides = array<i32>} : memref<80x80xf32, #tpu.memory_space<vmem>>, vector<16xf32>,
        %parallel_loop3A_151 = arith.constant 0.000000e+00 : f32
        %parallel_loop3A_152 = vector.broadcast %parallel_loop3A_151 : f32 to vector<16xf32>
        %parallel_loop3A_153 = arith.cmpf oge, %parallel_loop3A_140, %parallel_loop3A_152 : vector<16xf32>
        %parallel_loop3A_154 = arith.constant 0.00999999977 : f32
        %parallel_loop3A_155 = vector.broadcast %parallel_loop3A_154 : f32 to vector<16xf32>
        %parallel_loop3A_156 = arith.mulf %parallel_loop3A_155, %parallel_loop3A_140 : vector<16xf32>
        %parallel_loop3A_157 = arith.select %parallel_loop3A_153, %parallel_loop3A_140, %parallel_loop3A_156 : vector<16xi1>, vector<16xf32>
        %parallel_loop3A_158 = arith.constant 40 : i32
        %parallel_loop3A_159 = arith.addi %parallel_loop3A_158, %parallel_loop3A_124 : i32
        %parallel_loop3A_160 = arith.index_cast %parallel_loop3A_159 : i32 to index
        %parallel_loop3A_161 = arith.constant 0 : index
        %parallel_loop3A_162 = tpu.vector_load %arg13[%parallel_loop3A_160, %parallel_loop3A_161] {strides = array<i32>} : memref<80x80xf32, #tpu.memory_space<vmem>>, vector<16xf32>,
        tpu.vector_store %arg13[%parallel_loop3A_160, %parallel_loop3A_161], %parallel_loop3A_157 {strides = array<i32>} : memref<80x80xf32, #tpu.memory_space<vmem>>, vector<16xf32>,
        %parallel_loop3A_163 = arith.index_cast %parallel_loop3A_124 : i32 to index
        %parallel_loop3A_164 = arith.constant 16 : index
        %parallel_loop3A_165 = tpu.vector_load %arg11[%parallel_loop3A_163, %parallel_loop3A_164] {strides = array<i32>} : memref<40x128xi32, #tpu.memory_space<vmem>>, vector<16xi32>,
        %parallel_loop3A_166 = vector.bitcast %parallel_loop3A_165 : vector<16xi32> to vector<32xbf16>
        %parallel_loop3A_167 = tpu.unpack_subelements %parallel_loop3A_166, 0 {pack_format = #tpu.pack_format<interleaved>} : vector<32xbf16> -> vector<16xf32>
        %parallel_loop3A_168 = tpu.unpack_subelements %parallel_loop3A_166, 1 {pack_format = #tpu.pack_format<interleaved>} : vector<32xbf16> -> vector<16xf32>
        %parallel_loop3A_169 = arith.index_cast %parallel_loop3A_124 : i32 to index
        %parallel_loop3A_170 = arith.constant 16 : index
        %parallel_loop3A_171 = tpu.vector_load %arg9[%parallel_loop3A_169, %parallel_loop3A_170] {strides = array<i32>} : memref<80x80xf32, #tpu.memory_space<vmem>>, vector<16xf32>,
        %parallel_loop3A_172 = arith.addf %parallel_loop3A_171, %parallel_loop3A_167 : vector<16xf32>
        %parallel_loop3A_173 = arith.constant 40 : i32
        %parallel_loop3A_174 = arith.addi %parallel_loop3A_173, %parallel_loop3A_124 : i32
        %parallel_loop3A_175 = arith.index_cast %parallel_loop3A_174 : i32 to index
        %parallel_loop3A_176 = arith.constant 16 : index
        %parallel_loop3A_177 = tpu.vector_load %arg9[%parallel_loop3A_175, %parallel_loop3A_176] {strides = array<i32>} : memref<80x80xf32, #tpu.memory_space<vmem>>, vector<16xf32>,
        %parallel_loop3A_178 = arith.addf %parallel_loop3A_177, %parallel_loop3A_168 : vector<16xf32>
        %parallel_loop3A_179 = arith.constant 0.000000e+00 : f32
        %parallel_loop3A_180 = vector.broadcast %parallel_loop3A_179 : f32 to vector<16xf32>
        %parallel_loop3A_181 = arith.cmpf oge, %parallel_loop3A_172, %parallel_loop3A_180 : vector<16xf32>
        %parallel_loop3A_182 = arith.constant 0.00999999977 : f32
        %parallel_loop3A_183 = vector.broadcast %parallel_loop3A_182 : f32 to vector<16xf32>
        %parallel_loop3A_184 = arith.mulf %parallel_loop3A_183, %parallel_loop3A_172 : vector<16xf32>
        %parallel_loop3A_185 = arith.select %parallel_loop3A_181, %parallel_loop3A_172, %parallel_loop3A_184 : vector<16xi1>, vector<16xf32>
        %parallel_loop3A_186 = arith.index_cast %parallel_loop3A_124 : i32 to index
        %parallel_loop3A_187 = arith.constant 16 : index
        %parallel_loop3A_188 = tpu.vector_load %arg13[%parallel_loop3A_186, %parallel_loop3A_187] {strides = array<i32>} : memref<80x80xf32, #tpu.memory_space<vmem>>, vector<16xf32>,
        tpu.vector_store %arg13[%parallel_loop3A_186, %parallel_loop3A_187], %parallel_loop3A_185 {strides = array<i32>} : memref<80x80xf32, #tpu.memory_space<vmem>>, vector<16xf32>,
        %parallel_loop3A_189 = arith.constant 0.000000e+00 : f32
        %parallel_loop3A_190 = vector.broadcast %parallel_loop3A_189 : f32 to vector<16xf32>
        %parallel_loop3A_191 = arith.cmpf oge, %parallel_loop3A_178, %parallel_loop3A_190 : vector<16xf32>
        %parallel_loop3A_192 = arith.constant 0.00999999977 : f32
        %parallel_loop3A_193 = vector.broadcast %parallel_loop3A_192 : f32 to vector<16xf32>
        %parallel_loop3A_194 = arith.mulf %parallel_loop3A_193, %parallel_loop3A_178 : vector<16xf32>
        %parallel_loop3A_195 = arith.select %parallel_loop3A_191, %parallel_loop3A_178, %parallel_loop3A_194 : vector<16xi1>, vector<16xf32>
        %parallel_loop3A_196 = arith.constant 40 : i32
        %parallel_loop3A_197 = arith.addi %parallel_loop3A_196, %parallel_loop3A_124 : i32
        %parallel_loop3A_198 = arith.index_cast %parallel_loop3A_197 : i32 to index
        %parallel_loop3A_199 = arith.constant 16 : index
        %parallel_loop3A_200 = tpu.vector_load %arg13[%parallel_loop3A_198, %parallel_loop3A_199] {strides = array<i32>} : memref<80x80xf32, #tpu.memory_space<vmem>>, vector<16xf32>,
        tpu.vector_store %arg13[%parallel_loop3A_198, %parallel_loop3A_199], %parallel_loop3A_195 {strides = array<i32>} : memref<80x80xf32, #tpu.memory_space<vmem>>, vector<16xf32>,
        %parallel_loop3A_201 = arith.index_cast %parallel_loop3A_124 : i32 to index
        %parallel_loop3A_202 = arith.constant 32 : index
        %parallel_loop3A_203 = tpu.vector_load %arg11[%parallel_loop3A_201, %parallel_loop3A_202] {strides = array<i32>} : memref<40x128xi32, #tpu.memory_space<vmem>>, vector<16xi32>,
        %parallel_loop3A_204 = vector.bitcast %parallel_loop3A_203 : vector<16xi32> to vector<32xbf16>
        %parallel_loop3A_205 = tpu.unpack_subelements %parallel_loop3A_204, 0 {pack_format = #tpu.pack_format<interleaved>} : vector<32xbf16> -> vector<16xf32>
        %parallel_loop3A_206 = tpu.unpack_subelements %parallel_loop3A_204, 1 {pack_format = #tpu.pack_format<interleaved>} : vector<32xbf16> -> vector<16xf32>
        %parallel_loop3A_207 = arith.index_cast %parallel_loop3A_124 : i32 to index
        %parallel_loop3A_208 = arith.constant 32 : index
        %parallel_loop3A_209 = tpu.vector_load %arg9[%parallel_loop3A_207, %parallel_loop3A_208] {strides = array<i32>} : memref<80x80xf32, #tpu.memory_space<vmem>>, vector<16xf32>,
        %parallel_loop3A_210 = arith.addf %parallel_loop3A_209, %parallel_loop3A_205 : vector<16xf32>
        %parallel_loop3A_211 = arith.constant 40 : i32
        %parallel_loop3A_212 = arith.addi %parallel_loop3A_211, %parallel_loop3A_124 : i32
        %parallel_loop3A_213 = arith.index_cast %parallel_loop3A_212 : i32 to index
        %parallel_loop3A_214 = arith.constant 32 : index
        %parallel_loop3A_215 = tpu.vector_load %arg9[%parallel_loop3A_213, %parallel_loop3A_214] {strides = array<i32>} : memref<80x80xf32, #tpu.memory_space<vmem>>, vector<16xf32>,
        %parallel_loop3A_216 = arith.addf %parallel_loop3A_215, %parallel_loop3A_206 : vector<16xf32>
        %parallel_loop3A_217 = arith.constant 0.000000e+00 : f32
        %parallel_loop3A_218 = vector.broadcast %parallel_loop3A_217 : f32 to vector<16xf32>
        %parallel_loop3A_219 = arith.cmpf oge, %parallel_loop3A_210, %parallel_loop3A_218 : vector<16xf32>
        %parallel_loop3A_220 = arith.constant 0.00999999977 : f32
        %parallel_loop3A_221 = vector.broadcast %parallel_loop3A_220 : f32 to vector<16xf32>
        %parallel_loop3A_222 = arith.mulf %parallel_loop3A_221, %parallel_loop3A_210 : vector<16xf32>
        %parallel_loop3A_223 = arith.select %parallel_loop3A_219, %parallel_loop3A_210, %parallel_loop3A_222 : vector<16xi1>, vector<16xf32>
        %parallel_loop3A_224 = arith.index_cast %parallel_loop3A_124 : i32 to index
        %parallel_loop3A_225 = arith.constant 32 : index
        %parallel_loop3A_226 = tpu.vector_load %arg13[%parallel_loop3A_224, %parallel_loop3A_225] {strides = array<i32>} : memref<80x80xf32, #tpu.memory_space<vmem>>, vector<16xf32>,
        tpu.vector_store %arg13[%parallel_loop3A_224, %parallel_loop3A_225], %parallel_loop3A_223 {strides = array<i32>} : memref<80x80xf32, #tpu.memory_space<vmem>>, vector<16xf32>,
        %parallel_loop3A_227 = arith.constant 0.000000e+00 : f32
        %parallel_loop3A_228 = vector.broadcast %parallel_loop3A_227 : f32 to vector<16xf32>
        %parallel_loop3A_229 = arith.cmpf oge, %parallel_loop3A_216, %parallel_loop3A_228 : vector<16xf32>
        %parallel_loop3A_230 = arith.constant 0.00999999977 : f32
        %parallel_loop3A_231 = vector.broadcast %parallel_loop3A_230 : f32 to vector<16xf32>
        %parallel_loop3A_232 = arith.mulf %parallel_loop3A_231, %parallel_loop3A_216 : vector<16xf32>
        %parallel_loop3A_233 = arith.select %parallel_loop3A_229, %parallel_loop3A_216, %parallel_loop3A_232 : vector<16xi1>, vector<16xf32>
        %parallel_loop3A_234 = arith.constant 40 : i32
        %parallel_loop3A_235 = arith.addi %parallel_loop3A_234, %parallel_loop3A_124 : i32
        %parallel_loop3A_236 = arith.index_cast %parallel_loop3A_235 : i32 to index
        %parallel_loop3A_237 = arith.constant 32 : index
        %parallel_loop3A_238 = tpu.vector_load %arg13[%parallel_loop3A_236, %parallel_loop3A_237] {strides = array<i32>} : memref<80x80xf32, #tpu.memory_space<vmem>>, vector<16xf32>,
        tpu.vector_store %arg13[%parallel_loop3A_236, %parallel_loop3A_237], %parallel_loop3A_233 {strides = array<i32>} : memref<80x80xf32, #tpu.memory_space<vmem>>, vector<16xf32>,
        %parallel_loop3A_239 = arith.index_cast %parallel_loop3A_124 : i32 to index
        %parallel_loop3A_240 = arith.constant 48 : index
        %parallel_loop3A_241 = tpu.vector_load %arg11[%parallel_loop3A_239, %parallel_loop3A_240] {strides = array<i32>} : memref<40x128xi32, #tpu.memory_space<vmem>>, vector<16xi32>,
        %parallel_loop3A_242 = vector.bitcast %parallel_loop3A_241 : vector<16xi32> to vector<32xbf16>
        %parallel_loop3A_243 = tpu.unpack_subelements %parallel_loop3A_242, 0 {pack_format = #tpu.pack_format<interleaved>} : vector<32xbf16> -> vector<16xf32>
        %parallel_loop3A_244 = tpu.unpack_subelements %parallel_loop3A_242, 1 {pack_format = #tpu.pack_format<interleaved>} : vector<32xbf16> -> vector<16xf32>
        %parallel_loop3A_245 = arith.index_cast %parallel_loop3A_124 : i32 to index
        %parallel_loop3A_246 = arith.constant 48 : index
        %parallel_loop3A_247 = tpu.vector_load %arg9[%parallel_loop3A_245, %parallel_loop3A_246] {strides = array<i32>} : memref<80x80xf32, #tpu.memory_space<vmem>>, vector<16xf32>,
        %parallel_loop3A_248 = arith.addf %parallel_loop3A_247, %parallel_loop3A_243 : vector<16xf32>
        %parallel_loop3A_249 = arith.constant 40 : i32
        %parallel_loop3A_250 = arith.addi %parallel_loop3A_249, %parallel_loop3A_124 : i32
        %parallel_loop3A_251 = arith.index_cast %parallel_loop3A_250 : i32 to index
        %parallel_loop3A_252 = arith.constant 48 : index
        %parallel_loop3A_253 = tpu.vector_load %arg9[%parallel_loop3A_251, %parallel_loop3A_252] {strides = array<i32>} : memref<80x80xf32, #tpu.memory_space<vmem>>, vector<16xf32>,
        %parallel_loop3A_254 = arith.addf %parallel_loop3A_253, %parallel_loop3A_244 : vector<16xf32>
        %parallel_loop3A_255 = arith.constant 0.000000e+00 : f32
        %parallel_loop3A_256 = vector.broadcast %parallel_loop3A_255 : f32 to vector<16xf32>
        %parallel_loop3A_257 = arith.cmpf oge, %parallel_loop3A_248, %parallel_loop3A_256 : vector<16xf32>
        %parallel_loop3A_258 = arith.constant 0.00999999977 : f32
        %parallel_loop3A_259 = vector.broadcast %parallel_loop3A_258 : f32 to vector<16xf32>
        %parallel_loop3A_260 = arith.mulf %parallel_loop3A_259, %parallel_loop3A_248 : vector<16xf32>
        %parallel_loop3A_261 = arith.select %parallel_loop3A_257, %parallel_loop3A_248, %parallel_loop3A_260 : vector<16xi1>, vector<16xf32>
        %parallel_loop3A_262 = arith.index_cast %parallel_loop3A_124 : i32 to index
        %parallel_loop3A_263 = arith.constant 48 : index
        %parallel_loop3A_264 = tpu.vector_load %arg13[%parallel_loop3A_262, %parallel_loop3A_263] {strides = array<i32>} : memref<80x80xf32, #tpu.memory_space<vmem>>, vector<16xf32>,
        tpu.vector_store %arg13[%parallel_loop3A_262, %parallel_loop3A_263], %parallel_loop3A_261 {strides = array<i32>} : memref<80x80xf32, #tpu.memory_space<vmem>>, vector<16xf32>,
        %parallel_loop3A_265 = arith.constant 0.000000e+00 : f32
        %parallel_loop3A_266 = vector.broadcast %parallel_loop3A_265 : f32 to vector<16xf32>
        %parallel_loop3A_267 = arith.cmpf oge, %parallel_loop3A_254, %parallel_loop3A_266 : vector<16xf32>
        %parallel_loop3A_268 = arith.constant 0.00999999977 : f32
        %parallel_loop3A_269 = vector.broadcast %parallel_loop3A_268 : f32 to vector<16xf32>
        %parallel_loop3A_270 = arith.mulf %parallel_loop3A_269, %parallel_loop3A_254 : vector<16xf32>
        %parallel_loop3A_271 = arith.select %parallel_loop3A_267, %parallel_loop3A_254, %parallel_loop3A_270 : vector<16xi1>, vector<16xf32>
        %parallel_loop3A_272 = arith.constant 40 : i32
        %parallel_loop3A_273 = arith.addi %parallel_loop3A_272, %parallel_loop3A_124 : i32
        %parallel_loop3A_274 = arith.index_cast %parallel_loop3A_273 : i32 to index
        %parallel_loop3A_275 = arith.constant 48 : index
        %parallel_loop3A_276 = tpu.vector_load %arg13[%parallel_loop3A_274, %parallel_loop3A_275] {strides = array<i32>} : memref<80x80xf32, #tpu.memory_space<vmem>>, vector<16xf32>,
        tpu.vector_store %arg13[%parallel_loop3A_274, %parallel_loop3A_275], %parallel_loop3A_271 {strides = array<i32>} : memref<80x80xf32, #tpu.memory_space<vmem>>, vector<16xf32>,
        %parallel_loop3A_277 = arith.index_cast %parallel_loop3A_124 : i32 to index
        %parallel_loop3A_278 = arith.constant 64 : index
        %parallel_loop3A_279 = tpu.vector_load %arg11[%parallel_loop3A_277, %parallel_loop3A_278] {strides = array<i32>} : memref<40x128xi32, #tpu.memory_space<vmem>>, vector<16xi32>,
        %parallel_loop3A_280 = vector.bitcast %parallel_loop3A_279 : vector<16xi32> to vector<32xbf16>
        %parallel_loop3A_281 = tpu.unpack_subelements %parallel_loop3A_280, 0 {pack_format = #tpu.pack_format<interleaved>} : vector<32xbf16> -> vector<16xf32>
        %parallel_loop3A_282 = tpu.unpack_subelements %parallel_loop3A_280, 1 {pack_format = #tpu.pack_format<interleaved>} : vector<32xbf16> -> vector<16xf32>
        %parallel_loop3A_283 = arith.index_cast %parallel_loop3A_124 : i32 to index
        %parallel_loop3A_284 = arith.constant 64 : index
        %parallel_loop3A_285 = tpu.vector_load %arg9[%parallel_loop3A_283, %parallel_loop3A_284] {strides = array<i32>} : memref<80x80xf32, #tpu.memory_space<vmem>>, vector<16xf32>,
        %parallel_loop3A_286 = arith.addf %parallel_loop3A_285, %parallel_loop3A_281 : vector<16xf32>
        %parallel_loop3A_287 = arith.constant 40 : i32
        %parallel_loop3A_288 = arith.addi %parallel_loop3A_287, %parallel_loop3A_124 : i32
        %parallel_loop3A_289 = arith.index_cast %parallel_loop3A_288 : i32 to index
        %parallel_loop3A_290 = arith.constant 64 : index
        %parallel_loop3A_291 = tpu.vector_load %arg9[%parallel_loop3A_289, %parallel_loop3A_290] {strides = array<i32>} : memref<80x80xf32, #tpu.memory_space<vmem>>, vector<16xf32>,
        %parallel_loop3A_292 = arith.addf %parallel_loop3A_291, %parallel_loop3A_282 : vector<16xf32>
        %parallel_loop3A_293 = arith.constant 0.000000e+00 : f32
        %parallel_loop3A_294 = vector.broadcast %parallel_loop3A_293 : f32 to vector<16xf32>
        %parallel_loop3A_295 = arith.cmpf oge, %parallel_loop3A_286, %parallel_loop3A_294 : vector<16xf32>
        %parallel_loop3A_296 = arith.constant 0.00999999977 : f32
        %parallel_loop3A_297 = vector.broadcast %parallel_loop3A_296 : f32 to vector<16xf32>
        %parallel_loop3A_298 = arith.mulf %parallel_loop3A_297, %parallel_loop3A_286 : vector<16xf32>
        %parallel_loop3A_299 = arith.select %parallel_loop3A_295, %parallel_loop3A_286, %parallel_loop3A_298 : vector<16xi1>, vector<16xf32>
        %parallel_loop3A_300 = arith.index_cast %parallel_loop3A_124 : i32 to index
        %parallel_loop3A_301 = arith.constant 64 : index
        %parallel_loop3A_302 = tpu.vector_load %arg13[%parallel_loop3A_300, %parallel_loop3A_301] {strides = array<i32>} : memref<80x80xf32, #tpu.memory_space<vmem>>, vector<16xf32>,
        tpu.vector_store %arg13[%parallel_loop3A_300, %parallel_loop3A_301], %parallel_loop3A_299 {strides = array<i32>} : memref<80x80xf32, #tpu.memory_space<vmem>>, vector<16xf32>,
        %parallel_loop3A_303 = arith.constant 0.000000e+00 : f32
        %parallel_loop3A_304 = vector.broadcast %parallel_loop3A_303 : f32 to vector<16xf32>
        %parallel_loop3A_305 = arith.cmpf oge, %parallel_loop3A_292, %parallel_loop3A_304 : vector<16xf32>
        %parallel_loop3A_306 = arith.constant 0.00999999977 : f32
        %parallel_loop3A_307 = vector.broadcast %parallel_loop3A_306 : f32 to vector<16xf32>
        %parallel_loop3A_308 = arith.mulf %parallel_loop3A_307, %parallel_loop3A_292 : vector<16xf32>
        %parallel_loop3A_309 = arith.select %parallel_loop3A_305, %parallel_loop3A_292, %parallel_loop3A_308 : vector<16xi1>, vector<16xf32>
        %parallel_loop3A_310 = arith.constant 40 : i32
        %parallel_loop3A_311 = arith.addi %parallel_loop3A_310, %parallel_loop3A_124 : i32
        %parallel_loop3A_312 = arith.index_cast %parallel_loop3A_311 : i32 to index
        %parallel_loop3A_313 = arith.constant 64 : index
        %parallel_loop3A_314 = tpu.vector_load %arg13[%parallel_loop3A_312, %parallel_loop3A_313] {strides = array<i32>} : memref<80x80xf32, #tpu.memory_space<vmem>>, vector<16xf32>,
        tpu.vector_store %arg13[%parallel_loop3A_312, %parallel_loop3A_313], %parallel_loop3A_309 {strides = array<i32>} : memref<80x80xf32, #tpu.memory_space<vmem>>, vector<16xf32>,
      } {sc.loop_unroll_factor = 2 : i64, sc.parallel_access}
      %dma_start3A_105 = arith.constant 0 : i32
      %dma_start3A_106 = tpu.memref_slice %arg8[%mul3A_86, %dma_start3A_105] : memref<40x80xi32, #tpu.memory_space<vmem>> -> memref<1x80xi32, #tpu.memory_space<vmem>>
      %dma_start3A_107 = tpu.memref_squeeze %dma_start3A_106 : memref<1x80xi32, #tpu.memory_space<vmem>> -> memref<80xi32, #tpu.memory_space<vmem>>
      %dma_start3A_108 = arith.constant 0 : i32
      %dma_start3A_109 = arith.constant 0 : i32
      %dma_start3A_110 = tpu.memref_slice %arg16[%dma_start3A_108, %dma_start3A_109] : memref<10240x80xf32, #tpu.memory_space<vmem_shared>> -> memref<10240x80xf32, #tpu.memory_space<vmem_shared>>
      tpu.enqueue_indirect_dma source(%arg13 : memref<80x80xf32, #tpu.memory_space<vmem>>) target(%dma_start3A_110 : memref<10240x80xf32, #tpu.memory_space<vmem_shared>>) offsets(%dma_start3A_107 : memref<80xi32, #tpu.memory_space<vmem>>) semaphore(%arg21 : memref<!tpu.dma_semaphore, #tpu.memory_space<semaphore_mem>>) {add = true}
      %add3A_111 = arith.constant 2 : i32
      %add3A_112 = arith.addi %mul3A_86, %add3A_111 : i32
      %lt3A = arith.constant 40 : i32
      %lt3A_113 = arith.cmpi slt, %add3A_112, %lt3A : i32
      %convert_element_type3A_114 = arith.extui %lt3A_113 : i1 to i32
      %cond3A_115 = arith.constant 0 : i32
      %cond3A_116 = arith.cmpi ne, %convert_element_type3A_114, %cond3A_115 : i32
      scf.if %cond3A_116 {
        %add3A_124 = arith.constant 2 : i32
        %add3A_125 = arith.addi %mul3A_86, %add3A_124 : i32
        %dma_start3A_126 = arith.constant 0 : i32
        %dma_start3A_127 = tpu.memref_slice %arg7[%add3A_125, %dma_start3A_126] : memref<40x80xi32, #tpu.memory_space<vmem>> -> memref<1x80xi32, #tpu.memory_space<vmem>>
        %dma_start3A_128 = tpu.memref_squeeze %dma_start3A_127 : memref<1x80xi32, #tpu.memory_space<vmem>> -> memref<80xi32, #tpu.memory_space<vmem>>
        %dma_start3A_129 = arith.constant 0 : i32
        %dma_start3A_130 = arith.constant 0 : i32
        %dma_start3A_131 = tpu.memref_slice %arg2[%dma_start3A_129, %dma_start3A_130] : memref<10000x80xf32, #tpu.memory_space<hbm>> -> memref<10000x80xf32, #tpu.memory_space<hbm>>
        tpu.enqueue_indirect_dma source(%dma_start3A_131 : memref<10000x80xf32, #tpu.memory_space<hbm>>) target(%arg9 : memref<80x80xf32, #tpu.memory_space<vmem>>) offsets(%dma_start3A_128 : memref<80xi32, #tpu.memory_space<vmem>>) semaphore(%arg17 : memref<!tpu.dma_semaphore, #tpu.memory_space<semaphore_mem>>)
        %mul3A_132 = arith.constant 40 : i32
        %mul3A_133 = arith.muli %add3A_125, %mul3A_132 : i32
        %add3A_134 = arith.addi %mul3A_27, %mul3A_133 : i32
        %dma_start3A_135 = arith.constant 0 : i32
        %dma_start3A_136 = tpu.memref_slice %arg3[%add3A_134, %dma_start3A_135] : memref<51200x128xi32, #tpu.memory_space<hbm>> -> memref<40x128xi32, #tpu.memory_space<hbm>>
        %dma_start3A_137 = arith.constant 0 : i32
        %dma_start3A_138 = tpu.memref_slice %arg3[%add3A_134, %dma_start3A_137] : memref<51200x128xi32, #tpu.memory_space<hbm>> -> memref<40x128xi32, #tpu.memory_space<hbm>>
        tpu.enqueue_dma source(%dma_start3A_138 : memref<40x128xi32, #tpu.memory_space<hbm>>) target(%arg11 : memref<40x128xi32, #tpu.memory_space<vmem>>) target_semaphore(%arg19 : memref<!tpu.dma_semaphore, #tpu.memory_space<semaphore_mem>>)
      } else {
      }
      %add3A_117 = arith.constant 1 : i32
      %add3A_118 = arith.addi %mul3A_86, %add3A_117 : i32
      %lt3A_119 = arith.constant 40 : i32
      %lt3A_120 = arith.cmpi slt, %add3A_118, %lt3A_119 : i32
      %convert_element_type3A_121 = arith.extui %lt3A_120 : i1 to i32
      %cond3A_122 = arith.constant 0 : i32
      %cond3A_123 = arith.cmpi ne, %convert_element_type3A_121, %cond3A_122 : i32
      scf.if %cond3A_123 {
        %add3A_124 = arith.constant 1 : i32
        %add3A_125 = arith.addi %mul3A_86, %add3A_124 : i32
        %dma_wait3A_126 = arith.constant 0 : i32
        %dma_wait3A_127 = tpu.memref_slice %arg7[%add3A_125, %dma_wait3A_126] : memref<40x80xi32, #tpu.memory_space<vmem>> -> memref<1x80xi32, #tpu.memory_space<vmem>>
        %dma_wait3A_128 = tpu.memref_squeeze %dma_wait3A_127 : memref<1x80xi32, #tpu.memory_space<vmem>> -> memref<80xi32, #tpu.memory_space<vmem>>
        %dma_wait3A_129 = arith.constant 0 : i32
        %dma_wait3A_130 = arith.constant 0 : i32
        %dma_wait3A_131 = tpu.memref_slice %arg2[%dma_wait3A_129, %dma_wait3A_130] : memref<10000x80xf32, #tpu.memory_space<hbm>> -> memref<10000x80xf32, #tpu.memory_space<hbm>>
        tpu.wait_indirect_dma semaphore(%arg18 : memref<!tpu.dma_semaphore, #tpu.memory_space<semaphore_mem>>) src(%dma_wait3A_131 : memref<10000x80xf32, #tpu.memory_space<hbm>>) dst(%arg10 : memref<80x80xf32, #tpu.memory_space<vmem>>)
        %mul3A_132 = arith.constant 40 : i32
        %mul3A_133 = arith.muli %add3A_125, %mul3A_132 : i32
        %add3A_134 = arith.addi %mul3A_27, %mul3A_133 : i32
        %dma_wait3A_135 = arith.constant 0 : i32
        %dma_wait3A_136 = tpu.memref_slice %arg3[%add3A_134, %dma_wait3A_135] : memref<51200x128xi32, #tpu.memory_space<hbm>> -> memref<40x128xi32, #tpu.memory_space<hbm>>
        %dma_wait3A_137 = arith.constant 0 : i32
        %dma_wait3A_138 = tpu.memref_slice %arg3[%add3A_134, %dma_wait3A_137] : memref<51200x128xi32, #tpu.memory_space<hbm>> -> memref<40x128xi32, #tpu.memory_space<hbm>>
        tpu.wait_dma2 semaphore(%arg20 : memref<!tpu.dma_semaphore, #tpu.memory_space<semaphore_mem>>) src(%dma_wait3A_138 : memref<40x128xi32, #tpu.memory_space<hbm>>) dst(%arg12 : memref<40x128xi32, #tpu.memory_space<vmem>>)
        %ge3A_139 = arith.constant 2 : i32
        %ge3A_140 = arith.cmpi sge, %add3A_125, %ge3A_139 : i32
        %convert_element_type3A_141 = arith.extui %ge3A_140 : i1 to i32
        %cond3A_142 = arith.constant 0 : i32
        %cond3A_143 = arith.cmpi ne, %convert_element_type3A_141, %cond3A_142 : i32
        scf.if %cond3A_143 {
          %sub3A = arith.constant 2 : i32
          %sub3A_160 = arith.subi %add3A_125, %sub3A : i32
          %dma_wait3A_161 = arith.constant 0 : i32
          %dma_wait3A_162 = tpu.memref_slice %arg8[%sub3A_160, %dma_wait3A_161] : memref<40x80xi32, #tpu.memory_space<vmem>> -> memref<1x80xi32, #tpu.memory_space<vmem>>
          %dma_wait3A_163 = tpu.memref_squeeze %dma_wait3A_162 : memref<1x80xi32, #tpu.memory_space<vmem>> -> memref<80xi32, #tpu.memory_space<vmem>>
          %dma_wait3A_164 = arith.constant 0 : i32
          %dma_wait3A_165 = arith.constant 0 : i32
          %dma_wait3A_166 = tpu.memref_slice %arg16[%dma_wait3A_164, %dma_wait3A_165] : memref<10240x80xf32, #tpu.memory_space<vmem_shared>> -> memref<10240x80xf32, #tpu.memory_space<vmem_shared>>
          tpu.wait_indirect_dma semaphore(%arg22 : memref<!tpu.dma_semaphore, #tpu.memory_space<semaphore_mem>>) src(%arg14 : memref<80x80xf32, #tpu.memory_space<vmem>>) dst(%dma_wait3A_166 : memref<10240x80xf32, #tpu.memory_space<vmem_shared>>)
        } else {
        }
        %parallel_loop3A_144 = arith.constant 0 : i32
        %parallel_loop3A_145 = arith.constant 40 : i32
        %parallel_loop3A_146 = arith.constant 1 : i32
        scf.for %parallel_loop3A_160 = %parallel_loop3A_144 to %parallel_loop3A_145 step %parallel_loop3A_146  : i32 {
          %parallel_loop3A_161 = arith.index_cast %parallel_loop3A_160 : i32 to index
          %parallel_loop3A_162 = arith.constant 0 : index
          %parallel_loop3A_163 = tpu.vector_load %arg12[%parallel_loop3A_161, %parallel_loop3A_162] {strides = array<i32>} : memref<40x128xi32, #tpu.memory_space<vmem>>, vector<16xi32>,
          %parallel_loop3A_164 = vector.bitcast %parallel_loop3A_163 : vector<16xi32> to vector<32xbf16>
          %parallel_loop3A_165 = tpu.unpack_subelements %parallel_loop3A_164, 0 {pack_format = #tpu.pack_format<interleaved>} : vector<32xbf16> -> vector<16xf32>
          %parallel_loop3A_166 = tpu.unpack_subelements %parallel_loop3A_164, 1 {pack_format = #tpu.pack_format<interleaved>} : vector<32xbf16> -> vector<16xf32>
          %parallel_loop3A_167 = arith.index_cast %parallel_loop3A_160 : i32 to index
          %parallel_loop3A_168 = arith.constant 0 : index
          %parallel_loop3A_169 = tpu.vector_load %arg10[%parallel_loop3A_167, %parallel_loop3A_168] {strides = array<i32>} : memref<80x80xf32, #tpu.memory_space<vmem>>, vector<16xf32>,
          %parallel_loop3A_170 = arith.addf %parallel_loop3A_169, %parallel_loop3A_165 : vector<16xf32>
          %parallel_loop3A_171 = arith.constant 40 : i32
          %parallel_loop3A_172 = arith.addi %parallel_loop3A_171, %parallel_loop3A_160 : i32
          %parallel_loop3A_173 = arith.index_cast %parallel_loop3A_172 : i32 to index
          %parallel_loop3A_174 = arith.constant 0 : index
          %parallel_loop3A_175 = tpu.vector_load %arg10[%parallel_loop3A_173, %parallel_loop3A_174] {strides = array<i32>} : memref<80x80xf32, #tpu.memory_space<vmem>>, vector<16xf32>,
          %parallel_loop3A_176 = arith.addf %parallel_loop3A_175, %parallel_loop3A_166 : vector<16xf32>
          %parallel_loop3A_177 = arith.constant 0.000000e+00 : f32
          %parallel_loop3A_178 = vector.broadcast %parallel_loop3A_177 : f32 to vector<16xf32>
          %parallel_loop3A_179 = arith.cmpf oge, %parallel_loop3A_170, %parallel_loop3A_178 : vector<16xf32>
          %parallel_loop3A_180 = arith.constant 0.00999999977 : f32
          %parallel_loop3A_181 = vector.broadcast %parallel_loop3A_180 : f32 to vector<16xf32>
          %parallel_loop3A_182 = arith.mulf %parallel_loop3A_181, %parallel_loop3A_170 : vector<16xf32>
          %parallel_loop3A_183 = arith.select %parallel_loop3A_179, %parallel_loop3A_170, %parallel_loop3A_182 : vector<16xi1>, vector<16xf32>
          %parallel_loop3A_184 = arith.index_cast %parallel_loop3A_160 : i32 to index
          %parallel_loop3A_185 = arith.constant 0 : index
          %parallel_loop3A_186 = tpu.vector_load %arg14[%parallel_loop3A_184, %parallel_loop3A_185] {strides = array<i32>} : memref<80x80xf32, #tpu.memory_space<vmem>>, vector<16xf32>,
          tpu.vector_store %arg14[%parallel_loop3A_184, %parallel_loop3A_185], %parallel_loop3A_183 {strides = array<i32>} : memref<80x80xf32, #tpu.memory_space<vmem>>, vector<16xf32>,
          %parallel_loop3A_187 = arith.constant 0.000000e+00 : f32
          %parallel_loop3A_188 = vector.broadcast %parallel_loop3A_187 : f32 to vector<16xf32>
          %parallel_loop3A_189 = arith.cmpf oge, %parallel_loop3A_176, %parallel_loop3A_188 : vector<16xf32>
          %parallel_loop3A_190 = arith.constant 0.00999999977 : f32
          %parallel_loop3A_191 = vector.broadcast %parallel_loop3A_190 : f32 to vector<16xf32>
          %parallel_loop3A_192 = arith.mulf %parallel_loop3A_191, %parallel_loop3A_176 : vector<16xf32>
          %parallel_loop3A_193 = arith.select %parallel_loop3A_189, %parallel_loop3A_176, %parallel_loop3A_192 : vector<16xi1>, vector<16xf32>
          %parallel_loop3A_194 = arith.constant 40 : i32
          %parallel_loop3A_195 = arith.addi %parallel_loop3A_194, %parallel_loop3A_160 : i32
          %parallel_loop3A_196 = arith.index_cast %parallel_loop3A_195 : i32 to index
          %parallel_loop3A_197 = arith.constant 0 : index
          %parallel_loop3A_198 = tpu.vector_load %arg14[%parallel_loop3A_196, %parallel_loop3A_197] {strides = array<i32>} : memref<80x80xf32, #tpu.memory_space<vmem>>, vector<16xf32>,
          tpu.vector_store %arg14[%parallel_loop3A_196, %parallel_loop3A_197], %parallel_loop3A_193 {strides = array<i32>} : memref<80x80xf32, #tpu.memory_space<vmem>>, vector<16xf32>,
          %parallel_loop3A_199 = arith.index_cast %parallel_loop3A_160 : i32 to index
          %parallel_loop3A_200 = arith.constant 16 : index
          %parallel_loop3A_201 = tpu.vector_load %arg12[%parallel_loop3A_199, %parallel_loop3A_200] {strides = array<i32>} : memref<40x128xi32, #tpu.memory_space<vmem>>, vector<16xi32>,
          %parallel_loop3A_202 = vector.bitcast %parallel_loop3A_201 : vector<16xi32> to vector<32xbf16>
          %parallel_loop3A_203 = tpu.unpack_subelements %parallel_loop3A_202, 0 {pack_format = #tpu.pack_format<interleaved>} : vector<32xbf16> -> vector<16xf32>
          %parallel_loop3A_204 = tpu.unpack_subelements %parallel_loop3A_202, 1 {pack_format = #tpu.pack_format<interleaved>} : vector<32xbf16> -> vector<16xf32>
          %parallel_loop3A_205 = arith.index_cast %parallel_loop3A_160 : i32 to index
          %parallel_loop3A_206 = arith.constant 16 : index
          %parallel_loop3A_207 = tpu.vector_load %arg10[%parallel_loop3A_205, %parallel_loop3A_206] {strides = array<i32>} : memref<80x80xf32, #tpu.memory_space<vmem>>, vector<16xf32>,
          %parallel_loop3A_208 = arith.addf %parallel_loop3A_207, %parallel_loop3A_203 : vector<16xf32>
          %parallel_loop3A_209 = arith.constant 40 : i32
          %parallel_loop3A_210 = arith.addi %parallel_loop3A_209, %parallel_loop3A_160 : i32
          %parallel_loop3A_211 = arith.index_cast %parallel_loop3A_210 : i32 to index
          %parallel_loop3A_212 = arith.constant 16 : index
          %parallel_loop3A_213 = tpu.vector_load %arg10[%parallel_loop3A_211, %parallel_loop3A_212] {strides = array<i32>} : memref<80x80xf32, #tpu.memory_space<vmem>>, vector<16xf32>,
          %parallel_loop3A_214 = arith.addf %parallel_loop3A_213, %parallel_loop3A_204 : vector<16xf32>
          %parallel_loop3A_215 = arith.constant 0.000000e+00 : f32
          %parallel_loop3A_216 = vector.broadcast %parallel_loop3A_215 : f32 to vector<16xf32>
          %parallel_loop3A_217 = arith.cmpf oge, %parallel_loop3A_208, %parallel_loop3A_216 : vector<16xf32>
          %parallel_loop3A_218 = arith.constant 0.00999999977 : f32
          %parallel_loop3A_219 = vector.broadcast %parallel_loop3A_218 : f32 to vector<16xf32>
          %parallel_loop3A_220 = arith.mulf %parallel_loop3A_219, %parallel_loop3A_208 : vector<16xf32>
          %parallel_loop3A_221 = arith.select %parallel_loop3A_217, %parallel_loop3A_208, %parallel_loop3A_220 : vector<16xi1>, vector<16xf32>
          %parallel_loop3A_222 = arith.index_cast %parallel_loop3A_160 : i32 to index
          %parallel_loop3A_223 = arith.constant 16 : index
          %parallel_loop3A_224 = tpu.vector_load %arg14[%parallel_loop3A_222, %parallel_loop3A_223] {strides = array<i32>} : memref<80x80xf32, #tpu.memory_space<vmem>>, vector<16xf32>,
          tpu.vector_store %arg14[%parallel_loop3A_222, %parallel_loop3A_223], %parallel_loop3A_221 {strides = array<i32>} : memref<80x80xf32, #tpu.memory_space<vmem>>, vector<16xf32>,
          %parallel_loop3A_225 = arith.constant 0.000000e+00 : f32
          %parallel_loop3A_226 = vector.broadcast %parallel_loop3A_225 : f32 to vector<16xf32>
          %parallel_loop3A_227 = arith.cmpf oge, %parallel_loop3A_214, %parallel_loop3A_226 : vector<16xf32>
          %parallel_loop3A_228 = arith.constant 0.00999999977 : f32
          %parallel_loop3A_229 = vector.broadcast %parallel_loop3A_228 : f32 to vector<16xf32>
          %parallel_loop3A_230 = arith.mulf %parallel_loop3A_229, %parallel_loop3A_214 : vector<16xf32>
          %parallel_loop3A_231 = arith.select %parallel_loop3A_227, %parallel_loop3A_214, %parallel_loop3A_230 : vector<16xi1>, vector<16xf32>
          %parallel_loop3A_232 = arith.constant 40 : i32
          %parallel_loop3A_233 = arith.addi %parallel_loop3A_232, %parallel_loop3A_160 : i32
          %parallel_loop3A_234 = arith.index_cast %parallel_loop3A_233 : i32 to index
          %parallel_loop3A_235 = arith.constant 16 : index
          %parallel_loop3A_236 = tpu.vector_load %arg14[%parallel_loop3A_234, %parallel_loop3A_235] {strides = array<i32>} : memref<80x80xf32, #tpu.memory_space<vmem>>, vector<16xf32>,
          tpu.vector_store %arg14[%parallel_loop3A_234, %parallel_loop3A_235], %parallel_loop3A_231 {strides = array<i32>} : memref<80x80xf32, #tpu.memory_space<vmem>>, vector<16xf32>,
          %parallel_loop3A_237 = arith.index_cast %parallel_loop3A_160 : i32 to index
          %parallel_loop3A_238 = arith.constant 32 : index
          %parallel_loop3A_239 = tpu.vector_load %arg12[%parallel_loop3A_237, %parallel_loop3A_238] {strides = array<i32>} : memref<40x128xi32, #tpu.memory_space<vmem>>, vector<16xi32>,
          %parallel_loop3A_240 = vector.bitcast %parallel_loop3A_239 : vector<16xi32> to vector<32xbf16>
          %parallel_loop3A_241 = tpu.unpack_subelements %parallel_loop3A_240, 0 {pack_format = #tpu.pack_format<interleaved>} : vector<32xbf16> -> vector<16xf32>
          %parallel_loop3A_242 = tpu.unpack_subelements %parallel_loop3A_240, 1 {pack_format = #tpu.pack_format<interleaved>} : vector<32xbf16> -> vector<16xf32>
          %parallel_loop3A_243 = arith.index_cast %parallel_loop3A_160 : i32 to index
          %parallel_loop3A_244 = arith.constant 32 : index
          %parallel_loop3A_245 = tpu.vector_load %arg10[%parallel_loop3A_243, %parallel_loop3A_244] {strides = array<i32>} : memref<80x80xf32, #tpu.memory_space<vmem>>, vector<16xf32>,
          %parallel_loop3A_246 = arith.addf %parallel_loop3A_245, %parallel_loop3A_241 : vector<16xf32>
          %parallel_loop3A_247 = arith.constant 40 : i32
          %parallel_loop3A_248 = arith.addi %parallel_loop3A_247, %parallel_loop3A_160 : i32
          %parallel_loop3A_249 = arith.index_cast %parallel_loop3A_248 : i32 to index
          %parallel_loop3A_250 = arith.constant 32 : index
          %parallel_loop3A_251 = tpu.vector_load %arg10[%parallel_loop3A_249, %parallel_loop3A_250] {strides = array<i32>} : memref<80x80xf32, #tpu.memory_space<vmem>>, vector<16xf32>,
          %parallel_loop3A_252 = arith.addf %parallel_loop3A_251, %parallel_loop3A_242 : vector<16xf32>
          %parallel_loop3A_253 = arith.constant 0.000000e+00 : f32
          %parallel_loop3A_254 = vector.broadcast %parallel_loop3A_253 : f32 to vector<16xf32>
          %parallel_loop3A_255 = arith.cmpf oge, %parallel_loop3A_246, %parallel_loop3A_254 : vector<16xf32>
          %parallel_loop3A_256 = arith.constant 0.00999999977 : f32
          %parallel_loop3A_257 = vector.broadcast %parallel_loop3A_256 : f32 to vector<16xf32>
          %parallel_loop3A_258 = arith.mulf %parallel_loop3A_257, %parallel_loop3A_246 : vector<16xf32>
          %parallel_loop3A_259 = arith.select %parallel_loop3A_255, %parallel_loop3A_246, %parallel_loop3A_258 : vector<16xi1>, vector<16xf32>
          %parallel_loop3A_260 = arith.index_cast %parallel_loop3A_160 : i32 to index
          %parallel_loop3A_261 = arith.constant 32 : index
          %parallel_loop3A_262 = tpu.vector_load %arg14[%parallel_loop3A_260, %parallel_loop3A_261] {strides = array<i32>} : memref<80x80xf32, #tpu.memory_space<vmem>>, vector<16xf32>,
          tpu.vector_store %arg14[%parallel_loop3A_260, %parallel_loop3A_261], %parallel_loop3A_259 {strides = array<i32>} : memref<80x80xf32, #tpu.memory_space<vmem>>, vector<16xf32>,
          %parallel_loop3A_263 = arith.constant 0.000000e+00 : f32
          %parallel_loop3A_264 = vector.broadcast %parallel_loop3A_263 : f32 to vector<16xf32>
          %parallel_loop3A_265 = arith.cmpf oge, %parallel_loop3A_252, %parallel_loop3A_264 : vector<16xf32>
          %parallel_loop3A_266 = arith.constant 0.00999999977 : f32
          %parallel_loop3A_267 = vector.broadcast %parallel_loop3A_266 : f32 to vector<16xf32>
          %parallel_loop3A_268 = arith.mulf %parallel_loop3A_267, %parallel_loop3A_252 : vector<16xf32>
          %parallel_loop3A_269 = arith.select %parallel_loop3A_265, %parallel_loop3A_252, %parallel_loop3A_268 : vector<16xi1>, vector<16xf32>
          %parallel_loop3A_270 = arith.constant 40 : i32
          %parallel_loop3A_271 = arith.addi %parallel_loop3A_270, %parallel_loop3A_160 : i32
          %parallel_loop3A_272 = arith.index_cast %parallel_loop3A_271 : i32 to index
          %parallel_loop3A_273 = arith.constant 32 : index
          %parallel_loop3A_274 = tpu.vector_load %arg14[%parallel_loop3A_272, %parallel_loop3A_273] {strides = array<i32>} : memref<80x80xf32, #tpu.memory_space<vmem>>, vector<16xf32>,
          tpu.vector_store %arg14[%parallel_loop3A_272, %parallel_loop3A_273], %parallel_loop3A_269 {strides = array<i32>} : memref<80x80xf32, #tpu.memory_space<vmem>>, vector<16xf32>,
          %parallel_loop3A_275 = arith.index_cast %parallel_loop3A_160 : i32 to index
          %parallel_loop3A_276 = arith.constant 48 : index
          %parallel_loop3A_277 = tpu.vector_load %arg12[%parallel_loop3A_275, %parallel_loop3A_276] {strides = array<i32>} : memref<40x128xi32, #tpu.memory_space<vmem>>, vector<16xi32>,
          %parallel_loop3A_278 = vector.bitcast %parallel_loop3A_277 : vector<16xi32> to vector<32xbf16>
          %parallel_loop3A_279 = tpu.unpack_subelements %parallel_loop3A_278, 0 {pack_format = #tpu.pack_format<interleaved>} : vector<32xbf16> -> vector<16xf32>
          %parallel_loop3A_280 = tpu.unpack_subelements %parallel_loop3A_278, 1 {pack_format = #tpu.pack_format<interleaved>} : vector<32xbf16> -> vector<16xf32>
          %parallel_loop3A_281 = arith.index_cast %parallel_loop3A_160 : i32 to index
          %parallel_loop3A_282 = arith.constant 48 : index
          %parallel_loop3A_283 = tpu.vector_load %arg10[%parallel_loop3A_281, %parallel_loop3A_282] {strides = array<i32>} : memref<80x80xf32, #tpu.memory_space<vmem>>, vector<16xf32>,
          %parallel_loop3A_284 = arith.addf %parallel_loop3A_283, %parallel_loop3A_279 : vector<16xf32>
          %parallel_loop3A_285 = arith.constant 40 : i32
          %parallel_loop3A_286 = arith.addi %parallel_loop3A_285, %parallel_loop3A_160 : i32
          %parallel_loop3A_287 = arith.index_cast %parallel_loop3A_286 : i32 to index
          %parallel_loop3A_288 = arith.constant 48 : index
          %parallel_loop3A_289 = tpu.vector_load %arg10[%parallel_loop3A_287, %parallel_loop3A_288] {strides = array<i32>} : memref<80x80xf32, #tpu.memory_space<vmem>>, vector<16xf32>,
          %parallel_loop3A_290 = arith.addf %parallel_loop3A_289, %parallel_loop3A_280 : vector<16xf32>
          %parallel_loop3A_291 = arith.constant 0.000000e+00 : f32
          %parallel_loop3A_292 = vector.broadcast %parallel_loop3A_291 : f32 to vector<16xf32>
          %parallel_loop3A_293 = arith.cmpf oge, %parallel_loop3A_284, %parallel_loop3A_292 : vector<16xf32>
          %parallel_loop3A_294 = arith.constant 0.00999999977 : f32
          %parallel_loop3A_295 = vector.broadcast %parallel_loop3A_294 : f32 to vector<16xf32>
          %parallel_loop3A_296 = arith.mulf %parallel_loop3A_295, %parallel_loop3A_284 : vector<16xf32>
          %parallel_loop3A_297 = arith.select %parallel_loop3A_293, %parallel_loop3A_284, %parallel_loop3A_296 : vector<16xi1>, vector<16xf32>
          %parallel_loop3A_298 = arith.index_cast %parallel_loop3A_160 : i32 to index
          %parallel_loop3A_299 = arith.constant 48 : index
          %parallel_loop3A_300 = tpu.vector_load %arg14[%parallel_loop3A_298, %parallel_loop3A_299] {strides = array<i32>} : memref<80x80xf32, #tpu.memory_space<vmem>>, vector<16xf32>,
          tpu.vector_store %arg14[%parallel_loop3A_298, %parallel_loop3A_299], %parallel_loop3A_297 {strides = array<i32>} : memref<80x80xf32, #tpu.memory_space<vmem>>, vector<16xf32>,
          %parallel_loop3A_301 = arith.constant 0.000000e+00 : f32
          %parallel_loop3A_302 = vector.broadcast %parallel_loop3A_301 : f32 to vector<16xf32>
          %parallel_loop3A_303 = arith.cmpf oge, %parallel_loop3A_290, %parallel_loop3A_302 : vector<16xf32>
          %parallel_loop3A_304 = arith.constant 0.00999999977 : f32
          %parallel_loop3A_305 = vector.broadcast %parallel_loop3A_304 : f32 to vector<16xf32>
          %parallel_loop3A_306 = arith.mulf %parallel_loop3A_305, %parallel_loop3A_290 : vector<16xf32>
          %parallel_loop3A_307 = arith.select %parallel_loop3A_303, %parallel_loop3A_290, %parallel_loop3A_306 : vector<16xi1>, vector<16xf32>
          %parallel_loop3A_308 = arith.constant 40 : i32
          %parallel_loop3A_309 = arith.addi %parallel_loop3A_308, %parallel_loop3A_160 : i32
          %parallel_loop3A_310 = arith.index_cast %parallel_loop3A_309 : i32 to index
          %parallel_loop3A_311 = arith.constant 48 : index
          %parallel_loop3A_312 = tpu.vector_load %arg14[%parallel_loop3A_310, %parallel_loop3A_311] {strides = array<i32>} : memref<80x80xf32, #tpu.memory_space<vmem>>, vector<16xf32>,
          tpu.vector_store %arg14[%parallel_loop3A_310, %parallel_loop3A_311], %parallel_loop3A_307 {strides = array<i32>} : memref<80x80xf32, #tpu.memory_space<vmem>>, vector<16xf32>,
          %parallel_loop3A_313 = arith.index_cast %parallel_loop3A_160 : i32 to index
          %parallel_loop3A_314 = arith.constant 64 : index
          %parallel_loop3A_315 = tpu.vector_load %arg12[%parallel_loop3A_313, %parallel_loop3A_314] {strides = array<i32>} : memref<40x128xi32, #tpu.memory_space<vmem>>, vector<16xi32>,
          %parallel_loop3A_316 = vector.bitcast %parallel_loop3A_315 : vector<16xi32> to vector<32xbf16>
          %parallel_loop3A_317 = tpu.unpack_subelements %parallel_loop3A_316, 0 {pack_format = #tpu.pack_format<interleaved>} : vector<32xbf16> -> vector<16xf32>
          %parallel_loop3A_318 = tpu.unpack_subelements %parallel_loop3A_316, 1 {pack_format = #tpu.pack_format<interleaved>} : vector<32xbf16> -> vector<16xf32>
          %parallel_loop3A_319 = arith.index_cast %parallel_loop3A_160 : i32 to index
          %parallel_loop3A_320 = arith.constant 64 : index
          %parallel_loop3A_321 = tpu.vector_load %arg10[%parallel_loop3A_319, %parallel_loop3A_320] {strides = array<i32>} : memref<80x80xf32, #tpu.memory_space<vmem>>, vector<16xf32>,
          %parallel_loop3A_322 = arith.addf %parallel_loop3A_321, %parallel_loop3A_317 : vector<16xf32>
          %parallel_loop3A_323 = arith.constant 40 : i32
          %parallel_loop3A_324 = arith.addi %parallel_loop3A_323, %parallel_loop3A_160 : i32
          %parallel_loop3A_325 = arith.index_cast %parallel_loop3A_324 : i32 to index
          %parallel_loop3A_326 = arith.constant 64 : index
          %parallel_loop3A_327 = tpu.vector_load %arg10[%parallel_loop3A_325, %parallel_loop3A_326] {strides = array<i32>} : memref<80x80xf32, #tpu.memory_space<vmem>>, vector<16xf32>,
          %parallel_loop3A_328 = arith.addf %parallel_loop3A_327, %parallel_loop3A_318 : vector<16xf32>
          %parallel_loop3A_329 = arith.constant 0.000000e+00 : f32
          %parallel_loop3A_330 = vector.broadcast %parallel_loop3A_329 : f32 to vector<16xf32>
          %parallel_loop3A_331 = arith.cmpf oge, %parallel_loop3A_322, %parallel_loop3A_330 : vector<16xf32>
          %parallel_loop3A_332 = arith.constant 0.00999999977 : f32
          %parallel_loop3A_333 = vector.broadcast %parallel_loop3A_332 : f32 to vector<16xf32>
          %parallel_loop3A_334 = arith.mulf %parallel_loop3A_333, %parallel_loop3A_322 : vector<16xf32>
          %parallel_loop3A_335 = arith.select %parallel_loop3A_331, %parallel_loop3A_322, %parallel_loop3A_334 : vector<16xi1>, vector<16xf32>
          %parallel_loop3A_336 = arith.index_cast %parallel_loop3A_160 : i32 to index
          %parallel_loop3A_337 = arith.constant 64 : index
          %parallel_loop3A_338 = tpu.vector_load %arg14[%parallel_loop3A_336, %parallel_loop3A_337] {strides = array<i32>} : memref<80x80xf32, #tpu.memory_space<vmem>>, vector<16xf32>,
          tpu.vector_store %arg14[%parallel_loop3A_336, %parallel_loop3A_337], %parallel_loop3A_335 {strides = array<i32>} : memref<80x80xf32, #tpu.memory_space<vmem>>, vector<16xf32>,
          %parallel_loop3A_339 = arith.constant 0.000000e+00 : f32
          %parallel_loop3A_340 = vector.broadcast %parallel_loop3A_339 : f32 to vector<16xf32>
          %parallel_loop3A_341 = arith.cmpf oge, %parallel_loop3A_328, %parallel_loop3A_340 : vector<16xf32>
          %parallel_loop3A_342 = arith.constant 0.00999999977 : f32
          %parallel_loop3A_343 = vector.broadcast %parallel_loop3A_342 : f32 to vector<16xf32>
          %parallel_loop3A_344 = arith.mulf %parallel_loop3A_343, %parallel_loop3A_328 : vector<16xf32>
          %parallel_loop3A_345 = arith.select %parallel_loop3A_341, %parallel_loop3A_328, %parallel_loop3A_344 : vector<16xi1>, vector<16xf32>
          %parallel_loop3A_346 = arith.constant 40 : i32
          %parallel_loop3A_347 = arith.addi %parallel_loop3A_346, %parallel_loop3A_160 : i32
          %parallel_loop3A_348 = arith.index_cast %parallel_loop3A_347 : i32 to index
          %parallel_loop3A_349 = arith.constant 64 : index
          %parallel_loop3A_350 = tpu.vector_load %arg14[%parallel_loop3A_348, %parallel_loop3A_349] {strides = array<i32>} : memref<80x80xf32, #tpu.memory_space<vmem>>, vector<16xf32>,
          tpu.vector_store %arg14[%parallel_loop3A_348, %parallel_loop3A_349], %parallel_loop3A_345 {strides = array<i32>} : memref<80x80xf32, #tpu.memory_space<vmem>>, vector<16xf32>,
        } {sc.loop_unroll_factor = 2 : i64, sc.parallel_access}
        %dma_start3A_147 = arith.constant 0 : i32
        %dma_start3A_148 = tpu.memref_slice %arg8[%add3A_125, %dma_start3A_147] : memref<40x80xi32, #tpu.memory_space<vmem>> -> memref<1x80xi32, #tpu.memory_space<vmem>>
        %dma_start3A_149 = tpu.memref_squeeze %dma_start3A_148 : memref<1x80xi32, #tpu.memory_space<vmem>> -> memref<80xi32, #tpu.memory_space<vmem>>
        %dma_start3A_150 = arith.constant 0 : i32
        %dma_start3A_151 = arith.constant 0 : i32
        %dma_start3A_152 = tpu.memref_slice %arg16[%dma_start3A_150, %dma_start3A_151] : memref<10240x80xf32, #tpu.memory_space<vmem_shared>> -> memref<10240x80xf32, #tpu.memory_space<vmem_shared>>
        tpu.enqueue_indirect_dma source(%arg14 : memref<80x80xf32, #tpu.memory_space<vmem>>) target(%dma_start3A_152 : memref<10240x80xf32, #tpu.memory_space<vmem_shared>>) offsets(%dma_start3A_149 : memref<80xi32, #tpu.memory_space<vmem>>) semaphore(%arg22 : memref<!tpu.dma_semaphore, #tpu.memory_space<semaphore_mem>>) {add = true}
        %add3A_153 = arith.constant 2 : i32
        %add3A_154 = arith.addi %add3A_125, %add3A_153 : i32
        %lt3A_155 = arith.constant 40 : i32
        %lt3A_156 = arith.cmpi slt, %add3A_154, %lt3A_155 : i32
        %convert_element_type3A_157 = arith.extui %lt3A_156 : i1 to i32
        %cond3A_158 = arith.constant 0 : i32
        %cond3A_159 = arith.cmpi ne, %convert_element_type3A_157, %cond3A_158 : i32
        scf.if %cond3A_159 {
          %add3A_160 = arith.constant 2 : i32
          %add3A_161 = arith.addi %add3A_125, %add3A_160 : i32
          %dma_start3A_162 = arith.constant 0 : i32
          %dma_start3A_163 = tpu.memref_slice %arg7[%add3A_161, %dma_start3A_162] : memref<40x80xi32, #tpu.memory_space<vmem>> -> memref<1x80xi32, #tpu.memory_space<vmem>>
          %dma_start3A_164 = tpu.memref_squeeze %dma_start3A_163 : memref<1x80xi32, #tpu.memory_space<vmem>> -> memref<80xi32, #tpu.memory_space<vmem>>
          %dma_start3A_165 = arith.constant 0 : i32
          %dma_start3A_166 = arith.constant 0 : i32
          %dma_start3A_167 = tpu.memref_slice %arg2[%dma_start3A_165, %dma_start3A_166] : memref<10000x80xf32, #tpu.memory_space<hbm>> -> memref<10000x80xf32, #tpu.memory_space<hbm>>
          tpu.enqueue_indirect_dma source(%dma_start3A_167 : memref<10000x80xf32, #tpu.memory_space<hbm>>) target(%arg10 : memref<80x80xf32, #tpu.memory_space<vmem>>) offsets(%dma_start3A_164 : memref<80xi32, #tpu.memory_space<vmem>>) semaphore(%arg18 : memref<!tpu.dma_semaphore, #tpu.memory_space<semaphore_mem>>)
          %mul3A_168 = arith.constant 40 : i32
          %mul3A_169 = arith.muli %add3A_161, %mul3A_168 : i32
          %add3A_170 = arith.addi %mul3A_27, %mul3A_169 : i32
          %dma_start3A_171 = arith.constant 0 : i32
          %dma_start3A_172 = tpu.memref_slice %arg3[%add3A_170, %dma_start3A_171] : memref<51200x128xi32, #tpu.memory_space<hbm>> -> memref<40x128xi32, #tpu.memory_space<hbm>>
          %dma_start3A_173 = arith.constant 0 : i32
          %dma_start3A_174 = tpu.memref_slice %arg3[%add3A_170, %dma_start3A_173] : memref<51200x128xi32, #tpu.memory_space<hbm>> -> memref<40x128xi32, #tpu.memory_space<hbm>>
          tpu.enqueue_dma source(%dma_start3A_174 : memref<40x128xi32, #tpu.memory_space<hbm>>) target(%arg12 : memref<40x128xi32, #tpu.memory_space<vmem>>) target_semaphore(%arg20 : memref<!tpu.dma_semaphore, #tpu.memory_space<semaphore_mem>>)
        } else {
        }
      } else {
      }
    }
    %scan3A_65 = arith.constant 20 : i32
    %dma_wait3A = arith.constant 38 : i32
    %dma_wait3A_66 = arith.constant 0 : i32
    %dma_wait3A_67 = tpu.memref_slice %arg8[%dma_wait3A, %dma_wait3A_66] : memref<40x80xi32, #tpu.memory_space<vmem>> -> memref<1x80xi32, #tpu.memory_space<vmem>>
    %dma_wait3A_68 = tpu.memref_squeeze %dma_wait3A_67 : memref<1x80xi32, #tpu.memory_space<vmem>> -> memref<80xi32, #tpu.memory_space<vmem>>
    %dma_wait3A_69 = arith.constant 0 : i32
    %dma_wait3A_70 = arith.constant 0 : i32
    %dma_wait3A_71 = tpu.memref_slice %arg16[%dma_wait3A_69, %dma_wait3A_70] : memref<10240x80xf32, #tpu.memory_space<vmem_shared>> -> memref<10240x80xf32, #tpu.memory_space<vmem_shared>>
    tpu.wait_indirect_dma semaphore(%arg21 : memref<!tpu.dma_semaphore, #tpu.memory_space<semaphore_mem>>) src(%arg13 : memref<80x80xf32, #tpu.memory_space<vmem>>) dst(%dma_wait3A_71 : memref<10240x80xf32, #tpu.memory_space<vmem_shared>>)
    %dma_wait3A_72 = arith.constant 39 : i32
    %dma_wait3A_73 = arith.constant 0 : i32
    %dma_wait3A_74 = tpu.memref_slice %arg8[%dma_wait3A_72, %dma_wait3A_73] : memref<40x80xi32, #tpu.memory_space<vmem>> -> memref<1x80xi32, #tpu.memory_space<vmem>>
    %dma_wait3A_75 = tpu.memref_squeeze %dma_wait3A_74 : memref<1x80xi32, #tpu.memory_space<vmem>> -> memref<80xi32, #tpu.memory_space<vmem>>
    %dma_wait3A_76 = arith.constant 0 : i32
    %dma_wait3A_77 = arith.constant 0 : i32
    %dma_wait3A_78 = tpu.memref_slice %arg16[%dma_wait3A_76, %dma_wait3A_77] : memref<10240x80xf32, #tpu.memory_space<vmem_shared>> -> memref<10240x80xf32, #tpu.memory_space<vmem_shared>>
    tpu.wait_indirect_dma semaphore(%arg22 : memref<!tpu.dma_semaphore, #tpu.memory_space<semaphore_mem>>) src(%arg14 : memref<80x80xf32, #tpu.memory_space<vmem>>) dst(%dma_wait3A_78 : memref<10240x80xf32, #tpu.memory_space<vmem_shared>>)
    %barrier3A_79 = arith.constant 0 : index
    tpu.barrier barrier_id(%barrier3A_79)
    %mul3A_80 = arith.constant 640 : i32
    %mul3A_81 = arith.muli %arg1, %mul3A_80 : i32
    %mul3A_82 = arith.constant 640 : i32
    %mul3A_83 = arith.muli %arg1, %mul3A_82 : i32
    "tpu.region"() ({
      %run_scoped3A = tpu.sem_alloc : memref<!tpu.dma_semaphore, #tpu.memory_space<semaphore_mem>>
      %dma_start3A_84 = arith.constant 0 : i32
      %dma_start3A_85 = tpu.memref_slice %arg6[%arg0, %mul3A_83, %dma_start3A_84] : memref<2x10240x80xf32, #tpu.memory_space<hbm>> -> memref<1x640x80xf32, #tpu.memory_space<hbm>>
      %dma_start3A_86 = tpu.memref_squeeze %dma_start3A_85 : memref<1x640x80xf32, #tpu.memory_space<hbm>> -> memref<640x80xf32, #tpu.memory_space<hbm>>
      %dma_start3A_87 = arith.constant 0 : i32
      %dma_start3A_88 = tpu.memref_slice %arg16[%mul3A_81, %dma_start3A_87] : memref<10240x80xf32, #tpu.memory_space<vmem_shared>> -> memref<640x80xf32, #tpu.memory_space<vmem_shared>>
      tpu.enqueue_dma source(%dma_start3A_88 : memref<640x80xf32, #tpu.memory_space<vmem_shared>>) target(%dma_start3A_86 : memref<640x80xf32, #tpu.memory_space<hbm>>) target_semaphore(%run_scoped3A : memref<!tpu.dma_semaphore, #tpu.memory_space<semaphore_mem>>)
      %dma_wait3A_89 = arith.constant 0 : i32
      %dma_wait3A_90 = tpu.memref_slice %arg6[%arg0, %mul3A_83, %dma_wait3A_89] : memref<2x10240x80xf32, #tpu.memory_space<hbm>> -> memref<1x640x80xf32, #tpu.memory_space<hbm>>
      %dma_wait3A_91 = tpu.memref_squeeze %dma_wait3A_90 : memref<1x640x80xf32, #tpu.memory_space<hbm>> -> memref<640x80xf32, #tpu.memory_space<hbm>>
      %dma_wait3A_92 = arith.constant 0 : i32
      %dma_wait3A_93 = tpu.memref_slice %arg16[%mul3A_81, %dma_wait3A_92] : memref<10240x80xf32, #tpu.memory_space<vmem_shared>> -> memref<640x80xf32, #tpu.memory_space<vmem_shared>>
      tpu.wait_dma2 semaphore(%run_scoped3A : memref<!tpu.dma_semaphore, #tpu.memory_space<semaphore_mem>>) src(%dma_wait3A_93 : memref<640x80xf32, #tpu.memory_space<vmem_shared>>) dst(%dma_wait3A_91 : memref<640x80xf32, #tpu.memory_space<hbm>>)
      tpu.yield
    }) : () -> ()
    return
  }
}

module attributes {stable_mosaic.version = 14 : i64} {
  func.func @_node_proj_body(%arg0: i32, %arg1: memref<1000x128xf32, #tpu.memory_space<vmem>>, %arg2: memref<128x80xf32, #tpu.memory_space<vmem>>, %arg3: memref<1000x80xf32, #tpu.memory_space<vmem>>) attributes {dimension_semantics = [#tpu.dimension_semantics<arbitrary>], iteration_bounds = array<i64: 10>, scalar_prefetch = 0 : i64, scratch_operands = 0 : i64, tpu.core_type = #tpu.core_type<tc>, window_params = [{transform_indices = @transform_0, window_bounds = array<i64: 1000, 128>}, {pipeline_mode = #tpu.pipeline_mode<synchronous>, transform_indices = @transform_1, window_bounds = array<i64: 128, 80>}, {transform_indices = @transform_2, window_bounds = array<i64: 1000, 80>}]} {
    %get3A = arith.constant 0 : index
    %get3A_0 = arith.constant 0 : index
    %get3A_1 = vector.load %arg1[%get3A, %get3A_0] : memref<1000x128xf32, #tpu.memory_space<vmem>>, vector<1000x128xf32>
    %get3A_2 = arith.constant 0 : index
    %get3A_3 = arith.constant 0 : index
    %get3A_4 = vector.load %arg2[%get3A_2, %get3A_3] : memref<128x80xf32, #tpu.memory_space<vmem>>, vector<128x80xf32>
    %dot_general3A = arith.constant dense<0.000000e+00> : vector<1000x80xf32>
    %dot_general3A_5 = tpu.matmul %get3A_1, %get3A_4, %dot_general3A {dimension_numbers = #tpu.dot_dimension_numbers<[1], [0], [0], [1], [0, 0, 1, 1], [], []>, transpose_lhs_hint = false} : vector<1000x128xf32>, vector<128x80xf32>, vector<1000x80xf32> -> vector<1000x80xf32>
    %iota3A = tpu.iota {dimensions = array<i32: 1>} : vector<1000x80xi32>
    %eq3A = arith.constant 72 : i32
    %eq3A_6 = vector.broadcast %eq3A : i32 to vector<1000x80xi32>
    %eq3A_7 = arith.cmpi eq, %iota3A, %eq3A_6 : vector<1000x80xi32>
    %jit3A = arith.constant 1.000000e+00 : f32
    %jit3A_8 = arith.constant 0.000000e+00 : f32
    %broadcast_in_dim3A = vector.broadcast %jit3A : f32 to vector<1000x80xf32>
    %broadcast_in_dim3A_9 = vector.broadcast %jit3A_8 : f32 to vector<1000x80xf32>
    %select_n3A = arith.select %eq3A_7, %broadcast_in_dim3A, %broadcast_in_dim3A_9 : vector<1000x80xi1>, vector<1000x80xf32>
    %add3A = arith.addf %dot_general3A_5, %select_n3A : vector<1000x80xf32>
    %swap3A = arith.constant 0 : index
    %swap3A_10 = arith.constant 0 : index
    %swap3A_11 = vector.load %arg3[%swap3A, %swap3A_10] : memref<1000x80xf32, #tpu.memory_space<vmem>>, vector<1000x80xf32>
    tpu.vector_store %arg3[%swap3A, %swap3A_10], %add3A {strides = array<i32>} : memref<1000x80xf32, #tpu.memory_space<vmem>>, vector<1000x80xf32>,
    return
  }
  func.func @transform_0(%arg0: i32) -> (i32, i32) {
    %c0_i32 = arith.constant 0 : i32
    %c0_i32_0 = arith.constant 0 : i32
    return %arg0, %c0_i32 : i32, i32
  }
  func.func @transform_1(%arg0: i32) -> (i32, i32) {
    %c0_i32 = arith.constant 0 : i32
    %c0_i32_0 = arith.constant 0 : i32
    %c0_i32_1 = arith.constant 0 : i32
    return %c0_i32, %c0_i32_0 : i32, i32
  }
  func.func @transform_2(%arg0: i32) -> (i32, i32) {
    %c0_i32 = arith.constant 0 : i32
    %c0_i32_0 = arith.constant 0 : i32
    return %arg0, %c0_i32 : i32, i32
  }
}

module attributes {stable_mosaic.version = 14 : i64} {
  func.func @_edge_proj_body(%arg0: i32, %arg1: memref<16x3200xf32, #tpu.memory_space<vmem>>, %arg2: memref<16x3200xf32, #tpu.memory_space<vmem>>, %arg3: memref<16x128xf32, #tpu.memory_space<vmem>>, %arg4: memref<3200x128xi32, #tpu.memory_space<vmem>>) attributes {dimension_semantics = [#tpu.dimension_semantics<arbitrary>], iteration_bounds = array<i64: 16>, scalar_prefetch = 0 : i64, scratch_operands = 0 : i64, tpu.core_type = #tpu.core_type<tc>, window_params = [{transform_indices = @transform_0, window_bounds = array<i64: 16, 3200>}, {transform_indices = @transform_1, window_bounds = array<i64: 16, 3200>}, {pipeline_mode = #tpu.pipeline_mode<synchronous>, transform_indices = @transform_2, window_bounds = array<i64: 16, 128>}, {transform_indices = @transform_3, window_bounds = array<i64: 3200, 128>}]} {
    %get3A = arith.constant 0 : index
    %get3A_0 = arith.constant 0 : index
    %get3A_1 = vector.load %arg1[%get3A, %get3A_0] : memref<16x3200xf32, #tpu.memory_space<vmem>>, vector<16x3200xf32>
    %get3A_2 = arith.constant 0 : index
    %get3A_3 = arith.constant 0 : index
    %get3A_4 = vector.load %arg3[%get3A_2, %get3A_3] : memref<16x128xf32, #tpu.memory_space<vmem>>, vector<16x128xf32>
    %dot_general3A = arith.constant dense<0.000000e+00> : vector<3200x128xf32>
    %dot_general3A_5 = tpu.matmul %get3A_1, %get3A_4, %dot_general3A {dimension_numbers = #tpu.dot_dimension_numbers<[0], [0], [1], [1], [0, 1, 1, 1], [], []>, transpose_lhs_hint = false} : vector<16x3200xf32>, vector<16x128xf32>, vector<3200x128xf32> -> vector<3200x128xf32>
    %convert_element_type3A = arith.truncf %dot_general3A_5 : vector<3200x128xf32> to vector<3200x128xbf16>
    %bitcast_convert_type3A = tpu.bitcast %convert_element_type3A : vector<3200x128xbf16> -> vector<3200x128xi16>
    %convert_element_type3A_6 = arith.extui %bitcast_convert_type3A : vector<3200x128xi16> to vector<3200x128xi32>
    %get3A_7 = arith.constant 0 : index
    %get3A_8 = arith.constant 0 : index
    %get3A_9 = vector.load %arg2[%get3A_7, %get3A_8] : memref<16x3200xf32, #tpu.memory_space<vmem>>, vector<16x3200xf32>
    %get3A_10 = arith.constant 0 : index
    %get3A_11 = arith.constant 0 : index
    %get3A_12 = vector.load %arg3[%get3A_10, %get3A_11] : memref<16x128xf32, #tpu.memory_space<vmem>>, vector<16x128xf32>
    %dot_general3A_13 = arith.constant dense<0.000000e+00> : vector<3200x128xf32>
    %dot_general3A_14 = tpu.matmul %get3A_9, %get3A_12, %dot_general3A_13 {dimension_numbers = #tpu.dot_dimension_numbers<[0], [0], [1], [1], [0, 1, 1, 1], [], []>, transpose_lhs_hint = false} : vector<16x3200xf32>, vector<16x128xf32>, vector<3200x128xf32> -> vector<3200x128xf32>
    %convert_element_type3A_15 = arith.truncf %dot_general3A_14 : vector<3200x128xf32> to vector<3200x128xbf16>
    %bitcast_convert_type3A_16 = tpu.bitcast %convert_element_type3A_15 : vector<3200x128xbf16> -> vector<3200x128xi16>
    %convert_element_type3A_17 = arith.extui %bitcast_convert_type3A_16 : vector<3200x128xi16> to vector<3200x128xi32>
    %shift_left3A = arith.constant 16 : i32
    %shift_left3A_18 = vector.broadcast %shift_left3A : i32 to vector<3200x128xi32>
    %shift_left3A_19 = arith.shli %convert_element_type3A_17, %shift_left3A_18 : vector<3200x128xi32>
    %or3A = arith.ori %convert_element_type3A_6, %shift_left3A_19 : vector<3200x128xi32>
    %bitcast_convert_type3A_20 = tpu.bitcast %or3A : vector<3200x128xi32> -> vector<3200x128xi32>
    %swap3A = arith.constant 0 : index
    %swap3A_21 = arith.constant 0 : index
    %swap3A_22 = vector.load %arg4[%swap3A, %swap3A_21] : memref<3200x128xi32, #tpu.memory_space<vmem>>, vector<3200x128xi32>
    tpu.vector_store %arg4[%swap3A, %swap3A_21], %bitcast_convert_type3A_20 {strides = array<i32>} : memref<3200x128xi32, #tpu.memory_space<vmem>>, vector<3200x128xi32>,
    return
  }
  func.func @transform_0(%arg0: i32) -> (i32, i32) {
    %add3A = arith.constant 0 : i32
    %add3A_0 = arith.addi %arg0, %add3A : i32
    %c0_i32 = arith.constant 0 : i32
    %c0_i32_1 = arith.constant 0 : i32
    return %c0_i32, %add3A_0 : i32, i32
  }
  func.func @transform_1(%arg0: i32) -> (i32, i32) {
    %add3A = arith.constant 0 : i32
    %add3A_0 = arith.addi %arg0, %add3A : i32
    %add3A_1 = arith.constant 50 : i32
    %add3A_2 = arith.addi %add3A_0, %add3A_1 : i32
    %c0_i32 = arith.constant 0 : i32
    %c0_i32_3 = arith.constant 0 : i32
    return %c0_i32, %add3A_2 : i32, i32
  }
  func.func @transform_2(%arg0: i32) -> (i32, i32) {
    %c0_i32 = arith.constant 0 : i32
    %c0_i32_0 = arith.constant 0 : i32
    %c0_i32_1 = arith.constant 0 : i32
    return %c0_i32, %c0_i32_0 : i32, i32
  }
  func.func @transform_3(%arg0: i32) -> (i32, i32) {
    %c0_i32 = arith.constant 0 : i32
    %c0_i32_0 = arith.constant 0 : i32
    return %arg0, %c0_i32 : i32, i32
  }
}

module attributes {stable_mosaic.version = 14 : i64} {
  func.func @_edge_proj_body(%arg0: i32, %arg1: memref<16x3200xf32, #tpu.memory_space<vmem>>, %arg2: memref<16x3200xf32, #tpu.memory_space<vmem>>, %arg3: memref<16x128xf32, #tpu.memory_space<vmem>>, %arg4: memref<3200x128xi32, #tpu.memory_space<vmem>>) attributes {dimension_semantics = [#tpu.dimension_semantics<arbitrary>], iteration_bounds = array<i64: 34>, scalar_prefetch = 0 : i64, scratch_operands = 0 : i64, tpu.core_type = #tpu.core_type<tc>, window_params = [{transform_indices = @transform_0, window_bounds = array<i64: 16, 3200>}, {transform_indices = @transform_1, window_bounds = array<i64: 16, 3200>}, {pipeline_mode = #tpu.pipeline_mode<synchronous>, transform_indices = @transform_2, window_bounds = array<i64: 16, 128>}, {transform_indices = @transform_3, window_bounds = array<i64: 3200, 128>}]} {
    %get3A = arith.constant 0 : index
    %get3A_0 = arith.constant 0 : index
    %get3A_1 = vector.load %arg1[%get3A, %get3A_0] : memref<16x3200xf32, #tpu.memory_space<vmem>>, vector<16x3200xf32>
    %get3A_2 = arith.constant 0 : index
    %get3A_3 = arith.constant 0 : index
    %get3A_4 = vector.load %arg3[%get3A_2, %get3A_3] : memref<16x128xf32, #tpu.memory_space<vmem>>, vector<16x128xf32>
    %dot_general3A = arith.constant dense<0.000000e+00> : vector<3200x128xf32>
    %dot_general3A_5 = tpu.matmul %get3A_1, %get3A_4, %dot_general3A {dimension_numbers = #tpu.dot_dimension_numbers<[0], [0], [1], [1], [0, 1, 1, 1], [], []>, transpose_lhs_hint = false} : vector<16x3200xf32>, vector<16x128xf32>, vector<3200x128xf32> -> vector<3200x128xf32>
    %convert_element_type3A = arith.truncf %dot_general3A_5 : vector<3200x128xf32> to vector<3200x128xbf16>
    %bitcast_convert_type3A = tpu.bitcast %convert_element_type3A : vector<3200x128xbf16> -> vector<3200x128xi16>
    %convert_element_type3A_6 = arith.extui %bitcast_convert_type3A : vector<3200x128xi16> to vector<3200x128xi32>
    %get3A_7 = arith.constant 0 : index
    %get3A_8 = arith.constant 0 : index
    %get3A_9 = vector.load %arg2[%get3A_7, %get3A_8] : memref<16x3200xf32, #tpu.memory_space<vmem>>, vector<16x3200xf32>
    %get3A_10 = arith.constant 0 : index
    %get3A_11 = arith.constant 0 : index
    %get3A_12 = vector.load %arg3[%get3A_10, %get3A_11] : memref<16x128xf32, #tpu.memory_space<vmem>>, vector<16x128xf32>
    %dot_general3A_13 = arith.constant dense<0.000000e+00> : vector<3200x128xf32>
    %dot_general3A_14 = tpu.matmul %get3A_9, %get3A_12, %dot_general3A_13 {dimension_numbers = #tpu.dot_dimension_numbers<[0], [0], [1], [1], [0, 1, 1, 1], [], []>, transpose_lhs_hint = false} : vector<16x3200xf32>, vector<16x128xf32>, vector<3200x128xf32> -> vector<3200x128xf32>
    %convert_element_type3A_15 = arith.truncf %dot_general3A_14 : vector<3200x128xf32> to vector<3200x128xbf16>
    %bitcast_convert_type3A_16 = tpu.bitcast %convert_element_type3A_15 : vector<3200x128xbf16> -> vector<3200x128xi16>
    %convert_element_type3A_17 = arith.extui %bitcast_convert_type3A_16 : vector<3200x128xi16> to vector<3200x128xi32>
    %shift_left3A = arith.constant 16 : i32
    %shift_left3A_18 = vector.broadcast %shift_left3A : i32 to vector<3200x128xi32>
    %shift_left3A_19 = arith.shli %convert_element_type3A_17, %shift_left3A_18 : vector<3200x128xi32>
    %or3A = arith.ori %convert_element_type3A_6, %shift_left3A_19 : vector<3200x128xi32>
    %bitcast_convert_type3A_20 = tpu.bitcast %or3A : vector<3200x128xi32> -> vector<3200x128xi32>
    %swap3A = arith.constant 0 : index
    %swap3A_21 = arith.constant 0 : index
    %swap3A_22 = vector.load %arg4[%swap3A, %swap3A_21] : memref<3200x128xi32, #tpu.memory_space<vmem>>, vector<3200x128xi32>
    tpu.vector_store %arg4[%swap3A, %swap3A_21], %bitcast_convert_type3A_20 {strides = array<i32>} : memref<3200x128xi32, #tpu.memory_space<vmem>>, vector<3200x128xi32>,
    return
  }
  func.func @transform_0(%arg0: i32) -> (i32, i32) {
    %add3A = arith.constant 16 : i32
    %add3A_0 = arith.addi %arg0, %add3A : i32
    %c0_i32 = arith.constant 0 : i32
    %c0_i32_1 = arith.constant 0 : i32
    return %c0_i32, %add3A_0 : i32, i32
  }
  func.func @transform_1(%arg0: i32) -> (i32, i32) {
    %add3A = arith.constant 16 : i32
    %add3A_0 = arith.addi %arg0, %add3A : i32
    %add3A_1 = arith.constant 50 : i32
    %add3A_2 = arith.addi %add3A_0, %add3A_1 : i32
    %c0_i32 = arith.constant 0 : i32
    %c0_i32_3 = arith.constant 0 : i32
    return %c0_i32, %add3A_2 : i32, i32
  }
  func.func @transform_2(%arg0: i32) -> (i32, i32) {
    %c0_i32 = arith.constant 0 : i32
    %c0_i32_0 = arith.constant 0 : i32
    %c0_i32_1 = arith.constant 0 : i32
    return %c0_i32, %c0_i32_0 : i32, i32
  }
  func.func @transform_3(%arg0: i32) -> (i32, i32) {
    %c0_i32 = arith.constant 0 : i32
    %c0_i32_0 = arith.constant 0 : i32
    return %arg0, %c0_i32 : i32, i32
  }
}

module attributes {stable_mosaic.version = 14 : i64} {
  func.func @_final_body(%arg0: i32, %arg1: memref<2x1000x80xf32, #tpu.memory_space<vmem>>, %arg2: memref<2x1000x80xf32, #tpu.memory_space<vmem>>, %arg3: memref<1000x128xf32, #tpu.memory_space<vmem>>, %arg4: memref<128x128xf32, #tpu.memory_space<vmem>>, %arg5: memref<80x128xf32, #tpu.memory_space<vmem>>, %arg6: memref<1x128xf32, #tpu.memory_space<vmem>>, %arg7: memref<1000x128xf32, #tpu.memory_space<vmem>>) attributes {dimension_semantics = [#tpu.dimension_semantics<arbitrary>], iteration_bounds = array<i64: 10>, scalar_prefetch = 0 : i64, scratch_operands = 0 : i64, tpu.core_type = #tpu.core_type<tc>, window_params = [{transform_indices = @transform_0, window_bounds = array<i64: 2, 1000, 80>}, {transform_indices = @transform_1, window_bounds = array<i64: 2, 1000, 80>}, {transform_indices = @transform_2, window_bounds = array<i64: 1000, 128>}, {pipeline_mode = #tpu.pipeline_mode<synchronous>, transform_indices = @transform_3, window_bounds = array<i64: 128, 128>}, {pipeline_mode = #tpu.pipeline_mode<synchronous>, transform_indices = @transform_4, window_bounds = array<i64: 80, 128>}, {pipeline_mode = #tpu.pipeline_mode<synchronous>, transform_indices = @transform_5, window_bounds = array<i64: 1, 128>}, {transform_indices = @transform_6, window_bounds = array<i64: 1000, 128>}]} {
    %get3A = arith.constant 0 : index
    %get3A_0 = arith.constant 0 : index
    %get3A_1 = arith.constant 0 : index
    %get3A_2 = vector.load %arg1[%get3A, %get3A_0, %get3A_1] : memref<2x1000x80xf32, #tpu.memory_space<vmem>>, vector<1x1000x80xf32>
    %get3A_3 = vector.shape_cast %get3A_2 : vector<1x1000x80xf32> to vector<1000x80xf32>
    %get3A_4 = arith.constant 1 : index
    %get3A_5 = arith.constant 0 : index
    %get3A_6 = arith.constant 0 : index
    %get3A_7 = vector.load %arg1[%get3A_4, %get3A_5, %get3A_6] : memref<2x1000x80xf32, #tpu.memory_space<vmem>>, vector<1x1000x80xf32>
    %get3A_8 = vector.shape_cast %get3A_7 : vector<1x1000x80xf32> to vector<1000x80xf32>
    %add3A = arith.addf %get3A_3, %get3A_8 : vector<1000x80xf32>
    %get3A_9 = arith.constant 0 : index
    %get3A_10 = arith.constant 0 : index
    %get3A_11 = arith.constant 0 : index
    %get3A_12 = vector.load %arg2[%get3A_9, %get3A_10, %get3A_11] : memref<2x1000x80xf32, #tpu.memory_space<vmem>>, vector<1x1000x80xf32>
    %get3A_13 = vector.shape_cast %get3A_12 : vector<1x1000x80xf32> to vector<1000x80xf32>
    %add3A_14 = arith.addf %add3A, %get3A_13 : vector<1000x80xf32>
    %get3A_15 = arith.constant 1 : index
    %get3A_16 = arith.constant 0 : index
    %get3A_17 = arith.constant 0 : index
    %get3A_18 = vector.load %arg2[%get3A_15, %get3A_16, %get3A_17] : memref<2x1000x80xf32, #tpu.memory_space<vmem>>, vector<1x1000x80xf32>
    %get3A_19 = vector.shape_cast %get3A_18 : vector<1x1000x80xf32> to vector<1000x80xf32>
    %add3A_20 = arith.addf %add3A_14, %get3A_19 : vector<1000x80xf32>
    %slice3A = vector.extract_strided_slice %add3A_20 {offsets = [0, 72], sizes = [1000, 1], strides = [1, 1]} : vector<1000x80xf32> to vector<1000x1xf32>
    %max3A = arith.constant 1.000000e+00 : f32
    %max3A_21 = vector.broadcast %max3A : f32 to vector<1000x1xf32>
    %max3A_22 = arith.maximumf %slice3A, %max3A_21 : vector<1000x1xf32>
    %div3A = vector.broadcast %max3A_22 : vector<1000x1xf32> to vector<1000x80xf32>
    %div3A_23 = arith.divf %add3A_20, %div3A : vector<1000x80xf32>
    %get3A_24 = arith.constant 0 : index
    %get3A_25 = arith.constant 0 : index
    %get3A_26 = vector.load %arg3[%get3A_24, %get3A_25] : memref<1000x128xf32, #tpu.memory_space<vmem>>, vector<1000x128xf32>
    %get3A_27 = arith.constant 0 : index
    %get3A_28 = arith.constant 0 : index
    %get3A_29 = vector.load %arg4[%get3A_27, %get3A_28] : memref<128x128xf32, #tpu.memory_space<vmem>>, vector<128x128xf32>
    %dot_general3A = arith.constant dense<0.000000e+00> : vector<1000x128xf32>
    %dot_general3A_30 = tpu.matmul %get3A_26, %get3A_29, %dot_general3A {dimension_numbers = #tpu.dot_dimension_numbers<[1], [0], [0], [1], [0, 0, 1, 1], [], []>, transpose_lhs_hint = false} : vector<1000x128xf32>, vector<128x128xf32>, vector<1000x128xf32> -> vector<1000x128xf32>
    %get3A_31 = arith.constant 0 : index
    %get3A_32 = arith.constant 0 : index
    %get3A_33 = vector.load %arg5[%get3A_31, %get3A_32] : memref<80x128xf32, #tpu.memory_space<vmem>>, vector<80x128xf32>
    %dot_general3A_34 = arith.constant dense<0.000000e+00> : vector<1000x128xf32>
    %dot_general3A_35 = tpu.matmul %div3A_23, %get3A_33, %dot_general3A_34 {dimension_numbers = #tpu.dot_dimension_numbers<[1], [0], [0], [1], [0, 0, 1, 1], [], []>, transpose_lhs_hint = false} : vector<1000x80xf32>, vector<80x128xf32>, vector<1000x128xf32> -> vector<1000x128xf32>
    %add3A_36 = arith.addf %dot_general3A_30, %dot_general3A_35 : vector<1000x128xf32>
    %get3A_37 = arith.constant 0 : index
    %get3A_38 = arith.constant 0 : index
    %get3A_39 = vector.load %arg6[%get3A_37, %get3A_38] : memref<1x128xf32, #tpu.memory_space<vmem>>, vector<1x128xf32>
    %add3A_40 = vector.broadcast %get3A_39 : vector<1x128xf32> to vector<1000x128xf32>
    %add3A_41 = arith.addf %add3A_36, %add3A_40 : vector<1000x128xf32>
    %ge3A = arith.constant 0.000000e+00 : f32
    %ge3A_42 = vector.broadcast %ge3A : f32 to vector<1000x128xf32>
    %ge3A_43 = arith.cmpf oge, %add3A_41, %ge3A_42 : vector<1000x128xf32>
    %mul3A = arith.constant 0.00999999977 : f32
    %mul3A_44 = vector.broadcast %mul3A : f32 to vector<1000x128xf32>
    %mul3A_45 = arith.mulf %mul3A_44, %add3A_41 : vector<1000x128xf32>
    %select_n3A = arith.select %ge3A_43, %add3A_41, %mul3A_45 : vector<1000x128xi1>, vector<1000x128xf32>
    %swap3A = arith.constant 0 : index
    %swap3A_46 = arith.constant 0 : index
    %swap3A_47 = vector.load %arg7[%swap3A, %swap3A_46] : memref<1000x128xf32, #tpu.memory_space<vmem>>, vector<1000x128xf32>
    tpu.vector_store %arg7[%swap3A, %swap3A_46], %select_n3A {strides = array<i32>} : memref<1000x128xf32, #tpu.memory_space<vmem>>, vector<1000x128xf32>,
    return
  }
  func.func @transform_0(%arg0: i32) -> (i32, i32, i32) {
    %c0_i32 = arith.constant 0 : i32
    %c0_i32_0 = arith.constant 0 : i32
    %c0_i32_1 = arith.constant 0 : i32
    return %c0_i32, %arg0, %c0_i32_0 : i32, i32, i32
  }
  func.func @transform_1(%arg0: i32) -> (i32, i32, i32) {
    %c0_i32 = arith.constant 0 : i32
    %c0_i32_0 = arith.constant 0 : i32
    %c0_i32_1 = arith.constant 0 : i32
    return %c0_i32, %arg0, %c0_i32_0 : i32, i32, i32
  }
  func.func @transform_2(%arg0: i32) -> (i32, i32) {
    %c0_i32 = arith.constant 0 : i32
    %c0_i32_0 = arith.constant 0 : i32
    return %arg0, %c0_i32 : i32, i32
  }
  func.func @transform_3(%arg0: i32) -> (i32, i32) {
    %c0_i32 = arith.constant 0 : i32
    %c0_i32_0 = arith.constant 0 : i32
    %c0_i32_1 = arith.constant 0 : i32
    return %c0_i32, %c0_i32_0 : i32, i32
  }
  func.func @transform_4(%arg0: i32) -> (i32, i32) {
    %c0_i32 = arith.constant 0 : i32
    %c0_i32_0 = arith.constant 0 : i32
    %c0_i32_1 = arith.constant 0 : i32
    return %c0_i32, %c0_i32_0 : i32, i32
  }
  func.func @transform_5(%arg0: i32) -> (i32, i32) {
    %c0_i32 = arith.constant 0 : i32
    %c0_i32_0 = arith.constant 0 : i32
    %c0_i32_1 = arith.constant 0 : i32
    return %c0_i32, %c0_i32_0 : i32, i32
  }
  func.func @transform_6(%arg0: i32) -> (i32, i32) {
    %c0_i32 = arith.constant 0 : i32
    %c0_i32_0 = arith.constant 0 : i32
    return %arg0, %c0_i32 : i32, i32
  }
}

</mosaic_0001>

<sc_bundles>
// kernel: kernel.11.cloned.1.call-start
scs
__scs_entry_jumppad:
0x0: {  	(pc) =	sbr.rel $0x88, $3  }
0x1: {  	(tag) =	ssettag $0x0;
	lr =	simm.s32 $0x1  }
0x2: {  	[smem:$0x3F9B] =	sst lr;
	_ =	strace $0xD0000000  }
0x3: {  	_ = 	snop  }
0x4: {  	_ = 	snop  }
0x5: {  	_ = 	snop  }
0x6: {  	_ = 	snop  }
0x7: {  	_ = 	snop  }
__scs_overlays_trampoline_lowered:
0x8: {  	[smem:$0x3FAA] =	sst s0  }
0x9: {  	[smem:$0x3FAB] =	sst s1  }
0xa: {  	[smem:$0x3FAC] =	sst s2  }
0xb: {  	[smem:$0x3FAD] =	sst s3  }
0xc: {  	[smem:$0x3FAE] =	sst s4  }
0xd: {  	[smem:$0x3FAF] =	sst s5  }
0xe: {  	[smem:$0x3FB0] =	sst s6  }
0xf: {  	[smem:$0x3FB1] =	sst s7  }
0x10: {  	[smem:$0x3FB2] =	sst s8  }
0x11: {  	[smem:$0x3FB3] =	sst s9;
	s0 =	simm.s32 @!p0 $0x0  }
0x12: {  	s1 =	sld [smem:$0x3F99];
	s0 =	simm.s32 @p0 $0x1  }
0x13: {  	[smem:$0x3FB4] =	sst s0;
	s0 =	simm.s32 @!p1 $0x0  }
0x14: {  	s2 =	sld [smem:$0x3F98];
	s0 =	simm.s32 @p1 $0x1  }
0x15: {  	[smem:$0x3FB5] =	sst s0;
	s0 =	simm.s32 @!p2 $0x0  }
0x16: {  	s3 =	sld [smem:$0x3FDB];
	s0 =	simm.s32 @p2 $0x1  }
0x17: {  	s4 =	simm.s32 $0x1BF5;
	[smem:$0x3FB7] =	sst s0  }
0x18: {  	s0 =	sld [smem:$0x3F9A];
	_ =	swait.ge [sflag:s4], $0x0  }
0x19: {  	s7 =	sld [smem:$0x3F9B]  }
0x1a: {  	s8 =	sadd.s32 $0xFFFFE003, lr  }
0x1b: {  	s9 =	sadd.s32 $0xFFFFFEF7, lr;
	s5 =	simm.s32 $0xFFFFFFFF;
	p2 =	slt.u32 s8, $0xFFFFF086  }
0x1c: {  	p1 =	slt.u32 s9, $0xF7A;
	s5 =	simm.s32 @!p2 $0x0  }
0x1d: {  	s5 =	simm.s32 @p1 $0x1;
	p0 =	seq.s32 s7, s2  }
0x1e: {  	s7 =	smul.u32 @!p0 $0xF7A, s2;
	p2 =	seq.s32 @!p0 s5, $0x0  }
0x1f: {  	s9 =	smul.u32 $0xF7A, s1;
	s8 =	simm.s32 @!p0 $0x1BF5;
	p2 =	por !p2, p0  }
0x20: {  	[sflag:s8] =	ssyncset.s32 @!p0 $0xFFFFF086;
	s6 =	sadd.s32 @!p0 s3, s7;
	s7 =	simm.s32 @!p0 $0x108  }
0x21: {  	s3 =	sadd.s32 s3, s9;
	s6 =	sadd.s32 @!p0 $0x88, s6;
	s7 =	simm.s32 @p2 $0x1082  }
0x22: {  	[simem:s7], [sflag:s8] =	dma.local @!p0 [hbm:s6], $0xF7A  }
0x23: {  	s9 =	sor.u32 $0xD0000000, s2;
	s6 =	simm.s32 $0x108;
	_ =	swait.ge @!p0 [sflag:s8], $0x0  }
0x24: {  	s3 =	sadd.s32 $0x88, s3;
	s6 =	simm.s32 @!p1 $0x1082;
	[sflag:s4] =	ssyncset.s32 $0xFFFFF086  }
0x25: {  	[simem:s6], [sflag:s4] =	dma.local [hbm:s3], $0xF7A  }
0x26: {  	[smem:$0x3F9B] =	sst s1;
	(tag) =	ssettag s2;
	_ =	strace s9  }
0x27: {  	s1 =	sld [smem:$0x3FAB]  }
0x28: {  	s2 =	sld [smem:$0x3FAC]  }
0x29: {  	s4 =	sld [smem:$0x3FAE]  }
0x2a: {  	p0 =	seq.s32 s5, $0x0;
	s5 =	sld [smem:$0x3FAF]  }
0x2b: {  	s6 =	sld [smem:$0x3FB0]  }
0x2c: {  	s7 =	sld [smem:$0x3FB1]  }
0x2d: {  	s3 =	simm.s32 $0x108;
	s8 =	sld [smem:$0x3FB2]  }
0x2e: {  	s3 =	simm.s32 @!p0 $0x1082;
	s9 =	sld [smem:$0x3FB3]  }
0x2f: {  	lr =	sadd.s32 s0, s3;
	s0 =	sld [smem:$0x3FAA]  }
0x30: {  	s3 =	sld [smem:$0x3FAD]  }
0x31: {  	[smem:$0x3FB6] =	sst s10  }
0x32: {  	s10 =	sld [smem:$0x3FB4];
	_ =	sdelay $0x3  }
0x33: {  	p0 =	seq.s32 s10, $0x1;
	s10 =	sld [smem:$0x3FB6];
	_ =	sdelay $0x3  }
0x34: {  	[smem:$0x3FB6] =	sst s10  }
0x35: {  	s10 =	sld [smem:$0x3FB5];
	_ =	sdelay $0x3  }
0x36: {  	p1 =	seq.s32 s10, $0x1;
	s10 =	sld [smem:$0x3FB6];
	_ =	sdelay $0x3  }
0x37: {  	[smem:$0x3FB6] =	sst s10  }
0x38: {  	s10 =	sld [smem:$0x3FB7]  }
0x39: {  	_ = 	snop;
	(pc) =	sbr.ind lr, $3  }
0x3a: {  	_ = 	snop  }
0x3b: {  	_ = 	snop  }
0x3c: {  	p2 =	seq.s32 s10, $0x1;
	s10 =	sld [smem:$0x3FB6]  }
0x3d: {  	_ =	shalt  }
0x3e: {  	_ =	shalt  }
0x3f: {  	_ =	shalt  }
0x40: {  	_ =	shalt  }
0x41: {  	_ =	shalt  }
0x42: {  	_ =	shalt  }
0x43: {  	_ =	shalt  }
0x44: {  	_ =	shalt  }
0x45: {  	_ =	shalt  }
0x46: {  	_ =	shalt  }
0x47: {  	_ =	shalt  }
0x48: {  	_ =	shalt  }
0x49: {  	_ =	shalt  }
0x4a: {  	_ =	shalt  }
0x4b: {  	_ =	shalt  }
0x4c: {  	_ =	shalt  }
0x4d: {  	_ =	shalt  }
0x4e: {  	_ =	shalt  }
0x4f: {  	_ =	shalt  }
0x50: {  	_ =	shalt  }
0x51: {  	_ =	shalt  }
0x52: {  	_ =	shalt  }
0x53: {  	_ =	shalt  }
0x54: {  	_ =	shalt  }
0x55: {  	_ =	shalt  }
0x56: {  	_ =	shalt  }
0x57: {  	_ =	shalt  }
0x58: {  	_ =	shalt  }
0x59: {  	_ =	shalt  }
0x5a: {  	_ =	shalt  }
0x5b: {  	_ =	shalt  }
0x5c: {  	_ =	shalt  }
0x5d: {  	_ =	shalt  }
0x5e: {  	_ =	shalt  }
0x5f: {  	_ =	shalt  }
0x60: {  	_ =	shalt  }
0x61: {  	_ =	shalt  }
0x62: {  	_ =	shalt  }
0x63: {  	_ =	shalt  }
0x64: {  	_ =	shalt  }
0x65: {  	_ =	shalt  }
0x66: {  	_ =	shalt  }
0x67: {  	_ =	shalt  }
0x68: {  	_ =	shalt  }
0x69: {  	_ =	shalt  }
0x6a: {  	_ =	shalt  }
0x6b: {  	_ =	shalt  }
0x6c: {  	_ =	shalt  }
0x6d: {  	_ =	shalt  }
0x6e: {  	_ =	shalt  }
0x6f: {  	_ =	shalt  }
0x70: {  	_ =	shalt  }
0x71: {  	_ =	shalt  }
0x72: {  	_ =	shalt  }
0x73: {  	_ =	shalt  }
0x74: {  	_ =	shalt  }
0x75: {  	_ =	shalt  }
0x76: {  	_ =	shalt  }
0x77: {  	_ =	shalt  }
0x78: {  	_ =	shalt  }
0x79: {  	_ =	shalt  }
0x7a: {  	_ =	shalt  }
0x7b: {  	_ =	shalt  }
0x7c: {  	_ =	shalt  }
0x7d: {  	_ =	shalt  }
0x7e: {  	_ =	shalt  }
0x7f: {  	_ =	shalt  }
0x80: {  	_ =	shalt  }
0x81: {  	_ =	shalt  }
0x82: {  	_ =	shalt  }
0x83: {  	_ =	shalt  }
0x84: {  	_ =	shalt  }
0x85: {  	_ =	shalt  }
0x86: {  	_ =	shalt  }
0x87: {  	_ =	shalt  }
.Lfunc_end0:
.L_simem_size_0:
called_computation.1_lowered:
.L_overlay_start_0:
0x88: {  	s2 =	sld [smem:$0x3FD9]  }
0x89: {  	s3 =	sld [smem:$0x3FFE];
	_ =	sdelay $0x1  }
0x8a: {  	s1 =	srdreg.scid  }
0x8b: {  	s0 =	sand.u32 $0x1, s1  }
0x8c: {  	s17 =	sshll.u32 s0, $0xA;
	s2 =	sadd.s32 s3, s2  }
0x8d: {  	s2 =	sadd.s32 s2, s17  }
0x8e: {  	[smem:$0x3FC2] =	sst s2  }
0x8f: {  	_ = 	snop  }
0x90: {  	s18 =	sld [smem:$0x3FD0];
	(tm) =	ssettm $0x1  }
0x91: {  	s19 =	sld [smem:$0x3FFB];
	_ =	sdelay $0x3  }
0x92: {  	_ =	strace s19  }
0x93: {  	s2 =	sld [smem:$0x3FFC];
	_ =	sdelay $0x3  }
0x94: {  	_ =	strace s2  }
0x95: {  	s2 =	sld [smem:$0x3FFD];
	_ =	sdelay $0x3  }
0x96: {  	_ =	strace s2  }
0x97: {  	_ =	strace $0x8FFFFFFF  }
0x98: {  	s20 =	sld [smem:$0x3FDB];
	_ =	sdelay $0x1  }
0x99: {  	s4 =	simm.s32 $_scs_section_size  }
0x9a: {  	s5 =	simm.s32 $_size__tile_overlayer_lowered;
	s6 =	simm.s32 $_tile_overlayer_lowered  }
0x9b: {  	s7 =	simm.s32 $0x1BFF;
	s21 =	sshll.u32 s6, $0x1;
	s4 =	sadd.s32 s4, s20  }
0x9c: {  	s22 =	simm.s32 $0x0;
	s5 =	sshll.u32 s5, $0x1;
	s6 =	sadd.s32 s21, s4  }
0x9d: {  	[timem:s22], [sflag:s7] =	dma.local [hbm:s6], s5  }
0x9e: {  	_ =	swait.ge [sflag:s7], s5  }
0x9f: {  	s5 =	ssub.s32 $0x0, s5;
	[sflag:s7] =	ssyncset.done $0x0  }
0xa0: {  	[sflag:s7] =	ssyncadd.s32 s5;
	_ =	sdelay $0x1  }
0xa1: {  	s23 =	simm.s32 $0x1B8B  }
0xa2: {  	_ =	swait.ge [sflag:s23], $0x1  }
0xa3: {  	[sflag:s23] =	ssyncset.done $0x0  }
0xa4: {  	[sflag:s23] =	ssyncadd.s32 $0xFFFFFFFF  }
0xa5: {  	s5 =	sld [smem:$0x0]  }
0xa6: {  	s6 =	sand.u32 $0xFFFFFFFE, s1  }
0xa7: {  	p0 =	sne.s32 s1, s6  }
0xa8: {  	s6 =	sshll.u32 @p0 s6, $0xE  }
0xa9: {  	s6 =	sadd.s32 @p0 $0x11B8D, s6;
	s7 =	sshll.u32 @p0 s5, $0x11  }
0xaa: {  	s6 =	sor.u32 @p0 s7, s6  }
0xab: {  	[sflag:s6] =	ssyncadd.remote.s32 @p0 $0x1;
	_ =	sdelay $0x1  }
0xac: {  	s6 =	simm.s32 @p0 $0x1B8D  }
0xad: {  	_ =	swait.eq @p0 [sflag:s6], $0x1  }
0xae: {  	[sflag:s6] =	ssyncadd.s32 @p0 $0xFFFFFFFF  }
0xaf: {  	s7 =	sshll.u32 @!p0 s1, $0xE  }
0xb0: {  	s7 =	sor.u32 @!p0 $0x4000, s7;
	s6 =	simm.s32 @!p0 $0x1B8D  }
0xb1: {  	s5 =	sshll.u32 @!p0 s5, $0x11;
	s7 =	sadd.s32 @!p0 $0x11B8D, s7;
	_ =	swait.eq @!p0 [sflag:s6], $0x1  }
0xb2: {  	s5 =	sor.u32 @!p0 s5, s7;
	[sflag:s6] =	ssyncadd.s32 @!p0 $0xFFFFFFFF  }
0xb3: {  	s25 =	simm.s32 $0x1B8E;
	s24 =	sld [smem:$0x3FFE];
	[sflag:s5] =	ssyncadd.remote.s32 @!p0 $0x1  }
0xb4: {  	s26 =	simm.s32 $execute0_lowered;
	[smem:$0x3FD2] =	sst s25  }
0xb5: {  	s6 =	sshll.u32 s26, $0x1;
	_ =	strace $0x80000049;
	[dreg:$0x1] =	wrdreg $0xFFFFFFFF  }
0xb6: {  	s28 =	simm.s32 $_size_execute0_lowered;
	s4 =	sadd.s32 s4, s6;
	[dreg:$0x0] =	wrdreg $0x0  }
0xb7: {  	s6 =	sshll.u32 s28, $0x1;
	[dreg:$0x2] =	wrdreg s4  }
0xb8: {  	[dreg:$0x3] =	wrdreg s6  }
0xb9: {  	[dreg:$0x4] =	wrdreg $0xC0  }
0xba: {  	_ =	task [dreg:s22], $0x5FFFF  }
0xbb: {  	[dreg:$0x1] =	wrdreg $0xFFFFFFFF  }
0xbc: {  	[dreg:$0x0] =	wrdreg $0x60  }
0xbd: {  	[dreg:$0x2] =	wrdreg s18  }
0xbe: {  	[dreg:$0x3] =	wrdreg s24  }
0xbf: {  	[dreg:$0x4] =	wrdreg $0xE9200  }
0xc0: {  	[dreg:$0x5] =	wrdreg $0xA  }
0xc1: {  	_ =	task.clear_ibuf [dreg:s22], $0x6FFFF;
	_ =	strace $0x90000049  }
0xc2: {  	s29 =	simm.s32 $0xA;
	_ =	strace $0x8000004B  }
0xc3: {  	_ =	swait.ge [sflag:s29], $0x1  }
0xc4: {  	[sflag:s29] =	ssyncadd.s32 $0xFFFFFFFF  }
0xc5: {  	_ =	strace $0x9000004B  }
0xc6: {  	_ =	sfence  }
0xc7: {  	s30 =	sld [smem:$0x0];
	_ =	sdelay $0x2  }
0xc8: {  	s31 =	sshll.u32 s1, $0xD;
	s1 =	sshrl.u32 s1, $0x2  }
0xc9: {  	s4 =	sand.u32 $0x4000, s31;
	s1 =	sadd.s32 s1, s30  }
0xca: {  	s0 =	sor.u32 s4, s0;
	s1 =	sshll.u32 s1, $0x11  }
0xcb: {  	s0 =	sor.u32 s1, s0  }
0xcc: {  	s0 =	sadd.s32 $0x8F2B, s0  }
0xcd: {  	[sflag:s0] =	ssyncadd.remote.s32 $0x1  }
0xce: {  	_ =	sfence.sel $0xFFFF  }
0xcf: {  	[dreg:$0x0] =	wrdreg $0xFFFFFFFF;
	(pc) =	sbr.abs _section_cstart, $3  }
0xd0: {  	[dreg:$0x1] =	wrdreg $0xFFFFFFFF  }
0xd1: {  	_ =	task.clear_ibuf [dreg:s22], $0x2FFFF;
	_ =	strace $0x9FFFFFFF  }
0xd2: {  	(tm) =	ssettm $0x7FFFFFFF  }
0xd3: {  	_ =	shalt  }
tec
execute0_lowered:
.L_overlay_start_1:
0x0: {  	(tag) =	ssettag $0x1  }
0x1: {  	s1 =	rddreg [dreg:$0x0]  }
0x2: {  	s0 =	rddreg [dreg:$0x1]  }
0x3: {  	s3 =	rddreg [dreg:$0x2]  }
0x4: {  	s4 =	simm.s32 $0x0;
	s2 =	srdreg.scid;
	s11 =	stileid.u32  }
0x5: {  	s28 =	simm.s32 $0x1;
	s29 =	simm.s32 $0x3;
	s30 =	simm.s32 $0x8F20  }
0x6: {  	[smem:$0x7FF] =	sst s4;
	s2 =	sand.u32 $0x1, s2;
	s7 =	smul.u32 $0xC800, s11  }
0x7: {  	s5 =	sadd.s32 $0x10F200, s0;
	s8 =	sadd.s32 $0xB400, s0;
	s9 =	sadd.s32 $0x1600, s0  }
0x8: {  	s10 =	sshll.u32 s11, $0x1;
	s11 =	smul.u32 $0x32000, s11;
	_ =	strace $0x8000004A  }
0x9: {  	s6 =	smul.u32 $0xC8000, s2;
	s13 =	ssub.s32 $0x2, s2;
	s2 =	sor.u32 s2, s10  }
0xa: {  	s18 =	sshrl.u32 s13, $0x1;
	s11 =	sshrl.u32 s11, $0x2;
	s22 =	smul.u32 $0x6A400, s2  }
0xb: {  	s6 =	sadd.s32 s7, s6;
	s10 =	ssub.s32 s13, s18;
	s11 =	sadd.s32 s11, s3  }
0xc: {  	s7 =	sadd.s32 s7, s3;
	s12 =	sshrl.u32 s6, $0x3;
	s6 =	smul.u32 $0xD48, s2  }
0xd: {  	[dreg:$0x4] =	wrdreg s7;
	s19 =	sadd.s32 $0x2800, s11;
	s21 =	sadd.s32 $0x5000, s11  }
0xe: {  	s23 =	sadd.s32 $0x7800, s11;
	s11 =	sadd.s32 $0xA000, s11;
	[dreg:$0x5] =	wrdreg s19  }
0xf: {  	s2 =	smul.u32 $0xD480, s2;
	s24 =	sshrl.u32 s22, $0x3;
	[dreg:$0x6] =	wrdreg s21  }
0x10: {  	s31 =	smax.u32 s10, $0x1;
	s22 =	simm.s32 $0x50;
	[dreg:$0x7] =	wrdreg s23  }
0x11: {  	s0 =	sadd.s32 s12, s0;
	[dreg:$0x8] =	wrdreg s11;
	s25 =	sadd.s32 s5, s24  }
0x12: {  	[dreg:$0xc] =	wrdreg s31;
	s21 =	simm.s32 $0x7;
	s23 =	simm.s32 $0x3520  }
0x13: {  	s24 =	simm.s32 $0x6720;
	s20 =	sshrl.u32 s6, $0x3;
	s2 =	sadd.s32 s5, s2  }
.Ltmp0:
0x14: {  	s26 =	sadd.s32 $0x280, s25;
	[dreg:$0x9] =	wrdreg s2;
	(pc) =	sbr.rel .LBB2_1-.Ltmp0, $4  }
0x15: {  	s0 =	sadd.s32 $0x2B8200, s0;
	s25 =	simm.s32 $0x2;
	[dreg:$0xa] =	wrdreg s26  }
0x16: {  	s14 =	sadd.s32 $0x1900, s20;
	s7 =	sadd.s32 $0x6720, s20;
	[dreg:$0xb] =	wrdreg s0  }
0x17: {  	s26 =	simm.s32 $0x4;
	s2 =	simm.s32 $0x0;
	s12 =	sadd.s32 s8, s14  }
0x18: {  	v0 =	vimm.f32 $0.0e+00;
	s13 =	sadd.s32 s8, s7;
	s14 =	sadd.s32 s9, s14;
	s15 =	sadd.s32 s9, s7  }
.LBB2_20:
0x19: {  	s0 =	simm.s32 $0x5  }
0x1a: {  	_ =	swait.ge [sflag:s0], $0x1900  }
0x1b: {  	[sflag:s0] =	ssyncset.done $0x0  }
0x1c: {  	s18 =	simm.s32 $0x6;
	[sflag:s0] =	ssyncadd.s32 $0xFFFFE700  }
0x1d: {  	_ =	swait.ge [sflag:s18], $0x1900  }
0x1e: {  	[sflag:s18] =	ssyncset.done $0x0  }
0x1f: {  	[sflag:s18] =	ssyncadd.s32 $0xFFFFE700  }
0x20: {  	s19 =	stileid.u32;
	[bflag:$0x0] =	sbarrier.arrive $0xFFFF  }
0x21: {  	s0 =	sshll.u32 s19, $0x6;
	s2 =	rddreg [dreg:$0x4]  }
0x22: {  	s0 =	sor.u32 $0x1C07, s0;
	s7 =	rddreg [dreg:$0xb];
	s2 =	sshrl.u32 s2, $0x3  }
0x23: {  	[hbm:s7], [sflag:s0] =	dma.local [spmem:s2], $0x1900  }
0x24: {  	_ =	swait.ge [sflag:s21], $0x1900  }
0x25: {  	s20 =	rddreg [dreg:$0xd]  }
0x26: {  	s31 =	rddreg [dreg:$0xc];
	s2 =	sadd.s32 $0x1, s20  }
0x27: {  	p0 =	sne.s32 s2, s31  }
.Ltmp1:
0x28: {  	_ = 	snop;
	(pc) =	sbr.rel @!p0 .LBB2_21-.Ltmp1, $3  }
0x29: {  	_ =	sdelay $0x1  }
0x2a: {  	[sflag:s21] =	ssyncset.done $0x0  }
0x2b: {  	[sflag:s21] =	ssyncadd.s32 $0xFFFFE700  }
.LBB2_1:
0x2c: {  	[dreg:$0xd] =	wrdreg s2;
	s2 =	simm.s32 $0x140;
	s0 =	simm.s32 $0x0  }
.LBB2_2:
0x2d: {  	p0 =	sne.s32 s2, $0x9EC0;
	[tilespmem:s0+$0xC160] =	vst v0;
	s7 =	smov.u32 s2;
	s2 =	sadd.s32 $0x140, s2  }
.Ltmp2:
0x2e: {  	[tilespmem:s0+$0xC150] =	vst v0;
	(pc) =	sbr.rel @p0 .LBB2_2-.Ltmp2, $4  }
0x2f: {  	[tilespmem:s0+$0xC140] =	vst v0  }
0x30: {  	[tilespmem:s0+$0xC120] =	vst v0  }
0x31: {  	[tilespmem:s0+$0xC130] =	vst v0  }
0x32: {  	s0 =	sshra.s32 s7, $0x2  }
0x33: {  	[tilespmem:s0+$0xC160] =	vst v0  }
0x34: {  	[tilespmem:s0+$0xC150] =	vst v0  }
0x35: {  	[tilespmem:s0+$0xC140] =	vst v0  }
0x36: {  	[tilespmem:s0+$0xC120] =	vst v0  }
0x37: {  	[tilespmem:s0+$0xC130] =	vst v0  }
0x38: {  	s2 =	simm.s32 $0xC120;
	s0 =	rddreg [dreg:$0x4]  }
0x39: {  	[spmem:s0] =	stream.linear.scatter [tilespmem:s2], [sflag:$0x7], $0x2800, $0x38;
	[tilespmem:$0x1B120] =	vst v63  }
0x3a: {  	_ =	swait.ge [sflag:s21], $0x2800  }
0x3b: {  	[sflag:s21] =	ssyncset.done $0x0  }
0x3c: {  	s18 =	rddreg [dreg:$0x5];
	[sflag:s21] =	ssyncadd.s32 $0xFFFFD800  }
0x3d: {  	[spmem:s18] =	stream.linear.scatter [tilespmem:s2], [sflag:$0x7], $0x2800, $0x38;
	[tilespmem:$0x1B120] =	vst v63  }
0x3e: {  	_ =	swait.ge [sflag:s21], $0x2800  }
0x3f: {  	[sflag:s21] =	ssyncset.done $0x0  }
0x40: {  	s19 =	rddreg [dreg:$0x6];
	[sflag:s21] =	ssyncadd.s32 $0xFFFFD800  }
0x41: {  	[spmem:s19] =	stream.linear.scatter [tilespmem:s2], [sflag:$0x7], $0x2800, $0x38;
	[tilespmem:$0x1B120] =	vst v63  }
0x42: {  	_ =	swait.ge [sflag:s21], $0x2800  }
0x43: {  	[sflag:s21] =	ssyncset.done $0x0  }
0x44: {  	s20 =	rddreg [dreg:$0x7];
	[sflag:s21] =	ssyncadd.s32 $0xFFFFD800  }
0x45: {  	[spmem:s20] =	stream.linear.scatter [tilespmem:s2], [sflag:$0x7], $0x2800, $0x38;
	[tilespmem:$0x1B120] =	vst v63  }
0x46: {  	_ =	swait.ge [sflag:s21], $0x2800  }
0x47: {  	[sflag:s21] =	ssyncset.done $0x0  }
0x48: {  	s31 =	rddreg [dreg:$0x8];
	[sflag:s21] =	ssyncadd.s32 $0xFFFFD800  }
0x49: {  	[spmem:s31] =	stream.linear.scatter [tilespmem:s2], [sflag:$0x7], $0x2800, $0x38;
	[tilespmem:$0x1B120] =	vst v63  }
0x4a: {  	_ =	swait.ge [sflag:s21], $0x2800  }
0x4b: {  	[sflag:s21] =	ssyncset.done $0x0  }
0x4c: {  	s8 =	sadd.s32 $0x0, s12;
	s7 =	simm.s32 $0x50;
	[sflag:s21] =	ssyncadd.s32 $0xFFFFD800  }
0x4d: {  	s0 =	simm.s32 $0x0;
	s2 =	simm.s32 $0x5;
	[bflag:$0x0] =	sbarrier.arrive $0xFFFF  }
.LBB2_4:
0x4e: {  	[tilespmem:s0], [sflag:$0x7] =	stream.linear.gather [hbm4b:s8+s4], $0x28, $0x38;
	[tilespmem:$0x1B120] =	vst v63  }
0x4f: {  	s8 =	smov.u32 s2;
	s0 =	smov.u32 s7;
	p0 =	sne.s32 s2, $0x1A4  }
.Ltmp3:
0x50: {  	s2 =	sadd.s32 $0x5, s2;
	(pc) =	sbr.rel @p0 .LBB2_4-.Ltmp3, $2  }
0x51: {  	_ =	sdelay $0x2  }
0x52: {  	s7 =	sadd.s32 $0x50, s7;
	s8 =	sadd.s32 s8, s12  }
0x53: {  	[tilespmem:s0], [sflag:$0x7] =	stream.linear.gather [hbm4b:s8+s4], $0x28, $0x38;
	[tilespmem:$0x1B120] =	vst v63  }
0x54: {  	_ =	swait.ge [sflag:s21], $0xD48  }
0x55: {  	s0 =	simm.s32 $0x28;
	s2 =	simm.s32 $0x5;
	[sflag:s21] =	ssyncset.done $0x0  }
0x56: {  	s8 =	sadd.s32 $0x0, s13;
	s7 =	simm.s32 $0x78;
	[sflag:s21] =	ssyncadd.s32 $0xFFFFF2B8  }
.LBB2_6:
0x57: {  	[tilespmem:s0], [sflag:$0x7] =	stream.linear.gather [hbm4b:s8+s4], $0x28, $0x38;
	[tilespmem:$0x1B120] =	vst v63  }
0x58: {  	s8 =	smov.u32 s2;
	s0 =	smov.u32 s7;
	p0 =	sne.s32 s2, $0x1A4  }
.Ltmp4:
0x59: {  	s2 =	sadd.s32 $0x5, s2;
	(pc) =	sbr.rel @p0 .LBB2_6-.Ltmp4, $2  }
0x5a: {  	_ =	sdelay $0x2  }
0x5b: {  	s7 =	sadd.s32 $0x50, s7;
	s8 =	sadd.s32 s8, s13  }
0x5c: {  	[tilespmem:s0], [sflag:$0x7] =	stream.linear.gather [hbm4b:s8+s4], $0x28, $0x38;
	[tilespmem:$0x1B120] =	vst v63  }
0x5d: {  	_ =	swait.ge [sflag:s21], $0xD48  }
0x5e: {  	s0 =	simm.s32 $0x1A90;
	s2 =	simm.s32 $0x5;
	[sflag:s21] =	ssyncset.done $0x0  }
0x5f: {  	s8 =	sadd.s32 $0x0, s14;
	s7 =	simm.s32 $0x1AE0;
	[sflag:s21] =	ssyncadd.s32 $0xFFFFF2B8  }
.LBB2_8:
0x60: {  	[tilespmem:s0], [sflag:$0x7] =	stream.linear.gather [hbm4b:s8+s4], $0x28, $0x38;
	[tilespmem:$0x1B120] =	vst v63  }
0x61: {  	s8 =	smov.u32 s2;
	s0 =	smov.u32 s7;
	p0 =	sne.s32 s2, $0x1A4  }
.Ltmp5:
0x62: {  	s2 =	sadd.s32 $0x5, s2;
	(pc) =	sbr.rel @p0 .LBB2_8-.Ltmp5, $2  }
0x63: {  	_ =	sdelay $0x2  }
0x64: {  	s7 =	sadd.s32 $0x50, s7;
	s8 =	sadd.s32 s8, s14  }
0x65: {  	[tilespmem:s0], [sflag:$0x7] =	stream.linear.gather [hbm4b:s8+s4], $0x28, $0x38;
	[tilespmem:$0x1B120] =	vst v63  }
0x66: {  	_ =	swait.ge [sflag:s21], $0xD48  }
0x67: {  	s0 =	simm.s32 $0x1AB8;
	s2 =	simm.s32 $0x5;
	[sflag:s21] =	ssyncset.done $0x0  }
0x68: {  	s8 =	sadd.s32 $0x0, s15;
	s7 =	simm.s32 $0x1B08;
	[sflag:s21] =	ssyncadd.s32 $0xFFFFF2B8  }
.LBB2_10:
0x69: {  	[tilespmem:s0], [sflag:$0x7] =	stream.linear.gather [hbm4b:s8+s4], $0x28, $0x38;
	[tilespmem:$0x1B120] =	vst v63  }
0x6a: {  	s8 =	smov.u32 s2;
	s0 =	smov.u32 s7;
	p0 =	sne.s32 s2, $0x1A4  }
.Ltmp6:
0x6b: {  	s2 =	sadd.s32 $0x5, s2;
	(pc) =	sbr.rel @p0 .LBB2_10-.Ltmp6, $2  }
0x6c: {  	_ =	sdelay $0x2  }
0x6d: {  	s7 =	sadd.s32 $0x50, s7;
	s8 =	sadd.s32 s8, s15  }
0x6e: {  	[tilespmem:s0], [sflag:$0x7] =	stream.linear.gather [hbm4b:s8+s4], $0x28, $0x38;
	[tilespmem:$0x1B120] =	vst v63  }
0x6f: {  	_ =	swait.ge [sflag:s21], $0xD48  }
0x70: {  	[sflag:s21] =	ssyncset.done $0x0  }
0x71: {  	s9 =	simm.s32 $0x0;
	[sflag:s21] =	ssyncadd.s32 $0xFFFFF2B8  }
0x72: {  	[tilespmem:s23], [sflag:$0x1] =	stream.indirect.gather [hbm4b:s1+s22], $0x50, s9, s22, $0xb8;
	[tilespmem:$0x1B120] =	vst v63  }
0x73: {  	s19 =	rddreg [dreg:$0x9]  }
0x74: {  	[tilespmem:s24], [sflag:$0x3] =	stream.linear.gather [hbm4b:s19+s9], $0x1400, $0x38;
	[tilespmem:$0x1B120] =	vst v63  }
.Ltmp7:
0x75: {  	_ = 	snop;
	(pc) =	sbr.rel .LBB2_12-.Ltmp7, $4  }
0x76: {  	s20 =	simm.s32 $0x4E20  }
0x77: {  	[tilespmem:s20], [sflag:$0x2] =	stream.indirect.gather [hbm4b:s1+s22], $0x50, s22, s22, $0xb8;
	[tilespmem:$0x1B120] =	vst v63  }
0x78: {  	s2 =	simm.s32 $0x7B20;
	s31 =	rddreg [dreg:$0xa]  }
0x79: {  	[tilespmem:s2], [sflag:$0x4] =	stream.linear.gather [hbm4b:s31+s9], $0x1400, $0x38;
	[tilespmem:$0x1B120] =	vst v63  }
.LBB2_19:
0x7a: {  	s9 =	sadd.s32 $0x1, s9  }
0x7b: {  	p0 =	sne.s32 s9, $0x2B  }
.Ltmp8:
0x7c: {  	_ = 	snop;
	(pc) =	sbr.rel @!p0 .LBB2_20-.Ltmp8, $1  }
0x7d: {  	_ =	sdelay $0x3  }
.LBB2_12:
0x7e: {  	_ =	swait.ge [sflag:s28], $0x1900  }
0x7f: {  	[sflag:s28] =	ssyncset.done $0x0  }
0x80: {  	[sflag:s28] =	ssyncadd.s32 $0xFFFFE700  }
0x81: {  	_ =	swait.ge [sflag:s29], $0x1400  }
0x82: {  	p0 =	seq.s32 s9, $0x0;
	[sflag:s29] =	ssyncset.done $0x0  }
0x83: {  	s0 =	simm.s32 @!p0 $0x5;
	[sflag:s29] =	ssyncadd.s32 $0xFFFFEC00  }
0x84: {  	_ =	swait.ge @!p0 [sflag:s0], $0x1900  }
0x85: {  	[sflag:s0] =	ssyncset.done @!p0 $0x0  }
0x86: {  	s10 =	simm.s32 $0x67A0;
	[sflag:s0] =	ssyncadd.s32 @!p0 $0xFFFFE700  }
0x87: {  	s7 =	simm.s32 $0x4230;
	v1 =	vld [tilespmem:s10+$0x0]  }
0x88: {  	v2 =	vld [tilespmem:s7+$0xFFFFF340]  }
0x89: {  	v3 =	vld [tilespmem:s7+$0xFFFFFFC0];
	_ =	sdelay $0x2  }
0x8a: {  	v4 =	vunpack.i.l.bf16.f32 v1  }
0x8b: {  	v1 =	vunpack.i.u.bf16.f32 v1;
	v2 =	vadd.f32 v2, v4  }
0x8c: {  	v1 =	vadd.f32 v3, v1  }
0x8d: {  	v3 =	vmul.f32 $9.999999770e-03, v2  }
0x8e: {  	vm0 =	vge.f32 v2, $0.0e+00;
	v4 =	vmul.f32 $9.999999770e-03, v1  }
0x8f: {  	s11 =	simm.s32 $0x9C30;
	v5 =	vld [tilespmem:s10+$0xFFFFFF80];
	v2 =	vsel vm0, v2, v3;
	vm0 =	vge.f32 v1, $0.0e+00  }
0x90: {  	v3 =	vld [tilespmem:s7+$0xFFFFF2F0];
	[tilespmem:s11+$0xFFFFF340] =	vst v2;
	v1 =	vsel vm0, v1, v4  }
0x91: {  	v2 =	vld [tilespmem:s7+$0xFFFFFF70];
	[tilespmem:s11+$0xFFFFFFC0] =	vst v1  }
0x92: {  	v1 =	vld [tilespmem:s10+$0x10]  }
0x93: {  	v4 =	vld [tilespmem:s7+$0xFFFFF350]  }
0x94: {  	v6 =	vunpack.i.l.bf16.f32 v5;
	v7 =	vld [tilespmem:s7+$0xFFFFFFD0]  }
0x95: {  	v5 =	vunpack.i.u.bf16.f32 v5;
	v3 =	vadd.f32 v3, v6  }
0x96: {  	v2 =	vadd.f32 v2, v5  }
0x97: {  	vm0 =	vge.f32 v3, $0.0e+00;
	v5 =	vmul.f32 $9.999999770e-03, v3;
	v6 =	vunpack.i.l.bf16.f32 v1  }
0x98: {  	v8 =	vmul.f32 $9.999999770e-03, v2;
	v1 =	vunpack.i.u.bf16.f32 v1;
	v4 =	vadd.f32 v4, v6  }
0x99: {  	v3 =	vsel vm0, v3, v5;
	vm0 =	vge.f32 v2, $0.0e+00;
	v1 =	vadd.f32 v7, v1  }
0x9a: {  	[tilespmem:s11+$0xFFFFF2F0] =	vst v3;
	v2 =	vsel vm0, v2, v8;
	v3 =	vmul.f32 $9.999999770e-03, v4  }
0x9b: {  	[tilespmem:s11+$0xFFFFFF70] =	vst v2;
	vm0 =	vge.f32 v4, $0.0e+00;
	v2 =	vmul.f32 $9.999999770e-03, v1  }
0x9c: {  	v5 =	vld [tilespmem:s10+$0xFFFFFF90];
	v3 =	vsel vm0, v4, v3;
	vm0 =	vge.f32 v1, $0.0e+00  }
0x9d: {  	v4 =	vld [tilespmem:s7+$0xFFFFF300];
	[tilespmem:s11+$0xFFFFF350] =	vst v3;
	v1 =	vsel vm0, v1, v2  }
0x9e: {  	v2 =	vld [tilespmem:s7+$0xFFFFFF80];
	[tilespmem:s11+$0xFFFFFFD0] =	vst v1  }
0x9f: {  	v1 =	vld [tilespmem:s10+$0x20]  }
0xa0: {  	v3 =	vld [tilespmem:s7+$0xFFFFF360]  }
0xa1: {  	v7 =	vld [tilespmem:s7+$0xFFFFFFE0];
	v6 =	vunpack.i.l.bf16.f32 v5  }
0xa2: {  	v5 =	vunpack.i.u.bf16.f32 v5;
	v4 =	vadd.f32 v4, v6  }
0xa3: {  	v2 =	vadd.f32 v2, v5  }
0xa4: {  	vm0 =	vge.f32 v4, $0.0e+00;
	v5 =	vmul.f32 $9.999999770e-03, v4;
	v6 =	vunpack.i.l.bf16.f32 v1  }
0xa5: {  	s18 =	simm.s32 $0x68A0;
	v8 =	vmul.f32 $9.999999770e-03, v2;
	v1 =	vunpack.i.u.bf16.f32 v1;
	v3 =	vadd.f32 v3, v6  }
0xa6: {  	s17 =	simm.s32 $0x42D0;
	vm1 =	vge.f32 v2, $0.0e+00;
	v4 =	vsel vm0, v4, v5;
	v1 =	vadd.f32 v7, v1;
	v5 =	vld [tilespmem:s18+$0x0]  }
0xa7: {  	v6 =	vld [tilespmem:s17+$0xFFFFF340];
	[tilespmem:s11+$0xFFFFF300] =	vst v4;
	v2 =	vsel vm1, v2, v8;
	v4 =	vmul.f32 $9.999999770e-03, v3  }
0xa8: {  	v7 =	vld [tilespmem:s17+$0xFFFFFFC0];
	[tilespmem:s11+$0xFFFFFF80] =	vst v2;
	vm0 =	vge.f32 v3, $0.0e+00;
	v2 =	vmul.f32 $9.999999770e-03, v1  }
0xa9: {  	v8 =	vld [tilespmem:s10+$0xFFFFFFA0];
	v3 =	vsel vm0, v3, v4;
	vm0 =	vge.f32 v1, $0.0e+00  }
0xaa: {  	v4 =	vld [tilespmem:s18+$0xFFFFFF80];
	[tilespmem:s11+$0xFFFFF360] =	vst v3;
	v1 =	vsel vm0, v1, v2  }
0xab: {  	v2 =	vld [tilespmem:s17+$0xFFFFF2F0];
	[tilespmem:s11+$0xFFFFFFE0] =	vst v1;
	v1 =	vunpack.i.l.bf16.f32 v5  }
0xac: {  	v5 =	vunpack.i.u.bf16.f32 v5;
	v3 =	vld [tilespmem:s10+$0x30];
	v1 =	vadd.f32 v6, v1  }
0xad: {  	v6 =	vld [tilespmem:s7+$0xFFFFF370];
	v5 =	vadd.f32 v7, v5  }
0xae: {  	v7 =	vld [tilespmem:s7+$0xFFFFFFF0];
	v9 =	vmul.f32 $9.999999770e-03, v1  }
0xaf: {  	v11 =	vld [tilespmem:s17+$0xFFFFFF70];
	v10 =	vunpack.i.u.bf16.f32 v8;
	vm0 =	vge.f32 v1, $0.0e+00;
	v12 =	vmul.f32 $9.999999770e-03, v5  }
0xb0: {  	s16 =	simm.s32 $0x9CD0;
	v13 =	vunpack.i.l.bf16.f32 v4;
	v1 =	vsel vm0, v1, v9;
	vm0 =	vge.f32 v5, $0.0e+00  }
0xb1: {  	v2 =	vadd.f32 v2, v13;
	v9 =	vld [tilespmem:s7+$0xFFFFF310];
	v13 =	vunpack.i.l.bf16.f32 v3;
	[tilespmem:s16+$0xFFFFF340] =	vst v1;
	v1 =	vsel vm0, v5, v12  }
0xb2: {  	v5 =	vunpack.i.l.bf16.f32 v8;
	v8 =	vld [tilespmem:s7+$0xFFFFFF90];
	v3 =	vunpack.i.u.bf16.f32 v3;
	v6 =	vadd.f32 v6, v13;
	[tilespmem:s16+$0xFFFFFFC0] =	vst v1  }
0xb3: {  	v1 =	vunpack.i.u.bf16.f32 v4;
	v4 =	vmul.f32 $9.999999770e-03, v2;
	v3 =	vadd.f32 v7, v3;
	v7 =	vld [tilespmem:s18+$0x10]  }
0xb4: {  	vm0 =	vge.f32 v2, $0.0e+00;
	v1 =	vadd.f32 v11, v1;
	v12 =	vld [tilespmem:s17+$0xFFFFF350];
	v11 =	vmul.f32 $9.999999770e-03, v6  }
0xb5: {  	v13 =	vld [tilespmem:s17+$0xFFFFFFD0];
	v2 =	vsel vm0, v2, v4;
	vm0 =	vge.f32 v6, $0.0e+00;
	v4 =	vmul.f32 $9.999999770e-03, v3  }
0xb6: {  	[tilespmem:s16+$0xFFFFF2F0] =	vst v2;
	v2 =	vmul.f32 $9.999999770e-03, v1;
	v6 =	vsel vm0, v6, v11;
	vm0 =	vge.f32 v3, $0.0e+00  }
0xb7: {  	vm1 =	vge.f32 v1, $0.0e+00;
	v5 =	vadd.f32 v9, v5;
	[tilespmem:s11+$0xFFFFF370] =	vst v6;
	v3 =	vsel vm0, v3, v4  }
0xb8: {  	v1 =	vsel vm1, v1, v2;
	v2 =	vadd.f32 v8, v10;
	[tilespmem:s11+$0xFFFFFFF0] =	vst v3;
	v3 =	vunpack.i.l.bf16.f32 v7  }
0xb9: {  	[tilespmem:s16+$0xFFFFFF70] =	vst v1;
	v1 =	vmul.f32 $9.999999770e-03, v5;
	v6 =	vunpack.i.u.bf16.f32 v7;
	v4 =	vld [tilespmem:s10+$0x40];
	v3 =	vadd.f32 v12, v3  }
0xba: {  	vm0 =	vge.f32 v5, $0.0e+00;
	v7 =	vmul.f32 $9.999999770e-03, v2;
	v8 =	vld [tilespmem:s18+$0xFFFFFF90];
	v6 =	vadd.f32 v13, v6  }
0xbb: {  	v1 =	vsel vm0, v5, v1;
	vm0 =	vge.f32 v2, $0.0e+00;
	v5 =	vld [tilespmem:s17+$0xFFFFF300];
	v9 =	vmul.f32 $9.999999770e-03, v3  }
0xbc: {  	[tilespmem:s11+$0xFFFFF310] =	vst v1;
	v1 =	vsel vm0, v2, v7;
	v2 =	vld [tilespmem:s17+$0xFFFFFF80];
	vm0 =	vge.f32 v3, $0.0e+00;
	v7 =	vmul.f32 $9.999999770e-03, v6  }
0xbd: {  	v10 =	vld [tilespmem:s7+$0x0];
	[tilespmem:s11+$0xFFFFFF90] =	vst v1;
	v1 =	vsel vm0, v3, v9;
	vm0 =	vge.f32 v6, $0.0e+00  }
0xbe: {  	v13 =	vld [tilespmem:s7+$0xFFFFF380];
	[tilespmem:s16+$0xFFFFF350] =	vst v1;
	v1 =	vsel vm0, v6, v7  }
0xbf: {  	v3 =	vld [tilespmem:s10+$0xFFFFFFB0];
	v6 =	vunpack.i.l.bf16.f32 v8;
	[tilespmem:s16+$0xFFFFFFD0] =	vst v1  }
0xc0: {  	v7 =	vunpack.i.u.bf16.f32 v8;
	v5 =	vadd.f32 v5, v6;
	v6 =	vld [tilespmem:s18+$0x20]  }
0xc1: {  	v2 =	vadd.f32 v2, v7;
	v7 =	vld [tilespmem:s17+$0xFFFFF360]  }
0xc2: {  	v8 =	vunpack.i.u.bf16.f32 v4;
	v11 =	vld [tilespmem:s17+$0xFFFFFFE0];
	v9 =	vmul.f32 $9.999999770e-03, v5  }
0xc3: {  	v1 =	vld [tilespmem:s7+$0xFFFFFFA0];
	v8 =	vadd.f32 v10, v8;
	vm0 =	vge.f32 v5, $0.0e+00;
	v10 =	vmul.f32 $9.999999770e-03, v2  }
0xc4: {  	v12 =	vld [tilespmem:s7+$0xFFFFF320];
	vm1 =	vge.f32 v2, $0.0e+00;
	v5 =	vsel vm0, v5, v9  }
0xc5: {  	v4 =	vunpack.i.l.bf16.f32 v4;
	[tilespmem:s16+$0xFFFFF300] =	vst v5;
	v2 =	vsel vm1, v2, v10;
	v5 =	vunpack.i.l.bf16.f32 v6  }
0xc6: {  	s31 =	simm.s32 $0x4370;
	v4 =	vadd.f32 v13, v4;
	[tilespmem:s16+$0xFFFFFF80] =	vst v2;
	v2 =	vunpack.i.u.bf16.f32 v6;
	v5 =	vadd.f32 v7, v5  }
0xc7: {  	s19 =	simm.s32 $0x69A0;
	v16 =	vld [tilespmem:s31+$0xFFFFFFC0];
	v9 =	vmul.f32 $9.999999770e-03, v8;
	v10 =	vunpack.i.u.bf16.f32 v3;
	v2 =	vadd.f32 v11, v2  }
0xc8: {  	v3 =	vunpack.i.l.bf16.f32 v3;
	v1 =	vadd.f32 v1, v10;
	v7 =	vld [tilespmem:s19+$0x0];
	v10 =	vmul.f32 $9.999999770e-03, v5  }
0xc9: {  	v3 =	vadd.f32 v12, v3;
	v12 =	vld [tilespmem:s31+$0xFFFFF340];
	vm1 =	vge.f32 v5, $0.0e+00;
	v14 =	vmul.f32 $9.999999770e-03, v2  }
0xca: {  	vm0 =	vge.f32 v8, $0.0e+00;
	v6 =	vld [tilespmem:s18+$0xFFFFFFA0];
	v5 =	vsel vm1, v5, v10;
	vm1 =	vge.f32 v2, $0.0e+00  }
0xcb: {  	v11 =	vmul.f32 $9.999999770e-03, v1;
	v15 =	vmul.f32 $9.999999770e-03, v3;
	v10 =	vld [tilespmem:s19+$0xFFFFFF80];
	[tilespmem:s16+$0xFFFFF360] =	vst v5;
	v2 =	vsel vm1, v2, v14  }
0xcc: {  	v8 =	vsel vm0, v8, v9;
	vm2 =	vge.f32 v3, $0.0e+00;
	vm0 =	vge.f32 v1, $0.0e+00;
	v5 =	vld [tilespmem:s31+$0xFFFFF2F0];
	[tilespmem:s16+$0xFFFFFFE0] =	vst v2  }
0xcd: {  	v3 =	vsel vm2, v3, v15;
	v1 =	vsel vm0, v1, v11;
	v9 =	vunpack.i.l.bf16.f32 v7;
	v11 =	vld [tilespmem:s18+$0x30]  }
0xce: {  	v7 =	vunpack.i.u.bf16.f32 v7;
	v2 =	vmul.f32 $9.999999770e-03, v4;
	v9 =	vadd.f32 v12, v9;
	v12 =	vld [tilespmem:s17+$0xFFFFF370]  }
0xcf: {  	vm0 =	vge.f32 v4, $0.0e+00;
	v13 =	vunpack.i.u.bf16.f32 v6;
	v7 =	vadd.f32 v16, v7;
	v14 =	vld [tilespmem:s17+$0xFFFFFFF0]  }
0xd0: {  	[tilespmem:s11+$0xFFFFF320] =	vst v3;
	v6 =	vunpack.i.l.bf16.f32 v6;
	v15 =	vsel vm0, v4, v2;
	v4 =	vld [tilespmem:s31+$0xFFFFFF70];
	v58 =	vmul.f32 $9.999999770e-03, v9  }
0xd1: {  	[tilespmem:s11+$0xFFFFFFA0] =	vst v1;
	v1 =	vld [tilespmem:s17+$0xFFFFF310];
	vm0 =	vge.f32 v9, $0.0e+00;
	v3 =	vmul.f32 $9.999999770e-03, v7;
	v2 =	vunpack.i.l.bf16.f32 v10  }
0xd2: {  	s0 =	simm.s32 $0x9D70;
	v2 =	vadd.f32 v5, v2;
	v5 =	vsel vm0, v9, v58;
	vm0 =	vge.f32 v7, $0.0e+00  }
0xd3: {  	[tilespmem:s0+$0xFFFFF340] =	vst v5;
	v3 =	vsel vm0, v7, v3;
	v9 =	vunpack.i.l.bf16.f32 v11;
	v5 =	vunpack.i.u.bf16.f32 v11  }
0xd4: {  	v59 =	vld [tilespmem:s17+$0xFFFFFF90];
	v11 =	vmul.f32 $9.999999770e-03, v2;
	[tilespmem:s0+$0xFFFFFFC0] =	vst v3;
	v7 =	vadd.f32 v12, v9;
	v9 =	vunpack.i.u.bf16.f32 v10  }
0xd5: {  	vm0 =	vge.f32 v2, $0.0e+00;
	v3 =	vadd.f32 v14, v5;
	v5 =	vld [tilespmem:s19+$0x10];
	v4 =	vadd.f32 v4, v9  }
0xd6: {  	v1 =	vadd.f32 v1, v6;
	v2 =	vsel vm0, v2, v11;
	v11 =	vld [tilespmem:s31+$0xFFFFF350];
	v9 =	vmul.f32 $9.999999770e-03, v7  }
0xd7: {  	v17 =	vld [tilespmem:s31+$0xFFFFFFD0];
	vm0 =	vge.f32 v7, $0.0e+00;
	v12 =	vmul.f32 $9.999999770e-03, v3;
	v14 =	vmul.f32 $9.999999770e-03, v4  }
0xd8: {  	v10 =	vld [tilespmem:s10+$0xFFFFFFC0];
	[tilespmem:s0+$0xFFFFF2F0] =	vst v2;
	vm1 =	vge.f32 v4, $0.0e+00;
	v7 =	vsel vm0, v7, v9;
	vm0 =	vge.f32 v3, $0.0e+00  }
0xd9: {  	v6 =	vld [tilespmem:s7+$0xFFFFFFB0];
	[tilespmem:s16+$0xFFFFF370] =	vst v7;
	v3 =	vsel vm0, v3, v12;
	v4 =	vsel vm1, v4, v14;
	v7 =	vadd.f32 v59, v13  }
0xda: {  	v9 =	vld [tilespmem:s7+$0xFFFFF330];
	v2 =	vunpack.i.l.bf16.f32 v5;
	vm0 =	vge.f32 v1, $0.0e+00;
	v12 =	vmul.f32 $9.999999770e-03, v1;
	[tilespmem:s16+$0xFFFFFFF0] =	vst v3  }
0xdb: {  	[tilespmem:s0+$0xFFFFFF70] =	vst v4;
	v4 =	vunpack.i.u.bf16.f32 v5;
	v2 =	vadd.f32 v11, v2;
	v13 =	vld [tilespmem:s18+$0x40];
	v5 =	vmul.f32 $9.999999770e-03, v7  }
0xdc: {  	v14 =	vld [tilespmem:s19+$0xFFFFFF90];
	v4 =	vadd.f32 v17, v4;
	v1 =	vsel vm0, v1, v12;
	vm0 =	vge.f32 v7, $0.0e+00  }
0xdd: {  	v3 =	vunpack.i.u.bf16.f32 v10;
	v12 =	vld [tilespmem:s31+$0xFFFFF300];
	v60 =	vmul.f32 $9.999999770e-03, v2;
	[tilespmem:s16+$0xFFFFF310] =	vst v1;
	v1 =	vsel vm0, v7, v5  }
0xde: {  	v11 =	vld [tilespmem:s17+$0x0];
	v5 =	vunpack.i.l.bf16.f32 v10;
	vm0 =	vge.f32 v2, $0.0e+00;
	v10 =	vmul.f32 $9.999999770e-03, v4  }
0xdf: {  	v7 =	vld [tilespmem:s31+$0xFFFFFF80];
	[tilespmem:s16+$0xFFFFFF90] =	vst v1;
	v2 =	vsel vm0, v2, v60;
	vm0 =	vge.f32 v4, $0.0e+00  }
0xe0: {  	v1 =	vadd.f32 v9, v5;
	v9 =	vld [tilespmem:s18+$0xFFFFFFB0];
	[tilespmem:s0+$0xFFFFF350] =	vst v2;
	v2 =	vsel vm0, v4, v10  }
0xe1: {  	v10 =	vld [tilespmem:s17+$0xFFFFF320];
	v61 =	vunpack.i.u.bf16.f32 v13;
	v5 =	vunpack.i.l.bf16.f32 v13;
	v13 =	vunpack.i.l.bf16.f32 v14  }
0xe2: {  	v4 =	vunpack.i.u.bf16.f32 v14;
	[tilespmem:s0+$0xFFFFFFD0] =	vst v2;
	v14 =	vld [tilespmem:s17+$0xFFFFFFA0];
	v2 =	vadd.f32 v6, v3;
	v6 =	vadd.f32 v12, v13  }
0xe3: {  	v11 =	vadd.f32 v11, v61;
	v12 =	vld [tilespmem:s19+$0x20]  }
0xe4: {  	v63 =	vld [tilespmem:s31+$0xFFFFF360];
	v62 =	vadd.f32 v7, v4;
	v7 =	vmul.f32 $9.999999770e-03, v6  }
0xe5: {  	v3 =	vmul.f32 $9.999999770e-03, v1;
	v18 =	vld [tilespmem:s31+$0xFFFFFFE0];
	v13 =	vmul.f32 $9.999999770e-03, v11;
	vm1 =	vge.f32 v6, $0.0e+00  }
0xe6: {  	[tilespmem:s11+$0x0] =	vst v8;
	vm0 =	vge.f32 v11, $0.0e+00;
	v8 =	vmul.f32 $9.999999770e-03, v62;
	v6 =	vsel vm1, v6, v7  }
0xe7: {  	v11 =	vsel vm0, v11, v13;
	vm0 =	vge.f32 v62, $0.0e+00;
	v13 =	vunpack.i.u.bf16.f32 v9;
	[tilespmem:s0+$0xFFFFF300] =	vst v6;
	v6 =	vld [tilespmem:s17+$0xFFFFF380]  }
0xe8: {  	v9 =	vunpack.i.l.bf16.f32 v9;
	v7 =	vadd.f32 v14, v13;
	v13 =	vsel vm0, v62, v8  }
0xe9: {  	[tilespmem:s11+$0xFFFFF380] =	vst v15;
	v14 =	vunpack.i.l.bf16.f32 v12;
	v8 =	vadd.f32 v10, v9;
	v12 =	vunpack.i.u.bf16.f32 v12  }
0xea: {  	s2 =	simm.s32 $0x4;
	v4 =	vmul.f32 $9.999999770e-03, v2;
	[tilespmem:s0+$0xFFFFFF80] =	vst v13;
	v13 =	vadd.f32 v63, v14;
	v12 =	vadd.f32 v18, v12  }
0xeb: {  	s20 =	simm.s32 $0x6AA0;
	s10 =	sshll.u32 s9, $0x1;
	s7 =	simm.s32 $0x4370;
	[tilespmem:s16+$0x0] =	vst v11;
	v9 =	vmul.f32 $9.999999770e-03, v7;
	v10 =	vld [tilespmem:s19+$0xFFFFFFA0];
	vm0 =	vge.f32 v8, $0.0e+00;
	v11 =	vmul.f32 $9.999999770e-03, v8  }
.LBB2_13:
0xec: {  	v14 =	vld [tilespmem:s20+$0x0];
	v15 =	vmul.f32 $9.999999770e-03, v13;
	s31 =	sadd.s32 $0xA0, s31;
	vm1 =	vge.f32 v7, $0.0e+00;
	v5 =	vadd.f32 v6, v5  }
0xed: {  	vm2 =	vge.f32 v13, $0.0e+00;
	v6 =	vld [tilespmem:s31+$0xFFFFF340];
	v16 =	vmul.f32 $9.999999770e-03, v12;
	v8 =	vsel vm0, v8, v11  }
0xee: {  	vm0 =	vge.f32 v12, $0.0e+00;
	v7 =	vsel vm1, v7, v9;
	v11 =	vld [tilespmem:s31+$0xFFFFFFC0];
	v13 =	vsel vm2, v13, v15;
	[tilespmem:s16+$0xFFFFF320] =	vst v8  }
0xef: {  	v8 =	vld [tilespmem:s20+$0xFFFFFF80];
	[tilespmem:s0+$0xFFFFF360] =	vst v13;
	v9 =	vsel vm0, v12, v16;
	v12 =	vmul.f32 $9.999999770e-03, v5;
	vm0 =	vge.f32 v1, $0.0e+00  }
0xf0: {  	s2 =	sadd.s32 $0x2, s2;
	vm1 =	vge.f32 v2, $0.0e+00;
	v13 =	vld [tilespmem:s31+$0xFFFFF2F0];
	v15 =	vunpack.i.u.bf16.f32 v10;
	v10 =	vunpack.i.l.bf16.f32 v10;
	[tilespmem:s0+$0xFFFFFFE0] =	vst v9  }
0xf1: {  	p1 =	slt.u32 s2, $0x26;
	vm2 =	vge.f32 v5, $0.0e+00;
	v1 =	vsel vm0, v1, v3;
	v9 =	vunpack.i.l.bf16.f32 v14;
	v16 =	vld [tilespmem:s19+$0x30];
	[tilespmem:s16+$0xFFFFFFA0] =	vst v7  }
0xf2: {  	v3 =	vunpack.i.u.bf16.f32 v14;
	v6 =	vadd.f32 v6, v9;
	v7 =	vld [tilespmem:s7+$0xFFFFF370];
	[tilespmem:s11+$0xFFFFF330] =	vst v1;
	v1 =	vsel vm1, v2, v4  }
0xf3: {  	v4 =	vsel vm2, v5, v12;
	v2 =	vadd.f32 v11, v3;
	v3 =	vld [tilespmem:s7+$0xFFFFFFF0];
	[tilespmem:s11+$0xFFFFFFB0] =	vst v1;
	s11 =	smov.u32 s16;
	s16 =	smov.u32 s0  }
0xf4: {  	v1 =	vunpack.i.u.bf16.f32 v8;
	v5 =	vunpack.i.l.bf16.f32 v8;
	v8 =	vld [tilespmem:s31+$0xFFFFFF70];
	v9 =	vmul.f32 $9.999999770e-03, v6;
	[tilespmem:s11+$0xFFFFF380] =	vst v4  }
0xf5: {  	vm0 =	vge.f32 v6, $0.0e+00;
	v4 =	vadd.f32 v13, v5;
	v5 =	vmul.f32 $9.999999770e-03, v2;
	v11 =	vld [tilespmem:s7+$0xFFFFF310]  }
0xf6: {  	s0 =	sadd.s32 $0xA0, s0;
	v6 =	vsel vm0, v6, v9;
	vm0 =	vge.f32 v2, $0.0e+00;
	v9 =	vld [tilespmem:s7+$0xFFFFFF90];
	v12 =	vunpack.i.l.bf16.f32 v16  }
0xf7: {  	[tilespmem:s0+$0xFFFFF340] =	vst v6;
	v2 =	vsel vm0, v2, v5;
	v5 =	vunpack.i.u.bf16.f32 v16;
	v6 =	vadd.f32 v7, v12;
	v7 =	vld [tilespmem:s18+$0xFFFFFFC0];
	s18 =	smov.u32 s19;
	s19 =	smov.u32 s20  }
0xf8: {  	vm0 =	vge.f32 v4, $0.0e+00;
	v12 =	vmul.f32 $9.999999770e-03, v4;
	[tilespmem:s0+$0xFFFFFFC0] =	vst v2;
	v2 =	vadd.f32 v3, v5;
	v3 =	vld [tilespmem:s17+$0xFFFFF330]  }
0xf9: {  	v1 =	vadd.f32 v8, v1;
	v5 =	vld [tilespmem:s20+$0x10];
	v8 =	vmul.f32 $9.999999770e-03, v6  }
0xfa: {  	v4 =	vsel vm0, v4, v12;
	vm0 =	vge.f32 v6, $0.0e+00;
	v12 =	vld [tilespmem:s31+$0xFFFFF350];
	v13 =	vmul.f32 $9.999999770e-03, v2  }
0xfb: {  	[tilespmem:s0+$0xFFFFF2F0] =	vst v4;
	v4 =	vmul.f32 $9.999999770e-03, v1;
	v14 =	vld [tilespmem:s31+$0xFFFFFFD0];
	v6 =	vsel vm0, v6, v8;
	vm0 =	vge.f32 v2, $0.0e+00  }
0xfc: {  	vm1 =	vge.f32 v1, $0.0e+00;
	v8 =	vadd.f32 v11, v10;
	[tilespmem:s16+$0xFFFFF370] =	vst v6;
	v2 =	vsel vm0, v2, v13;
	v6 =	vld [tilespmem:s17+$0xFFFFFFB0];
	s17 =	smov.u32 s7;
	s7 =	smov.u32 s31  }
0xfd: {  	v1 =	vsel vm1, v1, v4;
	v4 =	vadd.f32 v9, v15;
	[tilespmem:s16+$0xFFFFFFF0] =	vst v2;
	v2 =	vunpack.i.u.bf16.f32 v7  }
0xfe: {  	vm0 =	vge.f32 v8, $0.0e+00;
	v9 =	vmul.f32 $9.999999770e-03, v8;
	[tilespmem:s0+$0xFFFFFF70] =	vst v1;
	v1 =	vunpack.i.l.bf16.f32 v5;
	v10 =	vld [tilespmem:s18+$0x40]  }
0xff: {  	v5 =	vunpack.i.u.bf16.f32 v5;
	v11 =	vadd.f32 v12, v1;
	v1 =	vmul.f32 $9.999999770e-03, v4;
	v12 =	vld [tilespmem:s17+$0x0]  }
0x100: {  	v8 =	vsel vm0, v8, v9;
	vm0 =	vge.f32 v4, $0.0e+00;
	v13 =	vld [tilespmem:s20+$0xFFFFFF90];
	v5 =	vadd.f32 v14, v5  }
0x101: {  	v9 =	vld [tilespmem:s31+$0xFFFFF300];
	v14 =	vmul.f32 $9.999999770e-03, v11;
	[tilespmem:s16+$0xFFFFF310] =	vst v8;
	v1 =	vsel vm0, v4, v1;
	v4 =	vunpack.i.l.bf16.f32 v7  }
0x102: {  	vm0 =	vge.f32 v11, $0.0e+00;
	v7 =	vld [tilespmem:s31+$0xFFFFFF80];
	v8 =	vmul.f32 $9.999999770e-03, v5;
	[tilespmem:s16+$0xFFFFFF90] =	vst v1;
	v1 =	vadd.f32 v3, v4  }
0x103: {  	v3 =	vsel vm0, v11, v14;
	vm0 =	vge.f32 v5, $0.0e+00;
	v11 =	vld [tilespmem:s18+$0xFFFFFFB0];
	v4 =	vunpack.i.u.bf16.f32 v10  }
0x104: {  	[tilespmem:s0+$0xFFFFF350] =	vst v3;
	v3 =	vsel vm0, v5, v8;
	v8 =	vld [tilespmem:s17+$0xFFFFF320];
	v5 =	vunpack.i.l.bf16.f32 v10;
	v10 =	vadd.f32 v12, v4  }
0x105: {  	v2 =	vadd.f32 v6, v2;
	v4 =	vunpack.i.u.bf16.f32 v13;
	v12 =	vunpack.i.l.bf16.f32 v13;
	[tilespmem:s0+$0xFFFFFFD0] =	vst v3;
	v13 =	vld [tilespmem:s17+$0xFFFFFFA0]  }
0x106: {  	v3 =	vmul.f32 $9.999999770e-03, v1;
	v9 =	vadd.f32 v9, v12;
	v12 =	vld [tilespmem:s20+$0x20];
	v6 =	vmul.f32 $9.999999770e-03, v10  }
0x107: {  	vm0 =	vge.f32 v10, $0.0e+00;
	v14 =	vadd.f32 v7, v4;
	v15 =	vld [tilespmem:s31+$0xFFFFF360];
	v4 =	vmul.f32 $9.999999770e-03, v2  }
0x108: {  	vm1 =	vge.f32 v9, $0.0e+00;
	v7 =	vmul.f32 $9.999999770e-03, v9;
	v16 =	vld [tilespmem:s31+$0xFFFFFFE0];
	v10 =	vsel vm0, v10, v6  }
.Ltmp9:
0x109: {  	v18 =	vunpack.i.u.bf16.f32 v11;
	vm0 =	vge.f32 v14, $0.0e+00;
	v17 =	vmul.f32 $9.999999770e-03, v14;
	v6 =	vld [tilespmem:s17+$0xFFFFF380];
	[tilespmem:s16+$0x0] =	vst v10;
	(pc) =	sbr.rel @p1 .LBB2_13-.Ltmp9, $4  }
0x10a: {  	v10 =	vunpack.i.l.bf16.f32 v11;
	v9 =	vsel vm1, v9, v7;
	v7 =	vadd.f32 v13, v18  }
0x10b: {  	v8 =	vadd.f32 v8, v10;
	[tilespmem:s0+$0xFFFFF300] =	vst v9;
	v9 =	vsel vm0, v14, v17;
	v11 =	vunpack.i.l.bf16.f32 v12  }
0x10c: {  	v12 =	vunpack.i.u.bf16.f32 v12;
	[tilespmem:s0+$0xFFFFFF80] =	vst v9;
	v13 =	vadd.f32 v15, v11;
	v9 =	vmul.f32 $9.999999770e-03, v7  }
0x10d: {  	s20 =	sadd.s32 $0x100, s20;
	vm0 =	vge.f32 v8, $0.0e+00;
	v11 =	vmul.f32 $9.999999770e-03, v8;
	v10 =	vld [tilespmem:s19+$0xFFFFFFA0];
	v12 =	vadd.f32 v16, v12  }
0x10e: {  	v14 =	vld [tilespmem:s7+$0xFFFFF310]  }
0x10f: {  	v15 =	vld [tilespmem:s7+$0xFFFFFF90];
	_ =	sdelay $0x1  }
0x110: {  	v16 =	vmul.f32 $9.999999770e-03, v13;
	vm1 =	vge.f32 v13, $0.0e+00  }
0x111: {  	v17 =	vmul.f32 $9.999999770e-03, v12;
	vm12 =	vge.f32 v12, $0.0e+00;
	v30 =	vunpack.i.l.bf16.f32 v10  }
0x112: {  	v13 =	vsel vm1, v13, v16;
	v31 =	vunpack.i.u.bf16.f32 v10;
	v32 =	vadd.f32 v14, v30  }
0x113: {  	[tilespmem:s0+$0xFFFFF360] =	vst v13;
	v12 =	vsel vm12, v12, v17;
	v10 =	vadd.f32 v15, v31  }
0x114: {  	[tilespmem:s0+$0xFFFFFFE0] =	vst v12;
	v14 =	vmul.f32 $9.999999770e-03, v32  }
0x115: {  	v12 =	vld [tilespmem:s19+$0x30];
	vm13 =	vge.f32 v32, $0.0e+00;
	v34 =	vmul.f32 $9.999999770e-03, v10  }
0x116: {  	v33 =	vld [tilespmem:s7+$0xFFFFF370];
	vm14 =	vge.f32 v10, $0.0e+00;
	v13 =	vsel vm13, v32, v14  }
0x117: {  	v35 =	vld [tilespmem:s7+$0xFFFFFFF0];
	v10 =	vsel vm14, v10, v34;
	[tilespmem:s0+$0xFFFFF310] =	vst v13  }
0x118: {  	[tilespmem:s0+$0xFFFFFF90] =	vst v10  }
0x119: {  	v13 =	vld [tilespmem:s19+$0xFFFFFFB0]  }
0x11a: {  	v36 =	vunpack.i.l.bf16.f32 v12;
	v37 =	vld [tilespmem:s7+$0xFFFFF320]  }
0x11b: {  	v12 =	vunpack.i.u.bf16.f32 v12;
	v10 =	vadd.f32 v33, v36;
	v38 =	vld [tilespmem:s7+$0xFFFFFFA0]  }
0x11c: {  	vm15 =	vge.f32 v7, $0.0e+00;
	v8 =	vsel vm0, v8, v11;
	v12 =	vadd.f32 v35, v12  }
0x11d: {  	v7 =	vsel vm15, v7, v9;
	v39 =	vmul.f32 $9.999999770e-03, v10;
	vm4 =	vge.f32 v10, $0.0e+00  }
0x11e: {  	[tilespmem:s16+$0xFFFFF320] =	vst v8;
	v40 =	vmul.f32 $9.999999770e-03, v12;
	vm5 =	vge.f32 v12, $0.0e+00;
	v42 =	vunpack.i.l.bf16.f32 v13  }
0x11f: {  	[tilespmem:s16+$0xFFFFFFA0] =	vst v7;
	v41 =	vsel vm4, v10, v39;
	v45 =	vunpack.i.u.bf16.f32 v13;
	v9 =	vadd.f32 v37, v42  }
0x120: {  	v43 =	vld [tilespmem:s18+$0xFFFFFFC0];
	v44 =	vsel vm5, v12, v40;
	[tilespmem:s0+$0xFFFFF370] =	vst v41;
	v47 =	vadd.f32 v38, v45  }
0x121: {  	v46 =	vld [tilespmem:s17+$0xFFFFF330];
	[tilespmem:s0+$0xFFFFFFF0] =	vst v44;
	v49 =	vmul.f32 $9.999999770e-03, v9  }
0x122: {  	v48 =	vld [tilespmem:s19+$0x40];
	v51 =	vmul.f32 $9.999999770e-03, v47;
	vm6 =	vge.f32 v9, $0.0e+00  }
0x123: {  	v5 =	vadd.f32 v6, v5;
	v50 =	vld [tilespmem:s7+$0x0];
	vm7 =	vge.f32 v47, $0.0e+00;
	v9 =	vsel vm6, v9, v49  }
0x124: {  	vm8 =	vge.f32 v1, $0.0e+00;
	v52 =	vld [tilespmem:s17+$0xFFFFFFB0];
	v7 =	vsel vm7, v47, v51;
	[tilespmem:s0+$0xFFFFF320] =	vst v9  }
0x125: {  	vm9 =	vge.f32 v2, $0.0e+00;
	v53 =	vmul.f32 $9.999999770e-03, v5;
	v10 =	vunpack.i.l.bf16.f32 v43;
	v54 =	vld [tilespmem:s7+$0xFFFFF380];
	[tilespmem:s0+$0xFFFFFFA0] =	vst v7  }
0x126: {  	v1 =	vsel vm8, v1, v3;
	vm2 =	vge.f32 v5, $0.0e+00;
	v10 =	vadd.f32 v46, v10;
	v55 =	vld [tilespmem:s19+$0xFFFFFFC0]  }
0x127: {  	v2 =	vsel vm9, v2, v4;
	v5 =	vsel vm2, v5, v53;
	v3 =	vunpack.i.u.bf16.f32 v48;
	v57 =	vld [tilespmem:s7+$0xFFFFF330]  }
0x128: {  	[tilespmem:s11+$0xFFFFF330] =	vst v1;
	v56 =	vunpack.i.u.bf16.f32 v43;
	v1 =	vmul.f32 $9.999999770e-03, v10;
	v3 =	vadd.f32 v50, v3;
	v58 =	vld [tilespmem:s7+$0xFFFFFFB0]  }
0x129: {  	vm11 =	vge.f32 v10, $0.0e+00;
	v8 =	vunpack.i.l.bf16.f32 v48;
	v7 =	vadd.f32 v52, v56  }
0x12a: {  	v1 =	vsel vm11, v10, v1;
	v8 =	vadd.f32 v54, v8;
	v59 =	vmul.f32 $9.999999770e-03, v3  }
0x12b: {  	[tilespmem:s11+$0xFFFFFFB0] =	vst v2;
	v60 =	vmul.f32 $9.999999770e-03, v7;
	vm10 =	vge.f32 v3, $0.0e+00;
	v61 =	vunpack.i.l.bf16.f32 v55  }
0x12c: {  	[tilespmem:s16+$0xFFFFF380] =	vst v5;
	v2 =	vsel vm10, v3, v59;
	v4 =	vunpack.i.u.bf16.f32 v55;
	v62 =	vadd.f32 v57, v61  }
0x12d: {  	vm12 =	vge.f32 v7, $0.0e+00;
	v3 =	vmul.f32 $9.999999770e-03, v8;
	[tilespmem:s0+$0x0] =	vst v2;
	v2 =	vadd.f32 v58, v4  }
0x12e: {  	s2 =	smul.u32 $0x280, s9;
	p1 =	seq.s32 s9, $0x2A;
	[tilespmem:s16+$0xFFFFF330] =	vst v1;
	vm13 =	vge.f32 v8, $0.0e+00;
	v1 =	vsel vm12, v7, v60;
	v63 =	vmul.f32 $9.999999770e-03, v62  }
.Ltmp10:
0x12f: {  	[tilespmem:s16+$0xFFFFFFB0] =	vst v1;
	v3 =	vsel vm13, v8, v3;
	v1 =	vmul.f32 $9.999999770e-03, v2;
	vm14 =	vge.f32 v62, $0.0e+00;
	(pc) =	sbr.rel @p1 .LBB2_20-.Ltmp10, $4  }
0x130: {  	[tilespmem:s0+$0xFFFFF380] =	vst v3;
	vm15 =	vge.f32 v2, $0.0e+00;
	v3 =	vsel vm14, v62, v63  }
0x131: {  	s2 =	sshra.s32 s2, $0x2;
	v1 =	vsel vm15, v2, v1;
	[tilespmem:s0+$0xFFFFF330] =	vst v3  }
0x132: {  	s31 =	sadd.s32 $0x1A90, s2;
	[tilespmem:s0+$0xFFFFFFB0] =	vst v1  }
0x133: {  	[spmem:s3] =	stream.indirect.scatter.add.f32 [tilespmem:s30], [sflag:$0x5], $0x50, s31, s22, $0xb8;
	[tilespmem:$0x1B120] =	vst v63  }
0x134: {  	s0 =	sadd.s32 $0x2, s10  }
0x135: {  	s2 =	smul.u32 $0x140, s0  }
0x136: {  	s11 =	sor.u32 $0x1, s10  }
0x137: {  	s0 =	smul.u32 $0x28, s0;
	p1 =	sgt.u32 s11, $0x54;
	s2 =	sshra.s32 s2, $0x2  }
0x138: {  	[tilespmem:s23], [sflag:$0x1] =	stream.indirect.gather [hbm4b:s1+s22], $0x50, s2, s22, $0xb8;
	[tilespmem:$0x1B120] =	vst v63  }
.Ltmp11:
0x139: {  	s0 =	sadd.s32 s6, s0;
	(pc) =	sbr.rel @p1 .LBB2_19-.Ltmp11, $4  }
0x13a: {  	s0 =	sshll.u32 s0, $0x4  }
0x13b: {  	s0 =	sand.u32 $0x1FFFFF80, s0  }
0x13c: {  	s0 =	sadd.s32 s5, s0  }
0x13d: {  	[tilespmem:s24], [sflag:$0x3] =	stream.linear.gather [hbm4b:s0+s4], $0x1400, $0x38;
	[tilespmem:$0x1B120] =	vst v63  }
0x13e: {  	_ =	swait.ge [sflag:s25], $0x1900  }
0x13f: {  	[sflag:s25] =	ssyncset.done $0x0  }
0x140: {  	[sflag:s25] =	ssyncadd.s32 $0xFFFFE700  }
0x141: {  	_ =	swait.ge [sflag:s26], $0x1400  }
0x142: {  	[sflag:s26] =	ssyncset.done $0x0  }
0x143: {  	s0 =	simm.s32 @!p0 $0x6;
	[sflag:s26] =	ssyncadd.s32 $0xFFFFEC00  }
0x144: {  	_ =	swait.ge @!p0 [sflag:s0], $0x1900  }
0x145: {  	[sflag:s0] =	ssyncset.done @!p0 $0x0  }
0x146: {  	s2 =	simm.s32 $0x7BA0;
	[sflag:s0] =	ssyncadd.s32 @!p0 $0xFFFFE700  }
0x147: {  	s20 =	simm.s32 $0x5B30;
	v1 =	vld [tilespmem:s2+$0x0]  }
0x148: {  	v2 =	vld [tilespmem:s20+$0xFFFFF340]  }
0x149: {  	v3 =	vld [tilespmem:s20+$0xFFFFFFC0];
	_ =	sdelay $0x2  }
0x14a: {  	v4 =	vunpack.i.l.bf16.f32 v1  }
0x14b: {  	v1 =	vunpack.i.u.bf16.f32 v1;
	v2 =	vadd.f32 v2, v4  }
0x14c: {  	v1 =	vadd.f32 v3, v1  }
0x14d: {  	v3 =	vmul.f32 $9.999999770e-03, v2  }
0x14e: {  	vm0 =	vge.f32 v2, $0.0e+00;
	v4 =	vmul.f32 $9.999999770e-03, v1  }
0x14f: {  	s16 =	simm.s32 $0xB530;
	v5 =	vld [tilespmem:s2+$0xFFFFFF80];
	v2 =	vsel vm0, v2, v3;
	vm0 =	vge.f32 v1, $0.0e+00  }
0x150: {  	v3 =	vld [tilespmem:s20+$0xFFFFF2F0];
	[tilespmem:s16+$0xFFFFF340] =	vst v2;
	v1 =	vsel vm0, v1, v4  }
0x151: {  	v2 =	vld [tilespmem:s20+$0xFFFFFF70];
	[tilespmem:s16+$0xFFFFFFC0] =	vst v1  }
0x152: {  	v1 =	vld [tilespmem:s2+$0x10]  }
0x153: {  	v4 =	vld [tilespmem:s20+$0xFFFFF350]  }
0x154: {  	v6 =	vunpack.i.l.bf16.f32 v5;
	v7 =	vld [tilespmem:s20+$0xFFFFFFD0]  }
0x155: {  	v5 =	vunpack.i.u.bf16.f32 v5;
	v3 =	vadd.f32 v3, v6  }
0x156: {  	v2 =	vadd.f32 v2, v5  }
0x157: {  	vm0 =	vge.f32 v3, $0.0e+00;
	v5 =	vmul.f32 $9.999999770e-03, v3;
	v6 =	vunpack.i.l.bf16.f32 v1  }
0x158: {  	v8 =	vmul.f32 $9.999999770e-03, v2;
	v1 =	vunpack.i.u.bf16.f32 v1;
	v4 =	vadd.f32 v4, v6  }
0x159: {  	v3 =	vsel vm0, v3, v5;
	vm0 =	vge.f32 v2, $0.0e+00;
	v1 =	vadd.f32 v7, v1  }
0x15a: {  	[tilespmem:s16+$0xFFFFF2F0] =	vst v3;
	v2 =	vsel vm0, v2, v8;
	v3 =	vmul.f32 $9.999999770e-03, v4  }
0x15b: {  	[tilespmem:s16+$0xFFFFFF70] =	vst v2;
	vm0 =	vge.f32 v4, $0.0e+00;
	v2 =	vmul.f32 $9.999999770e-03, v1  }
0x15c: {  	v5 =	vld [tilespmem:s2+$0xFFFFFF90];
	v3 =	vsel vm0, v4, v3;
	vm0 =	vge.f32 v1, $0.0e+00  }
0x15d: {  	v4 =	vld [tilespmem:s20+$0xFFFFF300];
	[tilespmem:s16+$0xFFFFF350] =	vst v3;
	v1 =	vsel vm0, v1, v2  }
0x15e: {  	v2 =	vld [tilespmem:s20+$0xFFFFFF80];
	[tilespmem:s16+$0xFFFFFFD0] =	vst v1  }
0x15f: {  	v1 =	vld [tilespmem:s2+$0x20]  }
0x160: {  	v3 =	vld [tilespmem:s20+$0xFFFFF360]  }
0x161: {  	v7 =	vld [tilespmem:s20+$0xFFFFFFE0];
	v6 =	vunpack.i.l.bf16.f32 v5  }
0x162: {  	v5 =	vunpack.i.u.bf16.f32 v5;
	v4 =	vadd.f32 v4, v6  }
0x163: {  	v2 =	vadd.f32 v2, v5  }
0x164: {  	vm0 =	vge.f32 v4, $0.0e+00;
	v5 =	vmul.f32 $9.999999770e-03, v4;
	v6 =	vunpack.i.l.bf16.f32 v1  }
0x165: {  	s19 =	simm.s32 $0x7CA0;
	v8 =	vmul.f32 $9.999999770e-03, v2;
	v1 =	vunpack.i.u.bf16.f32 v1;
	v3 =	vadd.f32 v3, v6  }
0x166: {  	s18 =	simm.s32 $0x5BD0;
	vm1 =	vge.f32 v2, $0.0e+00;
	v4 =	vsel vm0, v4, v5;
	v1 =	vadd.f32 v7, v1;
	v5 =	vld [tilespmem:s19+$0x0]  }
0x167: {  	v6 =	vld [tilespmem:s18+$0xFFFFF340];
	[tilespmem:s16+$0xFFFFF300] =	vst v4;
	v2 =	vsel vm1, v2, v8;
	v4 =	vmul.f32 $9.999999770e-03, v3  }
0x168: {  	v7 =	vld [tilespmem:s18+$0xFFFFFFC0];
	[tilespmem:s16+$0xFFFFFF80] =	vst v2;
	vm0 =	vge.f32 v3, $0.0e+00;
	v2 =	vmul.f32 $9.999999770e-03, v1  }
0x169: {  	v8 =	vld [tilespmem:s2+$0xFFFFFFA0];
	v3 =	vsel vm0, v3, v4;
	vm0 =	vge.f32 v1, $0.0e+00  }
0x16a: {  	v4 =	vld [tilespmem:s19+$0xFFFFFF80];
	[tilespmem:s16+$0xFFFFF360] =	vst v3;
	v1 =	vsel vm0, v1, v2  }
0x16b: {  	v2 =	vld [tilespmem:s18+$0xFFFFF2F0];
	[tilespmem:s16+$0xFFFFFFE0] =	vst v1;
	v1 =	vunpack.i.l.bf16.f32 v5  }
0x16c: {  	v5 =	vunpack.i.u.bf16.f32 v5;
	v3 =	vld [tilespmem:s2+$0x30];
	v1 =	vadd.f32 v6, v1  }
0x16d: {  	v6 =	vld [tilespmem:s20+$0xFFFFF370];
	v5 =	vadd.f32 v7, v5  }
0x16e: {  	v7 =	vld [tilespmem:s20+$0xFFFFFFF0];
	v9 =	vmul.f32 $9.999999770e-03, v1  }
0x16f: {  	v11 =	vld [tilespmem:s18+$0xFFFFFF70];
	v10 =	vunpack.i.u.bf16.f32 v8;
	vm0 =	vge.f32 v1, $0.0e+00;
	v12 =	vmul.f32 $9.999999770e-03, v5  }
0x170: {  	s17 =	simm.s32 $0xB5D0;
	v13 =	vunpack.i.l.bf16.f32 v4;
	v1 =	vsel vm0, v1, v9;
	vm0 =	vge.f32 v5, $0.0e+00  }
0x171: {  	v2 =	vadd.f32 v2, v13;
	v9 =	vld [tilespmem:s20+$0xFFFFF310];
	v13 =	vunpack.i.l.bf16.f32 v3;
	[tilespmem:s17+$0xFFFFF340] =	vst v1;
	v1 =	vsel vm0, v5, v12  }
0x172: {  	v5 =	vunpack.i.l.bf16.f32 v8;
	v8 =	vld [tilespmem:s20+$0xFFFFFF90];
	v3 =	vunpack.i.u.bf16.f32 v3;
	v6 =	vadd.f32 v6, v13;
	[tilespmem:s17+$0xFFFFFFC0] =	vst v1  }
0x173: {  	v1 =	vunpack.i.u.bf16.f32 v4;
	v4 =	vmul.f32 $9.999999770e-03, v2;
	v3 =	vadd.f32 v7, v3;
	v7 =	vld [tilespmem:s19+$0x10]  }
0x174: {  	vm0 =	vge.f32 v2, $0.0e+00;
	v1 =	vadd.f32 v11, v1;
	v12 =	vld [tilespmem:s18+$0xFFFFF350];
	v11 =	vmul.f32 $9.999999770e-03, v6  }
0x175: {  	v13 =	vld [tilespmem:s18+$0xFFFFFFD0];
	v2 =	vsel vm0, v2, v4;
	vm0 =	vge.f32 v6, $0.0e+00;
	v4 =	vmul.f32 $9.999999770e-03, v3  }
0x176: {  	[tilespmem:s17+$0xFFFFF2F0] =	vst v2;
	v2 =	vmul.f32 $9.999999770e-03, v1;
	v6 =	vsel vm0, v6, v11;
	vm0 =	vge.f32 v3, $0.0e+00  }
0x177: {  	vm1 =	vge.f32 v1, $0.0e+00;
	v5 =	vadd.f32 v9, v5;
	[tilespmem:s16+$0xFFFFF370] =	vst v6;
	v3 =	vsel vm0, v3, v4  }
0x178: {  	v1 =	vsel vm1, v1, v2;
	v2 =	vadd.f32 v8, v10;
	[tilespmem:s16+$0xFFFFFFF0] =	vst v3;
	v3 =	vunpack.i.l.bf16.f32 v7  }
0x179: {  	[tilespmem:s17+$0xFFFFFF70] =	vst v1;
	v1 =	vmul.f32 $9.999999770e-03, v5;
	v6 =	vunpack.i.u.bf16.f32 v7;
	v4 =	vld [tilespmem:s2+$0x40];
	v3 =	vadd.f32 v12, v3  }
0x17a: {  	vm0 =	vge.f32 v5, $0.0e+00;
	v7 =	vmul.f32 $9.999999770e-03, v2;
	v8 =	vld [tilespmem:s19+$0xFFFFFF90];
	v6 =	vadd.f32 v13, v6  }
0x17b: {  	v1 =	vsel vm0, v5, v1;
	vm0 =	vge.f32 v2, $0.0e+00;
	v5 =	vld [tilespmem:s18+$0xFFFFF300];
	v9 =	vmul.f32 $9.999999770e-03, v3  }
0x17c: {  	[tilespmem:s16+$0xFFFFF310] =	vst v1;
	v1 =	vsel vm0, v2, v7;
	v2 =	vld [tilespmem:s18+$0xFFFFFF80];
	vm0 =	vge.f32 v3, $0.0e+00;
	v7 =	vmul.f32 $9.999999770e-03, v6  }
0x17d: {  	v10 =	vld [tilespmem:s20+$0x0];
	[tilespmem:s16+$0xFFFFFF90] =	vst v1;
	v1 =	vsel vm0, v3, v9;
	vm0 =	vge.f32 v6, $0.0e+00  }
0x17e: {  	v13 =	vld [tilespmem:s20+$0xFFFFF380];
	[tilespmem:s17+$0xFFFFF350] =	vst v1;
	v1 =	vsel vm0, v6, v7  }
0x17f: {  	v3 =	vld [tilespmem:s2+$0xFFFFFFB0];
	v6 =	vunpack.i.l.bf16.f32 v8;
	[tilespmem:s17+$0xFFFFFFD0] =	vst v1  }
0x180: {  	v7 =	vunpack.i.u.bf16.f32 v8;
	v5 =	vadd.f32 v5, v6;
	v6 =	vld [tilespmem:s19+$0x20]  }
0x181: {  	v2 =	vadd.f32 v2, v7;
	v7 =	vld [tilespmem:s18+$0xFFFFF360]  }
0x182: {  	v8 =	vunpack.i.u.bf16.f32 v4;
	v11 =	vld [tilespmem:s18+$0xFFFFFFE0];
	v9 =	vmul.f32 $9.999999770e-03, v5  }
0x183: {  	v1 =	vld [tilespmem:s20+$0xFFFFFFA0];
	v8 =	vadd.f32 v10, v8;
	vm0 =	vge.f32 v5, $0.0e+00;
	v10 =	vmul.f32 $9.999999770e-03, v2  }
0x184: {  	v12 =	vld [tilespmem:s20+$0xFFFFF320];
	vm1 =	vge.f32 v2, $0.0e+00;
	v5 =	vsel vm0, v5, v9  }
0x185: {  	v4 =	vunpack.i.l.bf16.f32 v4;
	[tilespmem:s17+$0xFFFFF300] =	vst v5;
	v2 =	vsel vm1, v2, v10;
	v5 =	vunpack.i.l.bf16.f32 v6  }
0x186: {  	s7 =	simm.s32 $0x5C70;
	v4 =	vadd.f32 v13, v4;
	[tilespmem:s17+$0xFFFFFF80] =	vst v2;
	v2 =	vunpack.i.u.bf16.f32 v6;
	v5 =	vadd.f32 v7, v5  }
0x187: {  	s31 =	simm.s32 $0x7DA0;
	v16 =	vld [tilespmem:s7+$0xFFFFFFC0];
	v9 =	vmul.f32 $9.999999770e-03, v8;
	v10 =	vunpack.i.u.bf16.f32 v3;
	v2 =	vadd.f32 v11, v2  }
0x188: {  	v3 =	vunpack.i.l.bf16.f32 v3;
	v1 =	vadd.f32 v1, v10;
	v7 =	vld [tilespmem:s31+$0x0];
	v10 =	vmul.f32 $9.999999770e-03, v5  }
0x189: {  	v3 =	vadd.f32 v12, v3;
	v12 =	vld [tilespmem:s7+$0xFFFFF340];
	vm1 =	vge.f32 v5, $0.0e+00;
	v14 =	vmul.f32 $9.999999770e-03, v2  }
0x18a: {  	vm0 =	vge.f32 v8, $0.0e+00;
	v6 =	vld [tilespmem:s19+$0xFFFFFFA0];
	v5 =	vsel vm1, v5, v10;
	vm1 =	vge.f32 v2, $0.0e+00  }
0x18b: {  	v11 =	vmul.f32 $9.999999770e-03, v1;
	v15 =	vmul.f32 $9.999999770e-03, v3;
	v10 =	vld [tilespmem:s31+$0xFFFFFF80];
	[tilespmem:s17+$0xFFFFF360] =	vst v5;
	v2 =	vsel vm1, v2, v14  }
0x18c: {  	v8 =	vsel vm0, v8, v9;
	vm2 =	vge.f32 v3, $0.0e+00;
	vm0 =	vge.f32 v1, $0.0e+00;
	v5 =	vld [tilespmem:s7+$0xFFFFF2F0];
	[tilespmem:s17+$0xFFFFFFE0] =	vst v2  }
0x18d: {  	v3 =	vsel vm2, v3, v15;
	v1 =	vsel vm0, v1, v11;
	v9 =	vunpack.i.l.bf16.f32 v7;
	v11 =	vld [tilespmem:s19+$0x30]  }
0x18e: {  	v7 =	vunpack.i.u.bf16.f32 v7;
	v2 =	vmul.f32 $9.999999770e-03, v4;
	v9 =	vadd.f32 v12, v9;
	v12 =	vld [tilespmem:s18+$0xFFFFF370]  }
0x18f: {  	vm0 =	vge.f32 v4, $0.0e+00;
	v13 =	vunpack.i.u.bf16.f32 v6;
	v7 =	vadd.f32 v16, v7;
	v14 =	vld [tilespmem:s18+$0xFFFFFFF0]  }
0x190: {  	[tilespmem:s16+$0xFFFFF320] =	vst v3;
	v6 =	vunpack.i.l.bf16.f32 v6;
	v15 =	vsel vm0, v4, v2;
	v4 =	vld [tilespmem:s7+$0xFFFFFF70];
	v58 =	vmul.f32 $9.999999770e-03, v9  }
0x191: {  	[tilespmem:s16+$0xFFFFFFA0] =	vst v1;
	v1 =	vld [tilespmem:s18+$0xFFFFF310];
	vm0 =	vge.f32 v9, $0.0e+00;
	v3 =	vmul.f32 $9.999999770e-03, v7;
	v2 =	vunpack.i.l.bf16.f32 v10  }
0x192: {  	s0 =	simm.s32 $0xB670;
	v2 =	vadd.f32 v5, v2;
	v5 =	vsel vm0, v9, v58;
	vm0 =	vge.f32 v7, $0.0e+00  }
0x193: {  	[tilespmem:s0+$0xFFFFF340] =	vst v5;
	v3 =	vsel vm0, v7, v3;
	v9 =	vunpack.i.l.bf16.f32 v11;
	v5 =	vunpack.i.u.bf16.f32 v11  }
0x194: {  	v59 =	vld [tilespmem:s18+$0xFFFFFF90];
	v11 =	vmul.f32 $9.999999770e-03, v2;
	[tilespmem:s0+$0xFFFFFFC0] =	vst v3;
	v7 =	vadd.f32 v12, v9;
	v9 =	vunpack.i.u.bf16.f32 v10  }
0x195: {  	vm0 =	vge.f32 v2, $0.0e+00;
	v3 =	vadd.f32 v14, v5;
	v5 =	vld [tilespmem:s31+$0x10];
	v4 =	vadd.f32 v4, v9  }
0x196: {  	v1 =	vadd.f32 v1, v6;
	v2 =	vsel vm0, v2, v11;
	v11 =	vld [tilespmem:s7+$0xFFFFF350];
	v9 =	vmul.f32 $9.999999770e-03, v7  }
0x197: {  	v17 =	vld [tilespmem:s7+$0xFFFFFFD0];
	vm0 =	vge.f32 v7, $0.0e+00;
	v12 =	vmul.f32 $9.999999770e-03, v3;
	v14 =	vmul.f32 $9.999999770e-03, v4  }
0x198: {  	v10 =	vld [tilespmem:s2+$0xFFFFFFC0];
	[tilespmem:s0+$0xFFFFF2F0] =	vst v2;
	vm1 =	vge.f32 v4, $0.0e+00;
	v7 =	vsel vm0, v7, v9;
	vm0 =	vge.f32 v3, $0.0e+00  }
0x199: {  	v6 =	vld [tilespmem:s20+$0xFFFFFFB0];
	[tilespmem:s17+$0xFFFFF370] =	vst v7;
	v3 =	vsel vm0, v3, v12;
	v4 =	vsel vm1, v4, v14;
	v7 =	vadd.f32 v59, v13  }
0x19a: {  	v9 =	vld [tilespmem:s20+$0xFFFFF330];
	v2 =	vunpack.i.l.bf16.f32 v5;
	vm0 =	vge.f32 v1, $0.0e+00;
	v12 =	vmul.f32 $9.999999770e-03, v1;
	[tilespmem:s17+$0xFFFFFFF0] =	vst v3  }
0x19b: {  	[tilespmem:s0+$0xFFFFFF70] =	vst v4;
	v4 =	vunpack.i.u.bf16.f32 v5;
	v2 =	vadd.f32 v11, v2;
	v13 =	vld [tilespmem:s19+$0x40];
	v5 =	vmul.f32 $9.999999770e-03, v7  }
0x19c: {  	v14 =	vld [tilespmem:s31+$0xFFFFFF90];
	v4 =	vadd.f32 v17, v4;
	v1 =	vsel vm0, v1, v12;
	vm0 =	vge.f32 v7, $0.0e+00  }
0x19d: {  	v3 =	vunpack.i.u.bf16.f32 v10;
	v12 =	vld [tilespmem:s7+$0xFFFFF300];
	v60 =	vmul.f32 $9.999999770e-03, v2;
	[tilespmem:s17+$0xFFFFF310] =	vst v1;
	v1 =	vsel vm0, v7, v5  }
0x19e: {  	v11 =	vld [tilespmem:s18+$0x0];
	v5 =	vunpack.i.l.bf16.f32 v10;
	vm0 =	vge.f32 v2, $0.0e+00;
	v10 =	vmul.f32 $9.999999770e-03, v4  }
0x19f: {  	v7 =	vld [tilespmem:s7+$0xFFFFFF80];
	[tilespmem:s17+$0xFFFFFF90] =	vst v1;
	v2 =	vsel vm0, v2, v60;
	vm0 =	vge.f32 v4, $0.0e+00  }
0x1a0: {  	v1 =	vadd.f32 v9, v5;
	v9 =	vld [tilespmem:s19+$0xFFFFFFB0];
	[tilespmem:s0+$0xFFFFF350] =	vst v2;
	v2 =	vsel vm0, v4, v10  }
0x1a1: {  	v10 =	vld [tilespmem:s18+$0xFFFFF320];
	v61 =	vunpack.i.u.bf16.f32 v13;
	v5 =	vunpack.i.l.bf16.f32 v13;
	v13 =	vunpack.i.l.bf16.f32 v14  }
0x1a2: {  	v4 =	vunpack.i.u.bf16.f32 v14;
	[tilespmem:s0+$0xFFFFFFD0] =	vst v2;
	v14 =	vld [tilespmem:s18+$0xFFFFFFA0];
	v2 =	vadd.f32 v6, v3;
	v6 =	vadd.f32 v12, v13  }
0x1a3: {  	v11 =	vadd.f32 v11, v61;
	v12 =	vld [tilespmem:s31+$0x20]  }
0x1a4: {  	v63 =	vld [tilespmem:s7+$0xFFFFF360];
	v62 =	vadd.f32 v7, v4;
	v7 =	vmul.f32 $9.999999770e-03, v6  }
0x1a5: {  	v3 =	vmul.f32 $9.999999770e-03, v1;
	v18 =	vld [tilespmem:s7+$0xFFFFFFE0];
	v13 =	vmul.f32 $9.999999770e-03, v11;
	vm1 =	vge.f32 v6, $0.0e+00  }
0x1a6: {  	[tilespmem:s16+$0x0] =	vst v8;
	vm0 =	vge.f32 v11, $0.0e+00;
	v8 =	vmul.f32 $9.999999770e-03, v62;
	v6 =	vsel vm1, v6, v7  }
0x1a7: {  	v11 =	vsel vm0, v11, v13;
	vm0 =	vge.f32 v62, $0.0e+00;
	v13 =	vunpack.i.u.bf16.f32 v9;
	[tilespmem:s0+$0xFFFFF300] =	vst v6;
	v6 =	vld [tilespmem:s18+$0xFFFFF380]  }
0x1a8: {  	v9 =	vunpack.i.l.bf16.f32 v9;
	v7 =	vadd.f32 v14, v13;
	v13 =	vsel vm0, v62, v8  }
0x1a9: {  	[tilespmem:s16+$0xFFFFF380] =	vst v15;
	v14 =	vunpack.i.l.bf16.f32 v12;
	v8 =	vadd.f32 v10, v9;
	v12 =	vunpack.i.u.bf16.f32 v12  }
0x1aa: {  	v4 =	vmul.f32 $9.999999770e-03, v2;
	[tilespmem:s0+$0xFFFFFF80] =	vst v13;
	v13 =	vadd.f32 v63, v14;
	v12 =	vadd.f32 v18, v12  }
0x1ab: {  	s8 =	simm.s32 $0x7EA0;
	s2 =	simm.s32 $0x4;
	s20 =	simm.s32 $0x5C70;
	[tilespmem:s17+$0x0] =	vst v11;
	v9 =	vmul.f32 $9.999999770e-03, v7;
	v10 =	vld [tilespmem:s31+$0xFFFFFFA0];
	vm0 =	vge.f32 v8, $0.0e+00;
	v11 =	vmul.f32 $9.999999770e-03, v8  }
.LBB2_17:
0x1ac: {  	v14 =	vld [tilespmem:s8+$0x0];
	v15 =	vmul.f32 $9.999999770e-03, v13;
	s7 =	sadd.s32 $0xA0, s7;
	vm1 =	vge.f32 v7, $0.0e+00;
	v5 =	vadd.f32 v6, v5  }
0x1ad: {  	vm2 =	vge.f32 v13, $0.0e+00;
	v6 =	vld [tilespmem:s7+$0xFFFFF340];
	v16 =	vmul.f32 $9.999999770e-03, v12;
	v8 =	vsel vm0, v8, v11  }
0x1ae: {  	vm0 =	vge.f32 v12, $0.0e+00;
	v7 =	vsel vm1, v7, v9;
	v11 =	vld [tilespmem:s7+$0xFFFFFFC0];
	v13 =	vsel vm2, v13, v15;
	[tilespmem:s17+$0xFFFFF320] =	vst v8  }
0x1af: {  	v8 =	vld [tilespmem:s8+$0xFFFFFF80];
	[tilespmem:s0+$0xFFFFF360] =	vst v13;
	v9 =	vsel vm0, v12, v16;
	v12 =	vmul.f32 $9.999999770e-03, v5;
	vm0 =	vge.f32 v1, $0.0e+00  }
0x1b0: {  	s2 =	sadd.s32 $0x2, s2;
	vm1 =	vge.f32 v2, $0.0e+00;
	v13 =	vld [tilespmem:s7+$0xFFFFF2F0];
	v15 =	vunpack.i.u.bf16.f32 v10;
	v10 =	vunpack.i.l.bf16.f32 v10;
	[tilespmem:s0+$0xFFFFFFE0] =	vst v9  }
0x1b1: {  	p0 =	slt.u32 s2, $0x26;
	vm2 =	vge.f32 v5, $0.0e+00;
	v1 =	vsel vm0, v1, v3;
	v9 =	vunpack.i.l.bf16.f32 v14;
	v16 =	vld [tilespmem:s31+$0x30];
	[tilespmem:s17+$0xFFFFFFA0] =	vst v7  }
0x1b2: {  	v3 =	vunpack.i.u.bf16.f32 v14;
	v6 =	vadd.f32 v6, v9;
	v7 =	vld [tilespmem:s20+$0xFFFFF370];
	[tilespmem:s16+$0xFFFFF330] =	vst v1;
	v1 =	vsel vm1, v2, v4  }
0x1b3: {  	v4 =	vsel vm2, v5, v12;
	v2 =	vadd.f32 v11, v3;
	v3 =	vld [tilespmem:s20+$0xFFFFFFF0];
	[tilespmem:s16+$0xFFFFFFB0] =	vst v1;
	s16 =	smov.u32 s17;
	s17 =	smov.u32 s0  }
0x1b4: {  	v1 =	vunpack.i.u.bf16.f32 v8;
	v5 =	vunpack.i.l.bf16.f32 v8;
	v8 =	vld [tilespmem:s7+$0xFFFFFF70];
	v9 =	vmul.f32 $9.999999770e-03, v6;
	[tilespmem:s16+$0xFFFFF380] =	vst v4  }
0x1b5: {  	vm0 =	vge.f32 v6, $0.0e+00;
	v4 =	vadd.f32 v13, v5;
	v5 =	vmul.f32 $9.999999770e-03, v2;
	v11 =	vld [tilespmem:s20+$0xFFFFF310]  }
0x1b6: {  	s0 =	sadd.s32 $0xA0, s0;
	v6 =	vsel vm0, v6, v9;
	vm0 =	vge.f32 v2, $0.0e+00;
	v9 =	vld [tilespmem:s20+$0xFFFFFF90];
	v12 =	vunpack.i.l.bf16.f32 v16  }
0x1b7: {  	[tilespmem:s0+$0xFFFFF340] =	vst v6;
	v2 =	vsel vm0, v2, v5;
	v5 =	vunpack.i.u.bf16.f32 v16;
	v6 =	vadd.f32 v7, v12;
	v7 =	vld [tilespmem:s19+$0xFFFFFFC0];
	s19 =	smov.u32 s31;
	s31 =	smov.u32 s8  }
0x1b8: {  	vm0 =	vge.f32 v4, $0.0e+00;
	v12 =	vmul.f32 $9.999999770e-03, v4;
	[tilespmem:s0+$0xFFFFFFC0] =	vst v2;
	v2 =	vadd.f32 v3, v5;
	v3 =	vld [tilespmem:s18+$0xFFFFF330]  }
0x1b9: {  	v1 =	vadd.f32 v8, v1;
	v5 =	vld [tilespmem:s8+$0x10];
	v8 =	vmul.f32 $9.999999770e-03, v6  }
0x1ba: {  	v4 =	vsel vm0, v4, v12;
	vm0 =	vge.f32 v6, $0.0e+00;
	v12 =	vld [tilespmem:s7+$0xFFFFF350];
	v13 =	vmul.f32 $9.999999770e-03, v2  }
0x1bb: {  	[tilespmem:s0+$0xFFFFF2F0] =	vst v4;
	v4 =	vmul.f32 $9.999999770e-03, v1;
	v14 =	vld [tilespmem:s7+$0xFFFFFFD0];
	v6 =	vsel vm0, v6, v8;
	vm0 =	vge.f32 v2, $0.0e+00  }
0x1bc: {  	vm1 =	vge.f32 v1, $0.0e+00;
	v8 =	vadd.f32 v11, v10;
	[tilespmem:s17+$0xFFFFF370] =	vst v6;
	v2 =	vsel vm0, v2, v13;
	v6 =	vld [tilespmem:s18+$0xFFFFFFB0];
	s18 =	smov.u32 s20;
	s20 =	smov.u32 s7  }
0x1bd: {  	v1 =	vsel vm1, v1, v4;
	v4 =	vadd.f32 v9, v15;
	[tilespmem:s17+$0xFFFFFFF0] =	vst v2;
	v2 =	vunpack.i.u.bf16.f32 v7  }
0x1be: {  	vm0 =	vge.f32 v8, $0.0e+00;
	v9 =	vmul.f32 $9.999999770e-03, v8;
	[tilespmem:s0+$0xFFFFFF70] =	vst v1;
	v1 =	vunpack.i.l.bf16.f32 v5;
	v10 =	vld [tilespmem:s19+$0x40]  }
0x1bf: {  	v5 =	vunpack.i.u.bf16.f32 v5;
	v11 =	vadd.f32 v12, v1;
	v1 =	vmul.f32 $9.999999770e-03, v4;
	v12 =	vld [tilespmem:s18+$0x0]  }
0x1c0: {  	v8 =	vsel vm0, v8, v9;
	vm0 =	vge.f32 v4, $0.0e+00;
	v13 =	vld [tilespmem:s8+$0xFFFFFF90];
	v5 =	vadd.f32 v14, v5  }
0x1c1: {  	v9 =	vld [tilespmem:s7+$0xFFFFF300];
	v14 =	vmul.f32 $9.999999770e-03, v11;
	[tilespmem:s17+$0xFFFFF310] =	vst v8;
	v1 =	vsel vm0, v4, v1;
	v4 =	vunpack.i.l.bf16.f32 v7  }
0x1c2: {  	vm0 =	vge.f32 v11, $0.0e+00;
	v7 =	vld [tilespmem:s7+$0xFFFFFF80];
	v8 =	vmul.f32 $9.999999770e-03, v5;
	[tilespmem:s17+$0xFFFFFF90] =	vst v1;
	v1 =	vadd.f32 v3, v4  }
0x1c3: {  	v3 =	vsel vm0, v11, v14;
	vm0 =	vge.f32 v5, $0.0e+00;
	v11 =	vld [tilespmem:s19+$0xFFFFFFB0];
	v4 =	vunpack.i.u.bf16.f32 v10  }
0x1c4: {  	[tilespmem:s0+$0xFFFFF350] =	vst v3;
	v3 =	vsel vm0, v5, v8;
	v8 =	vld [tilespmem:s18+$0xFFFFF320];
	v5 =	vunpack.i.l.bf16.f32 v10;
	v10 =	vadd.f32 v12, v4  }
0x1c5: {  	v2 =	vadd.f32 v6, v2;
	v4 =	vunpack.i.u.bf16.f32 v13;
	v12 =	vunpack.i.l.bf16.f32 v13;
	[tilespmem:s0+$0xFFFFFFD0] =	vst v3;
	v13 =	vld [tilespmem:s18+$0xFFFFFFA0]  }
0x1c6: {  	v3 =	vmul.f32 $9.999999770e-03, v1;
	v9 =	vadd.f32 v9, v12;
	v12 =	vld [tilespmem:s8+$0x20];
	v6 =	vmul.f32 $9.999999770e-03, v10  }
0x1c7: {  	vm0 =	vge.f32 v10, $0.0e+00;
	v14 =	vadd.f32 v7, v4;
	v15 =	vld [tilespmem:s7+$0xFFFFF360];
	v4 =	vmul.f32 $9.999999770e-03, v2  }
0x1c8: {  	vm1 =	vge.f32 v9, $0.0e+00;
	v7 =	vmul.f32 $9.999999770e-03, v9;
	v16 =	vld [tilespmem:s7+$0xFFFFFFE0];
	v10 =	vsel vm0, v10, v6  }
.Ltmp12:
0x1c9: {  	v18 =	vunpack.i.u.bf16.f32 v11;
	vm0 =	vge.f32 v14, $0.0e+00;
	v17 =	vmul.f32 $9.999999770e-03, v14;
	v6 =	vld [tilespmem:s18+$0xFFFFF380];
	[tilespmem:s17+$0x0] =	vst v10;
	(pc) =	sbr.rel @p0 .LBB2_17-.Ltmp12, $4  }
0x1ca: {  	v10 =	vunpack.i.l.bf16.f32 v11;
	v9 =	vsel vm1, v9, v7;
	v7 =	vadd.f32 v13, v18  }
0x1cb: {  	v8 =	vadd.f32 v8, v10;
	[tilespmem:s0+$0xFFFFF300] =	vst v9;
	v9 =	vsel vm0, v14, v17;
	v11 =	vunpack.i.l.bf16.f32 v12  }
0x1cc: {  	v12 =	vunpack.i.u.bf16.f32 v12;
	[tilespmem:s0+$0xFFFFFF80] =	vst v9;
	v13 =	vadd.f32 v15, v11;
	v9 =	vmul.f32 $9.999999770e-03, v7  }
0x1cd: {  	s8 =	sadd.s32 $0x100, s8;
	vm0 =	vge.f32 v8, $0.0e+00;
	v11 =	vmul.f32 $9.999999770e-03, v8;
	v10 =	vld [tilespmem:s31+$0xFFFFFFA0];
	v12 =	vadd.f32 v16, v12  }
0x1ce: {  	v14 =	vld [tilespmem:s20+$0xFFFFF310]  }
0x1cf: {  	v15 =	vld [tilespmem:s20+$0xFFFFFF90];
	_ =	sdelay $0x1  }
0x1d0: {  	v16 =	vmul.f32 $9.999999770e-03, v13;
	vm1 =	vge.f32 v13, $0.0e+00  }
0x1d1: {  	v17 =	vmul.f32 $9.999999770e-03, v12;
	vm12 =	vge.f32 v12, $0.0e+00;
	v30 =	vunpack.i.l.bf16.f32 v10  }
0x1d2: {  	v13 =	vsel vm1, v13, v16;
	v31 =	vunpack.i.u.bf16.f32 v10;
	v32 =	vadd.f32 v14, v30  }
0x1d3: {  	[tilespmem:s0+$0xFFFFF360] =	vst v13;
	v12 =	vsel vm12, v12, v17;
	v10 =	vadd.f32 v15, v31  }
0x1d4: {  	[tilespmem:s0+$0xFFFFFFE0] =	vst v12;
	v14 =	vmul.f32 $9.999999770e-03, v32  }
0x1d5: {  	v12 =	vld [tilespmem:s31+$0x30];
	vm13 =	vge.f32 v32, $0.0e+00;
	v34 =	vmul.f32 $9.999999770e-03, v10  }
0x1d6: {  	v33 =	vld [tilespmem:s20+$0xFFFFF370];
	vm14 =	vge.f32 v10, $0.0e+00;
	v13 =	vsel vm13, v32, v14  }
0x1d7: {  	v35 =	vld [tilespmem:s20+$0xFFFFFFF0];
	v10 =	vsel vm14, v10, v34;
	[tilespmem:s0+$0xFFFFF310] =	vst v13  }
0x1d8: {  	[tilespmem:s0+$0xFFFFFF90] =	vst v10  }
0x1d9: {  	v13 =	vld [tilespmem:s31+$0xFFFFFFB0]  }
0x1da: {  	v36 =	vunpack.i.l.bf16.f32 v12;
	v37 =	vld [tilespmem:s20+$0xFFFFF320]  }
0x1db: {  	v12 =	vunpack.i.u.bf16.f32 v12;
	v10 =	vadd.f32 v33, v36;
	v38 =	vld [tilespmem:s20+$0xFFFFFFA0]  }
0x1dc: {  	vm15 =	vge.f32 v7, $0.0e+00;
	v8 =	vsel vm0, v8, v11;
	v12 =	vadd.f32 v35, v12  }
0x1dd: {  	v7 =	vsel vm15, v7, v9;
	v39 =	vmul.f32 $9.999999770e-03, v10;
	vm4 =	vge.f32 v10, $0.0e+00  }
0x1de: {  	[tilespmem:s17+$0xFFFFF320] =	vst v8;
	v40 =	vmul.f32 $9.999999770e-03, v12;
	vm5 =	vge.f32 v12, $0.0e+00;
	v42 =	vunpack.i.l.bf16.f32 v13  }
0x1df: {  	[tilespmem:s17+$0xFFFFFFA0] =	vst v7;
	v41 =	vsel vm4, v10, v39;
	v45 =	vunpack.i.u.bf16.f32 v13;
	v9 =	vadd.f32 v37, v42  }
0x1e0: {  	v43 =	vld [tilespmem:s19+$0xFFFFFFC0];
	v44 =	vsel vm5, v12, v40;
	[tilespmem:s0+$0xFFFFF370] =	vst v41;
	v47 =	vadd.f32 v38, v45  }
0x1e1: {  	v46 =	vld [tilespmem:s18+$0xFFFFF330];
	[tilespmem:s0+$0xFFFFFFF0] =	vst v44;
	v49 =	vmul.f32 $9.999999770e-03, v9  }
0x1e2: {  	v48 =	vld [tilespmem:s31+$0x40];
	v51 =	vmul.f32 $9.999999770e-03, v47;
	vm6 =	vge.f32 v9, $0.0e+00  }
0x1e3: {  	v5 =	vadd.f32 v6, v5;
	v50 =	vld [tilespmem:s20+$0x0];
	vm7 =	vge.f32 v47, $0.0e+00;
	v9 =	vsel vm6, v9, v49  }
0x1e4: {  	vm8 =	vge.f32 v1, $0.0e+00;
	v52 =	vld [tilespmem:s18+$0xFFFFFFB0];
	v7 =	vsel vm7, v47, v51;
	[tilespmem:s0+$0xFFFFF320] =	vst v9  }
0x1e5: {  	vm9 =	vge.f32 v2, $0.0e+00;
	v53 =	vmul.f32 $9.999999770e-03, v5;
	v10 =	vunpack.i.l.bf16.f32 v43;
	v54 =	vld [tilespmem:s20+$0xFFFFF380];
	[tilespmem:s0+$0xFFFFFFA0] =	vst v7  }
0x1e6: {  	v1 =	vsel vm8, v1, v3;
	vm2 =	vge.f32 v5, $0.0e+00;
	v10 =	vadd.f32 v46, v10;
	v55 =	vld [tilespmem:s31+$0xFFFFFFC0]  }
0x1e7: {  	v2 =	vsel vm9, v2, v4;
	v5 =	vsel vm2, v5, v53;
	v3 =	vunpack.i.u.bf16.f32 v48;
	v57 =	vld [tilespmem:s20+$0xFFFFF330]  }
0x1e8: {  	[tilespmem:s16+$0xFFFFF330] =	vst v1;
	v56 =	vunpack.i.u.bf16.f32 v43;
	v1 =	vmul.f32 $9.999999770e-03, v10;
	v3 =	vadd.f32 v50, v3;
	v58 =	vld [tilespmem:s20+$0xFFFFFFB0]  }
0x1e9: {  	vm11 =	vge.f32 v10, $0.0e+00;
	v8 =	vunpack.i.l.bf16.f32 v48;
	v7 =	vadd.f32 v52, v56  }
0x1ea: {  	v1 =	vsel vm11, v10, v1;
	v8 =	vadd.f32 v54, v8;
	v59 =	vmul.f32 $9.999999770e-03, v3  }
0x1eb: {  	[tilespmem:s16+$0xFFFFFFB0] =	vst v2;
	v60 =	vmul.f32 $9.999999770e-03, v7;
	vm10 =	vge.f32 v3, $0.0e+00;
	v61 =	vunpack.i.l.bf16.f32 v55  }
0x1ec: {  	[tilespmem:s17+$0xFFFFF380] =	vst v5;
	v2 =	vsel vm10, v3, v59;
	v4 =	vunpack.i.u.bf16.f32 v55;
	v62 =	vadd.f32 v57, v61  }
0x1ed: {  	vm12 =	vge.f32 v7, $0.0e+00;
	v3 =	vmul.f32 $9.999999770e-03, v8;
	[tilespmem:s0+$0x0] =	vst v2;
	v2 =	vadd.f32 v58, v4  }
0x1ee: {  	s2 =	smul.u32 $0x140, s11;
	[tilespmem:s17+$0xFFFFF330] =	vst v1;
	vm13 =	vge.f32 v8, $0.0e+00;
	v1 =	vsel vm12, v7, v60;
	v63 =	vmul.f32 $9.999999770e-03, v62  }
0x1ef: {  	p0 =	sgt.u32 s9, $0x28;
	[tilespmem:s17+$0xFFFFFFB0] =	vst v1;
	v3 =	vsel vm13, v8, v3;
	v1 =	vmul.f32 $9.999999770e-03, v2;
	vm14 =	vge.f32 v62, $0.0e+00  }
0x1f0: {  	s7 =	sadd.s32 @!p0 $0x3, s10;
	s2 =	sshra.s32 s2, $0x2;
	[tilespmem:s0+$0xFFFFF380] =	vst v3;
	vm15 =	vge.f32 v2, $0.0e+00;
	v3 =	vsel vm14, v62, v63  }
0x1f1: {  	s31 =	sadd.s32 $0x1A90, s2;
	s2 =	smul.u32 @!p0 $0x140, s7;
	v1 =	vsel vm15, v2, v1;
	[tilespmem:s0+$0xFFFFF330] =	vst v3  }
0x1f2: {  	s8 =	simm.s32 $0xA820;
	s7 =	smul.u32 @!p0 $0x28, s7;
	[tilespmem:s0+$0xFFFFFFB0] =	vst v1  }
0x1f3: {  	[spmem:s3] =	stream.indirect.scatter.add.f32 [tilespmem:s8], [sflag:$0x6], $0x50, s31, s22, $0xb8;
	[tilespmem:$0x1B120] =	vst v63  }
0x1f4: {  	s0 =	sshra.s32 @!p0 s2, $0x2;
	s2 =	simm.s32 @!p0 $0x50;
	s8 =	simm.s32 @!p0 $0x4E20  }
0x1f5: {  	[tilespmem:s8], [sflag:$0x2] =	stream.indirect.gather @!p0 [hbm4b:s1+s2], $0x50, s0, s2, $0xb8;
	[tilespmem:$0x1B120] =	vst v63  }
.Ltmp13:
0x1f6: {  	s0 =	sadd.s32 @!p0 s6, s7;
	(pc) =	sbr.rel .LBB2_19-.Ltmp13, $4  }
0x1f7: {  	s0 =	sshll.u32 @!p0 s0, $0x4  }
0x1f8: {  	s0 =	sand.u32 @!p0 $0x1FFFFF80, s0  }
0x1f9: {  	s2 =	simm.s32 @!p0 $0x0;
	s7 =	simm.s32 @!p0 $0x7B20;
	s0 =	sadd.s32 @!p0 s5, s0  }
0x1fa: {  	[tilespmem:s7], [sflag:$0x4] =	stream.linear.gather @!p0 [hbm4b:s0+s2], $0x1400, $0x38;
	[tilespmem:$0x1B120] =	vst v63  }
.LBB2_21:
0x1fb: {  	_ =	sfence.sel $0x180000  }
0x1fc: {  	[bflag:$0x0] =	sbarrier.arrive $0xFFFF  }
0x1fd: {  	_ =	strace $0x9000004A  }
0x1fe: {  	s0 =	stileid.u32;
	[bflag:$0x2] =	sbarrier.arrive $0xFFFF  }
0x1ff: {  	p0 =	sne.s32 s0, $0x0;
	s0 =	rddreg [dreg:$0x3]  }
0x200: {  	s0 =	sadd.s32 @!p0 $0x100000, s0  }
0x201: {  	[sflag:s0] =	ssyncadd.tile.s32 @!p0 $0x1;
	_ =	shalt  }
.Lfunc_end2:
_tile_overlayer_lowered:
.L_overlay_start_2:
0x202: {  	(tag) =	ssettag $0x2  }
0x203: {  	s0 =	rddreg [dreg:$0x0];
	s2 =	stileid.u32  }
0x204: {  	s1 =	rddreg [dreg:$0x1];
	p0 =	sne.s32 s2, $0x0  }
0x205: {  	s3 =	rddreg [dreg:$0x2];
	[bflag:$0x3] =	sbarrier.arrive $0xFFFF;
	s2 =	simm.s32 @!p0 $0x1C07  }
0x206: {  	[timem:s3], [sflag:s2] =	dma.local @!p0 [hbm:s0], s1  }
0x207: {  	s0 =	simm.s32 @!p0 $0x7  }
0x208: {  	_ =	swait.ge @!p0 [sflag:s0], s1  }
0x209: {  	s1 =	ssub.s32 @!p0 $0x0, s1;
	[sflag:s0] =	ssyncset.done @!p0 $0x0  }
0x20a: {  	[sflag:s0] =	ssyncadd.s32 @!p0 s1  }
0x20b: {  	[bflag:$0x3] =	sbarrier.arrive $0xFFFF  }
0x20c: {  	_ =	shalt  }

// kernel: kernel.8.cloned.1.call-start
scs
__scs_entry_jumppad:
0x0: {  	(pc) =	sbr.rel $0x88, $3  }
0x1: {  	(tag) =	ssettag $0x0;
	lr =	simm.s32 $0x1  }
0x2: {  	[smem:$0x3F9B] =	sst lr;
	_ =	strace $0xD0000000  }
0x3: {  	_ = 	snop  }
0x4: {  	_ = 	snop  }
0x5: {  	_ = 	snop  }
0x6: {  	_ = 	snop  }
0x7: {  	_ = 	snop  }
__scs_overlays_trampoline_lowered:
0x8: {  	[smem:$0x3FAA] =	sst s0  }
0x9: {  	[smem:$0x3FAB] =	sst s1  }
0xa: {  	[smem:$0x3FAC] =	sst s2  }
0xb: {  	[smem:$0x3FAD] =	sst s3  }
0xc: {  	[smem:$0x3FAE] =	sst s4  }
0xd: {  	[smem:$0x3FAF] =	sst s5  }
0xe: {  	[smem:$0x3FB0] =	sst s6  }
0xf: {  	[smem:$0x3FB1] =	sst s7  }
0x10: {  	[smem:$0x3FB2] =	sst s8  }
0x11: {  	[smem:$0x3FB3] =	sst s9;
	s0 =	simm.s32 @!p0 $0x0  }
0x12: {  	s1 =	sld [smem:$0x3F99];
	s0 =	simm.s32 @p0 $0x1  }
0x13: {  	[smem:$0x3FB4] =	sst s0;
	s0 =	simm.s32 @!p1 $0x0  }
0x14: {  	s2 =	sld [smem:$0x3F98];
	s0 =	simm.s32 @p1 $0x1  }
0x15: {  	[smem:$0x3FB5] =	sst s0;
	s0 =	simm.s32 @!p2 $0x0  }
0x16: {  	s3 =	sld [smem:$0x3FDB];
	s0 =	simm.s32 @p2 $0x1  }
0x17: {  	s4 =	simm.s32 $0x1BF5;
	[smem:$0x3FB7] =	sst s0  }
0x18: {  	s0 =	sld [smem:$0x3F9A];
	_ =	swait.ge [sflag:s4], $0x0  }
0x19: {  	s7 =	sld [smem:$0x3F9B]  }
0x1a: {  	s8 =	sadd.s32 $0xFFFFE003, lr  }
0x1b: {  	s9 =	sadd.s32 $0xFFFFFEF7, lr;
	s5 =	simm.s32 $0xFFFFFFFF;
	p2 =	slt.u32 s8, $0xFFFFF086  }
0x1c: {  	p1 =	slt.u32 s9, $0xF7A;
	s5 =	simm.s32 @!p2 $0x0  }
0x1d: {  	s5 =	simm.s32 @p1 $0x1;
	p0 =	seq.s32 s7, s2  }
0x1e: {  	s7 =	smul.u32 @!p0 $0xF7A, s2;
	p2 =	seq.s32 @!p0 s5, $0x0  }
0x1f: {  	s9 =	smul.u32 $0xF7A, s1;
	s8 =	simm.s32 @!p0 $0x1BF5;
	p2 =	por !p2, p0  }
0x20: {  	[sflag:s8] =	ssyncset.s32 @!p0 $0xFFFFF086;
	s6 =	sadd.s32 @!p0 s3, s7;
	s7 =	simm.s32 @!p0 $0x108  }
0x21: {  	s3 =	sadd.s32 s3, s9;
	s6 =	sadd.s32 @!p0 $0x88, s6;
	s7 =	simm.s32 @p2 $0x1082  }
0x22: {  	[simem:s7], [sflag:s8] =	dma.local @!p0 [hbm:s6], $0xF7A  }
0x23: {  	s9 =	sor.u32 $0xD0000000, s2;
	s6 =	simm.s32 $0x108;
	_ =	swait.ge @!p0 [sflag:s8], $0x0  }
0x24: {  	s3 =	sadd.s32 $0x88, s3;
	s6 =	simm.s32 @!p1 $0x1082;
	[sflag:s4] =	ssyncset.s32 $0xFFFFF086  }
0x25: {  	[simem:s6], [sflag:s4] =	dma.local [hbm:s3], $0xF7A  }
0x26: {  	[smem:$0x3F9B] =	sst s1;
	(tag) =	ssettag s2;
	_ =	strace s9  }
0x27: {  	s1 =	sld [smem:$0x3FAB]  }
0x28: {  	s2 =	sld [smem:$0x3FAC]  }
0x29: {  	s4 =	sld [smem:$0x3FAE]  }
0x2a: {  	p0 =	seq.s32 s5, $0x0;
	s5 =	sld [smem:$0x3FAF]  }
0x2b: {  	s6 =	sld [smem:$0x3FB0]  }
0x2c: {  	s7 =	sld [smem:$0x3FB1]  }
0x2d: {  	s3 =	simm.s32 $0x108;
	s8 =	sld [smem:$0x3FB2]  }
0x2e: {  	s3 =	simm.s32 @!p0 $0x1082;
	s9 =	sld [smem:$0x3FB3]  }
0x2f: {  	lr =	sadd.s32 s0, s3;
	s0 =	sld [smem:$0x3FAA]  }
0x30: {  	s3 =	sld [smem:$0x3FAD]  }
0x31: {  	[smem:$0x3FB6] =	sst s10  }
0x32: {  	s10 =	sld [smem:$0x3FB4];
	_ =	sdelay $0x3  }
0x33: {  	p0 =	seq.s32 s10, $0x1;
	s10 =	sld [smem:$0x3FB6];
	_ =	sdelay $0x3  }
0x34: {  	[smem:$0x3FB6] =	sst s10  }
0x35: {  	s10 =	sld [smem:$0x3FB5];
	_ =	sdelay $0x3  }
0x36: {  	p1 =	seq.s32 s10, $0x1;
	s10 =	sld [smem:$0x3FB6];
	_ =	sdelay $0x3  }
0x37: {  	[smem:$0x3FB6] =	sst s10  }
0x38: {  	s10 =	sld [smem:$0x3FB7]  }
0x39: {  	_ = 	snop;
	(pc) =	sbr.ind lr, $3  }
0x3a: {  	_ = 	snop  }
0x3b: {  	_ = 	snop  }
0x3c: {  	p2 =	seq.s32 s10, $0x1;
	s10 =	sld [smem:$0x3FB6]  }
0x3d: {  	_ =	shalt  }
0x3e: {  	_ =	shalt  }
0x3f: {  	_ =	shalt  }
0x40: {  	_ =	shalt  }
0x41: {  	_ =	shalt  }
0x42: {  	_ =	shalt  }
0x43: {  	_ =	shalt  }
0x44: {  	_ =	shalt  }
0x45: {  	_ =	shalt  }
0x46: {  	_ =	shalt  }
0x47: {  	_ =	shalt  }
0x48: {  	_ =	shalt  }
0x49: {  	_ =	shalt  }
0x4a: {  	_ =	shalt  }
0x4b: {  	_ =	shalt  }
0x4c: {  	_ =	shalt  }
0x4d: {  	_ =	shalt  }
0x4e: {  	_ =	shalt  }
0x4f: {  	_ =	shalt  }
0x50: {  	_ =	shalt  }
0x51: {  	_ =	shalt  }
0x52: {  	_ =	shalt  }
0x53: {  	_ =	shalt  }
0x54: {  	_ =	shalt  }
0x55: {  	_ =	shalt  }
0x56: {  	_ =	shalt  }
0x57: {  	_ =	shalt  }
0x58: {  	_ =	shalt  }
0x59: {  	_ =	shalt  }
0x5a: {  	_ =	shalt  }
0x5b: {  	_ =	shalt  }
0x5c: {  	_ =	shalt  }
0x5d: {  	_ =	shalt  }
0x5e: {  	_ =	shalt  }
0x5f: {  	_ =	shalt  }
0x60: {  	_ =	shalt  }
0x61: {  	_ =	shalt  }
0x62: {  	_ =	shalt  }
0x63: {  	_ =	shalt  }
0x64: {  	_ =	shalt  }
0x65: {  	_ =	shalt  }
0x66: {  	_ =	shalt  }
0x67: {  	_ =	shalt  }
0x68: {  	_ =	shalt  }
0x69: {  	_ =	shalt  }
0x6a: {  	_ =	shalt  }
0x6b: {  	_ =	shalt  }
0x6c: {  	_ =	shalt  }
0x6d: {  	_ =	shalt  }
0x6e: {  	_ =	shalt  }
0x6f: {  	_ =	shalt  }
0x70: {  	_ =	shalt  }
0x71: {  	_ =	shalt  }
0x72: {  	_ =	shalt  }
0x73: {  	_ =	shalt  }
0x74: {  	_ =	shalt  }
0x75: {  	_ =	shalt  }
0x76: {  	_ =	shalt  }
0x77: {  	_ =	shalt  }
0x78: {  	_ =	shalt  }
0x79: {  	_ =	shalt  }
0x7a: {  	_ =	shalt  }
0x7b: {  	_ =	shalt  }
0x7c: {  	_ =	shalt  }
0x7d: {  	_ =	shalt  }
0x7e: {  	_ =	shalt  }
0x7f: {  	_ =	shalt  }
0x80: {  	_ =	shalt  }
0x81: {  	_ =	shalt  }
0x82: {  	_ =	shalt  }
0x83: {  	_ =	shalt  }
0x84: {  	_ =	shalt  }
0x85: {  	_ =	shalt  }
0x86: {  	_ =	shalt  }
0x87: {  	_ =	shalt  }
.Lfunc_end0:
.L_simem_size_0:
called_computation_lowered:
.L_overlay_start_0:
0x88: {  	s2 =	sld [smem:$0x3FD9]  }
0x89: {  	s3 =	sld [smem:$0x3FFE];
	_ =	sdelay $0x1  }
0x8a: {  	s1 =	srdreg.scid  }
0x8b: {  	s0 =	sand.u32 $0x1, s1  }
0x8c: {  	s17 =	sshll.u32 s0, $0xA;
	s2 =	sadd.s32 s3, s2  }
0x8d: {  	s2 =	sadd.s32 s2, s17  }
0x8e: {  	[smem:$0x3FC2] =	sst s2  }
0x8f: {  	_ = 	snop  }
0x90: {  	s2 =	sld [smem:$0x3FD0];
	(tm) =	ssettm $0x1  }
0x91: {  	s18 =	sld [smem:$0x3FFB];
	_ =	sdelay $0x3  }
0x92: {  	_ =	strace s18  }
0x93: {  	s3 =	sld [smem:$0x3FFC];
	_ =	sdelay $0x3  }
0x94: {  	_ =	strace s3  }
0x95: {  	s3 =	sld [smem:$0x3FFD];
	_ =	sdelay $0x3  }
0x96: {  	_ =	strace s3  }
0x97: {  	_ =	strace $0x8FFFFFFF  }
0x98: {  	s19 =	sld [smem:$0x3FDB];
	_ =	sdelay $0x1  }
0x99: {  	s4 =	simm.s32 $_scs_section_size  }
0x9a: {  	s5 =	simm.s32 $_size__tile_overlayer_lowered;
	s6 =	simm.s32 $_tile_overlayer_lowered  }
0x9b: {  	s22 =	simm.s32 $0x1BFF;
	s21 =	sshll.u32 s6, $0x1;
	s3 =	sadd.s32 s4, s19  }
0x9c: {  	s7 =	simm.s32 $0x0;
	s20 =	sshll.u32 s5, $0x1;
	s5 =	sadd.s32 s21, s3  }
0x9d: {  	[timem:s7], [sflag:s22] =	dma.local [hbm:s5], s20  }
0x9e: {  	_ =	swait.ge [sflag:s22], s20  }
0x9f: {  	s4 =	ssub.s32 $0x0, s20;
	[sflag:s22] =	ssyncset.done $0x0  }
0xa0: {  	[sflag:s22] =	ssyncadd.s32 s4;
	_ =	sdelay $0x1  }
0xa1: {  	s23 =	simm.s32 $0x1B8B  }
0xa2: {  	_ =	swait.ge [sflag:s23], $0x1  }
0xa3: {  	[sflag:s23] =	ssyncset.done $0x0  }
0xa4: {  	s25 =	simm.s32 $0x1B8E;
	s24 =	sld [smem:$0x3FFE];
	[sflag:s23] =	ssyncadd.s32 $0xFFFFFFFF  }
0xa5: {  	s26 =	simm.s32 $execute0_lowered;
	[smem:$0x3FD2] =	sst s25  }
0xa6: {  	s5 =	sshll.u32 s26, $0x1;
	_ =	strace $0x80000046;
	[dreg:$0x1] =	wrdreg $0xFFFFFFFF  }
0xa7: {  	s28 =	simm.s32 $_size_execute0_lowered;
	s3 =	sadd.s32 s3, s5;
	[dreg:$0x0] =	wrdreg $0x0  }
0xa8: {  	s5 =	sshll.u32 s28, $0x1;
	[dreg:$0x2] =	wrdreg s3  }
0xa9: {  	[dreg:$0x3] =	wrdreg s5  }
0xaa: {  	[dreg:$0x4] =	wrdreg $0xC0  }
0xab: {  	_ =	task [dreg:s7], $0x5FFFF  }
0xac: {  	[dreg:$0x1] =	wrdreg $0xFFFFFFFF  }
0xad: {  	[dreg:$0x0] =	wrdreg $0x60  }
0xae: {  	[dreg:$0x2] =	wrdreg s2  }
0xaf: {  	[dreg:$0x3] =	wrdreg s24  }
0xb0: {  	[dreg:$0x4] =	wrdreg $0xCD000  }
0xb1: {  	[dreg:$0x5] =	wrdreg $0x9  }
0xb2: {  	_ =	task.clear_ibuf [dreg:s7], $0x6FFFF;
	_ =	strace $0x90000046  }
0xb3: {  	s29 =	simm.s32 $0x9;
	_ =	strace $0x80000048  }
0xb4: {  	_ =	swait.ge [sflag:s29], $0x1  }
0xb5: {  	[sflag:s29] =	ssyncadd.s32 $0xFFFFFFFF  }
0xb6: {  	_ =	strace $0x90000048  }
0xb7: {  	_ =	sfence  }
0xb8: {  	s30 =	sld [smem:$0x0];
	_ =	sdelay $0x2  }
0xb9: {  	s31 =	sshll.u32 s1, $0xD;
	s1 =	sshrl.u32 s1, $0x2  }
0xba: {  	s3 =	sand.u32 $0x4000, s31;
	s1 =	sadd.s32 s1, s30  }
0xbb: {  	s0 =	sor.u32 s3, s0;
	s1 =	sshll.u32 s1, $0x11  }
0xbc: {  	s0 =	sor.u32 s1, s0  }
0xbd: {  	s0 =	sadd.s32 $0x8F2B, s0  }
0xbe: {  	[sflag:s0] =	ssyncadd.remote.s32 $0x1  }
0xbf: {  	_ =	sfence.sel $0xFFFF  }
0xc0: {  	[dreg:$0x0] =	wrdreg $0xFFFFFFFF;
	(pc) =	sbr.abs _section_cstart, $3  }
0xc1: {  	[dreg:$0x1] =	wrdreg $0xFFFFFFFF  }
0xc2: {  	_ =	task.clear_ibuf [dreg:s7], $0x2FFFF;
	_ =	strace $0x9FFFFFFF  }
0xc3: {  	(tm) =	ssettm $0x7FFFFFFF  }
tec
execute0_lowered:
.L_overlay_start_1:
0x0: {  	(tag) =	ssettag $0x1  }
0x1: {  	s1 =	rddreg [dreg:$0x0]  }
0x2: {  	s0 =	rddreg [dreg:$0x1]  }
0x3: {  	s3 =	rddreg [dreg:$0x2];
	s2 =	srdreg.scid  }
0x4: {  	s11 =	stileid.u32;
	s4 =	simm.s32 $0x0;
	s28 =	simm.s32 $0x1  }
0x5: {  	s29 =	simm.s32 $0x3;
	s30 =	simm.s32 $0x7300;
	s31 =	simm.s32 $0x2  }
0x6: {  	s2 =	sand.u32 $0x1, s2;
	s7 =	smul.u32 $0xC800, s11;
	[smem:$0x7FF] =	sst s4  }
0x7: {  	s5 =	sadd.s32 $0x15200, s0;
	s8 =	sadd.s32 $0xB400, s0;
	s10 =	smul.u32 $0x32000, s11  }
0x8: {  	s9 =	sadd.s32 $0x1600, s0;
	s11 =	sshll.u32 s11, $0x1;
	s6 =	smul.u32 $0xC8000, s2  }
0x9: {  	_ =	strace $0x80000047;
	s19 =	ssub.s32 $0x2, s2;
	s2 =	sor.u32 s2, s11  }
0xa: {  	s12 =	sshrl.u32 s19, $0x1;
	s10 =	sshrl.u32 s10, $0x2;
	s14 =	sadd.s32 s7, s3  }
0xb: {  	s22 =	smul.u32 $0xC8, s2;
	s6 =	sadd.s32 s7, s6;
	s20 =	ssub.s32 s19, s12  }
0xc: {  	s10 =	sadd.s32 s10, s3;
	s7 =	simm.s32 $0x0;
	[dreg:$0x4] =	wrdreg s14  }
0xd: {  	s6 =	sshrl.u32 s6, $0x3;
	s21 =	sadd.s32 $0x2800, s10;
	s23 =	sadd.s32 $0x5000, s10  }
0xe: {  	s13 =	sadd.s32 $0x7800, s10;
	s10 =	sadd.s32 $0xA000, s10;
	[dreg:$0x5] =	wrdreg s21  }
0xf: {  	s12 =	sadd.s32 s8, s22;
	s15 =	sadd.s32 s9, s22;
	[dreg:$0x6] =	wrdreg s23  }
0x10: {  	s26 =	smax.u32 s20, $0x1;
	s22 =	simm.s32 $0x50;
	[dreg:$0x7] =	wrdreg s13  }
0x11: {  	s0 =	sadd.s32 s6, s0;
	s6 =	smul.u32 $0x640, s2;
	[dreg:$0x8] =	wrdreg s10  }
0x12: {  	s2 =	smul.u32 $0x6400, s2;
	[dreg:$0xc] =	wrdreg s26;
	s10 =	simm.s32 $0x7  }
.Ltmp0:
0x13: {  	s26 =	simm.s32 $0x5F00;
	s23 =	simm.s32 $0x8C00;
	(pc) =	sbr.rel .LBB2_1-.Ltmp0, $4  }
0x14: {  	s0 =	sadd.s32 $0xDD200, s0;
	s24 =	sshrl.u32 s6, $0x3;
	s2 =	sadd.s32 s5, s2  }
0x15: {  	[dreg:$0xb] =	wrdreg s0;
	s0 =	simm.s32 $0x4;
	s25 =	sadd.s32 $0x4E20, s24  }
0x16: {  	[dreg:$0x9] =	wrdreg s2;
	s2 =	sadd.s32 $0x280, s2;
	s13 =	sadd.s32 s8, s25  }
0x17: {  	v0 =	vimm.f32 $0.0e+00;
	s16 =	sadd.s32 s9, s25;
	[dreg:$0xa] =	wrdreg s2;
	s25 =	simm.s32 $0x3200  }
.LBB2_18:
0x18: {  	s2 =	simm.s32 $0x5  }
0x19: {  	_ =	swait.ge [sflag:s2], $0x1900  }
0x1a: {  	[sflag:s2] =	ssyncset.done $0x0  }
0x1b: {  	s19 =	simm.s32 $0x6;
	[sflag:s2] =	ssyncadd.s32 $0xFFFFE700  }
0x1c: {  	_ =	swait.ge [sflag:s19], $0x1900  }
0x1d: {  	[sflag:s19] =	ssyncset.done $0x0  }
0x1e: {  	[sflag:s19] =	ssyncadd.s32 $0xFFFFE700  }
0x1f: {  	s20 =	stileid.u32;
	[bflag:$0x0] =	sbarrier.arrive $0xFFFF  }
0x20: {  	s10 =	simm.s32 $0x7;
	s2 =	sshll.u32 s20, $0x6;
	s14 =	rddreg [dreg:$0x4]  }
0x21: {  	s2 =	sor.u32 $0x1C07, s2;
	s8 =	rddreg [dreg:$0xb];
	s7 =	sshrl.u32 s14, $0x3  }
0x22: {  	[hbm:s8], [sflag:s2] =	dma.local [spmem:s7], $0x1900  }
0x23: {  	_ =	swait.ge [sflag:s10], $0x1900  }
0x24: {  	s21 =	rddreg [dreg:$0xd]  }
0x25: {  	s24 =	rddreg [dreg:$0xc];
	s7 =	sadd.s32 $0x1, s21  }
0x26: {  	p0 =	sne.s32 s7, s24  }
.Ltmp1:
0x27: {  	_ = 	snop;
	(pc) =	sbr.rel @!p0 .LBB2_19-.Ltmp1, $3  }
0x28: {  	_ =	sdelay $0x1  }
0x29: {  	[sflag:s10] =	ssyncset.done $0x0  }
0x2a: {  	[sflag:s10] =	ssyncadd.s32 $0xFFFFE700  }
.LBB2_1:
0x2b: {  	[dreg:$0xd] =	wrdreg s7;
	s7 =	simm.s32 $0x140;
	s2 =	simm.s32 $0x0  }
.LBB2_2:
0x2c: {  	p0 =	sne.s32 s7, $0x9EC0;
	[tilespmem:s2+$0xA540] =	vst v0;
	s8 =	smov.u32 s7;
	s7 =	sadd.s32 $0x140, s7  }
.Ltmp2:
0x2d: {  	[tilespmem:s2+$0xA530] =	vst v0;
	(pc) =	sbr.rel @p0 .LBB2_2-.Ltmp2, $4  }
0x2e: {  	[tilespmem:s2+$0xA520] =	vst v0  }
0x2f: {  	[tilespmem:s2+$0xA500] =	vst v0  }
0x30: {  	[tilespmem:s2+$0xA510] =	vst v0  }
0x31: {  	s2 =	sshra.s32 s8, $0x2  }
0x32: {  	[tilespmem:s2+$0xA540] =	vst v0  }
0x33: {  	[tilespmem:s2+$0xA530] =	vst v0  }
0x34: {  	[tilespmem:s2+$0xA520] =	vst v0  }
0x35: {  	[tilespmem:s2+$0xA500] =	vst v0  }
0x36: {  	[tilespmem:s2+$0xA510] =	vst v0;
	s7 =	simm.s32 $0xA500  }
0x37: {  	[spmem:s14] =	stream.linear.scatter [tilespmem:s7], [sflag:$0x7], $0x2800, $0x38;
	[tilespmem:$0x19500] =	vst v63  }
0x38: {  	_ =	swait.ge [sflag:s10], $0x2800  }
0x39: {  	[sflag:s10] =	ssyncset.done $0x0  }
0x3a: {  	s19 =	rddreg [dreg:$0x5];
	[sflag:s10] =	ssyncadd.s32 $0xFFFFD800  }
0x3b: {  	[spmem:s19] =	stream.linear.scatter [tilespmem:s7], [sflag:$0x7], $0x2800, $0x38;
	[tilespmem:$0x19500] =	vst v63  }
0x3c: {  	_ =	swait.ge [sflag:s10], $0x2800  }
0x3d: {  	[sflag:s10] =	ssyncset.done $0x0  }
0x3e: {  	s20 =	rddreg [dreg:$0x6];
	[sflag:s10] =	ssyncadd.s32 $0xFFFFD800  }
0x3f: {  	[spmem:s20] =	stream.linear.scatter [tilespmem:s7], [sflag:$0x7], $0x2800, $0x38;
	[tilespmem:$0x19500] =	vst v63  }
0x40: {  	_ =	swait.ge [sflag:s10], $0x2800  }
0x41: {  	[sflag:s10] =	ssyncset.done $0x0  }
0x42: {  	s21 =	rddreg [dreg:$0x7];
	[sflag:s10] =	ssyncadd.s32 $0xFFFFD800  }
0x43: {  	[spmem:s21] =	stream.linear.scatter [tilespmem:s7], [sflag:$0x7], $0x2800, $0x38;
	[tilespmem:$0x19500] =	vst v63  }
0x44: {  	_ =	swait.ge [sflag:s10], $0x2800  }
0x45: {  	[sflag:s10] =	ssyncset.done $0x0  }
0x46: {  	s24 =	rddreg [dreg:$0x8];
	[sflag:s10] =	ssyncadd.s32 $0xFFFFD800  }
0x47: {  	[spmem:s24] =	stream.linear.scatter [tilespmem:s7], [sflag:$0x7], $0x2800, $0x38;
	[tilespmem:$0x19500] =	vst v63  }
0x48: {  	_ =	swait.ge [sflag:s10], $0x2800  }
0x49: {  	[sflag:s10] =	ssyncset.done $0x0  }
0x4a: {  	s2 =	simm.s32 $0x0;
	s9 =	sadd.s32 $0x0, s12;
	[sflag:s10] =	ssyncadd.s32 $0xFFFFD800  }
0x4b: {  	s8 =	simm.s32 $0x50;
	s7 =	simm.s32 $0x5;
	[bflag:$0x0] =	sbarrier.arrive $0xFFFF  }
.LBB2_4:
0x4c: {  	[tilespmem:s2], [sflag:$0x7] =	stream.linear.gather [hbm4b:s9+s4], $0x28, $0x38;
	[tilespmem:$0x19500] =	vst v63  }
0x4d: {  	s9 =	smov.u32 s7;
	s2 =	smov.u32 s8;
	p0 =	sne.s32 s7, $0xC3  }
.Ltmp3:
0x4e: {  	s7 =	sadd.s32 $0x5, s7;
	(pc) =	sbr.rel @p0 .LBB2_4-.Ltmp3, $2  }
0x4f: {  	_ =	sdelay $0x2  }
0x50: {  	s8 =	sadd.s32 $0x50, s8;
	s9 =	sadd.s32 s9, s12  }
0x51: {  	[tilespmem:s2], [sflag:$0x7] =	stream.linear.gather [hbm4b:s9+s4], $0x28, $0x38;
	[tilespmem:$0x19500] =	vst v63  }
0x52: {  	_ =	swait.ge [sflag:s10], $0x640  }
0x53: {  	s2 =	simm.s32 $0x28;
	s7 =	simm.s32 $0x5;
	[sflag:s10] =	ssyncset.done $0x0  }
0x54: {  	s9 =	sadd.s32 $0x0, s13;
	s8 =	simm.s32 $0x78;
	[sflag:s10] =	ssyncadd.s32 $0xFFFFF9C0  }
.LBB2_6:
0x55: {  	[tilespmem:s2], [sflag:$0x7] =	stream.linear.gather [hbm4b:s9+s4], $0x28, $0x38;
	[tilespmem:$0x19500] =	vst v63  }
0x56: {  	s9 =	smov.u32 s7;
	s2 =	smov.u32 s8;
	p0 =	sne.s32 s7, $0xC3  }
.Ltmp4:
0x57: {  	s7 =	sadd.s32 $0x5, s7;
	(pc) =	sbr.rel @p0 .LBB2_6-.Ltmp4, $2  }
0x58: {  	_ =	sdelay $0x2  }
0x59: {  	s8 =	sadd.s32 $0x50, s8;
	s9 =	sadd.s32 s9, s13  }
0x5a: {  	[tilespmem:s2], [sflag:$0x7] =	stream.linear.gather [hbm4b:s9+s4], $0x28, $0x38;
	[tilespmem:$0x19500] =	vst v63  }
0x5b: {  	_ =	swait.ge [sflag:s10], $0x640  }
0x5c: {  	s2 =	simm.s32 $0xC80;
	s7 =	simm.s32 $0x5;
	[sflag:s10] =	ssyncset.done $0x0  }
0x5d: {  	s9 =	sadd.s32 $0x0, s15;
	s8 =	simm.s32 $0xCD0;
	[sflag:s10] =	ssyncadd.s32 $0xFFFFF9C0  }
.LBB2_8:
0x5e: {  	[tilespmem:s2], [sflag:$0x7] =	stream.linear.gather [hbm4b:s9+s4], $0x28, $0x38;
	[tilespmem:$0x19500] =	vst v63  }
0x5f: {  	s9 =	smov.u32 s7;
	s2 =	smov.u32 s8;
	p0 =	sne.s32 s7, $0xC3  }
.Ltmp5:
0x60: {  	s7 =	sadd.s32 $0x5, s7;
	(pc) =	sbr.rel @p0 .LBB2_8-.Ltmp5, $2  }
0x61: {  	_ =	sdelay $0x2  }
0x62: {  	s8 =	sadd.s32 $0x50, s8;
	s9 =	sadd.s32 s9, s15  }
0x63: {  	[tilespmem:s2], [sflag:$0x7] =	stream.linear.gather [hbm4b:s9+s4], $0x28, $0x38;
	[tilespmem:$0x19500] =	vst v63  }
0x64: {  	_ =	swait.ge [sflag:s10], $0x640  }
0x65: {  	s2 =	simm.s32 $0xCA8;
	s7 =	simm.s32 $0x5;
	[sflag:s10] =	ssyncset.done $0x0  }
0x66: {  	s9 =	sadd.s32 $0x0, s16;
	s8 =	simm.s32 $0xCF8;
	[sflag:s10] =	ssyncadd.s32 $0xFFFFF9C0  }
.LBB2_10:
0x67: {  	[tilespmem:s2], [sflag:$0x7] =	stream.linear.gather [hbm4b:s9+s4], $0x28, $0x38;
	[tilespmem:$0x19500] =	vst v63  }
0x68: {  	s9 =	smov.u32 s7;
	s2 =	smov.u32 s8;
	p0 =	sne.s32 s7, $0xC3  }
.Ltmp6:
0x69: {  	s7 =	sadd.s32 $0x5, s7;
	(pc) =	sbr.rel @p0 .LBB2_10-.Ltmp6, $2  }
0x6a: {  	_ =	sdelay $0x2  }
0x6b: {  	s8 =	sadd.s32 $0x50, s8;
	s9 =	sadd.s32 s9, s16  }
0x6c: {  	[tilespmem:s2], [sflag:$0x7] =	stream.linear.gather [hbm4b:s9+s4], $0x28, $0x38;
	[tilespmem:$0x19500] =	vst v63  }
0x6d: {  	_ =	swait.ge [sflag:s10], $0x640  }
0x6e: {  	[sflag:s10] =	ssyncset.done $0x0  }
0x6f: {  	s9 =	simm.s32 $0x0;
	s20 =	simm.s32 $0x1900;
	[sflag:s10] =	ssyncadd.s32 $0xFFFFF9C0  }
0x70: {  	[tilespmem:s20], [sflag:$0x1] =	stream.indirect.gather [hbm4b:s1+s22], $0x50, s9, s22, $0xb8;
	[tilespmem:$0x19500] =	vst v63  }
0x71: {  	s7 =	simm.s32 $0x4B00;
	s21 =	rddreg [dreg:$0x9]  }
0x72: {  	[tilespmem:s7], [sflag:$0x3] =	stream.linear.gather [hbm4b:s21+s9], $0x1400, $0x38;
	[tilespmem:$0x19500] =	vst v63  }
0x73: {  	_ = 	snop  }
0x74: {  	[tilespmem:s25], [sflag:$0x2] =	stream.indirect.gather [hbm4b:s1+s22], $0x50, s22, s22, $0xb8;
	[tilespmem:$0x19500] =	vst v63  }
0x75: {  	s24 =	rddreg [dreg:$0xa]  }
0x76: {  	[tilespmem:s26], [sflag:$0x4] =	stream.linear.gather [hbm4b:s24+s9], $0x1400, $0x38;
	[tilespmem:$0x19500] =	vst v63  }
.LBB2_12:
0x77: {  	_ =	swait.ge [sflag:s28], $0x1900  }
0x78: {  	[sflag:s28] =	ssyncset.done $0x0  }
0x79: {  	[sflag:s28] =	ssyncadd.s32 $0xFFFFE700  }
0x7a: {  	_ =	swait.ge [sflag:s29], $0x1400  }
0x7b: {  	p0 =	seq.s32 s9, $0x0;
	[sflag:s29] =	ssyncset.done $0x0  }
0x7c: {  	s2 =	simm.s32 @!p0 $0x5;
	[sflag:s29] =	ssyncadd.s32 $0xFFFFEC00  }
0x7d: {  	_ =	swait.ge @!p0 [sflag:s2], $0x1900  }
0x7e: {  	[sflag:s2] =	ssyncset.done @!p0 $0x0  }
0x7f: {  	s10 =	simm.s32 $0x4B80;
	[sflag:s2] =	ssyncadd.s32 @!p0 $0xFFFFE700  }
0x80: {  	s7 =	simm.s32 $0x2610;
	v1 =	vld [tilespmem:s10+$0x0]  }
0x81: {  	v2 =	vld [tilespmem:s7+$0xFFFFF340]  }
0x82: {  	v3 =	vld [tilespmem:s7+$0xFFFFFFC0];
	_ =	sdelay $0x2  }
0x83: {  	v4 =	vunpack.i.l.bf16.f32 v1  }
0x84: {  	v1 =	vunpack.i.u.bf16.f32 v1;
	v2 =	vadd.f32 v2, v4  }
0x85: {  	v1 =	vadd.f32 v3, v1  }
0x86: {  	v3 =	vmul.f32 $9.999999770e-03, v2  }
0x87: {  	vm0 =	vge.f32 v2, $0.0e+00;
	v4 =	vmul.f32 $9.999999770e-03, v1  }
0x88: {  	s11 =	simm.s32 $0x8010;
	v5 =	vld [tilespmem:s10+$0xFFFFFF80];
	v2 =	vsel vm0, v2, v3;
	vm0 =	vge.f32 v1, $0.0e+00  }
0x89: {  	v3 =	vld [tilespmem:s7+$0xFFFFF2F0];
	[tilespmem:s11+$0xFFFFF340] =	vst v2;
	v1 =	vsel vm0, v1, v4  }
0x8a: {  	v2 =	vld [tilespmem:s7+$0xFFFFFF70];
	[tilespmem:s11+$0xFFFFFFC0] =	vst v1  }
0x8b: {  	v1 =	vld [tilespmem:s10+$0x10]  }
0x8c: {  	v4 =	vld [tilespmem:s7+$0xFFFFF350]  }
0x8d: {  	v6 =	vunpack.i.l.bf16.f32 v5;
	v7 =	vld [tilespmem:s7+$0xFFFFFFD0]  }
0x8e: {  	v5 =	vunpack.i.u.bf16.f32 v5;
	v3 =	vadd.f32 v3, v6  }
0x8f: {  	v2 =	vadd.f32 v2, v5  }
0x90: {  	vm0 =	vge.f32 v3, $0.0e+00;
	v5 =	vmul.f32 $9.999999770e-03, v3;
	v6 =	vunpack.i.l.bf16.f32 v1  }
0x91: {  	v8 =	vmul.f32 $9.999999770e-03, v2;
	v1 =	vunpack.i.u.bf16.f32 v1;
	v4 =	vadd.f32 v4, v6  }
0x92: {  	v3 =	vsel vm0, v3, v5;
	vm0 =	vge.f32 v2, $0.0e+00;
	v1 =	vadd.f32 v7, v1  }
0x93: {  	[tilespmem:s11+$0xFFFFF2F0] =	vst v3;
	v2 =	vsel vm0, v2, v8;
	v3 =	vmul.f32 $9.999999770e-03, v4  }
0x94: {  	[tilespmem:s11+$0xFFFFFF70] =	vst v2;
	vm0 =	vge.f32 v4, $0.0e+00;
	v2 =	vmul.f32 $9.999999770e-03, v1  }
0x95: {  	v5 =	vld [tilespmem:s10+$0xFFFFFF90];
	v3 =	vsel vm0, v4, v3;
	vm0 =	vge.f32 v1, $0.0e+00  }
0x96: {  	v4 =	vld [tilespmem:s7+$0xFFFFF300];
	[tilespmem:s11+$0xFFFFF350] =	vst v3;
	v1 =	vsel vm0, v1, v2  }
0x97: {  	v2 =	vld [tilespmem:s7+$0xFFFFFF80];
	[tilespmem:s11+$0xFFFFFFD0] =	vst v1  }
0x98: {  	v1 =	vld [tilespmem:s10+$0x20]  }
0x99: {  	v3 =	vld [tilespmem:s7+$0xFFFFF360]  }
0x9a: {  	v7 =	vld [tilespmem:s7+$0xFFFFFFE0];
	v6 =	vunpack.i.l.bf16.f32 v5  }
0x9b: {  	v5 =	vunpack.i.u.bf16.f32 v5;
	v4 =	vadd.f32 v4, v6  }
0x9c: {  	v2 =	vadd.f32 v2, v5  }
0x9d: {  	vm0 =	vge.f32 v4, $0.0e+00;
	v5 =	vmul.f32 $9.999999770e-03, v4;
	v6 =	vunpack.i.l.bf16.f32 v1  }
0x9e: {  	s19 =	simm.s32 $0x4C80;
	v8 =	vmul.f32 $9.999999770e-03, v2;
	v1 =	vunpack.i.u.bf16.f32 v1;
	v3 =	vadd.f32 v3, v6  }
0x9f: {  	s18 =	simm.s32 $0x26B0;
	vm1 =	vge.f32 v2, $0.0e+00;
	v4 =	vsel vm0, v4, v5;
	v1 =	vadd.f32 v7, v1;
	v5 =	vld [tilespmem:s19+$0x0]  }
0xa0: {  	v6 =	vld [tilespmem:s18+$0xFFFFF340];
	[tilespmem:s11+$0xFFFFF300] =	vst v4;
	v2 =	vsel vm1, v2, v8;
	v4 =	vmul.f32 $9.999999770e-03, v3  }
0xa1: {  	v7 =	vld [tilespmem:s18+$0xFFFFFFC0];
	[tilespmem:s11+$0xFFFFFF80] =	vst v2;
	vm0 =	vge.f32 v3, $0.0e+00;
	v2 =	vmul.f32 $9.999999770e-03, v1  }
0xa2: {  	v8 =	vld [tilespmem:s10+$0xFFFFFFA0];
	v3 =	vsel vm0, v3, v4;
	vm0 =	vge.f32 v1, $0.0e+00  }
0xa3: {  	v4 =	vld [tilespmem:s19+$0xFFFFFF80];
	[tilespmem:s11+$0xFFFFF360] =	vst v3;
	v1 =	vsel vm0, v1, v2  }
0xa4: {  	v2 =	vld [tilespmem:s18+$0xFFFFF2F0];
	[tilespmem:s11+$0xFFFFFFE0] =	vst v1;
	v1 =	vunpack.i.l.bf16.f32 v5  }
0xa5: {  	v5 =	vunpack.i.u.bf16.f32 v5;
	v3 =	vld [tilespmem:s10+$0x30];
	v1 =	vadd.f32 v6, v1  }
0xa6: {  	v6 =	vld [tilespmem:s7+$0xFFFFF370];
	v5 =	vadd.f32 v7, v5  }
0xa7: {  	v7 =	vld [tilespmem:s7+$0xFFFFFFF0];
	v9 =	vmul.f32 $9.999999770e-03, v1  }
0xa8: {  	v11 =	vld [tilespmem:s18+$0xFFFFFF70];
	v10 =	vunpack.i.u.bf16.f32 v8;
	vm0 =	vge.f32 v1, $0.0e+00;
	v12 =	vmul.f32 $9.999999770e-03, v5  }
0xa9: {  	s17 =	simm.s32 $0x80B0;
	v13 =	vunpack.i.l.bf16.f32 v4;
	v1 =	vsel vm0, v1, v9;
	vm0 =	vge.f32 v5, $0.0e+00  }
0xaa: {  	v2 =	vadd.f32 v2, v13;
	v9 =	vld [tilespmem:s7+$0xFFFFF310];
	v13 =	vunpack.i.l.bf16.f32 v3;
	[tilespmem:s17+$0xFFFFF340] =	vst v1;
	v1 =	vsel vm0, v5, v12  }
0xab: {  	v5 =	vunpack.i.l.bf16.f32 v8;
	v8 =	vld [tilespmem:s7+$0xFFFFFF90];
	v3 =	vunpack.i.u.bf16.f32 v3;
	v6 =	vadd.f32 v6, v13;
	[tilespmem:s17+$0xFFFFFFC0] =	vst v1  }
0xac: {  	v1 =	vunpack.i.u.bf16.f32 v4;
	v4 =	vmul.f32 $9.999999770e-03, v2;
	v3 =	vadd.f32 v7, v3;
	v7 =	vld [tilespmem:s19+$0x10]  }
0xad: {  	vm0 =	vge.f32 v2, $0.0e+00;
	v1 =	vadd.f32 v11, v1;
	v12 =	vld [tilespmem:s18+$0xFFFFF350];
	v11 =	vmul.f32 $9.999999770e-03, v6  }
0xae: {  	v13 =	vld [tilespmem:s18+$0xFFFFFFD0];
	v2 =	vsel vm0, v2, v4;
	vm0 =	vge.f32 v6, $0.0e+00;
	v4 =	vmul.f32 $9.999999770e-03, v3  }
0xaf: {  	[tilespmem:s17+$0xFFFFF2F0] =	vst v2;
	v2 =	vmul.f32 $9.999999770e-03, v1;
	v6 =	vsel vm0, v6, v11;
	vm0 =	vge.f32 v3, $0.0e+00  }
0xb0: {  	vm1 =	vge.f32 v1, $0.0e+00;
	v5 =	vadd.f32 v9, v5;
	[tilespmem:s11+$0xFFFFF370] =	vst v6;
	v3 =	vsel vm0, v3, v4  }
0xb1: {  	v1 =	vsel vm1, v1, v2;
	v2 =	vadd.f32 v8, v10;
	[tilespmem:s11+$0xFFFFFFF0] =	vst v3;
	v3 =	vunpack.i.l.bf16.f32 v7  }
0xb2: {  	[tilespmem:s17+$0xFFFFFF70] =	vst v1;
	v1 =	vmul.f32 $9.999999770e-03, v5;
	v6 =	vunpack.i.u.bf16.f32 v7;
	v4 =	vld [tilespmem:s10+$0x40];
	v3 =	vadd.f32 v12, v3  }
0xb3: {  	vm0 =	vge.f32 v5, $0.0e+00;
	v7 =	vmul.f32 $9.999999770e-03, v2;
	v8 =	vld [tilespmem:s19+$0xFFFFFF90];
	v6 =	vadd.f32 v13, v6  }
0xb4: {  	v1 =	vsel vm0, v5, v1;
	vm0 =	vge.f32 v2, $0.0e+00;
	v5 =	vld [tilespmem:s18+$0xFFFFF300];
	v9 =	vmul.f32 $9.999999770e-03, v3  }
0xb5: {  	[tilespmem:s11+$0xFFFFF310] =	vst v1;
	v1 =	vsel vm0, v2, v7;
	v2 =	vld [tilespmem:s18+$0xFFFFFF80];
	vm0 =	vge.f32 v3, $0.0e+00;
	v7 =	vmul.f32 $9.999999770e-03, v6  }
0xb6: {  	v10 =	vld [tilespmem:s7+$0x0];
	[tilespmem:s11+$0xFFFFFF90] =	vst v1;
	v1 =	vsel vm0, v3, v9;
	vm0 =	vge.f32 v6, $0.0e+00  }
0xb7: {  	v13 =	vld [tilespmem:s7+$0xFFFFF380];
	[tilespmem:s17+$0xFFFFF350] =	vst v1;
	v1 =	vsel vm0, v6, v7  }
0xb8: {  	v3 =	vld [tilespmem:s10+$0xFFFFFFB0];
	v6 =	vunpack.i.l.bf16.f32 v8;
	[tilespmem:s17+$0xFFFFFFD0] =	vst v1  }
0xb9: {  	v7 =	vunpack.i.u.bf16.f32 v8;
	v5 =	vadd.f32 v5, v6;
	v6 =	vld [tilespmem:s19+$0x20]  }
0xba: {  	v2 =	vadd.f32 v2, v7;
	v7 =	vld [tilespmem:s18+$0xFFFFF360]  }
0xbb: {  	v8 =	vunpack.i.u.bf16.f32 v4;
	v11 =	vld [tilespmem:s18+$0xFFFFFFE0];
	v9 =	vmul.f32 $9.999999770e-03, v5  }
0xbc: {  	v1 =	vld [tilespmem:s7+$0xFFFFFFA0];
	v8 =	vadd.f32 v10, v8;
	vm0 =	vge.f32 v5, $0.0e+00;
	v10 =	vmul.f32 $9.999999770e-03, v2  }
0xbd: {  	v12 =	vld [tilespmem:s7+$0xFFFFF320];
	vm1 =	vge.f32 v2, $0.0e+00;
	v5 =	vsel vm0, v5, v9  }
0xbe: {  	v4 =	vunpack.i.l.bf16.f32 v4;
	[tilespmem:s17+$0xFFFFF300] =	vst v5;
	v2 =	vsel vm1, v2, v10;
	v5 =	vunpack.i.l.bf16.f32 v6  }
0xbf: {  	s2 =	simm.s32 $0x2750;
	v4 =	vadd.f32 v13, v4;
	[tilespmem:s17+$0xFFFFFF80] =	vst v2;
	v2 =	vunpack.i.u.bf16.f32 v6;
	v5 =	vadd.f32 v7, v5  }
0xc0: {  	s14 =	simm.s32 $0x4D80;
	v16 =	vld [tilespmem:s2+$0xFFFFFFC0];
	v9 =	vmul.f32 $9.999999770e-03, v8;
	v10 =	vunpack.i.u.bf16.f32 v3;
	v2 =	vadd.f32 v11, v2  }
0xc1: {  	v3 =	vunpack.i.l.bf16.f32 v3;
	v1 =	vadd.f32 v1, v10;
	v7 =	vld [tilespmem:s14+$0x0];
	v10 =	vmul.f32 $9.999999770e-03, v5  }
0xc2: {  	v3 =	vadd.f32 v12, v3;
	v12 =	vld [tilespmem:s2+$0xFFFFF340];
	vm1 =	vge.f32 v5, $0.0e+00;
	v14 =	vmul.f32 $9.999999770e-03, v2  }
0xc3: {  	vm0 =	vge.f32 v8, $0.0e+00;
	v6 =	vld [tilespmem:s19+$0xFFFFFFA0];
	v5 =	vsel vm1, v5, v10;
	vm1 =	vge.f32 v2, $0.0e+00  }
0xc4: {  	v11 =	vmul.f32 $9.999999770e-03, v1;
	v15 =	vmul.f32 $9.999999770e-03, v3;
	v10 =	vld [tilespmem:s14+$0xFFFFFF80];
	[tilespmem:s17+$0xFFFFF360] =	vst v5;
	v2 =	vsel vm1, v2, v14  }
0xc5: {  	v8 =	vsel vm0, v8, v9;
	vm2 =	vge.f32 v3, $0.0e+00;
	vm0 =	vge.f32 v1, $0.0e+00;
	v5 =	vld [tilespmem:s2+$0xFFFFF2F0];
	[tilespmem:s17+$0xFFFFFFE0] =	vst v2  }
0xc6: {  	v3 =	vsel vm2, v3, v15;
	v1 =	vsel vm0, v1, v11;
	v9 =	vunpack.i.l.bf16.f32 v7;
	v11 =	vld [tilespmem:s19+$0x30]  }
0xc7: {  	v7 =	vunpack.i.u.bf16.f32 v7;
	v2 =	vmul.f32 $9.999999770e-03, v4;
	v9 =	vadd.f32 v12, v9;
	v12 =	vld [tilespmem:s18+$0xFFFFF370]  }
0xc8: {  	vm0 =	vge.f32 v4, $0.0e+00;
	v13 =	vunpack.i.u.bf16.f32 v6;
	v7 =	vadd.f32 v16, v7;
	v14 =	vld [tilespmem:s18+$0xFFFFFFF0]  }
0xc9: {  	[tilespmem:s11+$0xFFFFF320] =	vst v3;
	v6 =	vunpack.i.l.bf16.f32 v6;
	v15 =	vsel vm0, v4, v2;
	v4 =	vld [tilespmem:s2+$0xFFFFFF70];
	v58 =	vmul.f32 $9.999999770e-03, v9  }
0xca: {  	[tilespmem:s11+$0xFFFFFFA0] =	vst v1;
	v1 =	vld [tilespmem:s18+$0xFFFFF310];
	vm0 =	vge.f32 v9, $0.0e+00;
	v3 =	vmul.f32 $9.999999770e-03, v7;
	v2 =	vunpack.i.l.bf16.f32 v10  }
0xcb: {  	s24 =	simm.s32 $0x8150;
	v2 =	vadd.f32 v5, v2;
	v5 =	vsel vm0, v9, v58;
	vm0 =	vge.f32 v7, $0.0e+00  }
0xcc: {  	[tilespmem:s24+$0xFFFFF340] =	vst v5;
	v3 =	vsel vm0, v7, v3;
	v9 =	vunpack.i.l.bf16.f32 v11;
	v5 =	vunpack.i.u.bf16.f32 v11  }
0xcd: {  	v59 =	vld [tilespmem:s18+$0xFFFFFF90];
	v11 =	vmul.f32 $9.999999770e-03, v2;
	[tilespmem:s24+$0xFFFFFFC0] =	vst v3;
	v7 =	vadd.f32 v12, v9;
	v9 =	vunpack.i.u.bf16.f32 v10  }
0xce: {  	vm0 =	vge.f32 v2, $0.0e+00;
	v3 =	vadd.f32 v14, v5;
	v5 =	vld [tilespmem:s14+$0x10];
	v4 =	vadd.f32 v4, v9  }
0xcf: {  	v1 =	vadd.f32 v1, v6;
	v2 =	vsel vm0, v2, v11;
	v11 =	vld [tilespmem:s2+$0xFFFFF350];
	v9 =	vmul.f32 $9.999999770e-03, v7  }
0xd0: {  	v17 =	vld [tilespmem:s2+$0xFFFFFFD0];
	vm0 =	vge.f32 v7, $0.0e+00;
	v12 =	vmul.f32 $9.999999770e-03, v3;
	v14 =	vmul.f32 $9.999999770e-03, v4  }
0xd1: {  	v10 =	vld [tilespmem:s10+$0xFFFFFFC0];
	[tilespmem:s24+$0xFFFFF2F0] =	vst v2;
	vm1 =	vge.f32 v4, $0.0e+00;
	v7 =	vsel vm0, v7, v9;
	vm0 =	vge.f32 v3, $0.0e+00  }
0xd2: {  	v6 =	vld [tilespmem:s7+$0xFFFFFFB0];
	[tilespmem:s17+$0xFFFFF370] =	vst v7;
	v3 =	vsel vm0, v3, v12;
	v4 =	vsel vm1, v4, v14;
	v7 =	vadd.f32 v59, v13  }
0xd3: {  	v9 =	vld [tilespmem:s7+$0xFFFFF330];
	v2 =	vunpack.i.l.bf16.f32 v5;
	vm0 =	vge.f32 v1, $0.0e+00;
	v12 =	vmul.f32 $9.999999770e-03, v1;
	[tilespmem:s17+$0xFFFFFFF0] =	vst v3  }
0xd4: {  	[tilespmem:s24+$0xFFFFFF70] =	vst v4;
	v4 =	vunpack.i.u.bf16.f32 v5;
	v2 =	vadd.f32 v11, v2;
	v13 =	vld [tilespmem:s19+$0x40];
	v5 =	vmul.f32 $9.999999770e-03, v7  }
0xd5: {  	v14 =	vld [tilespmem:s14+$0xFFFFFF90];
	v4 =	vadd.f32 v17, v4;
	v1 =	vsel vm0, v1, v12;
	vm0 =	vge.f32 v7, $0.0e+00  }
0xd6: {  	v3 =	vunpack.i.u.bf16.f32 v10;
	v12 =	vld [tilespmem:s2+$0xFFFFF300];
	v60 =	vmul.f32 $9.999999770e-03, v2;
	[tilespmem:s17+$0xFFFFF310] =	vst v1;
	v1 =	vsel vm0, v7, v5  }
0xd7: {  	v11 =	vld [tilespmem:s18+$0x0];
	v5 =	vunpack.i.l.bf16.f32 v10;
	vm0 =	vge.f32 v2, $0.0e+00;
	v10 =	vmul.f32 $9.999999770e-03, v4  }
0xd8: {  	v7 =	vld [tilespmem:s2+$0xFFFFFF80];
	[tilespmem:s17+$0xFFFFFF90] =	vst v1;
	v2 =	vsel vm0, v2, v60;
	vm0 =	vge.f32 v4, $0.0e+00  }
0xd9: {  	v1 =	vadd.f32 v9, v5;
	v9 =	vld [tilespmem:s19+$0xFFFFFFB0];
	[tilespmem:s24+$0xFFFFF350] =	vst v2;
	v2 =	vsel vm0, v4, v10  }
0xda: {  	v10 =	vld [tilespmem:s18+$0xFFFFF320];
	v61 =	vunpack.i.u.bf16.f32 v13;
	v5 =	vunpack.i.l.bf16.f32 v13;
	v13 =	vunpack.i.l.bf16.f32 v14  }
0xdb: {  	v4 =	vunpack.i.u.bf16.f32 v14;
	[tilespmem:s24+$0xFFFFFFD0] =	vst v2;
	v14 =	vld [tilespmem:s18+$0xFFFFFFA0];
	v2 =	vadd.f32 v6, v3;
	v6 =	vadd.f32 v12, v13  }
0xdc: {  	v11 =	vadd.f32 v11, v61;
	v12 =	vld [tilespmem:s14+$0x20]  }
0xdd: {  	v63 =	vld [tilespmem:s2+$0xFFFFF360];
	v62 =	vadd.f32 v7, v4;
	v7 =	vmul.f32 $9.999999770e-03, v6  }
0xde: {  	v3 =	vmul.f32 $9.999999770e-03, v1;
	v18 =	vld [tilespmem:s2+$0xFFFFFFE0];
	v13 =	vmul.f32 $9.999999770e-03, v11;
	vm1 =	vge.f32 v6, $0.0e+00  }
0xdf: {  	[tilespmem:s11+$0x0] =	vst v8;
	vm0 =	vge.f32 v11, $0.0e+00;
	v8 =	vmul.f32 $9.999999770e-03, v62;
	v6 =	vsel vm1, v6, v7  }
0xe0: {  	v11 =	vsel vm0, v11, v13;
	vm0 =	vge.f32 v62, $0.0e+00;
	v13 =	vunpack.i.u.bf16.f32 v9;
	[tilespmem:s24+$0xFFFFF300] =	vst v6;
	v6 =	vld [tilespmem:s18+$0xFFFFF380]  }
0xe1: {  	v9 =	vunpack.i.l.bf16.f32 v9;
	v7 =	vadd.f32 v14, v13;
	v13 =	vsel vm0, v62, v8  }
0xe2: {  	[tilespmem:s11+$0xFFFFF380] =	vst v15;
	v14 =	vunpack.i.l.bf16.f32 v12;
	v8 =	vadd.f32 v10, v9;
	v12 =	vunpack.i.u.bf16.f32 v12  }
0xe3: {  	s8 =	simm.s32 $0x4;
	v4 =	vmul.f32 $9.999999770e-03, v2;
	[tilespmem:s24+$0xFFFFFF80] =	vst v13;
	v13 =	vadd.f32 v63, v14;
	v12 =	vadd.f32 v18, v12  }
0xe4: {  	s20 =	simm.s32 $0x4E80;
	s10 =	sshll.u32 s9, $0x1;
	s7 =	simm.s32 $0x2750;
	[tilespmem:s17+$0x0] =	vst v11;
	v9 =	vmul.f32 $9.999999770e-03, v7;
	v10 =	vld [tilespmem:s14+$0xFFFFFFA0];
	vm0 =	vge.f32 v8, $0.0e+00;
	v11 =	vmul.f32 $9.999999770e-03, v8  }
.LBB2_13:
0xe5: {  	v14 =	vld [tilespmem:s20+$0x0];
	v15 =	vmul.f32 $9.999999770e-03, v13;
	s2 =	sadd.s32 $0xA0, s2;
	vm1 =	vge.f32 v7, $0.0e+00;
	v5 =	vadd.f32 v6, v5  }
0xe6: {  	vm2 =	vge.f32 v13, $0.0e+00;
	v6 =	vld [tilespmem:s2+$0xFFFFF340];
	v16 =	vmul.f32 $9.999999770e-03, v12;
	v8 =	vsel vm0, v8, v11  }
0xe7: {  	vm0 =	vge.f32 v12, $0.0e+00;
	v7 =	vsel vm1, v7, v9;
	v11 =	vld [tilespmem:s2+$0xFFFFFFC0];
	v13 =	vsel vm2, v13, v15;
	[tilespmem:s17+$0xFFFFF320] =	vst v8  }
0xe8: {  	v8 =	vld [tilespmem:s20+$0xFFFFFF80];
	[tilespmem:s24+$0xFFFFF360] =	vst v13;
	v9 =	vsel vm0, v12, v16;
	v12 =	vmul.f32 $9.999999770e-03, v5;
	vm0 =	vge.f32 v1, $0.0e+00  }
0xe9: {  	s8 =	sadd.s32 $0x2, s8;
	vm1 =	vge.f32 v2, $0.0e+00;
	v13 =	vld [tilespmem:s2+$0xFFFFF2F0];
	v15 =	vunpack.i.u.bf16.f32 v10;
	v10 =	vunpack.i.l.bf16.f32 v10;
	[tilespmem:s24+$0xFFFFFFE0] =	vst v9  }
0xea: {  	p1 =	slt.u32 s8, $0x26;
	vm2 =	vge.f32 v5, $0.0e+00;
	v1 =	vsel vm0, v1, v3;
	v9 =	vunpack.i.l.bf16.f32 v14;
	v16 =	vld [tilespmem:s14+$0x30];
	[tilespmem:s17+$0xFFFFFFA0] =	vst v7  }
0xeb: {  	v3 =	vunpack.i.u.bf16.f32 v14;
	v6 =	vadd.f32 v6, v9;
	v7 =	vld [tilespmem:s7+$0xFFFFF370];
	[tilespmem:s11+$0xFFFFF330] =	vst v1;
	v1 =	vsel vm1, v2, v4  }
0xec: {  	v4 =	vsel vm2, v5, v12;
	v2 =	vadd.f32 v11, v3;
	v3 =	vld [tilespmem:s7+$0xFFFFFFF0];
	[tilespmem:s11+$0xFFFFFFB0] =	vst v1;
	s11 =	smov.u32 s17;
	s17 =	smov.u32 s24  }
0xed: {  	v1 =	vunpack.i.u.bf16.f32 v8;
	v5 =	vunpack.i.l.bf16.f32 v8;
	v8 =	vld [tilespmem:s2+$0xFFFFFF70];
	v9 =	vmul.f32 $9.999999770e-03, v6;
	[tilespmem:s11+$0xFFFFF380] =	vst v4  }
0xee: {  	vm0 =	vge.f32 v6, $0.0e+00;
	v4 =	vadd.f32 v13, v5;
	v5 =	vmul.f32 $9.999999770e-03, v2;
	v11 =	vld [tilespmem:s7+$0xFFFFF310]  }
0xef: {  	s24 =	sadd.s32 $0xA0, s24;
	v6 =	vsel vm0, v6, v9;
	vm0 =	vge.f32 v2, $0.0e+00;
	v9 =	vld [tilespmem:s7+$0xFFFFFF90];
	v12 =	vunpack.i.l.bf16.f32 v16  }
0xf0: {  	[tilespmem:s24+$0xFFFFF340] =	vst v6;
	v2 =	vsel vm0, v2, v5;
	v5 =	vunpack.i.u.bf16.f32 v16;
	v6 =	vadd.f32 v7, v12;
	v7 =	vld [tilespmem:s19+$0xFFFFFFC0];
	s19 =	smov.u32 s14;
	s14 =	smov.u32 s20  }
0xf1: {  	vm0 =	vge.f32 v4, $0.0e+00;
	v12 =	vmul.f32 $9.999999770e-03, v4;
	[tilespmem:s24+$0xFFFFFFC0] =	vst v2;
	v2 =	vadd.f32 v3, v5;
	v3 =	vld [tilespmem:s18+$0xFFFFF330]  }
0xf2: {  	v1 =	vadd.f32 v8, v1;
	v5 =	vld [tilespmem:s20+$0x10];
	v8 =	vmul.f32 $9.999999770e-03, v6  }
0xf3: {  	v4 =	vsel vm0, v4, v12;
	vm0 =	vge.f32 v6, $0.0e+00;
	v12 =	vld [tilespmem:s2+$0xFFFFF350];
	v13 =	vmul.f32 $9.999999770e-03, v2  }
0xf4: {  	[tilespmem:s24+$0xFFFFF2F0] =	vst v4;
	v4 =	vmul.f32 $9.999999770e-03, v1;
	v14 =	vld [tilespmem:s2+$0xFFFFFFD0];
	v6 =	vsel vm0, v6, v8;
	vm0 =	vge.f32 v2, $0.0e+00  }
0xf5: {  	vm1 =	vge.f32 v1, $0.0e+00;
	v8 =	vadd.f32 v11, v10;
	[tilespmem:s17+$0xFFFFF370] =	vst v6;
	v2 =	vsel vm0, v2, v13;
	v6 =	vld [tilespmem:s18+$0xFFFFFFB0];
	s18 =	smov.u32 s7;
	s7 =	smov.u32 s2  }
0xf6: {  	v1 =	vsel vm1, v1, v4;
	v4 =	vadd.f32 v9, v15;
	[tilespmem:s17+$0xFFFFFFF0] =	vst v2;
	v2 =	vunpack.i.u.bf16.f32 v7  }
0xf7: {  	vm0 =	vge.f32 v8, $0.0e+00;
	v9 =	vmul.f32 $9.999999770e-03, v8;
	[tilespmem:s24+$0xFFFFFF70] =	vst v1;
	v1 =	vunpack.i.l.bf16.f32 v5;
	v10 =	vld [tilespmem:s19+$0x40]  }
0xf8: {  	v5 =	vunpack.i.u.bf16.f32 v5;
	v11 =	vadd.f32 v12, v1;
	v1 =	vmul.f32 $9.999999770e-03, v4;
	v12 =	vld [tilespmem:s18+$0x0]  }
0xf9: {  	v8 =	vsel vm0, v8, v9;
	vm0 =	vge.f32 v4, $0.0e+00;
	v13 =	vld [tilespmem:s20+$0xFFFFFF90];
	v5 =	vadd.f32 v14, v5  }
0xfa: {  	v9 =	vld [tilespmem:s2+$0xFFFFF300];
	v14 =	vmul.f32 $9.999999770e-03, v11;
	[tilespmem:s17+$0xFFFFF310] =	vst v8;
	v1 =	vsel vm0, v4, v1;
	v4 =	vunpack.i.l.bf16.f32 v7  }
0xfb: {  	vm0 =	vge.f32 v11, $0.0e+00;
	v7 =	vld [tilespmem:s2+$0xFFFFFF80];
	v8 =	vmul.f32 $9.999999770e-03, v5;
	[tilespmem:s17+$0xFFFFFF90] =	vst v1;
	v1 =	vadd.f32 v3, v4  }
0xfc: {  	v3 =	vsel vm0, v11, v14;
	vm0 =	vge.f32 v5, $0.0e+00;
	v11 =	vld [tilespmem:s19+$0xFFFFFFB0];
	v4 =	vunpack.i.u.bf16.f32 v10  }
0xfd: {  	[tilespmem:s24+$0xFFFFF350] =	vst v3;
	v3 =	vsel vm0, v5, v8;
	v8 =	vld [tilespmem:s18+$0xFFFFF320];
	v5 =	vunpack.i.l.bf16.f32 v10;
	v10 =	vadd.f32 v12, v4  }
0xfe: {  	v2 =	vadd.f32 v6, v2;
	v4 =	vunpack.i.u.bf16.f32 v13;
	v12 =	vunpack.i.l.bf16.f32 v13;
	[tilespmem:s24+$0xFFFFFFD0] =	vst v3;
	v13 =	vld [tilespmem:s18+$0xFFFFFFA0]  }
0xff: {  	v3 =	vmul.f32 $9.999999770e-03, v1;
	v9 =	vadd.f32 v9, v12;
	v12 =	vld [tilespmem:s20+$0x20];
	v6 =	vmul.f32 $9.999999770e-03, v10  }
0x100: {  	vm0 =	vge.f32 v10, $0.0e+00;
	v14 =	vadd.f32 v7, v4;
	v15 =	vld [tilespmem:s2+$0xFFFFF360];
	v4 =	vmul.f32 $9.999999770e-03, v2  }
0x101: {  	vm1 =	vge.f32 v9, $0.0e+00;
	v7 =	vmul.f32 $9.999999770e-03, v9;
	v16 =	vld [tilespmem:s2+$0xFFFFFFE0];
	v10 =	vsel vm0, v10, v6  }
.Ltmp7:
0x102: {  	v18 =	vunpack.i.u.bf16.f32 v11;
	vm0 =	vge.f32 v14, $0.0e+00;
	v17 =	vmul.f32 $9.999999770e-03, v14;
	v6 =	vld [tilespmem:s18+$0xFFFFF380];
	[tilespmem:s17+$0x0] =	vst v10;
	(pc) =	sbr.rel @p1 .LBB2_13-.Ltmp7, $4  }
0x103: {  	v10 =	vunpack.i.l.bf16.f32 v11;
	v9 =	vsel vm1, v9, v7;
	v7 =	vadd.f32 v13, v18  }
0x104: {  	v8 =	vadd.f32 v8, v10;
	[tilespmem:s24+$0xFFFFF300] =	vst v9;
	v9 =	vsel vm0, v14, v17;
	v11 =	vunpack.i.l.bf16.f32 v12  }
0x105: {  	v12 =	vunpack.i.u.bf16.f32 v12;
	[tilespmem:s24+$0xFFFFFF80] =	vst v9;
	v13 =	vadd.f32 v15, v11;
	v9 =	vmul.f32 $9.999999770e-03, v7  }
0x106: {  	s20 =	sadd.s32 $0x100, s20;
	vm0 =	vge.f32 v8, $0.0e+00;
	v11 =	vmul.f32 $9.999999770e-03, v8;
	v10 =	vld [tilespmem:s14+$0xFFFFFFA0];
	v12 =	vadd.f32 v16, v12  }
0x107: {  	v14 =	vld [tilespmem:s7+$0xFFFFF310]  }
0x108: {  	v15 =	vld [tilespmem:s7+$0xFFFFFF90]  }
0x109: {  	v16 =	vmul.f32 $9.999999770e-03, v13  }
0x10a: {  	vm1 =	vge.f32 v13, $0.0e+00;
	v17 =	vmul.f32 $9.999999770e-03, v12  }
0x10b: {  	v13 =	vsel vm1, v13, v16;
	vm1 =	vge.f32 v12, $0.0e+00;
	v53 =	vunpack.i.l.bf16.f32 v10  }
0x10c: {  	[tilespmem:s24+$0xFFFFF360] =	vst v13;
	v12 =	vsel vm1, v12, v17;
	v10 =	vunpack.i.u.bf16.f32 v10;
	v13 =	vadd.f32 v14, v53  }
0x10d: {  	[tilespmem:s24+$0xFFFFFFE0] =	vst v12;
	v10 =	vadd.f32 v15, v10  }
0x10e: {  	v12 =	vld [tilespmem:s14+$0x30];
	v14 =	vmul.f32 $9.999999770e-03, v13  }
0x10f: {  	v15 =	vld [tilespmem:s7+$0xFFFFF370];
	vm1 =	vge.f32 v13, $0.0e+00;
	v54 =	vmul.f32 $9.999999770e-03, v10  }
0x110: {  	v55 =	vld [tilespmem:s7+$0xFFFFFFF0];
	v13 =	vsel vm1, v13, v14;
	vm1 =	vge.f32 v10, $0.0e+00  }
0x111: {  	[tilespmem:s24+$0xFFFFF310] =	vst v13;
	v10 =	vsel vm1, v10, v54  }
0x112: {  	[tilespmem:s24+$0xFFFFFF90] =	vst v10  }
0x113: {  	v10 =	vunpack.i.l.bf16.f32 v12;
	v13 =	vld [tilespmem:s14+$0xFFFFFFB0]  }
0x114: {  	v12 =	vunpack.i.u.bf16.f32 v12;
	v10 =	vadd.f32 v15, v10;
	v14 =	vld [tilespmem:s7+$0xFFFFF320]  }
0x115: {  	v12 =	vadd.f32 v55, v12;
	v15 =	vld [tilespmem:s7+$0xFFFFFFA0]  }
0x116: {  	v8 =	vsel vm0, v8, v11;
	vm1 =	vge.f32 v7, $0.0e+00;
	v11 =	vmul.f32 $9.999999770e-03, v10  }
0x117: {  	[tilespmem:s17+$0xFFFFF320] =	vst v8;
	v7 =	vsel vm1, v7, v9;
	vm0 =	vge.f32 v10, $0.0e+00;
	v8 =	vmul.f32 $9.999999770e-03, v12  }
0x118: {  	[tilespmem:s17+$0xFFFFFFA0] =	vst v7;
	v7 =	vsel vm0, v10, v11;
	vm0 =	vge.f32 v12, $0.0e+00;
	v9 =	vunpack.i.l.bf16.f32 v13  }
0x119: {  	v10 =	vld [tilespmem:s19+$0xFFFFFFC0];
	[tilespmem:s24+$0xFFFFF370] =	vst v7;
	v7 =	vsel vm0, v12, v8;
	v8 =	vunpack.i.u.bf16.f32 v13;
	v9 =	vadd.f32 v14, v9  }
0x11a: {  	v11 =	vld [tilespmem:s18+$0xFFFFF330];
	[tilespmem:s24+$0xFFFFFFF0] =	vst v7;
	v7 =	vadd.f32 v15, v8  }
0x11b: {  	v8 =	vld [tilespmem:s14+$0x40];
	v12 =	vmul.f32 $9.999999770e-03, v9  }
0x11c: {  	v5 =	vadd.f32 v6, v5;
	v6 =	vld [tilespmem:s7+$0x0];
	v13 =	vmul.f32 $9.999999770e-03, v7;
	vm0 =	vge.f32 v9, $0.0e+00  }
0x11d: {  	v14 =	vld [tilespmem:s18+$0xFFFFFFB0];
	vm1 =	vge.f32 v7, $0.0e+00;
	v9 =	vsel vm0, v9, v12  }
0x11e: {  	vm2 =	vge.f32 v5, $0.0e+00;
	v15 =	vld [tilespmem:s7+$0xFFFFF380];
	v7 =	vsel vm1, v7, v13;
	[tilespmem:s24+$0xFFFFF320] =	vst v9  }
0x11f: {  	v12 =	vmul.f32 $9.999999770e-03, v5;
	vm0 =	vge.f32 v1, $0.0e+00;
	vm1 =	vge.f32 v2, $0.0e+00;
	[tilespmem:s24+$0xFFFFFFA0] =	vst v7  }
0x120: {  	v1 =	vsel vm0, v1, v3;
	v2 =	vsel vm1, v2, v4;
	v3 =	vunpack.i.u.bf16.f32 v8;
	v4 =	vld [tilespmem:s14+$0xFFFFFFC0]  }
0x121: {  	v7 =	vunpack.i.u.bf16.f32 v10;
	v9 =	vunpack.i.l.bf16.f32 v10;
	v3 =	vadd.f32 v6, v3;
	v6 =	vld [tilespmem:s7+$0xFFFFF330]  }
0x122: {  	v9 =	vadd.f32 v11, v9;
	v8 =	vunpack.i.l.bf16.f32 v8;
	v7 =	vadd.f32 v14, v7;
	v10 =	vld [tilespmem:s7+$0xFFFFFFB0]  }
0x123: {  	v5 =	vsel vm2, v5, v12;
	v8 =	vadd.f32 v15, v8;
	v11 =	vmul.f32 $9.999999770e-03, v3  }
0x124: {  	[tilespmem:s11+$0xFFFFF330] =	vst v1;
	v1 =	vmul.f32 $9.999999770e-03, v9;
	v12 =	vmul.f32 $9.999999770e-03, v7;
	vm0 =	vge.f32 v3, $0.0e+00  }
0x125: {  	s2 =	smul.u32 $0x280, s9;
	[tilespmem:s11+$0xFFFFFFB0] =	vst v2;
	vm1 =	vge.f32 v7, $0.0e+00;
	v2 =	vsel vm0, v3, v11;
	v11 =	vunpack.i.l.bf16.f32 v4  }
0x126: {  	p1 =	seq.s32 s9, $0x13;
	[tilespmem:s17+$0xFFFFF380] =	vst v5;
	vm0 =	vge.f32 v9, $0.0e+00;
	v4 =	vunpack.i.u.bf16.f32 v4;
	v5 =	vadd.f32 v6, v11  }
0x127: {  	s11 =	sshra.s32 s2, $0x2;
	s2 =	sadd.s32 @!p1 $0x2, s10;
	v3 =	vmul.f32 $9.999999770e-03, v8;
	[tilespmem:s24+$0x0] =	vst v2;
	v1 =	vsel vm0, v9, v1;
	v2 =	vadd.f32 v10, v4  }
0x128: {  	s8 =	smul.u32 @!p1 $0x140, s2;
	vm0 =	vge.f32 v8, $0.0e+00;
	[tilespmem:s17+$0xFFFFF330] =	vst v1;
	v1 =	vsel vm1, v7, v12;
	v4 =	vmul.f32 $9.999999770e-03, v5  }
0x129: {  	s2 =	smul.u32 @!p1 $0x28, s2;
	v3 =	vsel vm0, v8, v3;
	[tilespmem:s17+$0xFFFFFFB0] =	vst v1;
	v1 =	vmul.f32 $9.999999770e-03, v2;
	vm0 =	vge.f32 v5, $0.0e+00  }
0x12a: {  	[tilespmem:s24+$0xFFFFF380] =	vst v3;
	vm1 =	vge.f32 v2, $0.0e+00;
	v3 =	vsel vm0, v5, v4  }
0x12b: {  	s2 =	sadd.s32 @!p1 s6, s2;
	v1 =	vsel vm1, v2, v1;
	[tilespmem:s24+$0xFFFFF330] =	vst v3  }
0x12c: {  	s14 =	simm.s32 @!p1 $0x1900;
	s20 =	sadd.s32 $0xC80, s11;
	s2 =	sshll.u32 @!p1 s2, $0x4;
	[tilespmem:s24+$0xFFFFFFB0] =	vst v1  }
0x12d: {  	[spmem:s3] =	stream.indirect.scatter.add.f32 [tilespmem:s30], [sflag:$0x5], $0x50, s20, s22, $0xb8;
	[tilespmem:$0x19500] =	vst v63  }
0x12e: {  	s7 =	sshra.s32 @!p1 s8, $0x2;
	s8 =	simm.s32 @!p1 $0x50;
	s2 =	sand.u32 @!p1 $0x1FFFFF00, s2  }
0x12f: {  	[tilespmem:s14], [sflag:$0x1] =	stream.indirect.gather @!p1 [hbm4b:s1+s8], $0x50, s7, s8, $0xb8;
	[tilespmem:$0x19500] =	vst v63  }
0x130: {  	s2 =	sadd.s32 @!p1 s5, s2;
	s7 =	simm.s32 @!p1 $0x0;
	s8 =	simm.s32 @!p1 $0x4B00  }
0x131: {  	[tilespmem:s8], [sflag:$0x3] =	stream.linear.gather @!p1 [hbm4b:s2+s7], $0x1400, $0x38;
	[tilespmem:$0x19500] =	vst v63  }
0x132: {  	_ =	swait.ge [sflag:s31], $0x1900  }
0x133: {  	[sflag:s31] =	ssyncset.done $0x0  }
0x134: {  	[sflag:s31] =	ssyncadd.s32 $0xFFFFE700  }
0x135: {  	_ =	swait.ge [sflag:s0], $0x1400  }
0x136: {  	[sflag:s0] =	ssyncset.done $0x0  }
0x137: {  	s2 =	simm.s32 @!p0 $0x6;
	[sflag:s0] =	ssyncadd.s32 $0xFFFFEC00  }
0x138: {  	_ =	swait.ge @!p0 [sflag:s2], $0x1900  }
0x139: {  	[sflag:s2] =	ssyncset.done @!p0 $0x0  }
0x13a: {  	s21 =	simm.s32 $0x5F80;
	[sflag:s2] =	ssyncadd.s32 @!p0 $0xFFFFE700  }
0x13b: {  	s20 =	simm.s32 $0x3F10;
	v1 =	vld [tilespmem:s21+$0x0]  }
0x13c: {  	v2 =	vld [tilespmem:s20+$0xFFFFF340]  }
0x13d: {  	v3 =	vld [tilespmem:s20+$0xFFFFFFC0];
	_ =	sdelay $0x2  }
0x13e: {  	v4 =	vunpack.i.l.bf16.f32 v1  }
0x13f: {  	v1 =	vunpack.i.u.bf16.f32 v1;
	v2 =	vadd.f32 v2, v4  }
0x140: {  	v1 =	vadd.f32 v3, v1  }
0x141: {  	v3 =	vmul.f32 $9.999999770e-03, v2  }
0x142: {  	vm0 =	vge.f32 v2, $0.0e+00;
	v4 =	vmul.f32 $9.999999770e-03, v1  }
0x143: {  	s17 =	simm.s32 $0x9910;
	v5 =	vld [tilespmem:s21+$0xFFFFFF80];
	v2 =	vsel vm0, v2, v3;
	vm0 =	vge.f32 v1, $0.0e+00  }
0x144: {  	v3 =	vld [tilespmem:s20+$0xFFFFF2F0];
	[tilespmem:s17+$0xFFFFF340] =	vst v2;
	v1 =	vsel vm0, v1, v4  }
0x145: {  	v2 =	vld [tilespmem:s20+$0xFFFFFF70];
	[tilespmem:s17+$0xFFFFFFC0] =	vst v1  }
0x146: {  	v1 =	vld [tilespmem:s21+$0x10]  }
0x147: {  	v4 =	vld [tilespmem:s20+$0xFFFFF350]  }
0x148: {  	v6 =	vunpack.i.l.bf16.f32 v5;
	v7 =	vld [tilespmem:s20+$0xFFFFFFD0]  }
0x149: {  	v5 =	vunpack.i.u.bf16.f32 v5;
	v3 =	vadd.f32 v3, v6  }
0x14a: {  	v2 =	vadd.f32 v2, v5  }
0x14b: {  	vm0 =	vge.f32 v3, $0.0e+00;
	v5 =	vmul.f32 $9.999999770e-03, v3;
	v6 =	vunpack.i.l.bf16.f32 v1  }
0x14c: {  	v8 =	vmul.f32 $9.999999770e-03, v2;
	v1 =	vunpack.i.u.bf16.f32 v1;
	v4 =	vadd.f32 v4, v6  }
0x14d: {  	v3 =	vsel vm0, v3, v5;
	vm0 =	vge.f32 v2, $0.0e+00;
	v1 =	vadd.f32 v7, v1  }
0x14e: {  	[tilespmem:s17+$0xFFFFF2F0] =	vst v3;
	v2 =	vsel vm0, v2, v8;
	v3 =	vmul.f32 $9.999999770e-03, v4  }
0x14f: {  	[tilespmem:s17+$0xFFFFFF70] =	vst v2;
	vm0 =	vge.f32 v4, $0.0e+00;
	v2 =	vmul.f32 $9.999999770e-03, v1  }
0x150: {  	v5 =	vld [tilespmem:s21+$0xFFFFFF90];
	v3 =	vsel vm0, v4, v3;
	vm0 =	vge.f32 v1, $0.0e+00  }
0x151: {  	v4 =	vld [tilespmem:s20+$0xFFFFF300];
	[tilespmem:s17+$0xFFFFF350] =	vst v3;
	v1 =	vsel vm0, v1, v2  }
0x152: {  	v2 =	vld [tilespmem:s20+$0xFFFFFF80];
	[tilespmem:s17+$0xFFFFFFD0] =	vst v1  }
0x153: {  	v1 =	vld [tilespmem:s21+$0x20]  }
0x154: {  	v3 =	vld [tilespmem:s20+$0xFFFFF360]  }
0x155: {  	v7 =	vld [tilespmem:s20+$0xFFFFFFE0];
	v6 =	vunpack.i.l.bf16.f32 v5  }
0x156: {  	v5 =	vunpack.i.u.bf16.f32 v5;
	v4 =	vadd.f32 v4, v6  }
0x157: {  	v2 =	vadd.f32 v2, v5  }
0x158: {  	vm0 =	vge.f32 v4, $0.0e+00;
	v5 =	vmul.f32 $9.999999770e-03, v4;
	v6 =	vunpack.i.l.bf16.f32 v1  }
0x159: {  	s14 =	simm.s32 $0x6080;
	v8 =	vmul.f32 $9.999999770e-03, v2;
	v1 =	vunpack.i.u.bf16.f32 v1;
	v3 =	vadd.f32 v3, v6  }
0x15a: {  	s19 =	simm.s32 $0x3FB0;
	vm1 =	vge.f32 v2, $0.0e+00;
	v4 =	vsel vm0, v4, v5;
	v1 =	vadd.f32 v7, v1;
	v5 =	vld [tilespmem:s14+$0x0]  }
0x15b: {  	v6 =	vld [tilespmem:s19+$0xFFFFF340];
	[tilespmem:s17+$0xFFFFF300] =	vst v4;
	v2 =	vsel vm1, v2, v8;
	v4 =	vmul.f32 $9.999999770e-03, v3  }
0x15c: {  	v7 =	vld [tilespmem:s19+$0xFFFFFFC0];
	[tilespmem:s17+$0xFFFFFF80] =	vst v2;
	vm0 =	vge.f32 v3, $0.0e+00;
	v2 =	vmul.f32 $9.999999770e-03, v1  }
0x15d: {  	v8 =	vld [tilespmem:s21+$0xFFFFFFA0];
	v3 =	vsel vm0, v3, v4;
	vm0 =	vge.f32 v1, $0.0e+00  }
0x15e: {  	v4 =	vld [tilespmem:s14+$0xFFFFFF80];
	[tilespmem:s17+$0xFFFFF360] =	vst v3;
	v1 =	vsel vm0, v1, v2  }
0x15f: {  	v2 =	vld [tilespmem:s19+$0xFFFFF2F0];
	[tilespmem:s17+$0xFFFFFFE0] =	vst v1;
	v1 =	vunpack.i.l.bf16.f32 v5  }
0x160: {  	v5 =	vunpack.i.u.bf16.f32 v5;
	v3 =	vld [tilespmem:s21+$0x30];
	v1 =	vadd.f32 v6, v1  }
0x161: {  	v6 =	vld [tilespmem:s20+$0xFFFFF370];
	v5 =	vadd.f32 v7, v5  }
0x162: {  	v7 =	vld [tilespmem:s20+$0xFFFFFFF0];
	v9 =	vmul.f32 $9.999999770e-03, v1  }
0x163: {  	v11 =	vld [tilespmem:s19+$0xFFFFFF70];
	v10 =	vunpack.i.u.bf16.f32 v8;
	vm0 =	vge.f32 v1, $0.0e+00;
	v12 =	vmul.f32 $9.999999770e-03, v5  }
0x164: {  	s18 =	simm.s32 $0x99B0;
	v13 =	vunpack.i.l.bf16.f32 v4;
	v1 =	vsel vm0, v1, v9;
	vm0 =	vge.f32 v5, $0.0e+00  }
0x165: {  	v2 =	vadd.f32 v2, v13;
	v9 =	vld [tilespmem:s20+$0xFFFFF310];
	v13 =	vunpack.i.l.bf16.f32 v3;
	[tilespmem:s18+$0xFFFFF340] =	vst v1;
	v1 =	vsel vm0, v5, v12  }
0x166: {  	v5 =	vunpack.i.l.bf16.f32 v8;
	v8 =	vld [tilespmem:s20+$0xFFFFFF90];
	v3 =	vunpack.i.u.bf16.f32 v3;
	v6 =	vadd.f32 v6, v13;
	[tilespmem:s18+$0xFFFFFFC0] =	vst v1  }
0x167: {  	v1 =	vunpack.i.u.bf16.f32 v4;
	v4 =	vmul.f32 $9.999999770e-03, v2;
	v3 =	vadd.f32 v7, v3;
	v7 =	vld [tilespmem:s14+$0x10]  }
0x168: {  	vm0 =	vge.f32 v2, $0.0e+00;
	v1 =	vadd.f32 v11, v1;
	v12 =	vld [tilespmem:s19+$0xFFFFF350];
	v11 =	vmul.f32 $9.999999770e-03, v6  }
0x169: {  	v13 =	vld [tilespmem:s19+$0xFFFFFFD0];
	v2 =	vsel vm0, v2, v4;
	vm0 =	vge.f32 v6, $0.0e+00;
	v4 =	vmul.f32 $9.999999770e-03, v3  }
0x16a: {  	[tilespmem:s18+$0xFFFFF2F0] =	vst v2;
	v2 =	vmul.f32 $9.999999770e-03, v1;
	v6 =	vsel vm0, v6, v11;
	vm0 =	vge.f32 v3, $0.0e+00  }
0x16b: {  	vm1 =	vge.f32 v1, $0.0e+00;
	v5 =	vadd.f32 v9, v5;
	[tilespmem:s17+$0xFFFFF370] =	vst v6;
	v3 =	vsel vm0, v3, v4  }
0x16c: {  	v1 =	vsel vm1, v1, v2;
	v2 =	vadd.f32 v8, v10;
	[tilespmem:s17+$0xFFFFFFF0] =	vst v3;
	v3 =	vunpack.i.l.bf16.f32 v7  }
0x16d: {  	[tilespmem:s18+$0xFFFFFF70] =	vst v1;
	v1 =	vmul.f32 $9.999999770e-03, v5;
	v6 =	vunpack.i.u.bf16.f32 v7;
	v4 =	vld [tilespmem:s21+$0x40];
	v3 =	vadd.f32 v12, v3  }
0x16e: {  	vm0 =	vge.f32 v5, $0.0e+00;
	v7 =	vmul.f32 $9.999999770e-03, v2;
	v8 =	vld [tilespmem:s14+$0xFFFFFF90];
	v6 =	vadd.f32 v13, v6  }
0x16f: {  	v1 =	vsel vm0, v5, v1;
	vm0 =	vge.f32 v2, $0.0e+00;
	v5 =	vld [tilespmem:s19+$0xFFFFF300];
	v9 =	vmul.f32 $9.999999770e-03, v3  }
0x170: {  	[tilespmem:s17+$0xFFFFF310] =	vst v1;
	v1 =	vsel vm0, v2, v7;
	v2 =	vld [tilespmem:s19+$0xFFFFFF80];
	vm0 =	vge.f32 v3, $0.0e+00;
	v7 =	vmul.f32 $9.999999770e-03, v6  }
0x171: {  	v10 =	vld [tilespmem:s20+$0x0];
	[tilespmem:s17+$0xFFFFFF90] =	vst v1;
	v1 =	vsel vm0, v3, v9;
	vm0 =	vge.f32 v6, $0.0e+00  }
0x172: {  	v13 =	vld [tilespmem:s20+$0xFFFFF380];
	[tilespmem:s18+$0xFFFFF350] =	vst v1;
	v1 =	vsel vm0, v6, v7  }
0x173: {  	v3 =	vld [tilespmem:s21+$0xFFFFFFB0];
	v6 =	vunpack.i.l.bf16.f32 v8;
	[tilespmem:s18+$0xFFFFFFD0] =	vst v1  }
0x174: {  	v7 =	vunpack.i.u.bf16.f32 v8;
	v5 =	vadd.f32 v5, v6;
	v6 =	vld [tilespmem:s14+$0x20]  }
0x175: {  	v2 =	vadd.f32 v2, v7;
	v7 =	vld [tilespmem:s19+$0xFFFFF360]  }
0x176: {  	v8 =	vunpack.i.u.bf16.f32 v4;
	v11 =	vld [tilespmem:s19+$0xFFFFFFE0];
	v9 =	vmul.f32 $9.999999770e-03, v5  }
0x177: {  	v1 =	vld [tilespmem:s20+$0xFFFFFFA0];
	v8 =	vadd.f32 v10, v8;
	vm0 =	vge.f32 v5, $0.0e+00;
	v10 =	vmul.f32 $9.999999770e-03, v2  }
0x178: {  	v12 =	vld [tilespmem:s20+$0xFFFFF320];
	vm1 =	vge.f32 v2, $0.0e+00;
	v5 =	vsel vm0, v5, v9  }
0x179: {  	v4 =	vunpack.i.l.bf16.f32 v4;
	[tilespmem:s18+$0xFFFFF300] =	vst v5;
	v2 =	vsel vm1, v2, v10;
	v5 =	vunpack.i.l.bf16.f32 v6  }
0x17a: {  	s7 =	simm.s32 $0x4050;
	v4 =	vadd.f32 v13, v4;
	[tilespmem:s18+$0xFFFFFF80] =	vst v2;
	v2 =	vunpack.i.u.bf16.f32 v6;
	v5 =	vadd.f32 v7, v5  }
0x17b: {  	s24 =	simm.s32 $0x6180;
	v56 =	vld [tilespmem:s7+$0xFFFFFFC0];
	v9 =	vmul.f32 $9.999999770e-03, v8;
	v10 =	vunpack.i.u.bf16.f32 v3;
	v2 =	vadd.f32 v11, v2  }
0x17c: {  	v3 =	vunpack.i.l.bf16.f32 v3;
	v1 =	vadd.f32 v1, v10;
	v7 =	vld [tilespmem:s24+$0x0];
	v10 =	vmul.f32 $9.999999770e-03, v5  }
0x17d: {  	v3 =	vadd.f32 v12, v3;
	v12 =	vld [tilespmem:s7+$0xFFFFF340];
	vm1 =	vge.f32 v5, $0.0e+00;
	v14 =	vmul.f32 $9.999999770e-03, v2  }
0x17e: {  	vm0 =	vge.f32 v8, $0.0e+00;
	v6 =	vld [tilespmem:s14+$0xFFFFFFA0];
	v5 =	vsel vm1, v5, v10;
	vm1 =	vge.f32 v2, $0.0e+00  }
0x17f: {  	v11 =	vmul.f32 $9.999999770e-03, v1;
	v15 =	vmul.f32 $9.999999770e-03, v3;
	v10 =	vld [tilespmem:s24+$0xFFFFFF80];
	[tilespmem:s18+$0xFFFFF360] =	vst v5;
	v2 =	vsel vm1, v2, v14  }
0x180: {  	v8 =	vsel vm0, v8, v9;
	vm2 =	vge.f32 v3, $0.0e+00;
	vm0 =	vge.f32 v1, $0.0e+00;
	v5 =	vld [tilespmem:s7+$0xFFFFF2F0];
	[tilespmem:s18+$0xFFFFFFE0] =	vst v2  }
0x181: {  	v3 =	vsel vm2, v3, v15;
	v1 =	vsel vm0, v1, v11;
	v9 =	vunpack.i.l.bf16.f32 v7;
	v11 =	vld [tilespmem:s14+$0x30]  }
0x182: {  	v7 =	vunpack.i.u.bf16.f32 v7;
	v2 =	vmul.f32 $9.999999770e-03, v4;
	v9 =	vadd.f32 v12, v9;
	v12 =	vld [tilespmem:s19+$0xFFFFF370]  }
0x183: {  	vm0 =	vge.f32 v4, $0.0e+00;
	v13 =	vunpack.i.u.bf16.f32 v6;
	v7 =	vadd.f32 v56, v7;
	v14 =	vld [tilespmem:s19+$0xFFFFFFF0]  }
0x184: {  	[tilespmem:s17+$0xFFFFF320] =	vst v3;
	v6 =	vunpack.i.l.bf16.f32 v6;
	v15 =	vsel vm0, v4, v2;
	v4 =	vld [tilespmem:s7+$0xFFFFFF70];
	v57 =	vmul.f32 $9.999999770e-03, v9  }
0x185: {  	[tilespmem:s17+$0xFFFFFFA0] =	vst v1;
	v1 =	vld [tilespmem:s19+$0xFFFFF310];
	vm0 =	vge.f32 v9, $0.0e+00;
	v3 =	vmul.f32 $9.999999770e-03, v7;
	v2 =	vunpack.i.l.bf16.f32 v10  }
0x186: {  	s2 =	simm.s32 $0x9A50;
	v2 =	vadd.f32 v5, v2;
	v5 =	vsel vm0, v9, v57;
	vm0 =	vge.f32 v7, $0.0e+00  }
0x187: {  	[tilespmem:s2+$0xFFFFF340] =	vst v5;
	v3 =	vsel vm0, v7, v3;
	v9 =	vunpack.i.l.bf16.f32 v11;
	v5 =	vunpack.i.u.bf16.f32 v11  }
0x188: {  	v58 =	vld [tilespmem:s19+$0xFFFFFF90];
	v11 =	vmul.f32 $9.999999770e-03, v2;
	[tilespmem:s2+$0xFFFFFFC0] =	vst v3;
	v7 =	vadd.f32 v12, v9;
	v9 =	vunpack.i.u.bf16.f32 v10  }
0x189: {  	vm0 =	vge.f32 v2, $0.0e+00;
	v3 =	vadd.f32 v14, v5;
	v5 =	vld [tilespmem:s24+$0x10];
	v4 =	vadd.f32 v4, v9  }
0x18a: {  	v1 =	vadd.f32 v1, v6;
	v2 =	vsel vm0, v2, v11;
	v11 =	vld [tilespmem:s7+$0xFFFFF350];
	v9 =	vmul.f32 $9.999999770e-03, v7  }
0x18b: {  	v59 =	vld [tilespmem:s7+$0xFFFFFFD0];
	vm0 =	vge.f32 v7, $0.0e+00;
	v12 =	vmul.f32 $9.999999770e-03, v3;
	v14 =	vmul.f32 $9.999999770e-03, v4  }
0x18c: {  	v10 =	vld [tilespmem:s21+$0xFFFFFFC0];
	[tilespmem:s2+$0xFFFFF2F0] =	vst v2;
	vm1 =	vge.f32 v4, $0.0e+00;
	v7 =	vsel vm0, v7, v9;
	vm0 =	vge.f32 v3, $0.0e+00  }
0x18d: {  	v6 =	vld [tilespmem:s20+$0xFFFFFFB0];
	[tilespmem:s18+$0xFFFFF370] =	vst v7;
	v3 =	vsel vm0, v3, v12;
	v4 =	vsel vm1, v4, v14;
	v7 =	vadd.f32 v58, v13  }
0x18e: {  	v9 =	vld [tilespmem:s20+$0xFFFFF330];
	v2 =	vunpack.i.l.bf16.f32 v5;
	vm0 =	vge.f32 v1, $0.0e+00;
	v12 =	vmul.f32 $9.999999770e-03, v1;
	[tilespmem:s18+$0xFFFFFFF0] =	vst v3  }
0x18f: {  	[tilespmem:s2+$0xFFFFFF70] =	vst v4;
	v4 =	vunpack.i.u.bf16.f32 v5;
	v2 =	vadd.f32 v11, v2;
	v13 =	vld [tilespmem:s14+$0x40];
	v5 =	vmul.f32 $9.999999770e-03, v7  }
0x190: {  	v14 =	vld [tilespmem:s24+$0xFFFFFF90];
	v4 =	vadd.f32 v59, v4;
	v1 =	vsel vm0, v1, v12;
	vm0 =	vge.f32 v7, $0.0e+00  }
0x191: {  	v3 =	vunpack.i.u.bf16.f32 v10;
	v12 =	vld [tilespmem:s7+$0xFFFFF300];
	v60 =	vmul.f32 $9.999999770e-03, v2;
	[tilespmem:s18+$0xFFFFF310] =	vst v1;
	v1 =	vsel vm0, v7, v5  }
0x192: {  	v11 =	vld [tilespmem:s19+$0x0];
	v5 =	vunpack.i.l.bf16.f32 v10;
	vm0 =	vge.f32 v2, $0.0e+00;
	v10 =	vmul.f32 $9.999999770e-03, v4  }
0x193: {  	v7 =	vld [tilespmem:s7+$0xFFFFFF80];
	[tilespmem:s18+$0xFFFFFF90] =	vst v1;
	v2 =	vsel vm0, v2, v60;
	vm0 =	vge.f32 v4, $0.0e+00  }
0x194: {  	v1 =	vadd.f32 v9, v5;
	v9 =	vld [tilespmem:s14+$0xFFFFFFB0];
	[tilespmem:s2+$0xFFFFF350] =	vst v2;
	v2 =	vsel vm0, v4, v10  }
0x195: {  	v10 =	vld [tilespmem:s19+$0xFFFFF320];
	v61 =	vunpack.i.u.bf16.f32 v13;
	v5 =	vunpack.i.l.bf16.f32 v13;
	v13 =	vunpack.i.l.bf16.f32 v14  }
0x196: {  	v4 =	vunpack.i.u.bf16.f32 v14;
	[tilespmem:s2+$0xFFFFFFD0] =	vst v2;
	v14 =	vld [tilespmem:s19+$0xFFFFFFA0];
	v2 =	vadd.f32 v6, v3;
	v6 =	vadd.f32 v12, v13  }
0x197: {  	v11 =	vadd.f32 v11, v61;
	v12 =	vld [tilespmem:s24+$0x20]  }
0x198: {  	v63 =	vld [tilespmem:s7+$0xFFFFF360];
	v62 =	vadd.f32 v7, v4;
	v7 =	vmul.f32 $9.999999770e-03, v6  }
0x199: {  	v3 =	vmul.f32 $9.999999770e-03, v1;
	v18 =	vld [tilespmem:s7+$0xFFFFFFE0];
	v13 =	vmul.f32 $9.999999770e-03, v11;
	vm1 =	vge.f32 v6, $0.0e+00  }
0x19a: {  	[tilespmem:s17+$0x0] =	vst v8;
	vm0 =	vge.f32 v11, $0.0e+00;
	v8 =	vmul.f32 $9.999999770e-03, v62;
	v6 =	vsel vm1, v6, v7  }
0x19b: {  	v11 =	vsel vm0, v11, v13;
	vm0 =	vge.f32 v62, $0.0e+00;
	v13 =	vunpack.i.u.bf16.f32 v9;
	[tilespmem:s2+$0xFFFFF300] =	vst v6;
	v6 =	vld [tilespmem:s19+$0xFFFFF380]  }
0x19c: {  	v9 =	vunpack.i.l.bf16.f32 v9;
	v7 =	vadd.f32 v14, v13;
	v13 =	vsel vm0, v62, v8  }
0x19d: {  	[tilespmem:s17+$0xFFFFF380] =	vst v15;
	v14 =	vunpack.i.l.bf16.f32 v12;
	v8 =	vadd.f32 v10, v9;
	v12 =	vunpack.i.u.bf16.f32 v12  }
0x19e: {  	v4 =	vmul.f32 $9.999999770e-03, v2;
	[tilespmem:s2+$0xFFFFFF80] =	vst v13;
	v13 =	vadd.f32 v63, v14;
	v12 =	vadd.f32 v18, v12  }
0x19f: {  	s8 =	simm.s32 $0x4;
	s21 =	simm.s32 $0x6280;
	s20 =	simm.s32 $0x4050;
	[tilespmem:s18+$0x0] =	vst v11;
	v9 =	vmul.f32 $9.999999770e-03, v7;
	v10 =	vld [tilespmem:s24+$0xFFFFFFA0];
	vm0 =	vge.f32 v8, $0.0e+00;
	v11 =	vmul.f32 $9.999999770e-03, v8  }
.LBB2_15:
0x1a0: {  	v14 =	vld [tilespmem:s21+$0x0];
	v15 =	vmul.f32 $9.999999770e-03, v13;
	s7 =	sadd.s32 $0xA0, s7;
	vm1 =	vge.f32 v7, $0.0e+00;
	v5 =	vadd.f32 v6, v5  }
0x1a1: {  	vm2 =	vge.f32 v13, $0.0e+00;
	v6 =	vld [tilespmem:s7+$0xFFFFF340];
	v16 =	vmul.f32 $9.999999770e-03, v12;
	v8 =	vsel vm0, v8, v11  }
0x1a2: {  	vm0 =	vge.f32 v12, $0.0e+00;
	v7 =	vsel vm1, v7, v9;
	v11 =	vld [tilespmem:s7+$0xFFFFFFC0];
	v13 =	vsel vm2, v13, v15;
	[tilespmem:s18+$0xFFFFF320] =	vst v8  }
0x1a3: {  	v8 =	vld [tilespmem:s21+$0xFFFFFF80];
	[tilespmem:s2+$0xFFFFF360] =	vst v13;
	v9 =	vsel vm0, v12, v16;
	v12 =	vmul.f32 $9.999999770e-03, v5;
	vm0 =	vge.f32 v1, $0.0e+00  }
0x1a4: {  	s8 =	sadd.s32 $0x2, s8;
	vm1 =	vge.f32 v2, $0.0e+00;
	v13 =	vld [tilespmem:s7+$0xFFFFF2F0];
	v15 =	vunpack.i.u.bf16.f32 v10;
	v10 =	vunpack.i.l.bf16.f32 v10;
	[tilespmem:s2+$0xFFFFFFE0] =	vst v9  }
0x1a5: {  	p0 =	slt.u32 s8, $0x26;
	vm2 =	vge.f32 v5, $0.0e+00;
	v1 =	vsel vm0, v1, v3;
	v9 =	vunpack.i.l.bf16.f32 v14;
	v16 =	vld [tilespmem:s24+$0x30];
	[tilespmem:s18+$0xFFFFFFA0] =	vst v7  }
0x1a6: {  	v3 =	vunpack.i.u.bf16.f32 v14;
	v6 =	vadd.f32 v6, v9;
	v7 =	vld [tilespmem:s20+$0xFFFFF370];
	[tilespmem:s17+$0xFFFFF330] =	vst v1;
	v1 =	vsel vm1, v2, v4  }
0x1a7: {  	v4 =	vsel vm2, v5, v12;
	v2 =	vadd.f32 v11, v3;
	v3 =	vld [tilespmem:s20+$0xFFFFFFF0];
	[tilespmem:s17+$0xFFFFFFB0] =	vst v1;
	s17 =	smov.u32 s18;
	s18 =	smov.u32 s2  }
0x1a8: {  	v1 =	vunpack.i.u.bf16.f32 v8;
	v5 =	vunpack.i.l.bf16.f32 v8;
	v8 =	vld [tilespmem:s7+$0xFFFFFF70];
	v9 =	vmul.f32 $9.999999770e-03, v6;
	[tilespmem:s17+$0xFFFFF380] =	vst v4  }
0x1a9: {  	vm0 =	vge.f32 v6, $0.0e+00;
	v4 =	vadd.f32 v13, v5;
	v5 =	vmul.f32 $9.999999770e-03, v2;
	v11 =	vld [tilespmem:s20+$0xFFFFF310]  }
0x1aa: {  	s2 =	sadd.s32 $0xA0, s2;
	v6 =	vsel vm0, v6, v9;
	vm0 =	vge.f32 v2, $0.0e+00;
	v9 =	vld [tilespmem:s20+$0xFFFFFF90];
	v12 =	vunpack.i.l.bf16.f32 v16  }
0x1ab: {  	[tilespmem:s2+$0xFFFFF340] =	vst v6;
	v2 =	vsel vm0, v2, v5;
	v5 =	vunpack.i.u.bf16.f32 v16;
	v6 =	vadd.f32 v7, v12;
	v7 =	vld [tilespmem:s14+$0xFFFFFFC0];
	s14 =	smov.u32 s24;
	s24 =	smov.u32 s21  }
0x1ac: {  	vm0 =	vge.f32 v4, $0.0e+00;
	v12 =	vmul.f32 $9.999999770e-03, v4;
	[tilespmem:s2+$0xFFFFFFC0] =	vst v2;
	v2 =	vadd.f32 v3, v5;
	v3 =	vld [tilespmem:s19+$0xFFFFF330]  }
0x1ad: {  	v1 =	vadd.f32 v8, v1;
	v5 =	vld [tilespmem:s21+$0x10];
	v8 =	vmul.f32 $9.999999770e-03, v6  }
0x1ae: {  	v4 =	vsel vm0, v4, v12;
	vm0 =	vge.f32 v6, $0.0e+00;
	v12 =	vld [tilespmem:s7+$0xFFFFF350];
	v13 =	vmul.f32 $9.999999770e-03, v2  }
0x1af: {  	[tilespmem:s2+$0xFFFFF2F0] =	vst v4;
	v4 =	vmul.f32 $9.999999770e-03, v1;
	v14 =	vld [tilespmem:s7+$0xFFFFFFD0];
	v6 =	vsel vm0, v6, v8;
	vm0 =	vge.f32 v2, $0.0e+00  }
0x1b0: {  	vm1 =	vge.f32 v1, $0.0e+00;
	v8 =	vadd.f32 v11, v10;
	[tilespmem:s18+$0xFFFFF370] =	vst v6;
	v2 =	vsel vm0, v2, v13;
	v6 =	vld [tilespmem:s19+$0xFFFFFFB0];
	s19 =	smov.u32 s20;
	s20 =	smov.u32 s7  }
0x1b1: {  	v1 =	vsel vm1, v1, v4;
	v4 =	vadd.f32 v9, v15;
	[tilespmem:s18+$0xFFFFFFF0] =	vst v2;
	v2 =	vunpack.i.u.bf16.f32 v7  }
0x1b2: {  	vm0 =	vge.f32 v8, $0.0e+00;
	v9 =	vmul.f32 $9.999999770e-03, v8;
	[tilespmem:s2+$0xFFFFFF70] =	vst v1;
	v1 =	vunpack.i.l.bf16.f32 v5;
	v10 =	vld [tilespmem:s14+$0x40]  }
0x1b3: {  	v5 =	vunpack.i.u.bf16.f32 v5;
	v11 =	vadd.f32 v12, v1;
	v1 =	vmul.f32 $9.999999770e-03, v4;
	v12 =	vld [tilespmem:s19+$0x0]  }
0x1b4: {  	v8 =	vsel vm0, v8, v9;
	vm0 =	vge.f32 v4, $0.0e+00;
	v13 =	vld [tilespmem:s21+$0xFFFFFF90];
	v5 =	vadd.f32 v14, v5  }
0x1b5: {  	v9 =	vld [tilespmem:s7+$0xFFFFF300];
	v14 =	vmul.f32 $9.999999770e-03, v11;
	[tilespmem:s18+$0xFFFFF310] =	vst v8;
	v1 =	vsel vm0, v4, v1;
	v4 =	vunpack.i.l.bf16.f32 v7  }
0x1b6: {  	vm0 =	vge.f32 v11, $0.0e+00;
	v7 =	vld [tilespmem:s7+$0xFFFFFF80];
	v8 =	vmul.f32 $9.999999770e-03, v5;
	[tilespmem:s18+$0xFFFFFF90] =	vst v1;
	v1 =	vadd.f32 v3, v4  }
0x1b7: {  	v3 =	vsel vm0, v11, v14;
	vm0 =	vge.f32 v5, $0.0e+00;
	v11 =	vld [tilespmem:s14+$0xFFFFFFB0];
	v4 =	vunpack.i.u.bf16.f32 v10  }
0x1b8: {  	[tilespmem:s2+$0xFFFFF350] =	vst v3;
	v3 =	vsel vm0, v5, v8;
	v8 =	vld [tilespmem:s19+$0xFFFFF320];
	v5 =	vunpack.i.l.bf16.f32 v10;
	v10 =	vadd.f32 v12, v4  }
0x1b9: {  	v2 =	vadd.f32 v6, v2;
	v4 =	vunpack.i.u.bf16.f32 v13;
	v12 =	vunpack.i.l.bf16.f32 v13;
	[tilespmem:s2+$0xFFFFFFD0] =	vst v3;
	v13 =	vld [tilespmem:s19+$0xFFFFFFA0]  }
0x1ba: {  	v3 =	vmul.f32 $9.999999770e-03, v1;
	v9 =	vadd.f32 v9, v12;
	v12 =	vld [tilespmem:s21+$0x20];
	v6 =	vmul.f32 $9.999999770e-03, v10  }
0x1bb: {  	vm0 =	vge.f32 v10, $0.0e+00;
	v14 =	vadd.f32 v7, v4;
	v15 =	vld [tilespmem:s7+$0xFFFFF360];
	v4 =	vmul.f32 $9.999999770e-03, v2  }
0x1bc: {  	vm1 =	vge.f32 v9, $0.0e+00;
	v7 =	vmul.f32 $9.999999770e-03, v9;
	v16 =	vld [tilespmem:s7+$0xFFFFFFE0];
	v10 =	vsel vm0, v10, v6  }
.Ltmp8:
0x1bd: {  	v18 =	vunpack.i.u.bf16.f32 v11;
	vm0 =	vge.f32 v14, $0.0e+00;
	v17 =	vmul.f32 $9.999999770e-03, v14;
	v6 =	vld [tilespmem:s19+$0xFFFFF380];
	[tilespmem:s18+$0x0] =	vst v10;
	(pc) =	sbr.rel @p0 .LBB2_15-.Ltmp8, $4  }
0x1be: {  	v10 =	vunpack.i.l.bf16.f32 v11;
	v9 =	vsel vm1, v9, v7;
	v7 =	vadd.f32 v13, v18  }
0x1bf: {  	v8 =	vadd.f32 v8, v10;
	[tilespmem:s2+$0xFFFFF300] =	vst v9;
	v9 =	vsel vm0, v14, v17;
	v11 =	vunpack.i.l.bf16.f32 v12  }
0x1c0: {  	v12 =	vunpack.i.u.bf16.f32 v12;
	[tilespmem:s2+$0xFFFFFF80] =	vst v9;
	v13 =	vadd.f32 v15, v11;
	v9 =	vmul.f32 $9.999999770e-03, v7  }
0x1c1: {  	s21 =	sadd.s32 $0x100, s21;
	vm0 =	vge.f32 v8, $0.0e+00;
	v11 =	vmul.f32 $9.999999770e-03, v8;
	v10 =	vld [tilespmem:s24+$0xFFFFFFA0];
	v12 =	vadd.f32 v16, v12  }
0x1c2: {  	v14 =	vld [tilespmem:s20+$0xFFFFF310]  }
0x1c3: {  	v15 =	vld [tilespmem:s20+$0xFFFFFF90];
	_ =	sdelay $0x1  }
0x1c4: {  	v16 =	vmul.f32 $9.999999770e-03, v13;
	vm1 =	vge.f32 v13, $0.0e+00  }
0x1c5: {  	v17 =	vmul.f32 $9.999999770e-03, v12;
	vm12 =	vge.f32 v12, $0.0e+00;
	v30 =	vunpack.i.l.bf16.f32 v10  }
0x1c6: {  	v13 =	vsel vm1, v13, v16;
	v31 =	vunpack.i.u.bf16.f32 v10;
	v32 =	vadd.f32 v14, v30  }
0x1c7: {  	[tilespmem:s2+$0xFFFFF360] =	vst v13;
	v12 =	vsel vm12, v12, v17;
	v10 =	vadd.f32 v15, v31  }
0x1c8: {  	[tilespmem:s2+$0xFFFFFFE0] =	vst v12;
	v14 =	vmul.f32 $9.999999770e-03, v32  }
0x1c9: {  	v12 =	vld [tilespmem:s24+$0x30];
	vm13 =	vge.f32 v32, $0.0e+00;
	v34 =	vmul.f32 $9.999999770e-03, v10  }
0x1ca: {  	v33 =	vld [tilespmem:s20+$0xFFFFF370];
	vm14 =	vge.f32 v10, $0.0e+00;
	v13 =	vsel vm13, v32, v14  }
0x1cb: {  	v35 =	vld [tilespmem:s20+$0xFFFFFFF0];
	v10 =	vsel vm14, v10, v34;
	[tilespmem:s2+$0xFFFFF310] =	vst v13  }
0x1cc: {  	[tilespmem:s2+$0xFFFFFF90] =	vst v10  }
0x1cd: {  	v13 =	vld [tilespmem:s24+$0xFFFFFFB0]  }
0x1ce: {  	v36 =	vunpack.i.l.bf16.f32 v12;
	v37 =	vld [tilespmem:s20+$0xFFFFF320]  }
0x1cf: {  	v12 =	vunpack.i.u.bf16.f32 v12;
	v10 =	vadd.f32 v33, v36;
	v38 =	vld [tilespmem:s20+$0xFFFFFFA0]  }
0x1d0: {  	vm15 =	vge.f32 v7, $0.0e+00;
	v8 =	vsel vm0, v8, v11;
	v12 =	vadd.f32 v35, v12  }
0x1d1: {  	v7 =	vsel vm15, v7, v9;
	v39 =	vmul.f32 $9.999999770e-03, v10;
	vm4 =	vge.f32 v10, $0.0e+00  }
0x1d2: {  	[tilespmem:s18+$0xFFFFF320] =	vst v8;
	v40 =	vmul.f32 $9.999999770e-03, v12;
	vm5 =	vge.f32 v12, $0.0e+00;
	v42 =	vunpack.i.l.bf16.f32 v13  }
0x1d3: {  	[tilespmem:s18+$0xFFFFFFA0] =	vst v7;
	v41 =	vsel vm4, v10, v39;
	v45 =	vunpack.i.u.bf16.f32 v13;
	v9 =	vadd.f32 v37, v42  }
0x1d4: {  	v43 =	vld [tilespmem:s14+$0xFFFFFFC0];
	v44 =	vsel vm5, v12, v40;
	[tilespmem:s2+$0xFFFFF370] =	vst v41;
	v47 =	vadd.f32 v38, v45  }
0x1d5: {  	v46 =	vld [tilespmem:s19+$0xFFFFF330];
	[tilespmem:s2+$0xFFFFFFF0] =	vst v44;
	v49 =	vmul.f32 $9.999999770e-03, v9  }
0x1d6: {  	v48 =	vld [tilespmem:s24+$0x40];
	v51 =	vmul.f32 $9.999999770e-03, v47;
	vm6 =	vge.f32 v9, $0.0e+00  }
0x1d7: {  	v5 =	vadd.f32 v6, v5;
	v50 =	vld [tilespmem:s20+$0x0];
	vm7 =	vge.f32 v47, $0.0e+00;
	v9 =	vsel vm6, v9, v49  }
0x1d8: {  	vm8 =	vge.f32 v1, $0.0e+00;
	v52 =	vld [tilespmem:s19+$0xFFFFFFB0];
	v7 =	vsel vm7, v47, v51;
	[tilespmem:s2+$0xFFFFF320] =	vst v9  }
0x1d9: {  	vm9 =	vge.f32 v2, $0.0e+00;
	v53 =	vmul.f32 $9.999999770e-03, v5;
	v10 =	vunpack.i.l.bf16.f32 v43;
	v54 =	vld [tilespmem:s20+$0xFFFFF380];
	[tilespmem:s2+$0xFFFFFFA0] =	vst v7  }
0x1da: {  	v1 =	vsel vm8, v1, v3;
	vm2 =	vge.f32 v5, $0.0e+00;
	v10 =	vadd.f32 v46, v10;
	v55 =	vld [tilespmem:s24+$0xFFFFFFC0]  }
0x1db: {  	v2 =	vsel vm9, v2, v4;
	v5 =	vsel vm2, v5, v53;
	v3 =	vunpack.i.u.bf16.f32 v48;
	v57 =	vld [tilespmem:s20+$0xFFFFF330]  }
0x1dc: {  	[tilespmem:s17+$0xFFFFF330] =	vst v1;
	v56 =	vunpack.i.u.bf16.f32 v43;
	v1 =	vmul.f32 $9.999999770e-03, v10;
	v3 =	vadd.f32 v50, v3;
	v58 =	vld [tilespmem:s20+$0xFFFFFFB0]  }
0x1dd: {  	vm11 =	vge.f32 v10, $0.0e+00;
	v8 =	vunpack.i.l.bf16.f32 v48;
	v7 =	vadd.f32 v52, v56  }
0x1de: {  	v1 =	vsel vm11, v10, v1;
	v8 =	vadd.f32 v54, v8;
	v59 =	vmul.f32 $9.999999770e-03, v3  }
0x1df: {  	[tilespmem:s17+$0xFFFFFFB0] =	vst v2;
	v60 =	vmul.f32 $9.999999770e-03, v7;
	vm10 =	vge.f32 v3, $0.0e+00;
	v61 =	vunpack.i.l.bf16.f32 v55  }
0x1e0: {  	[tilespmem:s18+$0xFFFFF380] =	vst v5;
	v2 =	vsel vm10, v3, v59;
	v4 =	vunpack.i.u.bf16.f32 v55;
	v62 =	vadd.f32 v57, v61  }
0x1e1: {  	vm12 =	vge.f32 v7, $0.0e+00;
	v3 =	vmul.f32 $9.999999770e-03, v8;
	[tilespmem:s2+$0x0] =	vst v2;
	v2 =	vadd.f32 v58, v4  }
0x1e2: {  	[tilespmem:s18+$0xFFFFF330] =	vst v1;
	vm13 =	vge.f32 v8, $0.0e+00;
	v1 =	vsel vm12, v7, v60;
	v63 =	vmul.f32 $9.999999770e-03, v62  }
.Ltmp9:
0x1e3: {  	[tilespmem:s18+$0xFFFFFFB0] =	vst v1;
	v3 =	vsel vm13, v8, v3;
	v1 =	vmul.f32 $9.999999770e-03, v2;
	vm14 =	vge.f32 v62, $0.0e+00;
	(pc) =	sbr.rel @p1 .LBB2_18-.Ltmp9, $4  }
0x1e4: {  	[tilespmem:s2+$0xFFFFF380] =	vst v3;
	vm15 =	vge.f32 v2, $0.0e+00;
	v3 =	vsel vm14, v62, v63  }
0x1e5: {  	v1 =	vsel vm15, v2, v1;
	[tilespmem:s2+$0xFFFFF330] =	vst v3  }
0x1e6: {  	s24 =	sadd.s32 $0xCD0, s11;
	[tilespmem:s2+$0xFFFFFFB0] =	vst v1  }
0x1e7: {  	[spmem:s3] =	stream.indirect.scatter.add.f32 [tilespmem:s23], [sflag:$0x6], $0x50, s24, s22, $0xb8;
	[tilespmem:$0x19500] =	vst v63  }
0x1e8: {  	s2 =	sadd.s32 $0x3, s10  }
0x1e9: {  	s7 =	smul.u32 $0x140, s2;
	_ =	sdelay $0x1  }
0x1ea: {  	s2 =	smul.u32 $0x28, s2;
	s7 =	sshra.s32 s7, $0x2  }
0x1eb: {  	[tilespmem:s25], [sflag:$0x2] =	stream.indirect.gather [hbm4b:s1+s22], $0x50, s7, s22, $0xb8;
	[tilespmem:$0x19500] =	vst v63  }
.Ltmp10:
0x1ec: {  	s2 =	sadd.s32 s6, s2;
	(pc) =	sbr.rel .LBB2_12-.Ltmp10, $4  }
0x1ed: {  	s2 =	sshll.u32 s2, $0x4  }
0x1ee: {  	s2 =	sand.u32 $0x1FFFFF80, s2  }
0x1ef: {  	s9 =	sadd.s32 $0x1, s9;
	s2 =	sadd.s32 s5, s2  }
0x1f0: {  	[tilespmem:s26], [sflag:$0x4] =	stream.linear.gather [hbm4b:s2+s4], $0x1400, $0x38;
	[tilespmem:$0x19500] =	vst v63  }
.LBB2_19:
0x1f1: {  	_ =	sfence.sel $0x180000  }
0x1f2: {  	[bflag:$0x0] =	sbarrier.arrive $0xFFFF  }
0x1f3: {  	_ =	strace $0x90000047  }
0x1f4: {  	s0 =	stileid.u32;
	[bflag:$0x2] =	sbarrier.arrive $0xFFFF  }
0x1f5: {  	p0 =	sne.s32 s0, $0x0;
	s0 =	rddreg [dreg:$0x3]  }
0x1f6: {  	s0 =	sadd.s32 @!p0 $0x100000, s0  }
0x1f7: {  	[sflag:s0] =	ssyncadd.tile.s32 @!p0 $0x1;
	_ =	shalt  }
.Lfunc_end2:
_tile_overlayer_lowered:
.L_overlay_start_2:
0x1f8: {  	(tag) =	ssettag $0x2  }
0x1f9: {  	s0 =	rddreg [dreg:$0x0];
	s2 =	stileid.u32  }
0x1fa: {  	s1 =	rddreg [dreg:$0x1];
	p0 =	sne.s32 s2, $0x0  }
0x1fb: {  	s3 =	rddreg [dreg:$0x2];
	[bflag:$0x3] =	sbarrier.arrive $0xFFFF;
	s2 =	simm.s32 @!p0 $0x1C07  }
0x1fc: {  	[timem:s3], [sflag:s2] =	dma.local @!p0 [hbm:s0], s1  }
0x1fd: {  	s0 =	simm.s32 @!p0 $0x7  }
0x1fe: {  	_ =	swait.ge @!p0 [sflag:s0], s1  }
0x1ff: {  	s1 =	ssub.s32 @!p0 $0x0, s1;
	[sflag:s0] =	ssyncset.done @!p0 $0x0  }
0x200: {  	[sflag:s0] =	ssyncadd.s32 @!p0 s1  }
0x201: {  	[bflag:$0x3] =	sbarrier.arrive $0xFFFF  }
0x202: {  	_ =	shalt  }

</sc_bundles>
